<compile_context>
chip_gen: v7x
topology: tpu7x:2x2x1
jax: 0.10.2.dev20260603
libtpu: 0.0.44.dev20260713+nightly
codegen_flags: <defaults>
</compile_context>

<pallas_src>
import functools

import jax
import jax.numpy as jnp
from jax import lax
from jax.experimental import pallas as pl
from jax.experimental.pallas import tpu as pltpu
from jax.experimental.pallas import tpu_sc as plsc

N = 10000
NP = 10240
NA = 10112
NAS = NA // 16
E = 170000
EP = 196608
EPW = EP // 32
CH = EPW // 128
NB = NP // 512
EB = 336
F32 = jnp.float32

_MESH = dict(core_axis_name="c", subcore_axis_name="s", num_cores=2,
             num_subcores=16)



@functools.cache
def _make_gather(W):
    mesh = plsc.VectorSubcoreMesh(**_MESH)

    @functools.partial(
        pl.kernel, mesh=mesh,
        out_type=(jax.ShapeDtypeStruct((EP, W), F32),
                  jax.ShapeDtypeStruct((EP, W), F32)),
        scratch_types=[
            pltpu.VMEM((CH, 128), jnp.int32),
            pltpu.VMEM((CH, 128), jnp.int32),
            pltpu.VMEM((128, W), F32),
            pltpu.VMEM((128, W), F32),
            pltpu.SemaphoreType.DMA,
            pltpu.SemaphoreType.DMA,
        ])
    def gather(xl_hbm, xr_hbm, src_hbm, dst_hbm, xj_out, xi_out,
               sidx, didx, jbuf, ibuf, sem1, sem2):
        wid = lax.axis_index("s") * 2 + lax.axis_index("c")
        row0 = wid * CH
        base = wid * EPW
        pltpu.sync_copy(src_hbm.at[pl.ds(row0, CH)], sidx)
        pltpu.sync_copy(dst_hbm.at[pl.ds(row0, CH)], didx)

        def body(t, carry):
            @pl.when(base + t * 128 < E)
            def _():
                cj = pltpu.async_copy(xl_hbm.at[sidx.at[t]], jbuf, sem1)
                ci = pltpu.async_copy(xr_hbm.at[didx.at[t]], ibuf, sem2)
                cj.wait()
                pltpu.sync_copy(jbuf, xj_out.at[pl.ds(base + t * 128, 128)])
                ci.wait()
                pltpu.sync_copy(ibuf, xi_out.at[pl.ds(base + t * 128, 128)])
            return carry

        lax.fori_loop(0, CH, body, 0)

    return gather


@functools.cache
def _make_scatter(nslab):
    mesh = plsc.VectorSubcoreMesh(**_MESH)

    @functools.partial(
        pl.kernel, mesh=mesh,
        out_type=jax.ShapeDtypeStruct((2, nslab, NA, 128), F32),
        scratch_types=[
            pltpu.VMEM((CH, 128), jnp.int32),
            pltpu.VMEM((128, 128), F32),
            pltpu.VMEM_SHARED((NA, 128), F32),
        ])
    def scatter(*args):
        m_hbms = args[:nslab]
        dst_hbm, zero_hbm, out_hbm, didx, mbuf, acc = args[nslab:]
        c = lax.axis_index("c")
        s = lax.axis_index("s")
        wid = s * 2 + c
        off = s * NAS
        row0 = wid * CH
        base = wid * EPW
        pltpu.sync_copy(dst_hbm.at[pl.ds(row0, CH)], didx)
        for k, m_hbm in enumerate(m_hbms):
            pltpu.sync_copy(zero_hbm.at[pl.ds(off, NAS)],
                            acc.at[pl.ds(off, NAS)])
            plsc.subcore_barrier()

            def body(t, carry, m_hbm=m_hbm):
                @pl.when(base + t * 128 < E)
                def _():
                    pltpu.sync_copy(m_hbm.at[pl.ds(base + t * 128, 128)],
                                    mbuf)
                    pltpu.sync_copy(mbuf, acc.at[didx.at[t]], add=True)
                return carry

            lax.fori_loop(0, CH, body, 0)
            plsc.subcore_barrier()
            pltpu.sync_copy(acc.at[pl.ds(off, NAS)],
                            out_hbm.at[c, k, pl.ds(off, NAS)])
            if k + 1 < nslab:
                plsc.subcore_barrier()

    return scatter



def _lin2_body(x_ref, wl_ref, bl_ref, wr_ref, br_ref, xl_ref, xr_ref):
    x = x_ref[...]
    xl_ref[...] = jnp.dot(x, wl_ref[...],
                          preferred_element_type=F32) + bl_ref[...]
    xr_ref[...] = jnp.dot(x, wr_ref[...],
                          preferred_element_type=F32) + br_ref[...]


def _lin2(x, wl, bl, wr, br):
    fi = x.shape[1]
    fo = wl.shape[1]
    return pl.pallas_call(
        _lin2_body, grid=(NB,),
        in_specs=[
            pl.BlockSpec((512, fi), lambda i: (i, 0)),
            pl.BlockSpec((fi, fo), lambda i: (0, 0)),
            pl.BlockSpec((1, fo), lambda i: (0, 0)),
            pl.BlockSpec((fi, fo), lambda i: (0, 0)),
            pl.BlockSpec((1, fo), lambda i: (0, 0)),
        ],
        out_specs=[pl.BlockSpec((512, fo), lambda i: (i, 0)),
                   pl.BlockSpec((512, fo), lambda i: (i, 0))],
        out_shape=[jax.ShapeDtypeStruct((NP, fo), F32),
                   jax.ShapeDtypeStruct((NP, fo), F32)],
    )(x, wl, bl.reshape(1, fo), wr, br.reshape(1, fo))


def _expack(es, w):
    col = lax.broadcasted_iota(jnp.int32, (512, w), 1)
    out = jnp.zeros((512, w), F32)
    for h, eh in enumerate(es):
        out = jnp.where(col == h, eh, out)
    return out


def _make_edge_body(oc, win):
    def body(xj_ref, xi_ref, att_ref, *out_refs):
        xj = xj_ref[...]
        z = xj + xi_ref[...]
        t = jnp.where(z >= 0, z, 0.2 * z) * att_ref[...]
        es = []
        for h in range(3):
            sl = slice(h * oc, (h + 1) * oc)
            es.append(jnp.exp(jnp.sum(t[:, sl], axis=1, keepdims=True)))
        if oc == 64:
            out_refs[0][...] = jnp.concatenate(
                [xj[:, 0:64] * es[0], xj[:, 64:128] * es[1]], axis=1)
            out_refs[1][...] = jnp.concatenate(
                [xj[:, 128:192] * es[2], _expack(es, 64)], axis=1)
        else:
            for h in range(3):
                out_refs[h][...] = xj[:, h * 128:(h + 1) * 128] * es[h]
            out_refs[3][...] = _expack(es, 128)
    return body


def _edge(xj, xi, att_flat, oc):
    win = xj.shape[1]
    nslab = 2 if oc == 64 else 4
    return pl.pallas_call(
        _make_edge_body(oc, win), grid=(EB,),
        in_specs=[
            pl.BlockSpec((512, win), lambda i: (i, 0)),
            pl.BlockSpec((512, win), lambda i: (i, 0)),
            pl.BlockSpec((1, win), lambda i: (0, 0)),
        ],
        out_specs=[pl.BlockSpec((512, 128), lambda i: (i, 0))] * nslab,
        out_shape=[jax.ShapeDtypeStruct((EP, 128), F32)] * nslab,
    )(xj, xi, att_flat)


def _norm_msgs(mp, bias):
    a = mp[0, 0] + mp[1, 0]
    b = mp[0, 1] + mp[1, 1]
    parts = []
    for h in range(3):
        num = a[:, 64 * h:64 * (h + 1)] if h < 2 else b[:, 0:64]
        parts.append(num / (b[:, 64 + h:65 + h] + 1e-16))
    return jnp.concatenate(parts, axis=1) + bias


def _t1_body(mp_ref, bias_ref, oh_ref, h1_ref, s1_ref, s2_ref, deg_ref):
    i = pl.program_id(0)
    h1 = jnp.maximum(_norm_msgs(mp_ref[...], bias_ref[...]), 0.0)
    h1_ref[...] = h1
    ohb = oh_ref[...]

    @pl.when(i == 0)
    def _():
        s1_ref[...] = jnp.zeros((8, 192), F32)
        s2_ref[...] = jnp.zeros((8, 192), F32)
        deg_ref[...] = jnp.zeros((8, 128), F32)

    dn = (((0,), (0,)), ((), ()))
    s1_ref[...] += lax.dot_general(ohb, h1, dn, preferred_element_type=F32)
    s2_ref[...] += lax.dot_general(ohb, h1 * h1, dn,
                                   preferred_element_type=F32)
    deg_ref[...] += lax.dot_general(ohb, jnp.ones((512, 128), F32), dn,
                                    preferred_element_type=F32)


def _t1(mp, bias1, oh):
    return pl.pallas_call(
        _t1_body, grid=(NB,),
        in_specs=[
            pl.BlockSpec((2, 2, 512, 128), lambda i: (0, 0, i, 0)),
            pl.BlockSpec((1, 192), lambda i: (0, 0)),
            pl.BlockSpec((512, 8), lambda i: (i, 0)),
        ],
        out_specs=[pl.BlockSpec((512, 192), lambda i: (i, 0)),
                   pl.BlockSpec((8, 192), lambda i: (0, 0)),
                   pl.BlockSpec((8, 192), lambda i: (0, 0)),
                   pl.BlockSpec((8, 128), lambda i: (0, 0))],
        out_shape=[jax.ShapeDtypeStruct((NP, 192), F32),
                   jax.ShapeDtypeStruct((8, 192), F32),
                   jax.ShapeDtypeStruct((8, 192), F32),
                   jax.ShapeDtypeStruct((8, 128), F32)],
    )(mp, bias1.reshape(1, 192), oh)


def _t2_body(h1_ref, s1_ref, s2_ref, deg_ref, oh_ref, nw_ref, nb_ref,
             wl_ref, bl_ref, wr_ref, br_ref, xl_ref, xr_ref):
    denom = jnp.maximum(deg_ref[:, 0:1] * 192.0, 1.0)
    mean = jnp.sum(s1_ref[...], axis=1, keepdims=True) / denom
    var = jnp.sum(s2_ref[...], axis=1, keepdims=True) / denom - mean * mean
    ohb = oh_ref[...]
    mean_n = jnp.dot(ohb, mean, preferred_element_type=F32)
    var_n = jnp.dot(ohb, var, preferred_element_type=F32)
    xn = (h1_ref[...] - mean_n) / jnp.sqrt(var_n + 1e-5)
    xn = xn * nw_ref[...] + nb_ref[...]
    xl_ref[...] = jnp.dot(xn, wl_ref[...],
                          preferred_element_type=F32) + bl_ref[...]
    xr_ref[...] = jnp.dot(xn, wr_ref[...],
                          preferred_element_type=F32) + br_ref[...]


def _t2(h1, s1, s2, deg, oh, nw, nb, wl, bl, wr, br):
    wo = wl.shape[1]
    return pl.pallas_call(
        _t2_body, grid=(NB,),
        in_specs=[
            pl.BlockSpec((512, 192), lambda i: (i, 0)),
            pl.BlockSpec((8, 192), lambda i: (0, 0)),
            pl.BlockSpec((8, 192), lambda i: (0, 0)),
            pl.BlockSpec((8, 128), lambda i: (0, 0)),
            pl.BlockSpec((512, 8), lambda i: (i, 0)),
            pl.BlockSpec((1, 192), lambda i: (0, 0)),
            pl.BlockSpec((1, 192), lambda i: (0, 0)),
            pl.BlockSpec((192, wo), lambda i: (0, 0)),
            pl.BlockSpec((1, wo), lambda i: (0, 0)),
            pl.BlockSpec((192, wo), lambda i: (0, 0)),
            pl.BlockSpec((1, wo), lambda i: (0, 0)),
        ],
        out_specs=[pl.BlockSpec((512, wo), lambda i: (i, 0)),
                   pl.BlockSpec((512, wo), lambda i: (i, 0))],
        out_shape=[jax.ShapeDtypeStruct((NP, wo), F32),
                   jax.ShapeDtypeStruct((NP, wo), F32)],
    )(h1, s1, s2, deg, oh, nw.reshape(1, 192), nb.reshape(1, 192),
      wl, bl.reshape(1, wo), wr, br.reshape(1, wo))


def _t3_body(mp_ref, bias_ref, oh_ref, wl_ref, bl_ref, wr_ref, br_ref,
             xl_ref, xr_ref, pool_ref):
    i = pl.program_id(0)
    h2 = _norm_msgs(mp_ref[...], bias_ref[...])
    ohb = oh_ref[...]

    @pl.when(i == 0)
    def _():
        pool_ref[...] = jnp.zeros((8, 192), F32)

    dn = (((0,), (0,)), ((), ()))
    pool_ref[...] += lax.dot_general(ohb, h2, dn, preferred_element_type=F32)
    cc = jnp.maximum(h2, 0.0)
    xl_ref[...] = jnp.dot(cc, wl_ref[...],
                          preferred_element_type=F32) + bl_ref[...]
    xr_ref[...] = jnp.dot(cc, wr_ref[...],
                          preferred_element_type=F32) + br_ref[...]


def _t3(mp, bias2, oh, wl, bl, wr, br):
    return pl.pallas_call(
        _t3_body, grid=(NB,),
        in_specs=[
            pl.BlockSpec((2, 2, 512, 128), lambda i: (0, 0, i, 0)),
            pl.BlockSpec((1, 192), lambda i: (0, 0)),
            pl.BlockSpec((512, 8), lambda i: (i, 0)),
            pl.BlockSpec((192, 384), lambda i: (0, 0)),
            pl.BlockSpec((1, 384), lambda i: (0, 0)),
            pl.BlockSpec((192, 384), lambda i: (0, 0)),
            pl.BlockSpec((1, 384), lambda i: (0, 0)),
        ],
        out_specs=[pl.BlockSpec((512, 384), lambda i: (i, 0)),
                   pl.BlockSpec((512, 384), lambda i: (i, 0)),
                   pl.BlockSpec((8, 192), lambda i: (0, 0))],
        out_shape=[jax.ShapeDtypeStruct((NP, 384), F32),
                   jax.ShapeDtypeStruct((NP, 384), F32),
                   jax.ShapeDtypeStruct((8, 192), F32)],
    )(mp, bias2.reshape(1, 192), oh,
      wl, bl.reshape(1, 384), wr, br.reshape(1, 384))


def _t4_body(mp_ref, bias_ref, pool_ref, deg_ref, cw_ref, cb_ref,
             color_ref, cls_ref):
    i = pl.program_id(0)
    m = mp_ref[...]
    sx = m[0, 3] + m[1, 3]
    acc = jnp.zeros((512, 128), F32)
    for h in range(3):
        acc += (m[0, h] + m[1, h]) / (sx[:, h:h + 1] + 1e-16)
    color_ref[...] = acc * (1.0 / 3.0) + bias_ref[...]

    @pl.when(i == 0)
    def _():
        cnt = jnp.maximum(deg_ref[:, 0:1], 1.0)
        pooled = pool_ref[...] / cnt
        cls_ref[...] = jnp.dot(pooled, cw_ref[...],
                               preferred_element_type=F32) + cb_ref[...]


def _t4(mp, bias3, pool, deg, cw_pad, cb_pad):
    return pl.pallas_call(
        _t4_body, grid=(NB,),
        in_specs=[
            pl.BlockSpec((2, 4, 512, 128), lambda i: (0, 0, i, 0)),
            pl.BlockSpec((1, 128), lambda i: (0, 0)),
            pl.BlockSpec((8, 192), lambda i: (0, 0)),
            pl.BlockSpec((8, 128), lambda i: (0, 0)),
            pl.BlockSpec((192, 128), lambda i: (0, 0)),
            pl.BlockSpec((1, 128), lambda i: (0, 0)),
        ],
        out_specs=[pl.BlockSpec((512, 128), lambda i: (i, 0)),
                   pl.BlockSpec((8, 128), lambda i: (0, 0))],
        out_shape=[jax.ShapeDtypeStruct((NP, 128), F32),
                   jax.ShapeDtypeStruct((8, 128), F32)],
    )(mp, bias3.reshape(1, 128), pool, deg, cw_pad, cb_pad.reshape(1, 128))



def _pad_nodes(a, rows=NP):
    pad = [(0, 0)] * a.ndim
    pad[-2] = (0, rows - a.shape[-2])
    return jnp.pad(a, pad)


def _pad_cols(a, w):
    if a.ndim == 1:
        return jnp.concatenate([a, jnp.zeros((w - a.shape[0],), a.dtype)])
    return jnp.concatenate(
        [a, jnp.zeros((a.shape[0], w - a.shape[1]), a.dtype)], 1)


def _edge_phase(xl, xr, src2d, dst2d, att_flat, oc, z128):
    xj, xi = _make_gather(xl.shape[1])(xl, xr, src2d, dst2d)
    slabs = _edge(xj, xi, att_flat, oc)
    mp = _make_scatter(len(slabs))(*slabs, dst2d, z128)
    return _pad_nodes(mp)


def kernel(x, edge_index, batch, w_l1, b_l1, w_r1, b_r1, att1, bias1,
           w_l2, b_l2, w_r2, b_r2, att2, bias2,
           w_l3, b_l3, w_r3, b_r3, att3, bias3,
           norm_w, norm_b, cls_w, cls_b):
    idt = edge_index.dtype
    loop = jnp.arange(N, dtype=idt)
    src = jnp.concatenate([edge_index[0], loop])
    dst = jnp.concatenate([edge_index[1], loop])
    padi = jnp.full((EP - E,), N, dtype=idt)
    src2d = jnp.concatenate([src, padi]).astype(jnp.int32).reshape(EP // 128,
                                                                   128)
    dst2d = jnp.concatenate([dst, padi]).astype(jnp.int32).reshape(EP // 128,
                                                                   128)
    xp = _pad_nodes(x)
    batch_pad = jnp.concatenate(
        [batch, jnp.full((NP - N,), 8, dtype=batch.dtype)])
    oh = (batch_pad[:, None] == jnp.arange(8, dtype=batch.dtype)[None, :]
          ).astype(F32)
    z128 = jnp.zeros((NA, 128), F32)

    xl1, xr1 = _lin2(xp, _pad_cols(w_l1, 256), _pad_cols(b_l1, 256),
                     _pad_cols(w_r1, 256), _pad_cols(b_r1, 256))
    mp1 = _edge_phase(xl1, xr1, src2d, dst2d,
                      _pad_cols(att1.reshape(1, 192), 256), 64, z128)
    h1, s1, s2, deg = _t1(mp1, bias1, oh)

    xl2, xr2 = _t2(h1, s1, s2, deg, oh, norm_w, norm_b,
                   _pad_cols(w_l2, 256), _pad_cols(b_l2, 256),
                   _pad_cols(w_r2, 256), _pad_cols(b_r2, 256))
    mp2 = _edge_phase(xl2, xr2, src2d, dst2d,
                      _pad_cols(att2.reshape(1, 192), 256), 64, z128)

    xl3, xr3, pool = _t3(mp2, bias2, oh, w_l3, b_l3, w_r3, b_r3)
    mp3 = _edge_phase(xl3, xr3, src2d, dst2d, att3.reshape(1, 384), 128,
                      z128)

    cw_pad = jnp.concatenate([cls_w, jnp.zeros((192, 118), F32)], axis=1)
    cb_pad = jnp.concatenate([cls_b, jnp.zeros((118,), F32)])
    color_full, cls_full = _t4(mp3, bias3, pool, deg, cw_pad, cb_pad)
    return cls_full[:8, :10], color_full[:N]

# --- scband reference (transcript-rebuilt; emitter-appended) ---
"""Pipeline reference for scband-amazon-net2-36704790511895 (READ-ONLY COPY).

The authoritative reference and input builder live on the scoring server;
editing this copy changes nothing except your own understanding.
"""

import jax, jax.numpy as jnp
import numpy as np

N_NODES = 10000
N_EDGES = 160000
D_IN = 128
HID = 64
HEADS = 3
N_CLASSES = 10
G = 8


def segment_softmax(scores, seg, num_segments):
    m = jax.ops.segment_max(scores, seg, num_segments=num_segments)
    m = jnp.where(jnp.isfinite(m), m, 0.0)
    ex = jnp.exp(scores - m[seg])
    s = jax.ops.segment_sum(ex, seg, num_segments=num_segments)
    return ex / (s[seg] + 1e-16)


def gatv2(x, src, dst, n, w_l, b_l, w_r, b_r, att, bias, out_ch, concat):
    # GATv2Conv (PyG semantics, eval mode so attention dropout is identity)
    xl = (x @ w_l + b_l).reshape(n, HEADS, out_ch)
    xr = (x @ w_r + b_r).reshape(n, HEADS, out_ch)
    xj = xl[src]
    xi = xr[dst]
    e = jax.nn.leaky_relu(xj + xi, negative_slope=0.2)
    alpha = jnp.sum(e * att[None, :, :], axis=-1)
    alpha = segment_softmax(alpha, dst, n)
    out = jax.ops.segment_sum(xj * alpha[:, :, None], dst, num_segments=n)
    if concat:
        out = out.reshape(n, HEADS * out_ch)
    else:
        out = out.mean(axis=1)
    return out + bias


def graph_layernorm(x, batch, num_graphs, w, b, eps=1e-5):
    # PyG LayerNorm(mode='graph'): mean/var over all nodes AND features per graph
    deg = jax.ops.segment_sum(jnp.ones((x.shape[0],), x.dtype), batch, num_segments=num_graphs)
    denom = jnp.maximum(deg * x.shape[-1], 1.0)
    mean = jax.ops.segment_sum(x, batch, num_segments=num_graphs).sum(axis=-1) / denom
    xc = x - mean[batch][:, None]
    var = jax.ops.segment_sum(xc * xc, batch, num_segments=num_graphs).sum(axis=-1) / denom
    out = xc / jnp.sqrt(var + eps)[batch][:, None]
    return out * w + b


def global_mean_pool(x, batch, num_graphs):
    s = jax.ops.segment_sum(x, batch, num_segments=num_graphs)
    c = jax.ops.segment_sum(jnp.ones((x.shape[0], 1), x.dtype), batch, num_segments=num_graphs)
    return s / jnp.maximum(c, 1.0)


def _glorot(k, fi, fo):
    return jax.random.normal(k, (fi, fo), dtype=jnp.float32) * np.sqrt(2.0 / (fi + fo))


def setup_inputs(seed: int = 0):
    key = jax.random.key(seed)
    ks = jax.random.split(key, 16)
    inp = {}
    inp['x'] = jax.random.normal(ks[0], (N_NODES, D_IN), dtype=jnp.float32)
    inp['edge_index'] = jax.random.randint(ks[1], (2, N_EDGES), 0, N_NODES)
    inp['batch'] = jnp.sort(jax.random.randint(ks[2], (N_NODES,), 0, G))
    dims = [(D_IN, HID, HID * HEADS), (HID * HEADS, HID, HID * HEADS), (HID * HEADS, D_IN, D_IN)]
    i = 3
    for li, (fi, oc, bdim) in enumerate(dims, start=1):
        sub = jax.random.split(ks[i], 3)
        i += 1
        inp['w_l%d' % li] = _glorot(sub[0], fi, HEADS * oc)
        inp['b_l%d' % li] = jnp.zeros((HEADS * oc,), jnp.float32)
        inp['w_r%d' % li] = _glorot(sub[1], fi, HEADS * oc)
        inp['b_r%d' % li] = jnp.zeros((HEADS * oc,), jnp.float32)
        inp['att%d' % li] = jax.random.normal(sub[2], (HEADS, oc), dtype=jnp.float32) * 0.1
        inp['bias%d' % li] = jnp.zeros((bdim,), jnp.float32)
    inp['norm_w'] = jnp.ones((HID * HEADS,), jnp.float32)
    inp['norm_b'] = jnp.zeros((HID * HEADS,), jnp.float32)
    inp['cls_w'] = _glorot(ks[i], HID * HEADS, N_CLASSES)
    inp['cls_b'] = jnp.zeros((N_CLASSES,), jnp.float32)
    return inp


def reference(x, edge_index, batch, w_l1, b_l1, w_r1, b_r1, att1, bias1, w_l2, b_l2, w_r2, b_r2, att2, bias2, w_l3, b_l3, w_r3, b_r3, att3, bias3, norm_w, norm_b, cls_w, cls_b):
    n = x.shape[0]
    loop = jnp.arange(n, dtype=edge_index.dtype)
    src = jnp.concatenate([edge_index[0], loop])
    dst = jnp.concatenate([edge_index[1], loop])
    h = gatv2(x, src, dst, n, w_l1, b_l1, w_r1, b_r1, att1, bias1, HID, True)
    h = jax.nn.relu(h)
    h = graph_layernorm(h, batch, G, norm_w, norm_b)
    h = gatv2(h, src, dst, n, w_l2, b_l2, w_r2, b_r2, att2, bias2, HID, True)
    color = jax.nn.relu(h)
    color = gatv2(color, src, dst, n, w_l3, b_l3, w_r3, b_r3, att3, bias3, D_IN, False)
    classif = global_mean_pool(h, batch, G)
    classif = classif @ cls_w + cls_b
    return (classif, color)

if __name__ == "__main__":
    import jax
    _d = setup_inputs()
    print(jax.jit(kernel)(*tuple(_d.values())))

</pallas_src>

<mosaic_0001>
#map = affine_map<(d0, d1) -> (0, 0)>
#map1 = affine_map<(d0, d1) -> (0, 0, 0, 0)>
module attributes {stable_mosaic.version = 14 : i64} {
  func.func @scatter(%arg0: i32, %arg1: i32, %arg2: memref<196608x128xf32, #tpu.memory_space<hbm>>, %arg3: memref<196608x128xf32, #tpu.memory_space<hbm>>, %arg4: memref<1536x128xi32, #tpu.memory_space<hbm>>, %arg5: memref<10112x128xf32, #tpu.memory_space<hbm>>, %arg6: memref<2x2x10112x128xf32, #tpu.memory_space<hbm>>, %arg7: memref<48x128xi32, #tpu.memory_space<vmem>>, %arg8: memref<128x128xf32, #tpu.memory_space<vmem>>, %arg9: memref<10112x128xf32, #tpu.memory_space<vmem_shared>>) attributes {dimension_semantics = [#tpu.dimension_semantics<core_parallel>, #tpu.dimension_semantics<subcore_parallel>], iteration_bounds = array<i64: 2, 16>, scalar_prefetch = 0 : i64, scratch_operands = 3 : i64, tpu.core_type = #tpu.core_type<sc_vector_subcore>, window_params = [{transform_indices = #map}, {transform_indices = #map}, {transform_indices = #map}, {transform_indices = #map}, {transform_indices = #map1}]} {
    %mul3A = arith.constant 2 : i32
    %mul3A_0 = arith.muli %arg1, %mul3A : i32
    %add3A = arith.addi %mul3A_0, %arg0 : i32
    %mul3A_1 = arith.constant 632 : i32
    %mul3A_2 = arith.muli %arg1, %mul3A_1 : i32
    %mul3A_3 = arith.constant 48 : i32
    %mul3A_4 = arith.muli %add3A, %mul3A_3 : i32
    %mul3A_5 = arith.constant 6144 : i32
    %mul3A_6 = arith.muli %add3A, %mul3A_5 : i32
    "tpu.region"() ({
      %run_scoped3A_23 = tpu.sem_alloc : memref<!tpu.dma_semaphore, #tpu.memory_space<semaphore_mem>>
      %dma_start3A = arith.constant 0 : i32
      %dma_start3A_24 = tpu.memref_slice %arg4[%mul3A_4, %dma_start3A] : memref<1536x128xi32, #tpu.memory_space<hbm>> -> memref<48x128xi32, #tpu.memory_space<hbm>>
      %dma_start3A_25 = arith.constant 0 : i32
      %dma_start3A_26 = tpu.memref_slice %arg4[%mul3A_4, %dma_start3A_25] : memref<1536x128xi32, #tpu.memory_space<hbm>> -> memref<48x128xi32, #tpu.memory_space<hbm>>
      tpu.enqueue_dma source(%dma_start3A_26 : memref<48x128xi32, #tpu.memory_space<hbm>>) target(%arg7 : memref<48x128xi32, #tpu.memory_space<vmem>>) target_semaphore(%run_scoped3A_23 : memref<!tpu.dma_semaphore, #tpu.memory_space<semaphore_mem>>)
      %dma_wait3A = arith.constant 0 : i32
      %dma_wait3A_27 = tpu.memref_slice %arg4[%mul3A_4, %dma_wait3A] : memref<1536x128xi32, #tpu.memory_space<hbm>> -> memref<48x128xi32, #tpu.memory_space<hbm>>
      %dma_wait3A_28 = arith.constant 0 : i32
      %dma_wait3A_29 = tpu.memref_slice %arg4[%mul3A_4, %dma_wait3A_28] : memref<1536x128xi32, #tpu.memory_space<hbm>> -> memref<48x128xi32, #tpu.memory_space<hbm>>
      tpu.wait_dma2 semaphore(%run_scoped3A_23 : memref<!tpu.dma_semaphore, #tpu.memory_space<semaphore_mem>>) src(%dma_wait3A_29 : memref<48x128xi32, #tpu.memory_space<hbm>>) dst(%arg7 : memref<48x128xi32, #tpu.memory_space<vmem>>)
      tpu.yield
    }) : () -> ()
    "tpu.region"() ({
      %run_scoped3A_23 = tpu.sem_alloc : memref<!tpu.dma_semaphore, #tpu.memory_space<semaphore_mem>>
      %dma_start3A = arith.constant 0 : i32
      %dma_start3A_24 = tpu.memref_slice %arg9[%mul3A_2, %dma_start3A] : memref<10112x128xf32, #tpu.memory_space<vmem_shared>> -> memref<632x128xf32, #tpu.memory_space<vmem_shared>>
      %dma_start3A_25 = arith.constant 0 : i32
      %dma_start3A_26 = tpu.memref_slice %arg5[%mul3A_2, %dma_start3A_25] : memref<10112x128xf32, #tpu.memory_space<hbm>> -> memref<632x128xf32, #tpu.memory_space<hbm>>
      tpu.enqueue_dma source(%dma_start3A_26 : memref<632x128xf32, #tpu.memory_space<hbm>>) target(%dma_start3A_24 : memref<632x128xf32, #tpu.memory_space<vmem_shared>>) target_semaphore(%run_scoped3A_23 : memref<!tpu.dma_semaphore, #tpu.memory_space<semaphore_mem>>)
      %dma_wait3A = arith.constant 0 : i32
      %dma_wait3A_27 = tpu.memref_slice %arg9[%mul3A_2, %dma_wait3A] : memref<10112x128xf32, #tpu.memory_space<vmem_shared>> -> memref<632x128xf32, #tpu.memory_space<vmem_shared>>
      %dma_wait3A_28 = arith.constant 0 : i32
      %dma_wait3A_29 = tpu.memref_slice %arg5[%mul3A_2, %dma_wait3A_28] : memref<10112x128xf32, #tpu.memory_space<hbm>> -> memref<632x128xf32, #tpu.memory_space<hbm>>
      tpu.wait_dma2 semaphore(%run_scoped3A_23 : memref<!tpu.dma_semaphore, #tpu.memory_space<semaphore_mem>>) src(%dma_wait3A_29 : memref<632x128xf32, #tpu.memory_space<hbm>>) dst(%dma_wait3A_27 : memref<632x128xf32, #tpu.memory_space<vmem_shared>>)
      tpu.yield
    }) : () -> ()
    %barrier3A = arith.constant 0 : index
    tpu.barrier barrier_id(%barrier3A)
    %scan3A = arith.constant 0 : i32
    %scan3A_7 = arith.constant 0 : i32
    %scan3A_8 = arith.constant 48 : i32
    %scan3A_9 = arith.addi %scan3A_7, %scan3A_8 : i32
    %scan3A_10 = arith.constant 1 : i32
    scf.for %scan3A_23 = %scan3A_7 to %scan3A_9 step %scan3A_10  : i32 {
      %mul3A_24 = arith.constant 128 : i32
      %mul3A_25 = arith.muli %scan3A_23, %mul3A_24 : i32
      %add3A_26 = arith.addi %mul3A_6, %mul3A_25 : i32
      %lt3A = arith.constant 170000 : i32
      %lt3A_27 = arith.cmpi slt, %add3A_26, %lt3A : i32
      %convert_element_type3A = arith.extui %lt3A_27 : i1 to i32
      %cond3A = arith.constant 0 : i32
      %cond3A_28 = arith.cmpi ne, %convert_element_type3A, %cond3A : i32
      scf.if %cond3A_28 {
        %mul3A_29 = arith.constant 128 : i32
        %mul3A_30 = arith.muli %scan3A_23, %mul3A_29 : i32
        %add3A_31 = arith.addi %mul3A_6, %mul3A_30 : i32
        "tpu.region"() ({
          %run_scoped3A_32 = tpu.sem_alloc : memref<!tpu.dma_semaphore, #tpu.memory_space<semaphore_mem>>
          %dma_start3A = arith.constant 0 : i32
          %dma_start3A_33 = tpu.memref_slice %arg2[%add3A_31, %dma_start3A] : memref<196608x128xf32, #tpu.memory_space<hbm>> -> memref<128x128xf32, #tpu.memory_space<hbm>>
          %dma_start3A_34 = arith.constant 0 : i32
          %dma_start3A_35 = tpu.memref_slice %arg2[%add3A_31, %dma_start3A_34] : memref<196608x128xf32, #tpu.memory_space<hbm>> -> memref<128x128xf32, #tpu.memory_space<hbm>>
          tpu.enqueue_dma source(%dma_start3A_35 : memref<128x128xf32, #tpu.memory_space<hbm>>) target(%arg8 : memref<128x128xf32, #tpu.memory_space<vmem>>) target_semaphore(%run_scoped3A_32 : memref<!tpu.dma_semaphore, #tpu.memory_space<semaphore_mem>>)
          %dma_wait3A = arith.constant 0 : i32
          %dma_wait3A_36 = tpu.memref_slice %arg2[%add3A_31, %dma_wait3A] : memref<196608x128xf32, #tpu.memory_space<hbm>> -> memref<128x128xf32, #tpu.memory_space<hbm>>
          %dma_wait3A_37 = arith.constant 0 : i32
          %dma_wait3A_38 = tpu.memref_slice %arg2[%add3A_31, %dma_wait3A_37] : memref<196608x128xf32, #tpu.memory_space<hbm>> -> memref<128x128xf32, #tpu.memory_space<hbm>>
          tpu.wait_dma2 semaphore(%run_scoped3A_32 : memref<!tpu.dma_semaphore, #tpu.memory_space<semaphore_mem>>) src(%dma_wait3A_38 : memref<128x128xf32, #tpu.memory_space<hbm>>) dst(%arg8 : memref<128x128xf32, #tpu.memory_space<vmem>>)
          tpu.yield
        }) : () -> ()
        "tpu.region"() ({
          %run_scoped3A_32 = tpu.sem_alloc : memref<!tpu.dma_semaphore, #tpu.memory_space<semaphore_mem>>
          %dma_start3A = arith.constant 0 : i32
          %dma_start3A_33 = tpu.memref_slice %arg7[%scan3A_23, %dma_start3A] : memref<48x128xi32, #tpu.memory_space<vmem>> -> memref<1x128xi32, #tpu.memory_space<vmem>>
          %dma_start3A_34 = tpu.memref_squeeze %dma_start3A_33 : memref<1x128xi32, #tpu.memory_space<vmem>> -> memref<128xi32, #tpu.memory_space<vmem>>
          %dma_start3A_35 = arith.constant 0 : i32
          %dma_start3A_36 = arith.constant 0 : i32
          %dma_start3A_37 = tpu.memref_slice %arg9[%dma_start3A_35, %dma_start3A_36] : memref<10112x128xf32, #tpu.memory_space<vmem_shared>> -> memref<10112x128xf32, #tpu.memory_space<vmem_shared>>
          tpu.enqueue_indirect_dma source(%arg8 : memref<128x128xf32, #tpu.memory_space<vmem>>) target(%dma_start3A_37 : memref<10112x128xf32, #tpu.memory_space<vmem_shared>>) offsets(%dma_start3A_34 : memref<128xi32, #tpu.memory_space<vmem>>) semaphore(%run_scoped3A_32 : memref<!tpu.dma_semaphore, #tpu.memory_space<semaphore_mem>>) {add = true}
          %dma_wait3A = arith.constant 0 : i32
          %dma_wait3A_38 = tpu.memref_slice %arg7[%scan3A_23, %dma_wait3A] : memref<48x128xi32, #tpu.memory_space<vmem>> -> memref<1x128xi32, #tpu.memory_space<vmem>>
          %dma_wait3A_39 = tpu.memref_squeeze %dma_wait3A_38 : memref<1x128xi32, #tpu.memory_space<vmem>> -> memref<128xi32, #tpu.memory_space<vmem>>
          %dma_wait3A_40 = arith.constant 0 : i32
          %dma_wait3A_41 = arith.constant 0 : i32
          %dma_wait3A_42 = tpu.memref_slice %arg9[%dma_wait3A_40, %dma_wait3A_41] : memref<10112x128xf32, #tpu.memory_space<vmem_shared>> -> memref<10112x128xf32, #tpu.memory_space<vmem_shared>>
          tpu.wait_indirect_dma semaphore(%run_scoped3A_32 : memref<!tpu.dma_semaphore, #tpu.memory_space<semaphore_mem>>) src(%arg8 : memref<128x128xf32, #tpu.memory_space<vmem>>) dst(%dma_wait3A_42 : memref<10112x128xf32, #tpu.memory_space<vmem_shared>>)
          tpu.yield
        }) : () -> ()
      } else {
      }
    }
    %scan3A_11 = arith.constant 48 : i32
    %barrier3A_12 = arith.constant 0 : index
    tpu.barrier barrier_id(%barrier3A_12)
    %run_scoped3A = arith.constant 0 : i32
    "tpu.region"() ({
      %run_scoped3A_23 = tpu.sem_alloc : memref<!tpu.dma_semaphore, #tpu.memory_space<semaphore_mem>>
      %dma_start3A = arith.constant 0 : i32
      %dma_start3A_24 = tpu.memref_slice %arg6[%arg0, %run_scoped3A, %mul3A_2, %dma_start3A] : memref<2x2x10112x128xf32, #tpu.memory_space<hbm>> -> memref<1x1x632x128xf32, #tpu.memory_space<hbm>>
      %dma_start3A_25 = tpu.memref_squeeze %dma_start3A_24 : memref<1x1x632x128xf32, #tpu.memory_space<hbm>> -> memref<632x128xf32, #tpu.memory_space<hbm>>
      %dma_start3A_26 = arith.constant 0 : i32
      %dma_start3A_27 = tpu.memref_slice %arg9[%mul3A_2, %dma_start3A_26] : memref<10112x128xf32, #tpu.memory_space<vmem_shared>> -> memref<632x128xf32, #tpu.memory_space<vmem_shared>>
      tpu.enqueue_dma source(%dma_start3A_27 : memref<632x128xf32, #tpu.memory_space<vmem_shared>>) target(%dma_start3A_25 : memref<632x128xf32, #tpu.memory_space<hbm>>) target_semaphore(%run_scoped3A_23 : memref<!tpu.dma_semaphore, #tpu.memory_space<semaphore_mem>>)
      %dma_wait3A = arith.constant 0 : i32
      %dma_wait3A_28 = tpu.memref_slice %arg6[%arg0, %run_scoped3A, %mul3A_2, %dma_wait3A] : memref<2x2x10112x128xf32, #tpu.memory_space<hbm>> -> memref<1x1x632x128xf32, #tpu.memory_space<hbm>>
      %dma_wait3A_29 = tpu.memref_squeeze %dma_wait3A_28 : memref<1x1x632x128xf32, #tpu.memory_space<hbm>> -> memref<632x128xf32, #tpu.memory_space<hbm>>
      %dma_wait3A_30 = arith.constant 0 : i32
      %dma_wait3A_31 = tpu.memref_slice %arg9[%mul3A_2, %dma_wait3A_30] : memref<10112x128xf32, #tpu.memory_space<vmem_shared>> -> memref<632x128xf32, #tpu.memory_space<vmem_shared>>
      tpu.wait_dma2 semaphore(%run_scoped3A_23 : memref<!tpu.dma_semaphore, #tpu.memory_space<semaphore_mem>>) src(%dma_wait3A_31 : memref<632x128xf32, #tpu.memory_space<vmem_shared>>) dst(%dma_wait3A_29 : memref<632x128xf32, #tpu.memory_space<hbm>>)
      tpu.yield
    }) : () -> ()
    %barrier3A_13 = arith.constant 0 : index
    tpu.barrier barrier_id(%barrier3A_13)
    "tpu.region"() ({
      %run_scoped3A_23 = tpu.sem_alloc : memref<!tpu.dma_semaphore, #tpu.memory_space<semaphore_mem>>
      %dma_start3A = arith.constant 0 : i32
      %dma_start3A_24 = tpu.memref_slice %arg9[%mul3A_2, %dma_start3A] : memref<10112x128xf32, #tpu.memory_space<vmem_shared>> -> memref<632x128xf32, #tpu.memory_space<vmem_shared>>
      %dma_start3A_25 = arith.constant 0 : i32
      %dma_start3A_26 = tpu.memref_slice %arg5[%mul3A_2, %dma_start3A_25] : memref<10112x128xf32, #tpu.memory_space<hbm>> -> memref<632x128xf32, #tpu.memory_space<hbm>>
      tpu.enqueue_dma source(%dma_start3A_26 : memref<632x128xf32, #tpu.memory_space<hbm>>) target(%dma_start3A_24 : memref<632x128xf32, #tpu.memory_space<vmem_shared>>) target_semaphore(%run_scoped3A_23 : memref<!tpu.dma_semaphore, #tpu.memory_space<semaphore_mem>>)
      %dma_wait3A = arith.constant 0 : i32
      %dma_wait3A_27 = tpu.memref_slice %arg9[%mul3A_2, %dma_wait3A] : memref<10112x128xf32, #tpu.memory_space<vmem_shared>> -> memref<632x128xf32, #tpu.memory_space<vmem_shared>>
      %dma_wait3A_28 = arith.constant 0 : i32
      %dma_wait3A_29 = tpu.memref_slice %arg5[%mul3A_2, %dma_wait3A_28] : memref<10112x128xf32, #tpu.memory_space<hbm>> -> memref<632x128xf32, #tpu.memory_space<hbm>>
      tpu.wait_dma2 semaphore(%run_scoped3A_23 : memref<!tpu.dma_semaphore, #tpu.memory_space<semaphore_mem>>) src(%dma_wait3A_29 : memref<632x128xf32, #tpu.memory_space<hbm>>) dst(%dma_wait3A_27 : memref<632x128xf32, #tpu.memory_space<vmem_shared>>)
      tpu.yield
    }) : () -> ()
    %barrier3A_14 = arith.constant 0 : index
    tpu.barrier barrier_id(%barrier3A_14)
    %scan3A_15 = arith.constant 0 : i32
    %scan3A_16 = arith.constant 0 : i32
    %scan3A_17 = arith.constant 48 : i32
    %scan3A_18 = arith.addi %scan3A_16, %scan3A_17 : i32
    %scan3A_19 = arith.constant 1 : i32
    scf.for %scan3A_23 = %scan3A_16 to %scan3A_18 step %scan3A_19  : i32 {
      %mul3A_24 = arith.constant 128 : i32
      %mul3A_25 = arith.muli %scan3A_23, %mul3A_24 : i32
      %add3A_26 = arith.addi %mul3A_6, %mul3A_25 : i32
      %lt3A = arith.constant 170000 : i32
      %lt3A_27 = arith.cmpi slt, %add3A_26, %lt3A : i32
      %convert_element_type3A = arith.extui %lt3A_27 : i1 to i32
      %cond3A = arith.constant 0 : i32
      %cond3A_28 = arith.cmpi ne, %convert_element_type3A, %cond3A : i32
      scf.if %cond3A_28 {
        %mul3A_29 = arith.constant 128 : i32
        %mul3A_30 = arith.muli %scan3A_23, %mul3A_29 : i32
        %add3A_31 = arith.addi %mul3A_6, %mul3A_30 : i32
        "tpu.region"() ({
          %run_scoped3A_32 = tpu.sem_alloc : memref<!tpu.dma_semaphore, #tpu.memory_space<semaphore_mem>>
          %dma_start3A = arith.constant 0 : i32
          %dma_start3A_33 = tpu.memref_slice %arg3[%add3A_31, %dma_start3A] : memref<196608x128xf32, #tpu.memory_space<hbm>> -> memref<128x128xf32, #tpu.memory_space<hbm>>
          %dma_start3A_34 = arith.constant 0 : i32
          %dma_start3A_35 = tpu.memref_slice %arg3[%add3A_31, %dma_start3A_34] : memref<196608x128xf32, #tpu.memory_space<hbm>> -> memref<128x128xf32, #tpu.memory_space<hbm>>
          tpu.enqueue_dma source(%dma_start3A_35 : memref<128x128xf32, #tpu.memory_space<hbm>>) target(%arg8 : memref<128x128xf32, #tpu.memory_space<vmem>>) target_semaphore(%run_scoped3A_32 : memref<!tpu.dma_semaphore, #tpu.memory_space<semaphore_mem>>)
          %dma_wait3A = arith.constant 0 : i32
          %dma_wait3A_36 = tpu.memref_slice %arg3[%add3A_31, %dma_wait3A] : memref<196608x128xf32, #tpu.memory_space<hbm>> -> memref<128x128xf32, #tpu.memory_space<hbm>>
          %dma_wait3A_37 = arith.constant 0 : i32
          %dma_wait3A_38 = tpu.memref_slice %arg3[%add3A_31, %dma_wait3A_37] : memref<196608x128xf32, #tpu.memory_space<hbm>> -> memref<128x128xf32, #tpu.memory_space<hbm>>
          tpu.wait_dma2 semaphore(%run_scoped3A_32 : memref<!tpu.dma_semaphore, #tpu.memory_space<semaphore_mem>>) src(%dma_wait3A_38 : memref<128x128xf32, #tpu.memory_space<hbm>>) dst(%arg8 : memref<128x128xf32, #tpu.memory_space<vmem>>)
          tpu.yield
        }) : () -> ()
        "tpu.region"() ({
          %run_scoped3A_32 = tpu.sem_alloc : memref<!tpu.dma_semaphore, #tpu.memory_space<semaphore_mem>>
          %dma_start3A = arith.constant 0 : i32
          %dma_start3A_33 = tpu.memref_slice %arg7[%scan3A_23, %dma_start3A] : memref<48x128xi32, #tpu.memory_space<vmem>> -> memref<1x128xi32, #tpu.memory_space<vmem>>
          %dma_start3A_34 = tpu.memref_squeeze %dma_start3A_33 : memref<1x128xi32, #tpu.memory_space<vmem>> -> memref<128xi32, #tpu.memory_space<vmem>>
          %dma_start3A_35 = arith.constant 0 : i32
          %dma_start3A_36 = arith.constant 0 : i32
          %dma_start3A_37 = tpu.memref_slice %arg9[%dma_start3A_35, %dma_start3A_36] : memref<10112x128xf32, #tpu.memory_space<vmem_shared>> -> memref<10112x128xf32, #tpu.memory_space<vmem_shared>>
          tpu.enqueue_indirect_dma source(%arg8 : memref<128x128xf32, #tpu.memory_space<vmem>>) target(%dma_start3A_37 : memref<10112x128xf32, #tpu.memory_space<vmem_shared>>) offsets(%dma_start3A_34 : memref<128xi32, #tpu.memory_space<vmem>>) semaphore(%run_scoped3A_32 : memref<!tpu.dma_semaphore, #tpu.memory_space<semaphore_mem>>) {add = true}
          %dma_wait3A = arith.constant 0 : i32
          %dma_wait3A_38 = tpu.memref_slice %arg7[%scan3A_23, %dma_wait3A] : memref<48x128xi32, #tpu.memory_space<vmem>> -> memref<1x128xi32, #tpu.memory_space<vmem>>
          %dma_wait3A_39 = tpu.memref_squeeze %dma_wait3A_38 : memref<1x128xi32, #tpu.memory_space<vmem>> -> memref<128xi32, #tpu.memory_space<vmem>>
          %dma_wait3A_40 = arith.constant 0 : i32
          %dma_wait3A_41 = arith.constant 0 : i32
          %dma_wait3A_42 = tpu.memref_slice %arg9[%dma_wait3A_40, %dma_wait3A_41] : memref<10112x128xf32, #tpu.memory_space<vmem_shared>> -> memref<10112x128xf32, #tpu.memory_space<vmem_shared>>
          tpu.wait_indirect_dma semaphore(%run_scoped3A_32 : memref<!tpu.dma_semaphore, #tpu.memory_space<semaphore_mem>>) src(%arg8 : memref<128x128xf32, #tpu.memory_space<vmem>>) dst(%dma_wait3A_42 : memref<10112x128xf32, #tpu.memory_space<vmem_shared>>)
          tpu.yield
        }) : () -> ()
      } else {
      }
    }
    %scan3A_20 = arith.constant 48 : i32
    %barrier3A_21 = arith.constant 0 : index
    tpu.barrier barrier_id(%barrier3A_21)
    %run_scoped3A_22 = arith.constant 1 : i32
    "tpu.region"() ({
      %run_scoped3A_23 = tpu.sem_alloc : memref<!tpu.dma_semaphore, #tpu.memory_space<semaphore_mem>>
      %dma_start3A = arith.constant 0 : i32
      %dma_start3A_24 = tpu.memref_slice %arg6[%arg0, %run_scoped3A_22, %mul3A_2, %dma_start3A] : memref<2x2x10112x128xf32, #tpu.memory_space<hbm>> -> memref<1x1x632x128xf32, #tpu.memory_space<hbm>>
      %dma_start3A_25 = tpu.memref_squeeze %dma_start3A_24 : memref<1x1x632x128xf32, #tpu.memory_space<hbm>> -> memref<632x128xf32, #tpu.memory_space<hbm>>
      %dma_start3A_26 = arith.constant 0 : i32
      %dma_start3A_27 = tpu.memref_slice %arg9[%mul3A_2, %dma_start3A_26] : memref<10112x128xf32, #tpu.memory_space<vmem_shared>> -> memref<632x128xf32, #tpu.memory_space<vmem_shared>>
      tpu.enqueue_dma source(%dma_start3A_27 : memref<632x128xf32, #tpu.memory_space<vmem_shared>>) target(%dma_start3A_25 : memref<632x128xf32, #tpu.memory_space<hbm>>) target_semaphore(%run_scoped3A_23 : memref<!tpu.dma_semaphore, #tpu.memory_space<semaphore_mem>>)
      %dma_wait3A = arith.constant 0 : i32
      %dma_wait3A_28 = tpu.memref_slice %arg6[%arg0, %run_scoped3A_22, %mul3A_2, %dma_wait3A] : memref<2x2x10112x128xf32, #tpu.memory_space<hbm>> -> memref<1x1x632x128xf32, #tpu.memory_space<hbm>>
      %dma_wait3A_29 = tpu.memref_squeeze %dma_wait3A_28 : memref<1x1x632x128xf32, #tpu.memory_space<hbm>> -> memref<632x128xf32, #tpu.memory_space<hbm>>
      %dma_wait3A_30 = arith.constant 0 : i32
      %dma_wait3A_31 = tpu.memref_slice %arg9[%mul3A_2, %dma_wait3A_30] : memref<10112x128xf32, #tpu.memory_space<vmem_shared>> -> memref<632x128xf32, #tpu.memory_space<vmem_shared>>
      tpu.wait_dma2 semaphore(%run_scoped3A_23 : memref<!tpu.dma_semaphore, #tpu.memory_space<semaphore_mem>>) src(%dma_wait3A_31 : memref<632x128xf32, #tpu.memory_space<vmem_shared>>) dst(%dma_wait3A_29 : memref<632x128xf32, #tpu.memory_space<hbm>>)
      tpu.yield
    }) : () -> ()
    return
  }
}

#map = affine_map<(d0, d1) -> (0, 0)>
module attributes {stable_mosaic.version = 14 : i64} {
  func.func @gather(%arg0: i32, %arg1: i32, %arg2: memref<10240x256xf32, #tpu.memory_space<hbm>>, %arg3: memref<10240x256xf32, #tpu.memory_space<hbm>>, %arg4: memref<1536x128xi32, #tpu.memory_space<hbm>>, %arg5: memref<1536x128xi32, #tpu.memory_space<hbm>>, %arg6: memref<196608x256xf32, #tpu.memory_space<hbm>>, %arg7: memref<196608x256xf32, #tpu.memory_space<hbm>>, %arg8: memref<48x128xi32, #tpu.memory_space<vmem>>, %arg9: memref<48x128xi32, #tpu.memory_space<vmem>>, %arg10: memref<128x256xf32, #tpu.memory_space<vmem>>, %arg11: memref<128x256xf32, #tpu.memory_space<vmem>>, %arg12: memref<!tpu.dma_semaphore, #tpu.memory_space<semaphore_mem>>, %arg13: memref<!tpu.dma_semaphore, #tpu.memory_space<semaphore_mem>>) attributes {dimension_semantics = [#tpu.dimension_semantics<core_parallel>, #tpu.dimension_semantics<subcore_parallel>], iteration_bounds = array<i64: 2, 16>, scalar_prefetch = 0 : i64, scratch_operands = 6 : i64, tpu.core_type = #tpu.core_type<sc_vector_subcore>, window_params = [{transform_indices = #map}, {transform_indices = #map}, {transform_indices = #map}, {transform_indices = #map}, {transform_indices = #map}, {transform_indices = #map}]} {
    %mul3A = arith.constant 2 : i32
    %mul3A_0 = arith.muli %arg1, %mul3A : i32
    %add3A = arith.addi %mul3A_0, %arg0 : i32
    %mul3A_1 = arith.constant 48 : i32
    %mul3A_2 = arith.muli %add3A, %mul3A_1 : i32
    %mul3A_3 = arith.constant 6144 : i32
    %mul3A_4 = arith.muli %add3A, %mul3A_3 : i32
    "tpu.region"() ({
      %run_scoped3A = tpu.sem_alloc : memref<!tpu.dma_semaphore, #tpu.memory_space<semaphore_mem>>
      %dma_start3A = arith.constant 0 : i32
      %dma_start3A_10 = tpu.memref_slice %arg4[%mul3A_2, %dma_start3A] : memref<1536x128xi32, #tpu.memory_space<hbm>> -> memref<48x128xi32, #tpu.memory_space<hbm>>
      %dma_start3A_11 = arith.constant 0 : i32
      %dma_start3A_12 = tpu.memref_slice %arg4[%mul3A_2, %dma_start3A_11] : memref<1536x128xi32, #tpu.memory_space<hbm>> -> memref<48x128xi32, #tpu.memory_space<hbm>>
      tpu.enqueue_dma source(%dma_start3A_12 : memref<48x128xi32, #tpu.memory_space<hbm>>) target(%arg8 : memref<48x128xi32, #tpu.memory_space<vmem>>) target_semaphore(%run_scoped3A : memref<!tpu.dma_semaphore, #tpu.memory_space<semaphore_mem>>)
      %dma_wait3A = arith.constant 0 : i32
      %dma_wait3A_13 = tpu.memref_slice %arg4[%mul3A_2, %dma_wait3A] : memref<1536x128xi32, #tpu.memory_space<hbm>> -> memref<48x128xi32, #tpu.memory_space<hbm>>
      %dma_wait3A_14 = arith.constant 0 : i32
      %dma_wait3A_15 = tpu.memref_slice %arg4[%mul3A_2, %dma_wait3A_14] : memref<1536x128xi32, #tpu.memory_space<hbm>> -> memref<48x128xi32, #tpu.memory_space<hbm>>
      tpu.wait_dma2 semaphore(%run_scoped3A : memref<!tpu.dma_semaphore, #tpu.memory_space<semaphore_mem>>) src(%dma_wait3A_15 : memref<48x128xi32, #tpu.memory_space<hbm>>) dst(%arg8 : memref<48x128xi32, #tpu.memory_space<vmem>>)
      tpu.yield
    }) : () -> ()
    "tpu.region"() ({
      %run_scoped3A = tpu.sem_alloc : memref<!tpu.dma_semaphore, #tpu.memory_space<semaphore_mem>>
      %dma_start3A = arith.constant 0 : i32
      %dma_start3A_10 = tpu.memref_slice %arg5[%mul3A_2, %dma_start3A] : memref<1536x128xi32, #tpu.memory_space<hbm>> -> memref<48x128xi32, #tpu.memory_space<hbm>>
      %dma_start3A_11 = arith.constant 0 : i32
      %dma_start3A_12 = tpu.memref_slice %arg5[%mul3A_2, %dma_start3A_11] : memref<1536x128xi32, #tpu.memory_space<hbm>> -> memref<48x128xi32, #tpu.memory_space<hbm>>
      tpu.enqueue_dma source(%dma_start3A_12 : memref<48x128xi32, #tpu.memory_space<hbm>>) target(%arg9 : memref<48x128xi32, #tpu.memory_space<vmem>>) target_semaphore(%run_scoped3A : memref<!tpu.dma_semaphore, #tpu.memory_space<semaphore_mem>>)
      %dma_wait3A = arith.constant 0 : i32
      %dma_wait3A_13 = tpu.memref_slice %arg5[%mul3A_2, %dma_wait3A] : memref<1536x128xi32, #tpu.memory_space<hbm>> -> memref<48x128xi32, #tpu.memory_space<hbm>>
      %dma_wait3A_14 = arith.constant 0 : i32
      %dma_wait3A_15 = tpu.memref_slice %arg5[%mul3A_2, %dma_wait3A_14] : memref<1536x128xi32, #tpu.memory_space<hbm>> -> memref<48x128xi32, #tpu.memory_space<hbm>>
      tpu.wait_dma2 semaphore(%run_scoped3A : memref<!tpu.dma_semaphore, #tpu.memory_space<semaphore_mem>>) src(%dma_wait3A_15 : memref<48x128xi32, #tpu.memory_space<hbm>>) dst(%arg9 : memref<48x128xi32, #tpu.memory_space<vmem>>)
      tpu.yield
    }) : () -> ()
    %scan3A = arith.constant 0 : i32
    %scan3A_5 = arith.constant 0 : i32
    %scan3A_6 = arith.constant 48 : i32
    %scan3A_7 = arith.addi %scan3A_5, %scan3A_6 : i32
    %scan3A_8 = arith.constant 1 : i32
    scf.for %scan3A_10 = %scan3A_5 to %scan3A_7 step %scan3A_8  : i32 {
      %mul3A_11 = arith.constant 128 : i32
      %mul3A_12 = arith.muli %scan3A_10, %mul3A_11 : i32
      %add3A_13 = arith.addi %mul3A_4, %mul3A_12 : i32
      %lt3A = arith.constant 170000 : i32
      %lt3A_14 = arith.cmpi slt, %add3A_13, %lt3A : i32
      %convert_element_type3A = arith.extui %lt3A_14 : i1 to i32
      %cond3A = arith.constant 0 : i32
      %cond3A_15 = arith.cmpi ne, %convert_element_type3A, %cond3A : i32
      scf.if %cond3A_15 {
        %dma_start3A = arith.constant 0 : i32
        %dma_start3A_16 = tpu.memref_slice %arg8[%scan3A_10, %dma_start3A] : memref<48x128xi32, #tpu.memory_space<vmem>> -> memref<1x128xi32, #tpu.memory_space<vmem>>
        %dma_start3A_17 = tpu.memref_squeeze %dma_start3A_16 : memref<1x128xi32, #tpu.memory_space<vmem>> -> memref<128xi32, #tpu.memory_space<vmem>>
        %dma_start3A_18 = arith.constant 0 : i32
        %dma_start3A_19 = arith.constant 0 : i32
        %dma_start3A_20 = tpu.memref_slice %arg2[%dma_start3A_18, %dma_start3A_19] : memref<10240x256xf32, #tpu.memory_space<hbm>> -> memref<10240x256xf32, #tpu.memory_space<hbm>>
        tpu.enqueue_indirect_dma source(%dma_start3A_20 : memref<10240x256xf32, #tpu.memory_space<hbm>>) target(%arg10 : memref<128x256xf32, #tpu.memory_space<vmem>>) offsets(%dma_start3A_17 : memref<128xi32, #tpu.memory_space<vmem>>) semaphore(%arg12 : memref<!tpu.dma_semaphore, #tpu.memory_space<semaphore_mem>>)
        %dma_start3A_21 = arith.constant 0 : i32
        %dma_start3A_22 = tpu.memref_slice %arg9[%scan3A_10, %dma_start3A_21] : memref<48x128xi32, #tpu.memory_space<vmem>> -> memref<1x128xi32, #tpu.memory_space<vmem>>
        %dma_start3A_23 = tpu.memref_squeeze %dma_start3A_22 : memref<1x128xi32, #tpu.memory_space<vmem>> -> memref<128xi32, #tpu.memory_space<vmem>>
        %dma_start3A_24 = arith.constant 0 : i32
        %dma_start3A_25 = arith.constant 0 : i32
        %dma_start3A_26 = tpu.memref_slice %arg3[%dma_start3A_24, %dma_start3A_25] : memref<10240x256xf32, #tpu.memory_space<hbm>> -> memref<10240x256xf32, #tpu.memory_space<hbm>>
        tpu.enqueue_indirect_dma source(%dma_start3A_26 : memref<10240x256xf32, #tpu.memory_space<hbm>>) target(%arg11 : memref<128x256xf32, #tpu.memory_space<vmem>>) offsets(%dma_start3A_23 : memref<128xi32, #tpu.memory_space<vmem>>) semaphore(%arg13 : memref<!tpu.dma_semaphore, #tpu.memory_space<semaphore_mem>>)
        %dma_wait3A = arith.constant 0 : i32
        %dma_wait3A_27 = tpu.memref_slice %arg8[%scan3A_10, %dma_wait3A] : memref<48x128xi32, #tpu.memory_space<vmem>> -> memref<1x128xi32, #tpu.memory_space<vmem>>
        %dma_wait3A_28 = tpu.memref_squeeze %dma_wait3A_27 : memref<1x128xi32, #tpu.memory_space<vmem>> -> memref<128xi32, #tpu.memory_space<vmem>>
        %dma_wait3A_29 = arith.constant 0 : i32
        %dma_wait3A_30 = arith.constant 0 : i32
        %dma_wait3A_31 = tpu.memref_slice %arg2[%dma_wait3A_29, %dma_wait3A_30] : memref<10240x256xf32, #tpu.memory_space<hbm>> -> memref<10240x256xf32, #tpu.memory_space<hbm>>
        tpu.wait_indirect_dma semaphore(%arg12 : memref<!tpu.dma_semaphore, #tpu.memory_space<semaphore_mem>>) src(%dma_wait3A_31 : memref<10240x256xf32, #tpu.memory_space<hbm>>) dst(%arg10 : memref<128x256xf32, #tpu.memory_space<vmem>>)
        %mul3A_32 = arith.constant 128 : i32
        %mul3A_33 = arith.muli %scan3A_10, %mul3A_32 : i32
        %add3A_34 = arith.addi %mul3A_4, %mul3A_33 : i32
        "tpu.region"() ({
          %run_scoped3A = tpu.sem_alloc : memref<!tpu.dma_semaphore, #tpu.memory_space<semaphore_mem>>
          %dma_start3A_44 = arith.constant 0 : i32
          %dma_start3A_45 = tpu.memref_slice %arg6[%add3A_34, %dma_start3A_44] : memref<196608x256xf32, #tpu.memory_space<hbm>> -> memref<128x256xf32, #tpu.memory_space<hbm>>
          %dma_start3A_46 = arith.constant 0 : i32
          %dma_start3A_47 = tpu.memref_slice %arg6[%add3A_34, %dma_start3A_46] : memref<196608x256xf32, #tpu.memory_space<hbm>> -> memref<128x256xf32, #tpu.memory_space<hbm>>
          tpu.enqueue_dma source(%arg10 : memref<128x256xf32, #tpu.memory_space<vmem>>) target(%dma_start3A_47 : memref<128x256xf32, #tpu.memory_space<hbm>>) target_semaphore(%run_scoped3A : memref<!tpu.dma_semaphore, #tpu.memory_space<semaphore_mem>>)
          %dma_wait3A_48 = arith.constant 0 : i32
          %dma_wait3A_49 = tpu.memref_slice %arg6[%add3A_34, %dma_wait3A_48] : memref<196608x256xf32, #tpu.memory_space<hbm>> -> memref<128x256xf32, #tpu.memory_space<hbm>>
          %dma_wait3A_50 = arith.constant 0 : i32
          %dma_wait3A_51 = tpu.memref_slice %arg6[%add3A_34, %dma_wait3A_50] : memref<196608x256xf32, #tpu.memory_space<hbm>> -> memref<128x256xf32, #tpu.memory_space<hbm>>
          tpu.wait_dma2 semaphore(%run_scoped3A : memref<!tpu.dma_semaphore, #tpu.memory_space<semaphore_mem>>) src(%arg10 : memref<128x256xf32, #tpu.memory_space<vmem>>) dst(%dma_wait3A_51 : memref<128x256xf32, #tpu.memory_space<hbm>>)
          tpu.yield
        }) : () -> ()
        %dma_wait3A_35 = arith.constant 0 : i32
        %dma_wait3A_36 = tpu.memref_slice %arg9[%scan3A_10, %dma_wait3A_35] : memref<48x128xi32, #tpu.memory_space<vmem>> -> memref<1x128xi32, #tpu.memory_space<vmem>>
        %dma_wait3A_37 = tpu.memref_squeeze %dma_wait3A_36 : memref<1x128xi32, #tpu.memory_space<vmem>> -> memref<128xi32, #tpu.memory_space<vmem>>
        %dma_wait3A_38 = arith.constant 0 : i32
        %dma_wait3A_39 = arith.constant 0 : i32
        %dma_wait3A_40 = tpu.memref_slice %arg3[%dma_wait3A_38, %dma_wait3A_39] : memref<10240x256xf32, #tpu.memory_space<hbm>> -> memref<10240x256xf32, #tpu.memory_space<hbm>>
        tpu.wait_indirect_dma semaphore(%arg13 : memref<!tpu.dma_semaphore, #tpu.memory_space<semaphore_mem>>) src(%dma_wait3A_40 : memref<10240x256xf32, #tpu.memory_space<hbm>>) dst(%arg11 : memref<128x256xf32, #tpu.memory_space<vmem>>)
        %mul3A_41 = arith.constant 128 : i32
        %mul3A_42 = arith.muli %scan3A_10, %mul3A_41 : i32
        %add3A_43 = arith.addi %mul3A_4, %mul3A_42 : i32
        "tpu.region"() ({
          %run_scoped3A = tpu.sem_alloc : memref<!tpu.dma_semaphore, #tpu.memory_space<semaphore_mem>>
          %dma_start3A_44 = arith.constant 0 : i32
          %dma_start3A_45 = tpu.memref_slice %arg7[%add3A_43, %dma_start3A_44] : memref<196608x256xf32, #tpu.memory_space<hbm>> -> memref<128x256xf32, #tpu.memory_space<hbm>>
          %dma_start3A_46 = arith.constant 0 : i32
          %dma_start3A_47 = tpu.memref_slice %arg7[%add3A_43, %dma_start3A_46] : memref<196608x256xf32, #tpu.memory_space<hbm>> -> memref<128x256xf32, #tpu.memory_space<hbm>>
          tpu.enqueue_dma source(%arg11 : memref<128x256xf32, #tpu.memory_space<vmem>>) target(%dma_start3A_47 : memref<128x256xf32, #tpu.memory_space<hbm>>) target_semaphore(%run_scoped3A : memref<!tpu.dma_semaphore, #tpu.memory_space<semaphore_mem>>)
          %dma_wait3A_48 = arith.constant 0 : i32
          %dma_wait3A_49 = tpu.memref_slice %arg7[%add3A_43, %dma_wait3A_48] : memref<196608x256xf32, #tpu.memory_space<hbm>> -> memref<128x256xf32, #tpu.memory_space<hbm>>
          %dma_wait3A_50 = arith.constant 0 : i32
          %dma_wait3A_51 = tpu.memref_slice %arg7[%add3A_43, %dma_wait3A_50] : memref<196608x256xf32, #tpu.memory_space<hbm>> -> memref<128x256xf32, #tpu.memory_space<hbm>>
          tpu.wait_dma2 semaphore(%run_scoped3A : memref<!tpu.dma_semaphore, #tpu.memory_space<semaphore_mem>>) src(%arg11 : memref<128x256xf32, #tpu.memory_space<vmem>>) dst(%dma_wait3A_51 : memref<128x256xf32, #tpu.memory_space<hbm>>)
          tpu.yield
        }) : () -> ()
      } else {
      }
    }
    %scan3A_9 = arith.constant 48 : i32
    return
  }
}

#map = affine_map<(d0, d1) -> (0, 0)>
#map1 = affine_map<(d0, d1) -> (0, 0, 0, 0)>
module attributes {stable_mosaic.version = 14 : i64} {
  func.func @scatter(%arg0: i32, %arg1: i32, %arg2: memref<196608x128xf32, #tpu.memory_space<hbm>>, %arg3: memref<196608x128xf32, #tpu.memory_space<hbm>>, %arg4: memref<1536x128xi32, #tpu.memory_space<hbm>>, %arg5: memref<10112x128xf32, #tpu.memory_space<hbm>>, %arg6: memref<2x2x10112x128xf32, #tpu.memory_space<hbm>>, %arg7: memref<48x128xi32, #tpu.memory_space<vmem>>, %arg8: memref<128x128xf32, #tpu.memory_space<vmem>>, %arg9: memref<10112x128xf32, #tpu.memory_space<vmem_shared>>) attributes {dimension_semantics = [#tpu.dimension_semantics<core_parallel>, #tpu.dimension_semantics<subcore_parallel>], iteration_bounds = array<i64: 2, 16>, scalar_prefetch = 0 : i64, scratch_operands = 3 : i64, tpu.core_type = #tpu.core_type<sc_vector_subcore>, window_params = [{transform_indices = #map}, {transform_indices = #map}, {transform_indices = #map}, {transform_indices = #map}, {transform_indices = #map1}]} {
    %mul3A = arith.constant 2 : i32
    %mul3A_0 = arith.muli %arg1, %mul3A : i32
    %add3A = arith.addi %mul3A_0, %arg0 : i32
    %mul3A_1 = arith.constant 632 : i32
    %mul3A_2 = arith.muli %arg1, %mul3A_1 : i32
    %mul3A_3 = arith.constant 48 : i32
    %mul3A_4 = arith.muli %add3A, %mul3A_3 : i32
    %mul3A_5 = arith.constant 6144 : i32
    %mul3A_6 = arith.muli %add3A, %mul3A_5 : i32
    "tpu.region"() ({
      %run_scoped3A_23 = tpu.sem_alloc : memref<!tpu.dma_semaphore, #tpu.memory_space<semaphore_mem>>
      %dma_start3A = arith.constant 0 : i32
      %dma_start3A_24 = tpu.memref_slice %arg4[%mul3A_4, %dma_start3A] : memref<1536x128xi32, #tpu.memory_space<hbm>> -> memref<48x128xi32, #tpu.memory_space<hbm>>
      %dma_start3A_25 = arith.constant 0 : i32
      %dma_start3A_26 = tpu.memref_slice %arg4[%mul3A_4, %dma_start3A_25] : memref<1536x128xi32, #tpu.memory_space<hbm>> -> memref<48x128xi32, #tpu.memory_space<hbm>>
      tpu.enqueue_dma source(%dma_start3A_26 : memref<48x128xi32, #tpu.memory_space<hbm>>) target(%arg7 : memref<48x128xi32, #tpu.memory_space<vmem>>) target_semaphore(%run_scoped3A_23 : memref<!tpu.dma_semaphore, #tpu.memory_space<semaphore_mem>>)
      %dma_wait3A = arith.constant 0 : i32
      %dma_wait3A_27 = tpu.memref_slice %arg4[%mul3A_4, %dma_wait3A] : memref<1536x128xi32, #tpu.memory_space<hbm>> -> memref<48x128xi32, #tpu.memory_space<hbm>>
      %dma_wait3A_28 = arith.constant 0 : i32
      %dma_wait3A_29 = tpu.memref_slice %arg4[%mul3A_4, %dma_wait3A_28] : memref<1536x128xi32, #tpu.memory_space<hbm>> -> memref<48x128xi32, #tpu.memory_space<hbm>>
      tpu.wait_dma2 semaphore(%run_scoped3A_23 : memref<!tpu.dma_semaphore, #tpu.memory_space<semaphore_mem>>) src(%dma_wait3A_29 : memref<48x128xi32, #tpu.memory_space<hbm>>) dst(%arg7 : memref<48x128xi32, #tpu.memory_space<vmem>>)
      tpu.yield
    }) : () -> ()
    "tpu.region"() ({
      %run_scoped3A_23 = tpu.sem_alloc : memref<!tpu.dma_semaphore, #tpu.memory_space<semaphore_mem>>
      %dma_start3A = arith.constant 0 : i32
      %dma_start3A_24 = tpu.memref_slice %arg9[%mul3A_2, %dma_start3A] : memref<10112x128xf32, #tpu.memory_space<vmem_shared>> -> memref<632x128xf32, #tpu.memory_space<vmem_shared>>
      %dma_start3A_25 = arith.constant 0 : i32
      %dma_start3A_26 = tpu.memref_slice %arg5[%mul3A_2, %dma_start3A_25] : memref<10112x128xf32, #tpu.memory_space<hbm>> -> memref<632x128xf32, #tpu.memory_space<hbm>>
      tpu.enqueue_dma source(%dma_start3A_26 : memref<632x128xf32, #tpu.memory_space<hbm>>) target(%dma_start3A_24 : memref<632x128xf32, #tpu.memory_space<vmem_shared>>) target_semaphore(%run_scoped3A_23 : memref<!tpu.dma_semaphore, #tpu.memory_space<semaphore_mem>>)
      %dma_wait3A = arith.constant 0 : i32
      %dma_wait3A_27 = tpu.memref_slice %arg9[%mul3A_2, %dma_wait3A] : memref<10112x128xf32, #tpu.memory_space<vmem_shared>> -> memref<632x128xf32, #tpu.memory_space<vmem_shared>>
      %dma_wait3A_28 = arith.constant 0 : i32
      %dma_wait3A_29 = tpu.memref_slice %arg5[%mul3A_2, %dma_wait3A_28] : memref<10112x128xf32, #tpu.memory_space<hbm>> -> memref<632x128xf32, #tpu.memory_space<hbm>>
      tpu.wait_dma2 semaphore(%run_scoped3A_23 : memref<!tpu.dma_semaphore, #tpu.memory_space<semaphore_mem>>) src(%dma_wait3A_29 : memref<632x128xf32, #tpu.memory_space<hbm>>) dst(%dma_wait3A_27 : memref<632x128xf32, #tpu.memory_space<vmem_shared>>)
      tpu.yield
    }) : () -> ()
    %barrier3A = arith.constant 0 : index
    tpu.barrier barrier_id(%barrier3A)
    %scan3A = arith.constant 0 : i32
    %scan3A_7 = arith.constant 0 : i32
    %scan3A_8 = arith.constant 48 : i32
    %scan3A_9 = arith.addi %scan3A_7, %scan3A_8 : i32
    %scan3A_10 = arith.constant 1 : i32
    scf.for %scan3A_23 = %scan3A_7 to %scan3A_9 step %scan3A_10  : i32 {
      %mul3A_24 = arith.constant 128 : i32
      %mul3A_25 = arith.muli %scan3A_23, %mul3A_24 : i32
      %add3A_26 = arith.addi %mul3A_6, %mul3A_25 : i32
      %lt3A = arith.constant 170000 : i32
      %lt3A_27 = arith.cmpi slt, %add3A_26, %lt3A : i32
      %convert_element_type3A = arith.extui %lt3A_27 : i1 to i32
      %cond3A = arith.constant 0 : i32
      %cond3A_28 = arith.cmpi ne, %convert_element_type3A, %cond3A : i32
      scf.if %cond3A_28 {
        %mul3A_29 = arith.constant 128 : i32
        %mul3A_30 = arith.muli %scan3A_23, %mul3A_29 : i32
        %add3A_31 = arith.addi %mul3A_6, %mul3A_30 : i32
        "tpu.region"() ({
          %run_scoped3A_32 = tpu.sem_alloc : memref<!tpu.dma_semaphore, #tpu.memory_space<semaphore_mem>>
          %dma_start3A = arith.constant 0 : i32
          %dma_start3A_33 = tpu.memref_slice %arg2[%add3A_31, %dma_start3A] : memref<196608x128xf32, #tpu.memory_space<hbm>> -> memref<128x128xf32, #tpu.memory_space<hbm>>
          %dma_start3A_34 = arith.constant 0 : i32
          %dma_start3A_35 = tpu.memref_slice %arg2[%add3A_31, %dma_start3A_34] : memref<196608x128xf32, #tpu.memory_space<hbm>> -> memref<128x128xf32, #tpu.memory_space<hbm>>
          tpu.enqueue_dma source(%dma_start3A_35 : memref<128x128xf32, #tpu.memory_space<hbm>>) target(%arg8 : memref<128x128xf32, #tpu.memory_space<vmem>>) target_semaphore(%run_scoped3A_32 : memref<!tpu.dma_semaphore, #tpu.memory_space<semaphore_mem>>)
          %dma_wait3A = arith.constant 0 : i32
          %dma_wait3A_36 = tpu.memref_slice %arg2[%add3A_31, %dma_wait3A] : memref<196608x128xf32, #tpu.memory_space<hbm>> -> memref<128x128xf32, #tpu.memory_space<hbm>>
          %dma_wait3A_37 = arith.constant 0 : i32
          %dma_wait3A_38 = tpu.memref_slice %arg2[%add3A_31, %dma_wait3A_37] : memref<196608x128xf32, #tpu.memory_space<hbm>> -> memref<128x128xf32, #tpu.memory_space<hbm>>
          tpu.wait_dma2 semaphore(%run_scoped3A_32 : memref<!tpu.dma_semaphore, #tpu.memory_space<semaphore_mem>>) src(%dma_wait3A_38 : memref<128x128xf32, #tpu.memory_space<hbm>>) dst(%arg8 : memref<128x128xf32, #tpu.memory_space<vmem>>)
          tpu.yield
        }) : () -> ()
        "tpu.region"() ({
          %run_scoped3A_32 = tpu.sem_alloc : memref<!tpu.dma_semaphore, #tpu.memory_space<semaphore_mem>>
          %dma_start3A = arith.constant 0 : i32
          %dma_start3A_33 = tpu.memref_slice %arg7[%scan3A_23, %dma_start3A] : memref<48x128xi32, #tpu.memory_space<vmem>> -> memref<1x128xi32, #tpu.memory_space<vmem>>
          %dma_start3A_34 = tpu.memref_squeeze %dma_start3A_33 : memref<1x128xi32, #tpu.memory_space<vmem>> -> memref<128xi32, #tpu.memory_space<vmem>>
          %dma_start3A_35 = arith.constant 0 : i32
          %dma_start3A_36 = arith.constant 0 : i32
          %dma_start3A_37 = tpu.memref_slice %arg9[%dma_start3A_35, %dma_start3A_36] : memref<10112x128xf32, #tpu.memory_space<vmem_shared>> -> memref<10112x128xf32, #tpu.memory_space<vmem_shared>>
          tpu.enqueue_indirect_dma source(%arg8 : memref<128x128xf32, #tpu.memory_space<vmem>>) target(%dma_start3A_37 : memref<10112x128xf32, #tpu.memory_space<vmem_shared>>) offsets(%dma_start3A_34 : memref<128xi32, #tpu.memory_space<vmem>>) semaphore(%run_scoped3A_32 : memref<!tpu.dma_semaphore, #tpu.memory_space<semaphore_mem>>) {add = true}
          %dma_wait3A = arith.constant 0 : i32
          %dma_wait3A_38 = tpu.memref_slice %arg7[%scan3A_23, %dma_wait3A] : memref<48x128xi32, #tpu.memory_space<vmem>> -> memref<1x128xi32, #tpu.memory_space<vmem>>
          %dma_wait3A_39 = tpu.memref_squeeze %dma_wait3A_38 : memref<1x128xi32, #tpu.memory_space<vmem>> -> memref<128xi32, #tpu.memory_space<vmem>>
          %dma_wait3A_40 = arith.constant 0 : i32
          %dma_wait3A_41 = arith.constant 0 : i32
          %dma_wait3A_42 = tpu.memref_slice %arg9[%dma_wait3A_40, %dma_wait3A_41] : memref<10112x128xf32, #tpu.memory_space<vmem_shared>> -> memref<10112x128xf32, #tpu.memory_space<vmem_shared>>
          tpu.wait_indirect_dma semaphore(%run_scoped3A_32 : memref<!tpu.dma_semaphore, #tpu.memory_space<semaphore_mem>>) src(%arg8 : memref<128x128xf32, #tpu.memory_space<vmem>>) dst(%dma_wait3A_42 : memref<10112x128xf32, #tpu.memory_space<vmem_shared>>)
          tpu.yield
        }) : () -> ()
      } else {
      }
    }
    %scan3A_11 = arith.constant 48 : i32
    %barrier3A_12 = arith.constant 0 : index
    tpu.barrier barrier_id(%barrier3A_12)
    %run_scoped3A = arith.constant 0 : i32
    "tpu.region"() ({
      %run_scoped3A_23 = tpu.sem_alloc : memref<!tpu.dma_semaphore, #tpu.memory_space<semaphore_mem>>
      %dma_start3A = arith.constant 0 : i32
      %dma_start3A_24 = tpu.memref_slice %arg6[%arg0, %run_scoped3A, %mul3A_2, %dma_start3A] : memref<2x2x10112x128xf32, #tpu.memory_space<hbm>> -> memref<1x1x632x128xf32, #tpu.memory_space<hbm>>
      %dma_start3A_25 = tpu.memref_squeeze %dma_start3A_24 : memref<1x1x632x128xf32, #tpu.memory_space<hbm>> -> memref<632x128xf32, #tpu.memory_space<hbm>>
      %dma_start3A_26 = arith.constant 0 : i32
      %dma_start3A_27 = tpu.memref_slice %arg9[%mul3A_2, %dma_start3A_26] : memref<10112x128xf32, #tpu.memory_space<vmem_shared>> -> memref<632x128xf32, #tpu.memory_space<vmem_shared>>
      tpu.enqueue_dma source(%dma_start3A_27 : memref<632x128xf32, #tpu.memory_space<vmem_shared>>) target(%dma_start3A_25 : memref<632x128xf32, #tpu.memory_space<hbm>>) target_semaphore(%run_scoped3A_23 : memref<!tpu.dma_semaphore, #tpu.memory_space<semaphore_mem>>)
      %dma_wait3A = arith.constant 0 : i32
      %dma_wait3A_28 = tpu.memref_slice %arg6[%arg0, %run_scoped3A, %mul3A_2, %dma_wait3A] : memref<2x2x10112x128xf32, #tpu.memory_space<hbm>> -> memref<1x1x632x128xf32, #tpu.memory_space<hbm>>
      %dma_wait3A_29 = tpu.memref_squeeze %dma_wait3A_28 : memref<1x1x632x128xf32, #tpu.memory_space<hbm>> -> memref<632x128xf32, #tpu.memory_space<hbm>>
      %dma_wait3A_30 = arith.constant 0 : i32
      %dma_wait3A_31 = tpu.memref_slice %arg9[%mul3A_2, %dma_wait3A_30] : memref<10112x128xf32, #tpu.memory_space<vmem_shared>> -> memref<632x128xf32, #tpu.memory_space<vmem_shared>>
      tpu.wait_dma2 semaphore(%run_scoped3A_23 : memref<!tpu.dma_semaphore, #tpu.memory_space<semaphore_mem>>) src(%dma_wait3A_31 : memref<632x128xf32, #tpu.memory_space<vmem_shared>>) dst(%dma_wait3A_29 : memref<632x128xf32, #tpu.memory_space<hbm>>)
      tpu.yield
    }) : () -> ()
    %barrier3A_13 = arith.constant 0 : index
    tpu.barrier barrier_id(%barrier3A_13)
    "tpu.region"() ({
      %run_scoped3A_23 = tpu.sem_alloc : memref<!tpu.dma_semaphore, #tpu.memory_space<semaphore_mem>>
      %dma_start3A = arith.constant 0 : i32
      %dma_start3A_24 = tpu.memref_slice %arg9[%mul3A_2, %dma_start3A] : memref<10112x128xf32, #tpu.memory_space<vmem_shared>> -> memref<632x128xf32, #tpu.memory_space<vmem_shared>>
      %dma_start3A_25 = arith.constant 0 : i32
      %dma_start3A_26 = tpu.memref_slice %arg5[%mul3A_2, %dma_start3A_25] : memref<10112x128xf32, #tpu.memory_space<hbm>> -> memref<632x128xf32, #tpu.memory_space<hbm>>
      tpu.enqueue_dma source(%dma_start3A_26 : memref<632x128xf32, #tpu.memory_space<hbm>>) target(%dma_start3A_24 : memref<632x128xf32, #tpu.memory_space<vmem_shared>>) target_semaphore(%run_scoped3A_23 : memref<!tpu.dma_semaphore, #tpu.memory_space<semaphore_mem>>)
      %dma_wait3A = arith.constant 0 : i32
      %dma_wait3A_27 = tpu.memref_slice %arg9[%mul3A_2, %dma_wait3A] : memref<10112x128xf32, #tpu.memory_space<vmem_shared>> -> memref<632x128xf32, #tpu.memory_space<vmem_shared>>
      %dma_wait3A_28 = arith.constant 0 : i32
      %dma_wait3A_29 = tpu.memref_slice %arg5[%mul3A_2, %dma_wait3A_28] : memref<10112x128xf32, #tpu.memory_space<hbm>> -> memref<632x128xf32, #tpu.memory_space<hbm>>
      tpu.wait_dma2 semaphore(%run_scoped3A_23 : memref<!tpu.dma_semaphore, #tpu.memory_space<semaphore_mem>>) src(%dma_wait3A_29 : memref<632x128xf32, #tpu.memory_space<hbm>>) dst(%dma_wait3A_27 : memref<632x128xf32, #tpu.memory_space<vmem_shared>>)
      tpu.yield
    }) : () -> ()
    %barrier3A_14 = arith.constant 0 : index
    tpu.barrier barrier_id(%barrier3A_14)
    %scan3A_15 = arith.constant 0 : i32
    %scan3A_16 = arith.constant 0 : i32
    %scan3A_17 = arith.constant 48 : i32
    %scan3A_18 = arith.addi %scan3A_16, %scan3A_17 : i32
    %scan3A_19 = arith.constant 1 : i32
    scf.for %scan3A_23 = %scan3A_16 to %scan3A_18 step %scan3A_19  : i32 {
      %mul3A_24 = arith.constant 128 : i32
      %mul3A_25 = arith.muli %scan3A_23, %mul3A_24 : i32
      %add3A_26 = arith.addi %mul3A_6, %mul3A_25 : i32
      %lt3A = arith.constant 170000 : i32
      %lt3A_27 = arith.cmpi slt, %add3A_26, %lt3A : i32
      %convert_element_type3A = arith.extui %lt3A_27 : i1 to i32
      %cond3A = arith.constant 0 : i32
      %cond3A_28 = arith.cmpi ne, %convert_element_type3A, %cond3A : i32
      scf.if %cond3A_28 {
        %mul3A_29 = arith.constant 128 : i32
        %mul3A_30 = arith.muli %scan3A_23, %mul3A_29 : i32
        %add3A_31 = arith.addi %mul3A_6, %mul3A_30 : i32
        "tpu.region"() ({
          %run_scoped3A_32 = tpu.sem_alloc : memref<!tpu.dma_semaphore, #tpu.memory_space<semaphore_mem>>
          %dma_start3A = arith.constant 0 : i32
          %dma_start3A_33 = tpu.memref_slice %arg3[%add3A_31, %dma_start3A] : memref<196608x128xf32, #tpu.memory_space<hbm>> -> memref<128x128xf32, #tpu.memory_space<hbm>>
          %dma_start3A_34 = arith.constant 0 : i32
          %dma_start3A_35 = tpu.memref_slice %arg3[%add3A_31, %dma_start3A_34] : memref<196608x128xf32, #tpu.memory_space<hbm>> -> memref<128x128xf32, #tpu.memory_space<hbm>>
          tpu.enqueue_dma source(%dma_start3A_35 : memref<128x128xf32, #tpu.memory_space<hbm>>) target(%arg8 : memref<128x128xf32, #tpu.memory_space<vmem>>) target_semaphore(%run_scoped3A_32 : memref<!tpu.dma_semaphore, #tpu.memory_space<semaphore_mem>>)
          %dma_wait3A = arith.constant 0 : i32
          %dma_wait3A_36 = tpu.memref_slice %arg3[%add3A_31, %dma_wait3A] : memref<196608x128xf32, #tpu.memory_space<hbm>> -> memref<128x128xf32, #tpu.memory_space<hbm>>
          %dma_wait3A_37 = arith.constant 0 : i32
          %dma_wait3A_38 = tpu.memref_slice %arg3[%add3A_31, %dma_wait3A_37] : memref<196608x128xf32, #tpu.memory_space<hbm>> -> memref<128x128xf32, #tpu.memory_space<hbm>>
          tpu.wait_dma2 semaphore(%run_scoped3A_32 : memref<!tpu.dma_semaphore, #tpu.memory_space<semaphore_mem>>) src(%dma_wait3A_38 : memref<128x128xf32, #tpu.memory_space<hbm>>) dst(%arg8 : memref<128x128xf32, #tpu.memory_space<vmem>>)
          tpu.yield
        }) : () -> ()
        "tpu.region"() ({
          %run_scoped3A_32 = tpu.sem_alloc : memref<!tpu.dma_semaphore, #tpu.memory_space<semaphore_mem>>
          %dma_start3A = arith.constant 0 : i32
          %dma_start3A_33 = tpu.memref_slice %arg7[%scan3A_23, %dma_start3A] : memref<48x128xi32, #tpu.memory_space<vmem>> -> memref<1x128xi32, #tpu.memory_space<vmem>>
          %dma_start3A_34 = tpu.memref_squeeze %dma_start3A_33 : memref<1x128xi32, #tpu.memory_space<vmem>> -> memref<128xi32, #tpu.memory_space<vmem>>
          %dma_start3A_35 = arith.constant 0 : i32
          %dma_start3A_36 = arith.constant 0 : i32
          %dma_start3A_37 = tpu.memref_slice %arg9[%dma_start3A_35, %dma_start3A_36] : memref<10112x128xf32, #tpu.memory_space<vmem_shared>> -> memref<10112x128xf32, #tpu.memory_space<vmem_shared>>
          tpu.enqueue_indirect_dma source(%arg8 : memref<128x128xf32, #tpu.memory_space<vmem>>) target(%dma_start3A_37 : memref<10112x128xf32, #tpu.memory_space<vmem_shared>>) offsets(%dma_start3A_34 : memref<128xi32, #tpu.memory_space<vmem>>) semaphore(%run_scoped3A_32 : memref<!tpu.dma_semaphore, #tpu.memory_space<semaphore_mem>>) {add = true}
          %dma_wait3A = arith.constant 0 : i32
          %dma_wait3A_38 = tpu.memref_slice %arg7[%scan3A_23, %dma_wait3A] : memref<48x128xi32, #tpu.memory_space<vmem>> -> memref<1x128xi32, #tpu.memory_space<vmem>>
          %dma_wait3A_39 = tpu.memref_squeeze %dma_wait3A_38 : memref<1x128xi32, #tpu.memory_space<vmem>> -> memref<128xi32, #tpu.memory_space<vmem>>
          %dma_wait3A_40 = arith.constant 0 : i32
          %dma_wait3A_41 = arith.constant 0 : i32
          %dma_wait3A_42 = tpu.memref_slice %arg9[%dma_wait3A_40, %dma_wait3A_41] : memref<10112x128xf32, #tpu.memory_space<vmem_shared>> -> memref<10112x128xf32, #tpu.memory_space<vmem_shared>>
          tpu.wait_indirect_dma semaphore(%run_scoped3A_32 : memref<!tpu.dma_semaphore, #tpu.memory_space<semaphore_mem>>) src(%arg8 : memref<128x128xf32, #tpu.memory_space<vmem>>) dst(%dma_wait3A_42 : memref<10112x128xf32, #tpu.memory_space<vmem_shared>>)
          tpu.yield
        }) : () -> ()
      } else {
      }
    }
    %scan3A_20 = arith.constant 48 : i32
    %barrier3A_21 = arith.constant 0 : index
    tpu.barrier barrier_id(%barrier3A_21)
    %run_scoped3A_22 = arith.constant 1 : i32
    "tpu.region"() ({
      %run_scoped3A_23 = tpu.sem_alloc : memref<!tpu.dma_semaphore, #tpu.memory_space<semaphore_mem>>
      %dma_start3A = arith.constant 0 : i32
      %dma_start3A_24 = tpu.memref_slice %arg6[%arg0, %run_scoped3A_22, %mul3A_2, %dma_start3A] : memref<2x2x10112x128xf32, #tpu.memory_space<hbm>> -> memref<1x1x632x128xf32, #tpu.memory_space<hbm>>
      %dma_start3A_25 = tpu.memref_squeeze %dma_start3A_24 : memref<1x1x632x128xf32, #tpu.memory_space<hbm>> -> memref<632x128xf32, #tpu.memory_space<hbm>>
      %dma_start3A_26 = arith.constant 0 : i32
      %dma_start3A_27 = tpu.memref_slice %arg9[%mul3A_2, %dma_start3A_26] : memref<10112x128xf32, #tpu.memory_space<vmem_shared>> -> memref<632x128xf32, #tpu.memory_space<vmem_shared>>
      tpu.enqueue_dma source(%dma_start3A_27 : memref<632x128xf32, #tpu.memory_space<vmem_shared>>) target(%dma_start3A_25 : memref<632x128xf32, #tpu.memory_space<hbm>>) target_semaphore(%run_scoped3A_23 : memref<!tpu.dma_semaphore, #tpu.memory_space<semaphore_mem>>)
      %dma_wait3A = arith.constant 0 : i32
      %dma_wait3A_28 = tpu.memref_slice %arg6[%arg0, %run_scoped3A_22, %mul3A_2, %dma_wait3A] : memref<2x2x10112x128xf32, #tpu.memory_space<hbm>> -> memref<1x1x632x128xf32, #tpu.memory_space<hbm>>
      %dma_wait3A_29 = tpu.memref_squeeze %dma_wait3A_28 : memref<1x1x632x128xf32, #tpu.memory_space<hbm>> -> memref<632x128xf32, #tpu.memory_space<hbm>>
      %dma_wait3A_30 = arith.constant 0 : i32
      %dma_wait3A_31 = tpu.memref_slice %arg9[%mul3A_2, %dma_wait3A_30] : memref<10112x128xf32, #tpu.memory_space<vmem_shared>> -> memref<632x128xf32, #tpu.memory_space<vmem_shared>>
      tpu.wait_dma2 semaphore(%run_scoped3A_23 : memref<!tpu.dma_semaphore, #tpu.memory_space<semaphore_mem>>) src(%dma_wait3A_31 : memref<632x128xf32, #tpu.memory_space<vmem_shared>>) dst(%dma_wait3A_29 : memref<632x128xf32, #tpu.memory_space<hbm>>)
      tpu.yield
    }) : () -> ()
    return
  }
}

#map = affine_map<(d0, d1) -> (0, 0)>
module attributes {stable_mosaic.version = 14 : i64} {
  func.func @gather(%arg0: i32, %arg1: i32, %arg2: memref<10240x256xf32, #tpu.memory_space<hbm>>, %arg3: memref<10240x256xf32, #tpu.memory_space<hbm>>, %arg4: memref<1536x128xi32, #tpu.memory_space<hbm>>, %arg5: memref<1536x128xi32, #tpu.memory_space<hbm>>, %arg6: memref<196608x256xf32, #tpu.memory_space<hbm>>, %arg7: memref<196608x256xf32, #tpu.memory_space<hbm>>, %arg8: memref<48x128xi32, #tpu.memory_space<vmem>>, %arg9: memref<48x128xi32, #tpu.memory_space<vmem>>, %arg10: memref<128x256xf32, #tpu.memory_space<vmem>>, %arg11: memref<128x256xf32, #tpu.memory_space<vmem>>, %arg12: memref<!tpu.dma_semaphore, #tpu.memory_space<semaphore_mem>>, %arg13: memref<!tpu.dma_semaphore, #tpu.memory_space<semaphore_mem>>) attributes {dimension_semantics = [#tpu.dimension_semantics<core_parallel>, #tpu.dimension_semantics<subcore_parallel>], iteration_bounds = array<i64: 2, 16>, scalar_prefetch = 0 : i64, scratch_operands = 6 : i64, tpu.core_type = #tpu.core_type<sc_vector_subcore>, window_params = [{transform_indices = #map}, {transform_indices = #map}, {transform_indices = #map}, {transform_indices = #map}, {transform_indices = #map}, {transform_indices = #map}]} {
    %mul3A = arith.constant 2 : i32
    %mul3A_0 = arith.muli %arg1, %mul3A : i32
    %add3A = arith.addi %mul3A_0, %arg0 : i32
    %mul3A_1 = arith.constant 48 : i32
    %mul3A_2 = arith.muli %add3A, %mul3A_1 : i32
    %mul3A_3 = arith.constant 6144 : i32
    %mul3A_4 = arith.muli %add3A, %mul3A_3 : i32
    "tpu.region"() ({
      %run_scoped3A = tpu.sem_alloc : memref<!tpu.dma_semaphore, #tpu.memory_space<semaphore_mem>>
      %dma_start3A = arith.constant 0 : i32
      %dma_start3A_10 = tpu.memref_slice %arg4[%mul3A_2, %dma_start3A] : memref<1536x128xi32, #tpu.memory_space<hbm>> -> memref<48x128xi32, #tpu.memory_space<hbm>>
      %dma_start3A_11 = arith.constant 0 : i32
      %dma_start3A_12 = tpu.memref_slice %arg4[%mul3A_2, %dma_start3A_11] : memref<1536x128xi32, #tpu.memory_space<hbm>> -> memref<48x128xi32, #tpu.memory_space<hbm>>
      tpu.enqueue_dma source(%dma_start3A_12 : memref<48x128xi32, #tpu.memory_space<hbm>>) target(%arg8 : memref<48x128xi32, #tpu.memory_space<vmem>>) target_semaphore(%run_scoped3A : memref<!tpu.dma_semaphore, #tpu.memory_space<semaphore_mem>>)
      %dma_wait3A = arith.constant 0 : i32
      %dma_wait3A_13 = tpu.memref_slice %arg4[%mul3A_2, %dma_wait3A] : memref<1536x128xi32, #tpu.memory_space<hbm>> -> memref<48x128xi32, #tpu.memory_space<hbm>>
      %dma_wait3A_14 = arith.constant 0 : i32
      %dma_wait3A_15 = tpu.memref_slice %arg4[%mul3A_2, %dma_wait3A_14] : memref<1536x128xi32, #tpu.memory_space<hbm>> -> memref<48x128xi32, #tpu.memory_space<hbm>>
      tpu.wait_dma2 semaphore(%run_scoped3A : memref<!tpu.dma_semaphore, #tpu.memory_space<semaphore_mem>>) src(%dma_wait3A_15 : memref<48x128xi32, #tpu.memory_space<hbm>>) dst(%arg8 : memref<48x128xi32, #tpu.memory_space<vmem>>)
      tpu.yield
    }) : () -> ()
    "tpu.region"() ({
      %run_scoped3A = tpu.sem_alloc : memref<!tpu.dma_semaphore, #tpu.memory_space<semaphore_mem>>
      %dma_start3A = arith.constant 0 : i32
      %dma_start3A_10 = tpu.memref_slice %arg5[%mul3A_2, %dma_start3A] : memref<1536x128xi32, #tpu.memory_space<hbm>> -> memref<48x128xi32, #tpu.memory_space<hbm>>
      %dma_start3A_11 = arith.constant 0 : i32
      %dma_start3A_12 = tpu.memref_slice %arg5[%mul3A_2, %dma_start3A_11] : memref<1536x128xi32, #tpu.memory_space<hbm>> -> memref<48x128xi32, #tpu.memory_space<hbm>>
      tpu.enqueue_dma source(%dma_start3A_12 : memref<48x128xi32, #tpu.memory_space<hbm>>) target(%arg9 : memref<48x128xi32, #tpu.memory_space<vmem>>) target_semaphore(%run_scoped3A : memref<!tpu.dma_semaphore, #tpu.memory_space<semaphore_mem>>)
      %dma_wait3A = arith.constant 0 : i32
      %dma_wait3A_13 = tpu.memref_slice %arg5[%mul3A_2, %dma_wait3A] : memref<1536x128xi32, #tpu.memory_space<hbm>> -> memref<48x128xi32, #tpu.memory_space<hbm>>
      %dma_wait3A_14 = arith.constant 0 : i32
      %dma_wait3A_15 = tpu.memref_slice %arg5[%mul3A_2, %dma_wait3A_14] : memref<1536x128xi32, #tpu.memory_space<hbm>> -> memref<48x128xi32, #tpu.memory_space<hbm>>
      tpu.wait_dma2 semaphore(%run_scoped3A : memref<!tpu.dma_semaphore, #tpu.memory_space<semaphore_mem>>) src(%dma_wait3A_15 : memref<48x128xi32, #tpu.memory_space<hbm>>) dst(%arg9 : memref<48x128xi32, #tpu.memory_space<vmem>>)
      tpu.yield
    }) : () -> ()
    %scan3A = arith.constant 0 : i32
    %scan3A_5 = arith.constant 0 : i32
    %scan3A_6 = arith.constant 48 : i32
    %scan3A_7 = arith.addi %scan3A_5, %scan3A_6 : i32
    %scan3A_8 = arith.constant 1 : i32
    scf.for %scan3A_10 = %scan3A_5 to %scan3A_7 step %scan3A_8  : i32 {
      %mul3A_11 = arith.constant 128 : i32
      %mul3A_12 = arith.muli %scan3A_10, %mul3A_11 : i32
      %add3A_13 = arith.addi %mul3A_4, %mul3A_12 : i32
      %lt3A = arith.constant 170000 : i32
      %lt3A_14 = arith.cmpi slt, %add3A_13, %lt3A : i32
      %convert_element_type3A = arith.extui %lt3A_14 : i1 to i32
      %cond3A = arith.constant 0 : i32
      %cond3A_15 = arith.cmpi ne, %convert_element_type3A, %cond3A : i32
      scf.if %cond3A_15 {
        %dma_start3A = arith.constant 0 : i32
        %dma_start3A_16 = tpu.memref_slice %arg8[%scan3A_10, %dma_start3A] : memref<48x128xi32, #tpu.memory_space<vmem>> -> memref<1x128xi32, #tpu.memory_space<vmem>>
        %dma_start3A_17 = tpu.memref_squeeze %dma_start3A_16 : memref<1x128xi32, #tpu.memory_space<vmem>> -> memref<128xi32, #tpu.memory_space<vmem>>
        %dma_start3A_18 = arith.constant 0 : i32
        %dma_start3A_19 = arith.constant 0 : i32
        %dma_start3A_20 = tpu.memref_slice %arg2[%dma_start3A_18, %dma_start3A_19] : memref<10240x256xf32, #tpu.memory_space<hbm>> -> memref<10240x256xf32, #tpu.memory_space<hbm>>
        tpu.enqueue_indirect_dma source(%dma_start3A_20 : memref<10240x256xf32, #tpu.memory_space<hbm>>) target(%arg10 : memref<128x256xf32, #tpu.memory_space<vmem>>) offsets(%dma_start3A_17 : memref<128xi32, #tpu.memory_space<vmem>>) semaphore(%arg12 : memref<!tpu.dma_semaphore, #tpu.memory_space<semaphore_mem>>)
        %dma_start3A_21 = arith.constant 0 : i32
        %dma_start3A_22 = tpu.memref_slice %arg9[%scan3A_10, %dma_start3A_21] : memref<48x128xi32, #tpu.memory_space<vmem>> -> memref<1x128xi32, #tpu.memory_space<vmem>>
        %dma_start3A_23 = tpu.memref_squeeze %dma_start3A_22 : memref<1x128xi32, #tpu.memory_space<vmem>> -> memref<128xi32, #tpu.memory_space<vmem>>
        %dma_start3A_24 = arith.constant 0 : i32
        %dma_start3A_25 = arith.constant 0 : i32
        %dma_start3A_26 = tpu.memref_slice %arg3[%dma_start3A_24, %dma_start3A_25] : memref<10240x256xf32, #tpu.memory_space<hbm>> -> memref<10240x256xf32, #tpu.memory_space<hbm>>
        tpu.enqueue_indirect_dma source(%dma_start3A_26 : memref<10240x256xf32, #tpu.memory_space<hbm>>) target(%arg11 : memref<128x256xf32, #tpu.memory_space<vmem>>) offsets(%dma_start3A_23 : memref<128xi32, #tpu.memory_space<vmem>>) semaphore(%arg13 : memref<!tpu.dma_semaphore, #tpu.memory_space<semaphore_mem>>)
        %dma_wait3A = arith.constant 0 : i32
        %dma_wait3A_27 = tpu.memref_slice %arg8[%scan3A_10, %dma_wait3A] : memref<48x128xi32, #tpu.memory_space<vmem>> -> memref<1x128xi32, #tpu.memory_space<vmem>>
        %dma_wait3A_28 = tpu.memref_squeeze %dma_wait3A_27 : memref<1x128xi32, #tpu.memory_space<vmem>> -> memref<128xi32, #tpu.memory_space<vmem>>
        %dma_wait3A_29 = arith.constant 0 : i32
        %dma_wait3A_30 = arith.constant 0 : i32
        %dma_wait3A_31 = tpu.memref_slice %arg2[%dma_wait3A_29, %dma_wait3A_30] : memref<10240x256xf32, #tpu.memory_space<hbm>> -> memref<10240x256xf32, #tpu.memory_space<hbm>>
        tpu.wait_indirect_dma semaphore(%arg12 : memref<!tpu.dma_semaphore, #tpu.memory_space<semaphore_mem>>) src(%dma_wait3A_31 : memref<10240x256xf32, #tpu.memory_space<hbm>>) dst(%arg10 : memref<128x256xf32, #tpu.memory_space<vmem>>)
        %mul3A_32 = arith.constant 128 : i32
        %mul3A_33 = arith.muli %scan3A_10, %mul3A_32 : i32
        %add3A_34 = arith.addi %mul3A_4, %mul3A_33 : i32
        "tpu.region"() ({
          %run_scoped3A = tpu.sem_alloc : memref<!tpu.dma_semaphore, #tpu.memory_space<semaphore_mem>>
          %dma_start3A_44 = arith.constant 0 : i32
          %dma_start3A_45 = tpu.memref_slice %arg6[%add3A_34, %dma_start3A_44] : memref<196608x256xf32, #tpu.memory_space<hbm>> -> memref<128x256xf32, #tpu.memory_space<hbm>>
          %dma_start3A_46 = arith.constant 0 : i32
          %dma_start3A_47 = tpu.memref_slice %arg6[%add3A_34, %dma_start3A_46] : memref<196608x256xf32, #tpu.memory_space<hbm>> -> memref<128x256xf32, #tpu.memory_space<hbm>>
          tpu.enqueue_dma source(%arg10 : memref<128x256xf32, #tpu.memory_space<vmem>>) target(%dma_start3A_47 : memref<128x256xf32, #tpu.memory_space<hbm>>) target_semaphore(%run_scoped3A : memref<!tpu.dma_semaphore, #tpu.memory_space<semaphore_mem>>)
          %dma_wait3A_48 = arith.constant 0 : i32
          %dma_wait3A_49 = tpu.memref_slice %arg6[%add3A_34, %dma_wait3A_48] : memref<196608x256xf32, #tpu.memory_space<hbm>> -> memref<128x256xf32, #tpu.memory_space<hbm>>
          %dma_wait3A_50 = arith.constant 0 : i32
          %dma_wait3A_51 = tpu.memref_slice %arg6[%add3A_34, %dma_wait3A_50] : memref<196608x256xf32, #tpu.memory_space<hbm>> -> memref<128x256xf32, #tpu.memory_space<hbm>>
          tpu.wait_dma2 semaphore(%run_scoped3A : memref<!tpu.dma_semaphore, #tpu.memory_space<semaphore_mem>>) src(%arg10 : memref<128x256xf32, #tpu.memory_space<vmem>>) dst(%dma_wait3A_51 : memref<128x256xf32, #tpu.memory_space<hbm>>)
          tpu.yield
        }) : () -> ()
        %dma_wait3A_35 = arith.constant 0 : i32
        %dma_wait3A_36 = tpu.memref_slice %arg9[%scan3A_10, %dma_wait3A_35] : memref<48x128xi32, #tpu.memory_space<vmem>> -> memref<1x128xi32, #tpu.memory_space<vmem>>
        %dma_wait3A_37 = tpu.memref_squeeze %dma_wait3A_36 : memref<1x128xi32, #tpu.memory_space<vmem>> -> memref<128xi32, #tpu.memory_space<vmem>>
        %dma_wait3A_38 = arith.constant 0 : i32
        %dma_wait3A_39 = arith.constant 0 : i32
        %dma_wait3A_40 = tpu.memref_slice %arg3[%dma_wait3A_38, %dma_wait3A_39] : memref<10240x256xf32, #tpu.memory_space<hbm>> -> memref<10240x256xf32, #tpu.memory_space<hbm>>
        tpu.wait_indirect_dma semaphore(%arg13 : memref<!tpu.dma_semaphore, #tpu.memory_space<semaphore_mem>>) src(%dma_wait3A_40 : memref<10240x256xf32, #tpu.memory_space<hbm>>) dst(%arg11 : memref<128x256xf32, #tpu.memory_space<vmem>>)
        %mul3A_41 = arith.constant 128 : i32
        %mul3A_42 = arith.muli %scan3A_10, %mul3A_41 : i32
        %add3A_43 = arith.addi %mul3A_4, %mul3A_42 : i32
        "tpu.region"() ({
          %run_scoped3A = tpu.sem_alloc : memref<!tpu.dma_semaphore, #tpu.memory_space<semaphore_mem>>
          %dma_start3A_44 = arith.constant 0 : i32
          %dma_start3A_45 = tpu.memref_slice %arg7[%add3A_43, %dma_start3A_44] : memref<196608x256xf32, #tpu.memory_space<hbm>> -> memref<128x256xf32, #tpu.memory_space<hbm>>
          %dma_start3A_46 = arith.constant 0 : i32
          %dma_start3A_47 = tpu.memref_slice %arg7[%add3A_43, %dma_start3A_46] : memref<196608x256xf32, #tpu.memory_space<hbm>> -> memref<128x256xf32, #tpu.memory_space<hbm>>
          tpu.enqueue_dma source(%arg11 : memref<128x256xf32, #tpu.memory_space<vmem>>) target(%dma_start3A_47 : memref<128x256xf32, #tpu.memory_space<hbm>>) target_semaphore(%run_scoped3A : memref<!tpu.dma_semaphore, #tpu.memory_space<semaphore_mem>>)
          %dma_wait3A_48 = arith.constant 0 : i32
          %dma_wait3A_49 = tpu.memref_slice %arg7[%add3A_43, %dma_wait3A_48] : memref<196608x256xf32, #tpu.memory_space<hbm>> -> memref<128x256xf32, #tpu.memory_space<hbm>>
          %dma_wait3A_50 = arith.constant 0 : i32
          %dma_wait3A_51 = tpu.memref_slice %arg7[%add3A_43, %dma_wait3A_50] : memref<196608x256xf32, #tpu.memory_space<hbm>> -> memref<128x256xf32, #tpu.memory_space<hbm>>
          tpu.wait_dma2 semaphore(%run_scoped3A : memref<!tpu.dma_semaphore, #tpu.memory_space<semaphore_mem>>) src(%arg11 : memref<128x256xf32, #tpu.memory_space<vmem>>) dst(%dma_wait3A_51 : memref<128x256xf32, #tpu.memory_space<hbm>>)
          tpu.yield
        }) : () -> ()
      } else {
      }
    }
    %scan3A_9 = arith.constant 48 : i32
    return
  }
}

#map = affine_map<(d0, d1) -> (0, 0)>
module attributes {stable_mosaic.version = 14 : i64} {
  func.func @gather(%arg0: i32, %arg1: i32, %arg2: memref<10240x384xf32, #tpu.memory_space<hbm>>, %arg3: memref<10240x384xf32, #tpu.memory_space<hbm>>, %arg4: memref<1536x128xi32, #tpu.memory_space<hbm>>, %arg5: memref<1536x128xi32, #tpu.memory_space<hbm>>, %arg6: memref<196608x384xf32, #tpu.memory_space<hbm>>, %arg7: memref<196608x384xf32, #tpu.memory_space<hbm>>, %arg8: memref<48x128xi32, #tpu.memory_space<vmem>>, %arg9: memref<48x128xi32, #tpu.memory_space<vmem>>, %arg10: memref<128x384xf32, #tpu.memory_space<vmem>>, %arg11: memref<128x384xf32, #tpu.memory_space<vmem>>, %arg12: memref<!tpu.dma_semaphore, #tpu.memory_space<semaphore_mem>>, %arg13: memref<!tpu.dma_semaphore, #tpu.memory_space<semaphore_mem>>) attributes {dimension_semantics = [#tpu.dimension_semantics<core_parallel>, #tpu.dimension_semantics<subcore_parallel>], iteration_bounds = array<i64: 2, 16>, scalar_prefetch = 0 : i64, scratch_operands = 6 : i64, tpu.core_type = #tpu.core_type<sc_vector_subcore>, window_params = [{transform_indices = #map}, {transform_indices = #map}, {transform_indices = #map}, {transform_indices = #map}, {transform_indices = #map}, {transform_indices = #map}]} {
    %mul3A = arith.constant 2 : i32
    %mul3A_0 = arith.muli %arg1, %mul3A : i32
    %add3A = arith.addi %mul3A_0, %arg0 : i32
    %mul3A_1 = arith.constant 48 : i32
    %mul3A_2 = arith.muli %add3A, %mul3A_1 : i32
    %mul3A_3 = arith.constant 6144 : i32
    %mul3A_4 = arith.muli %add3A, %mul3A_3 : i32
    "tpu.region"() ({
      %run_scoped3A = tpu.sem_alloc : memref<!tpu.dma_semaphore, #tpu.memory_space<semaphore_mem>>
      %dma_start3A = arith.constant 0 : i32
      %dma_start3A_10 = tpu.memref_slice %arg4[%mul3A_2, %dma_start3A] : memref<1536x128xi32, #tpu.memory_space<hbm>> -> memref<48x128xi32, #tpu.memory_space<hbm>>
      %dma_start3A_11 = arith.constant 0 : i32
      %dma_start3A_12 = tpu.memref_slice %arg4[%mul3A_2, %dma_start3A_11] : memref<1536x128xi32, #tpu.memory_space<hbm>> -> memref<48x128xi32, #tpu.memory_space<hbm>>
      tpu.enqueue_dma source(%dma_start3A_12 : memref<48x128xi32, #tpu.memory_space<hbm>>) target(%arg8 : memref<48x128xi32, #tpu.memory_space<vmem>>) target_semaphore(%run_scoped3A : memref<!tpu.dma_semaphore, #tpu.memory_space<semaphore_mem>>)
      %dma_wait3A = arith.constant 0 : i32
      %dma_wait3A_13 = tpu.memref_slice %arg4[%mul3A_2, %dma_wait3A] : memref<1536x128xi32, #tpu.memory_space<hbm>> -> memref<48x128xi32, #tpu.memory_space<hbm>>
      %dma_wait3A_14 = arith.constant 0 : i32
      %dma_wait3A_15 = tpu.memref_slice %arg4[%mul3A_2, %dma_wait3A_14] : memref<1536x128xi32, #tpu.memory_space<hbm>> -> memref<48x128xi32, #tpu.memory_space<hbm>>
      tpu.wait_dma2 semaphore(%run_scoped3A : memref<!tpu.dma_semaphore, #tpu.memory_space<semaphore_mem>>) src(%dma_wait3A_15 : memref<48x128xi32, #tpu.memory_space<hbm>>) dst(%arg8 : memref<48x128xi32, #tpu.memory_space<vmem>>)
      tpu.yield
    }) : () -> ()
    "tpu.region"() ({
      %run_scoped3A = tpu.sem_alloc : memref<!tpu.dma_semaphore, #tpu.memory_space<semaphore_mem>>
      %dma_start3A = arith.constant 0 : i32
      %dma_start3A_10 = tpu.memref_slice %arg5[%mul3A_2, %dma_start3A] : memref<1536x128xi32, #tpu.memory_space<hbm>> -> memref<48x128xi32, #tpu.memory_space<hbm>>
      %dma_start3A_11 = arith.constant 0 : i32
      %dma_start3A_12 = tpu.memref_slice %arg5[%mul3A_2, %dma_start3A_11] : memref<1536x128xi32, #tpu.memory_space<hbm>> -> memref<48x128xi32, #tpu.memory_space<hbm>>
      tpu.enqueue_dma source(%dma_start3A_12 : memref<48x128xi32, #tpu.memory_space<hbm>>) target(%arg9 : memref<48x128xi32, #tpu.memory_space<vmem>>) target_semaphore(%run_scoped3A : memref<!tpu.dma_semaphore, #tpu.memory_space<semaphore_mem>>)
      %dma_wait3A = arith.constant 0 : i32
      %dma_wait3A_13 = tpu.memref_slice %arg5[%mul3A_2, %dma_wait3A] : memref<1536x128xi32, #tpu.memory_space<hbm>> -> memref<48x128xi32, #tpu.memory_space<hbm>>
      %dma_wait3A_14 = arith.constant 0 : i32
      %dma_wait3A_15 = tpu.memref_slice %arg5[%mul3A_2, %dma_wait3A_14] : memref<1536x128xi32, #tpu.memory_space<hbm>> -> memref<48x128xi32, #tpu.memory_space<hbm>>
      tpu.wait_dma2 semaphore(%run_scoped3A : memref<!tpu.dma_semaphore, #tpu.memory_space<semaphore_mem>>) src(%dma_wait3A_15 : memref<48x128xi32, #tpu.memory_space<hbm>>) dst(%arg9 : memref<48x128xi32, #tpu.memory_space<vmem>>)
      tpu.yield
    }) : () -> ()
    %scan3A = arith.constant 0 : i32
    %scan3A_5 = arith.constant 0 : i32
    %scan3A_6 = arith.constant 48 : i32
    %scan3A_7 = arith.addi %scan3A_5, %scan3A_6 : i32
    %scan3A_8 = arith.constant 1 : i32
    scf.for %scan3A_10 = %scan3A_5 to %scan3A_7 step %scan3A_8  : i32 {
      %mul3A_11 = arith.constant 128 : i32
      %mul3A_12 = arith.muli %scan3A_10, %mul3A_11 : i32
      %add3A_13 = arith.addi %mul3A_4, %mul3A_12 : i32
      %lt3A = arith.constant 170000 : i32
      %lt3A_14 = arith.cmpi slt, %add3A_13, %lt3A : i32
      %convert_element_type3A = arith.extui %lt3A_14 : i1 to i32
      %cond3A = arith.constant 0 : i32
      %cond3A_15 = arith.cmpi ne, %convert_element_type3A, %cond3A : i32
      scf.if %cond3A_15 {
        %dma_start3A = arith.constant 0 : i32
        %dma_start3A_16 = tpu.memref_slice %arg8[%scan3A_10, %dma_start3A] : memref<48x128xi32, #tpu.memory_space<vmem>> -> memref<1x128xi32, #tpu.memory_space<vmem>>
        %dma_start3A_17 = tpu.memref_squeeze %dma_start3A_16 : memref<1x128xi32, #tpu.memory_space<vmem>> -> memref<128xi32, #tpu.memory_space<vmem>>
        %dma_start3A_18 = arith.constant 0 : i32
        %dma_start3A_19 = arith.constant 0 : i32
        %dma_start3A_20 = tpu.memref_slice %arg2[%dma_start3A_18, %dma_start3A_19] : memref<10240x384xf32, #tpu.memory_space<hbm>> -> memref<10240x384xf32, #tpu.memory_space<hbm>>
        tpu.enqueue_indirect_dma source(%dma_start3A_20 : memref<10240x384xf32, #tpu.memory_space<hbm>>) target(%arg10 : memref<128x384xf32, #tpu.memory_space<vmem>>) offsets(%dma_start3A_17 : memref<128xi32, #tpu.memory_space<vmem>>) semaphore(%arg12 : memref<!tpu.dma_semaphore, #tpu.memory_space<semaphore_mem>>)
        %dma_start3A_21 = arith.constant 0 : i32
        %dma_start3A_22 = tpu.memref_slice %arg9[%scan3A_10, %dma_start3A_21] : memref<48x128xi32, #tpu.memory_space<vmem>> -> memref<1x128xi32, #tpu.memory_space<vmem>>
        %dma_start3A_23 = tpu.memref_squeeze %dma_start3A_22 : memref<1x128xi32, #tpu.memory_space<vmem>> -> memref<128xi32, #tpu.memory_space<vmem>>
        %dma_start3A_24 = arith.constant 0 : i32
        %dma_start3A_25 = arith.constant 0 : i32
        %dma_start3A_26 = tpu.memref_slice %arg3[%dma_start3A_24, %dma_start3A_25] : memref<10240x384xf32, #tpu.memory_space<hbm>> -> memref<10240x384xf32, #tpu.memory_space<hbm>>
        tpu.enqueue_indirect_dma source(%dma_start3A_26 : memref<10240x384xf32, #tpu.memory_space<hbm>>) target(%arg11 : memref<128x384xf32, #tpu.memory_space<vmem>>) offsets(%dma_start3A_23 : memref<128xi32, #tpu.memory_space<vmem>>) semaphore(%arg13 : memref<!tpu.dma_semaphore, #tpu.memory_space<semaphore_mem>>)
        %dma_wait3A = arith.constant 0 : i32
        %dma_wait3A_27 = tpu.memref_slice %arg8[%scan3A_10, %dma_wait3A] : memref<48x128xi32, #tpu.memory_space<vmem>> -> memref<1x128xi32, #tpu.memory_space<vmem>>
        %dma_wait3A_28 = tpu.memref_squeeze %dma_wait3A_27 : memref<1x128xi32, #tpu.memory_space<vmem>> -> memref<128xi32, #tpu.memory_space<vmem>>
        %dma_wait3A_29 = arith.constant 0 : i32
        %dma_wait3A_30 = arith.constant 0 : i32
        %dma_wait3A_31 = tpu.memref_slice %arg2[%dma_wait3A_29, %dma_wait3A_30] : memref<10240x384xf32, #tpu.memory_space<hbm>> -> memref<10240x384xf32, #tpu.memory_space<hbm>>
        tpu.wait_indirect_dma semaphore(%arg12 : memref<!tpu.dma_semaphore, #tpu.memory_space<semaphore_mem>>) src(%dma_wait3A_31 : memref<10240x384xf32, #tpu.memory_space<hbm>>) dst(%arg10 : memref<128x384xf32, #tpu.memory_space<vmem>>)
        %mul3A_32 = arith.constant 128 : i32
        %mul3A_33 = arith.muli %scan3A_10, %mul3A_32 : i32
        %add3A_34 = arith.addi %mul3A_4, %mul3A_33 : i32
        "tpu.region"() ({
          %run_scoped3A = tpu.sem_alloc : memref<!tpu.dma_semaphore, #tpu.memory_space<semaphore_mem>>
          %dma_start3A_44 = arith.constant 0 : i32
          %dma_start3A_45 = tpu.memref_slice %arg6[%add3A_34, %dma_start3A_44] : memref<196608x384xf32, #tpu.memory_space<hbm>> -> memref<128x384xf32, #tpu.memory_space<hbm>>
          %dma_start3A_46 = arith.constant 0 : i32
          %dma_start3A_47 = tpu.memref_slice %arg6[%add3A_34, %dma_start3A_46] : memref<196608x384xf32, #tpu.memory_space<hbm>> -> memref<128x384xf32, #tpu.memory_space<hbm>>
          tpu.enqueue_dma source(%arg10 : memref<128x384xf32, #tpu.memory_space<vmem>>) target(%dma_start3A_47 : memref<128x384xf32, #tpu.memory_space<hbm>>) target_semaphore(%run_scoped3A : memref<!tpu.dma_semaphore, #tpu.memory_space<semaphore_mem>>)
          %dma_wait3A_48 = arith.constant 0 : i32
          %dma_wait3A_49 = tpu.memref_slice %arg6[%add3A_34, %dma_wait3A_48] : memref<196608x384xf32, #tpu.memory_space<hbm>> -> memref<128x384xf32, #tpu.memory_space<hbm>>
          %dma_wait3A_50 = arith.constant 0 : i32
          %dma_wait3A_51 = tpu.memref_slice %arg6[%add3A_34, %dma_wait3A_50] : memref<196608x384xf32, #tpu.memory_space<hbm>> -> memref<128x384xf32, #tpu.memory_space<hbm>>
          tpu.wait_dma2 semaphore(%run_scoped3A : memref<!tpu.dma_semaphore, #tpu.memory_space<semaphore_mem>>) src(%arg10 : memref<128x384xf32, #tpu.memory_space<vmem>>) dst(%dma_wait3A_51 : memref<128x384xf32, #tpu.memory_space<hbm>>)
          tpu.yield
        }) : () -> ()
        %dma_wait3A_35 = arith.constant 0 : i32
        %dma_wait3A_36 = tpu.memref_slice %arg9[%scan3A_10, %dma_wait3A_35] : memref<48x128xi32, #tpu.memory_space<vmem>> -> memref<1x128xi32, #tpu.memory_space<vmem>>
        %dma_wait3A_37 = tpu.memref_squeeze %dma_wait3A_36 : memref<1x128xi32, #tpu.memory_space<vmem>> -> memref<128xi32, #tpu.memory_space<vmem>>
        %dma_wait3A_38 = arith.constant 0 : i32
        %dma_wait3A_39 = arith.constant 0 : i32
        %dma_wait3A_40 = tpu.memref_slice %arg3[%dma_wait3A_38, %dma_wait3A_39] : memref<10240x384xf32, #tpu.memory_space<hbm>> -> memref<10240x384xf32, #tpu.memory_space<hbm>>
        tpu.wait_indirect_dma semaphore(%arg13 : memref<!tpu.dma_semaphore, #tpu.memory_space<semaphore_mem>>) src(%dma_wait3A_40 : memref<10240x384xf32, #tpu.memory_space<hbm>>) dst(%arg11 : memref<128x384xf32, #tpu.memory_space<vmem>>)
        %mul3A_41 = arith.constant 128 : i32
        %mul3A_42 = arith.muli %scan3A_10, %mul3A_41 : i32
        %add3A_43 = arith.addi %mul3A_4, %mul3A_42 : i32
        "tpu.region"() ({
          %run_scoped3A = tpu.sem_alloc : memref<!tpu.dma_semaphore, #tpu.memory_space<semaphore_mem>>
          %dma_start3A_44 = arith.constant 0 : i32
          %dma_start3A_45 = tpu.memref_slice %arg7[%add3A_43, %dma_start3A_44] : memref<196608x384xf32, #tpu.memory_space<hbm>> -> memref<128x384xf32, #tpu.memory_space<hbm>>
          %dma_start3A_46 = arith.constant 0 : i32
          %dma_start3A_47 = tpu.memref_slice %arg7[%add3A_43, %dma_start3A_46] : memref<196608x384xf32, #tpu.memory_space<hbm>> -> memref<128x384xf32, #tpu.memory_space<hbm>>
          tpu.enqueue_dma source(%arg11 : memref<128x384xf32, #tpu.memory_space<vmem>>) target(%dma_start3A_47 : memref<128x384xf32, #tpu.memory_space<hbm>>) target_semaphore(%run_scoped3A : memref<!tpu.dma_semaphore, #tpu.memory_space<semaphore_mem>>)
          %dma_wait3A_48 = arith.constant 0 : i32
          %dma_wait3A_49 = tpu.memref_slice %arg7[%add3A_43, %dma_wait3A_48] : memref<196608x384xf32, #tpu.memory_space<hbm>> -> memref<128x384xf32, #tpu.memory_space<hbm>>
          %dma_wait3A_50 = arith.constant 0 : i32
          %dma_wait3A_51 = tpu.memref_slice %arg7[%add3A_43, %dma_wait3A_50] : memref<196608x384xf32, #tpu.memory_space<hbm>> -> memref<128x384xf32, #tpu.memory_space<hbm>>
          tpu.wait_dma2 semaphore(%run_scoped3A : memref<!tpu.dma_semaphore, #tpu.memory_space<semaphore_mem>>) src(%arg11 : memref<128x384xf32, #tpu.memory_space<vmem>>) dst(%dma_wait3A_51 : memref<128x384xf32, #tpu.memory_space<hbm>>)
          tpu.yield
        }) : () -> ()
      } else {
      }
    }
    %scan3A_9 = arith.constant 48 : i32
    return
  }
}

#map = affine_map<(d0, d1) -> (0, 0)>
#map1 = affine_map<(d0, d1) -> (0, 0, 0, 0)>
module attributes {stable_mosaic.version = 14 : i64} {
  func.func @scatter(%arg0: i32, %arg1: i32, %arg2: memref<196608x128xf32, #tpu.memory_space<hbm>>, %arg3: memref<196608x128xf32, #tpu.memory_space<hbm>>, %arg4: memref<196608x128xf32, #tpu.memory_space<hbm>>, %arg5: memref<196608x128xf32, #tpu.memory_space<hbm>>, %arg6: memref<1536x128xi32, #tpu.memory_space<hbm>>, %arg7: memref<10112x128xf32, #tpu.memory_space<hbm>>, %arg8: memref<2x4x10112x128xf32, #tpu.memory_space<hbm>>, %arg9: memref<48x128xi32, #tpu.memory_space<vmem>>, %arg10: memref<128x128xf32, #tpu.memory_space<vmem>>, %arg11: memref<10112x128xf32, #tpu.memory_space<vmem_shared>>) attributes {dimension_semantics = [#tpu.dimension_semantics<core_parallel>, #tpu.dimension_semantics<subcore_parallel>], iteration_bounds = array<i64: 2, 16>, scalar_prefetch = 0 : i64, scratch_operands = 3 : i64, tpu.core_type = #tpu.core_type<sc_vector_subcore>, window_params = [{transform_indices = #map}, {transform_indices = #map}, {transform_indices = #map}, {transform_indices = #map}, {transform_indices = #map}, {transform_indices = #map}, {transform_indices = #map1}]} {
    %mul3A = arith.constant 2 : i32
    %mul3A_0 = arith.muli %arg1, %mul3A : i32
    %add3A = arith.addi %mul3A_0, %arg0 : i32
    %mul3A_1 = arith.constant 632 : i32
    %mul3A_2 = arith.muli %arg1, %mul3A_1 : i32
    %mul3A_3 = arith.constant 48 : i32
    %mul3A_4 = arith.muli %add3A, %mul3A_3 : i32
    %mul3A_5 = arith.constant 6144 : i32
    %mul3A_6 = arith.muli %add3A, %mul3A_5 : i32
    "tpu.region"() ({
      %run_scoped3A_43 = tpu.sem_alloc : memref<!tpu.dma_semaphore, #tpu.memory_space<semaphore_mem>>
      %dma_start3A = arith.constant 0 : i32
      %dma_start3A_44 = tpu.memref_slice %arg6[%mul3A_4, %dma_start3A] : memref<1536x128xi32, #tpu.memory_space<hbm>> -> memref<48x128xi32, #tpu.memory_space<hbm>>
      %dma_start3A_45 = arith.constant 0 : i32
      %dma_start3A_46 = tpu.memref_slice %arg6[%mul3A_4, %dma_start3A_45] : memref<1536x128xi32, #tpu.memory_space<hbm>> -> memref<48x128xi32, #tpu.memory_space<hbm>>
      tpu.enqueue_dma source(%dma_start3A_46 : memref<48x128xi32, #tpu.memory_space<hbm>>) target(%arg9 : memref<48x128xi32, #tpu.memory_space<vmem>>) target_semaphore(%run_scoped3A_43 : memref<!tpu.dma_semaphore, #tpu.memory_space<semaphore_mem>>)
      %dma_wait3A = arith.constant 0 : i32
      %dma_wait3A_47 = tpu.memref_slice %arg6[%mul3A_4, %dma_wait3A] : memref<1536x128xi32, #tpu.memory_space<hbm>> -> memref<48x128xi32, #tpu.memory_space<hbm>>
      %dma_wait3A_48 = arith.constant 0 : i32
      %dma_wait3A_49 = tpu.memref_slice %arg6[%mul3A_4, %dma_wait3A_48] : memref<1536x128xi32, #tpu.memory_space<hbm>> -> memref<48x128xi32, #tpu.memory_space<hbm>>
      tpu.wait_dma2 semaphore(%run_scoped3A_43 : memref<!tpu.dma_semaphore, #tpu.memory_space<semaphore_mem>>) src(%dma_wait3A_49 : memref<48x128xi32, #tpu.memory_space<hbm>>) dst(%arg9 : memref<48x128xi32, #tpu.memory_space<vmem>>)
      tpu.yield
    }) : () -> ()
    "tpu.region"() ({
      %run_scoped3A_43 = tpu.sem_alloc : memref<!tpu.dma_semaphore, #tpu.memory_space<semaphore_mem>>
      %dma_start3A = arith.constant 0 : i32
      %dma_start3A_44 = tpu.memref_slice %arg11[%mul3A_2, %dma_start3A] : memref<10112x128xf32, #tpu.memory_space<vmem_shared>> -> memref<632x128xf32, #tpu.memory_space<vmem_shared>>
      %dma_start3A_45 = arith.constant 0 : i32
      %dma_start3A_46 = tpu.memref_slice %arg7[%mul3A_2, %dma_start3A_45] : memref<10112x128xf32, #tpu.memory_space<hbm>> -> memref<632x128xf32, #tpu.memory_space<hbm>>
      tpu.enqueue_dma source(%dma_start3A_46 : memref<632x128xf32, #tpu.memory_space<hbm>>) target(%dma_start3A_44 : memref<632x128xf32, #tpu.memory_space<vmem_shared>>) target_semaphore(%run_scoped3A_43 : memref<!tpu.dma_semaphore, #tpu.memory_space<semaphore_mem>>)
      %dma_wait3A = arith.constant 0 : i32
      %dma_wait3A_47 = tpu.memref_slice %arg11[%mul3A_2, %dma_wait3A] : memref<10112x128xf32, #tpu.memory_space<vmem_shared>> -> memref<632x128xf32, #tpu.memory_space<vmem_shared>>
      %dma_wait3A_48 = arith.constant 0 : i32
      %dma_wait3A_49 = tpu.memref_slice %arg7[%mul3A_2, %dma_wait3A_48] : memref<10112x128xf32, #tpu.memory_space<hbm>> -> memref<632x128xf32, #tpu.memory_space<hbm>>
      tpu.wait_dma2 semaphore(%run_scoped3A_43 : memref<!tpu.dma_semaphore, #tpu.memory_space<semaphore_mem>>) src(%dma_wait3A_49 : memref<632x128xf32, #tpu.memory_space<hbm>>) dst(%dma_wait3A_47 : memref<632x128xf32, #tpu.memory_space<vmem_shared>>)
      tpu.yield
    }) : () -> ()
    %barrier3A = arith.constant 0 : index
    tpu.barrier barrier_id(%barrier3A)
    %scan3A = arith.constant 0 : i32
    %scan3A_7 = arith.constant 0 : i32
    %scan3A_8 = arith.constant 48 : i32
    %scan3A_9 = arith.addi %scan3A_7, %scan3A_8 : i32
    %scan3A_10 = arith.constant 1 : i32
    scf.for %scan3A_43 = %scan3A_7 to %scan3A_9 step %scan3A_10  : i32 {
      %mul3A_44 = arith.constant 128 : i32
      %mul3A_45 = arith.muli %scan3A_43, %mul3A_44 : i32
      %add3A_46 = arith.addi %mul3A_6, %mul3A_45 : i32
      %lt3A = arith.constant 170000 : i32
      %lt3A_47 = arith.cmpi slt, %add3A_46, %lt3A : i32
      %convert_element_type3A = arith.extui %lt3A_47 : i1 to i32
      %cond3A = arith.constant 0 : i32
      %cond3A_48 = arith.cmpi ne, %convert_element_type3A, %cond3A : i32
      scf.if %cond3A_48 {
        %mul3A_49 = arith.constant 128 : i32
        %mul3A_50 = arith.muli %scan3A_43, %mul3A_49 : i32
        %add3A_51 = arith.addi %mul3A_6, %mul3A_50 : i32
        "tpu.region"() ({
          %run_scoped3A_52 = tpu.sem_alloc : memref<!tpu.dma_semaphore, #tpu.memory_space<semaphore_mem>>
          %dma_start3A = arith.constant 0 : i32
          %dma_start3A_53 = tpu.memref_slice %arg2[%add3A_51, %dma_start3A] : memref<196608x128xf32, #tpu.memory_space<hbm>> -> memref<128x128xf32, #tpu.memory_space<hbm>>
          %dma_start3A_54 = arith.constant 0 : i32
          %dma_start3A_55 = tpu.memref_slice %arg2[%add3A_51, %dma_start3A_54] : memref<196608x128xf32, #tpu.memory_space<hbm>> -> memref<128x128xf32, #tpu.memory_space<hbm>>
          tpu.enqueue_dma source(%dma_start3A_55 : memref<128x128xf32, #tpu.memory_space<hbm>>) target(%arg10 : memref<128x128xf32, #tpu.memory_space<vmem>>) target_semaphore(%run_scoped3A_52 : memref<!tpu.dma_semaphore, #tpu.memory_space<semaphore_mem>>)
          %dma_wait3A = arith.constant 0 : i32
          %dma_wait3A_56 = tpu.memref_slice %arg2[%add3A_51, %dma_wait3A] : memref<196608x128xf32, #tpu.memory_space<hbm>> -> memref<128x128xf32, #tpu.memory_space<hbm>>
          %dma_wait3A_57 = arith.constant 0 : i32
          %dma_wait3A_58 = tpu.memref_slice %arg2[%add3A_51, %dma_wait3A_57] : memref<196608x128xf32, #tpu.memory_space<hbm>> -> memref<128x128xf32, #tpu.memory_space<hbm>>
          tpu.wait_dma2 semaphore(%run_scoped3A_52 : memref<!tpu.dma_semaphore, #tpu.memory_space<semaphore_mem>>) src(%dma_wait3A_58 : memref<128x128xf32, #tpu.memory_space<hbm>>) dst(%arg10 : memref<128x128xf32, #tpu.memory_space<vmem>>)
          tpu.yield
        }) : () -> ()
        "tpu.region"() ({
          %run_scoped3A_52 = tpu.sem_alloc : memref<!tpu.dma_semaphore, #tpu.memory_space<semaphore_mem>>
          %dma_start3A = arith.constant 0 : i32
          %dma_start3A_53 = tpu.memref_slice %arg9[%scan3A_43, %dma_start3A] : memref<48x128xi32, #tpu.memory_space<vmem>> -> memref<1x128xi32, #tpu.memory_space<vmem>>
          %dma_start3A_54 = tpu.memref_squeeze %dma_start3A_53 : memref<1x128xi32, #tpu.memory_space<vmem>> -> memref<128xi32, #tpu.memory_space<vmem>>
          %dma_start3A_55 = arith.constant 0 : i32
          %dma_start3A_56 = arith.constant 0 : i32
          %dma_start3A_57 = tpu.memref_slice %arg11[%dma_start3A_55, %dma_start3A_56] : memref<10112x128xf32, #tpu.memory_space<vmem_shared>> -> memref<10112x128xf32, #tpu.memory_space<vmem_shared>>
          tpu.enqueue_indirect_dma source(%arg10 : memref<128x128xf32, #tpu.memory_space<vmem>>) target(%dma_start3A_57 : memref<10112x128xf32, #tpu.memory_space<vmem_shared>>) offsets(%dma_start3A_54 : memref<128xi32, #tpu.memory_space<vmem>>) semaphore(%run_scoped3A_52 : memref<!tpu.dma_semaphore, #tpu.memory_space<semaphore_mem>>) {add = true}
          %dma_wait3A = arith.constant 0 : i32
          %dma_wait3A_58 = tpu.memref_slice %arg9[%scan3A_43, %dma_wait3A] : memref<48x128xi32, #tpu.memory_space<vmem>> -> memref<1x128xi32, #tpu.memory_space<vmem>>
          %dma_wait3A_59 = tpu.memref_squeeze %dma_wait3A_58 : memref<1x128xi32, #tpu.memory_space<vmem>> -> memref<128xi32, #tpu.memory_space<vmem>>
          %dma_wait3A_60 = arith.constant 0 : i32
          %dma_wait3A_61 = arith.constant 0 : i32
          %dma_wait3A_62 = tpu.memref_slice %arg11[%dma_wait3A_60, %dma_wait3A_61] : memref<10112x128xf32, #tpu.memory_space<vmem_shared>> -> memref<10112x128xf32, #tpu.memory_space<vmem_shared>>
          tpu.wait_indirect_dma semaphore(%run_scoped3A_52 : memref<!tpu.dma_semaphore, #tpu.memory_space<semaphore_mem>>) src(%arg10 : memref<128x128xf32, #tpu.memory_space<vmem>>) dst(%dma_wait3A_62 : memref<10112x128xf32, #tpu.memory_space<vmem_shared>>)
          tpu.yield
        }) : () -> ()
      } else {
      }
    }
    %scan3A_11 = arith.constant 48 : i32
    %barrier3A_12 = arith.constant 0 : index
    tpu.barrier barrier_id(%barrier3A_12)
    %run_scoped3A = arith.constant 0 : i32
    "tpu.region"() ({
      %run_scoped3A_43 = tpu.sem_alloc : memref<!tpu.dma_semaphore, #tpu.memory_space<semaphore_mem>>
      %dma_start3A = arith.constant 0 : i32
      %dma_start3A_44 = tpu.memref_slice %arg8[%arg0, %run_scoped3A, %mul3A_2, %dma_start3A] : memref<2x4x10112x128xf32, #tpu.memory_space<hbm>> -> memref<1x1x632x128xf32, #tpu.memory_space<hbm>>
      %dma_start3A_45 = tpu.memref_squeeze %dma_start3A_44 : memref<1x1x632x128xf32, #tpu.memory_space<hbm>> -> memref<632x128xf32, #tpu.memory_space<hbm>>
      %dma_start3A_46 = arith.constant 0 : i32
      %dma_start3A_47 = tpu.memref_slice %arg11[%mul3A_2, %dma_start3A_46] : memref<10112x128xf32, #tpu.memory_space<vmem_shared>> -> memref<632x128xf32, #tpu.memory_space<vmem_shared>>
      tpu.enqueue_dma source(%dma_start3A_47 : memref<632x128xf32, #tpu.memory_space<vmem_shared>>) target(%dma_start3A_45 : memref<632x128xf32, #tpu.memory_space<hbm>>) target_semaphore(%run_scoped3A_43 : memref<!tpu.dma_semaphore, #tpu.memory_space<semaphore_mem>>)
      %dma_wait3A = arith.constant 0 : i32
      %dma_wait3A_48 = tpu.memref_slice %arg8[%arg0, %run_scoped3A, %mul3A_2, %dma_wait3A] : memref<2x4x10112x128xf32, #tpu.memory_space<hbm>> -> memref<1x1x632x128xf32, #tpu.memory_space<hbm>>
      %dma_wait3A_49 = tpu.memref_squeeze %dma_wait3A_48 : memref<1x1x632x128xf32, #tpu.memory_space<hbm>> -> memref<632x128xf32, #tpu.memory_space<hbm>>
      %dma_wait3A_50 = arith.constant 0 : i32
      %dma_wait3A_51 = tpu.memref_slice %arg11[%mul3A_2, %dma_wait3A_50] : memref<10112x128xf32, #tpu.memory_space<vmem_shared>> -> memref<632x128xf32, #tpu.memory_space<vmem_shared>>
      tpu.wait_dma2 semaphore(%run_scoped3A_43 : memref<!tpu.dma_semaphore, #tpu.memory_space<semaphore_mem>>) src(%dma_wait3A_51 : memref<632x128xf32, #tpu.memory_space<vmem_shared>>) dst(%dma_wait3A_49 : memref<632x128xf32, #tpu.memory_space<hbm>>)
      tpu.yield
    }) : () -> ()
    %barrier3A_13 = arith.constant 0 : index
    tpu.barrier barrier_id(%barrier3A_13)
    "tpu.region"() ({
      %run_scoped3A_43 = tpu.sem_alloc : memref<!tpu.dma_semaphore, #tpu.memory_space<semaphore_mem>>
      %dma_start3A = arith.constant 0 : i32
      %dma_start3A_44 = tpu.memref_slice %arg11[%mul3A_2, %dma_start3A] : memref<10112x128xf32, #tpu.memory_space<vmem_shared>> -> memref<632x128xf32, #tpu.memory_space<vmem_shared>>
      %dma_start3A_45 = arith.constant 0 : i32
      %dma_start3A_46 = tpu.memref_slice %arg7[%mul3A_2, %dma_start3A_45] : memref<10112x128xf32, #tpu.memory_space<hbm>> -> memref<632x128xf32, #tpu.memory_space<hbm>>
      tpu.enqueue_dma source(%dma_start3A_46 : memref<632x128xf32, #tpu.memory_space<hbm>>) target(%dma_start3A_44 : memref<632x128xf32, #tpu.memory_space<vmem_shared>>) target_semaphore(%run_scoped3A_43 : memref<!tpu.dma_semaphore, #tpu.memory_space<semaphore_mem>>)
      %dma_wait3A = arith.constant 0 : i32
      %dma_wait3A_47 = tpu.memref_slice %arg11[%mul3A_2, %dma_wait3A] : memref<10112x128xf32, #tpu.memory_space<vmem_shared>> -> memref<632x128xf32, #tpu.memory_space<vmem_shared>>
      %dma_wait3A_48 = arith.constant 0 : i32
      %dma_wait3A_49 = tpu.memref_slice %arg7[%mul3A_2, %dma_wait3A_48] : memref<10112x128xf32, #tpu.memory_space<hbm>> -> memref<632x128xf32, #tpu.memory_space<hbm>>
      tpu.wait_dma2 semaphore(%run_scoped3A_43 : memref<!tpu.dma_semaphore, #tpu.memory_space<semaphore_mem>>) src(%dma_wait3A_49 : memref<632x128xf32, #tpu.memory_space<hbm>>) dst(%dma_wait3A_47 : memref<632x128xf32, #tpu.memory_space<vmem_shared>>)
      tpu.yield
    }) : () -> ()
    %barrier3A_14 = arith.constant 0 : index
    tpu.barrier barrier_id(%barrier3A_14)
    %scan3A_15 = arith.constant 0 : i32
    %scan3A_16 = arith.constant 0 : i32
    %scan3A_17 = arith.constant 48 : i32
    %scan3A_18 = arith.addi %scan3A_16, %scan3A_17 : i32
    %scan3A_19 = arith.constant 1 : i32
    scf.for %scan3A_43 = %scan3A_16 to %scan3A_18 step %scan3A_19  : i32 {
      %mul3A_44 = arith.constant 128 : i32
      %mul3A_45 = arith.muli %scan3A_43, %mul3A_44 : i32
      %add3A_46 = arith.addi %mul3A_6, %mul3A_45 : i32
      %lt3A = arith.constant 170000 : i32
      %lt3A_47 = arith.cmpi slt, %add3A_46, %lt3A : i32
      %convert_element_type3A = arith.extui %lt3A_47 : i1 to i32
      %cond3A = arith.constant 0 : i32
      %cond3A_48 = arith.cmpi ne, %convert_element_type3A, %cond3A : i32
      scf.if %cond3A_48 {
        %mul3A_49 = arith.constant 128 : i32
        %mul3A_50 = arith.muli %scan3A_43, %mul3A_49 : i32
        %add3A_51 = arith.addi %mul3A_6, %mul3A_50 : i32
        "tpu.region"() ({
          %run_scoped3A_52 = tpu.sem_alloc : memref<!tpu.dma_semaphore, #tpu.memory_space<semaphore_mem>>
          %dma_start3A = arith.constant 0 : i32
          %dma_start3A_53 = tpu.memref_slice %arg3[%add3A_51, %dma_start3A] : memref<196608x128xf32, #tpu.memory_space<hbm>> -> memref<128x128xf32, #tpu.memory_space<hbm>>
          %dma_start3A_54 = arith.constant 0 : i32
          %dma_start3A_55 = tpu.memref_slice %arg3[%add3A_51, %dma_start3A_54] : memref<196608x128xf32, #tpu.memory_space<hbm>> -> memref<128x128xf32, #tpu.memory_space<hbm>>
          tpu.enqueue_dma source(%dma_start3A_55 : memref<128x128xf32, #tpu.memory_space<hbm>>) target(%arg10 : memref<128x128xf32, #tpu.memory_space<vmem>>) target_semaphore(%run_scoped3A_52 : memref<!tpu.dma_semaphore, #tpu.memory_space<semaphore_mem>>)
          %dma_wait3A = arith.constant 0 : i32
          %dma_wait3A_56 = tpu.memref_slice %arg3[%add3A_51, %dma_wait3A] : memref<196608x128xf32, #tpu.memory_space<hbm>> -> memref<128x128xf32, #tpu.memory_space<hbm>>
          %dma_wait3A_57 = arith.constant 0 : i32
          %dma_wait3A_58 = tpu.memref_slice %arg3[%add3A_51, %dma_wait3A_57] : memref<196608x128xf32, #tpu.memory_space<hbm>> -> memref<128x128xf32, #tpu.memory_space<hbm>>
          tpu.wait_dma2 semaphore(%run_scoped3A_52 : memref<!tpu.dma_semaphore, #tpu.memory_space<semaphore_mem>>) src(%dma_wait3A_58 : memref<128x128xf32, #tpu.memory_space<hbm>>) dst(%arg10 : memref<128x128xf32, #tpu.memory_space<vmem>>)
          tpu.yield
        }) : () -> ()
        "tpu.region"() ({
          %run_scoped3A_52 = tpu.sem_alloc : memref<!tpu.dma_semaphore, #tpu.memory_space<semaphore_mem>>
          %dma_start3A = arith.constant 0 : i32
          %dma_start3A_53 = tpu.memref_slice %arg9[%scan3A_43, %dma_start3A] : memref<48x128xi32, #tpu.memory_space<vmem>> -> memref<1x128xi32, #tpu.memory_space<vmem>>
          %dma_start3A_54 = tpu.memref_squeeze %dma_start3A_53 : memref<1x128xi32, #tpu.memory_space<vmem>> -> memref<128xi32, #tpu.memory_space<vmem>>
          %dma_start3A_55 = arith.constant 0 : i32
          %dma_start3A_56 = arith.constant 0 : i32
          %dma_start3A_57 = tpu.memref_slice %arg11[%dma_start3A_55, %dma_start3A_56] : memref<10112x128xf32, #tpu.memory_space<vmem_shared>> -> memref<10112x128xf32, #tpu.memory_space<vmem_shared>>
          tpu.enqueue_indirect_dma source(%arg10 : memref<128x128xf32, #tpu.memory_space<vmem>>) target(%dma_start3A_57 : memref<10112x128xf32, #tpu.memory_space<vmem_shared>>) offsets(%dma_start3A_54 : memref<128xi32, #tpu.memory_space<vmem>>) semaphore(%run_scoped3A_52 : memref<!tpu.dma_semaphore, #tpu.memory_space<semaphore_mem>>) {add = true}
          %dma_wait3A = arith.constant 0 : i32
          %dma_wait3A_58 = tpu.memref_slice %arg9[%scan3A_43, %dma_wait3A] : memref<48x128xi32, #tpu.memory_space<vmem>> -> memref<1x128xi32, #tpu.memory_space<vmem>>
          %dma_wait3A_59 = tpu.memref_squeeze %dma_wait3A_58 : memref<1x128xi32, #tpu.memory_space<vmem>> -> memref<128xi32, #tpu.memory_space<vmem>>
          %dma_wait3A_60 = arith.constant 0 : i32
          %dma_wait3A_61 = arith.constant 0 : i32
          %dma_wait3A_62 = tpu.memref_slice %arg11[%dma_wait3A_60, %dma_wait3A_61] : memref<10112x128xf32, #tpu.memory_space<vmem_shared>> -> memref<10112x128xf32, #tpu.memory_space<vmem_shared>>
          tpu.wait_indirect_dma semaphore(%run_scoped3A_52 : memref<!tpu.dma_semaphore, #tpu.memory_space<semaphore_mem>>) src(%arg10 : memref<128x128xf32, #tpu.memory_space<vmem>>) dst(%dma_wait3A_62 : memref<10112x128xf32, #tpu.memory_space<vmem_shared>>)
          tpu.yield
        }) : () -> ()
      } else {
      }
    }
    %scan3A_20 = arith.constant 48 : i32
    %barrier3A_21 = arith.constant 0 : index
    tpu.barrier barrier_id(%barrier3A_21)
    %run_scoped3A_22 = arith.constant 1 : i32
    "tpu.region"() ({
      %run_scoped3A_43 = tpu.sem_alloc : memref<!tpu.dma_semaphore, #tpu.memory_space<semaphore_mem>>
      %dma_start3A = arith.constant 0 : i32
      %dma_start3A_44 = tpu.memref_slice %arg8[%arg0, %run_scoped3A_22, %mul3A_2, %dma_start3A] : memref<2x4x10112x128xf32, #tpu.memory_space<hbm>> -> memref<1x1x632x128xf32, #tpu.memory_space<hbm>>
      %dma_start3A_45 = tpu.memref_squeeze %dma_start3A_44 : memref<1x1x632x128xf32, #tpu.memory_space<hbm>> -> memref<632x128xf32, #tpu.memory_space<hbm>>
      %dma_start3A_46 = arith.constant 0 : i32
      %dma_start3A_47 = tpu.memref_slice %arg11[%mul3A_2, %dma_start3A_46] : memref<10112x128xf32, #tpu.memory_space<vmem_shared>> -> memref<632x128xf32, #tpu.memory_space<vmem_shared>>
      tpu.enqueue_dma source(%dma_start3A_47 : memref<632x128xf32, #tpu.memory_space<vmem_shared>>) target(%dma_start3A_45 : memref<632x128xf32, #tpu.memory_space<hbm>>) target_semaphore(%run_scoped3A_43 : memref<!tpu.dma_semaphore, #tpu.memory_space<semaphore_mem>>)
      %dma_wait3A = arith.constant 0 : i32
      %dma_wait3A_48 = tpu.memref_slice %arg8[%arg0, %run_scoped3A_22, %mul3A_2, %dma_wait3A] : memref<2x4x10112x128xf32, #tpu.memory_space<hbm>> -> memref<1x1x632x128xf32, #tpu.memory_space<hbm>>
      %dma_wait3A_49 = tpu.memref_squeeze %dma_wait3A_48 : memref<1x1x632x128xf32, #tpu.memory_space<hbm>> -> memref<632x128xf32, #tpu.memory_space<hbm>>
      %dma_wait3A_50 = arith.constant 0 : i32
      %dma_wait3A_51 = tpu.memref_slice %arg11[%mul3A_2, %dma_wait3A_50] : memref<10112x128xf32, #tpu.memory_space<vmem_shared>> -> memref<632x128xf32, #tpu.memory_space<vmem_shared>>
      tpu.wait_dma2 semaphore(%run_scoped3A_43 : memref<!tpu.dma_semaphore, #tpu.memory_space<semaphore_mem>>) src(%dma_wait3A_51 : memref<632x128xf32, #tpu.memory_space<vmem_shared>>) dst(%dma_wait3A_49 : memref<632x128xf32, #tpu.memory_space<hbm>>)
      tpu.yield
    }) : () -> ()
    %barrier3A_23 = arith.constant 0 : index
    tpu.barrier barrier_id(%barrier3A_23)
    "tpu.region"() ({
      %run_scoped3A_43 = tpu.sem_alloc : memref<!tpu.dma_semaphore, #tpu.memory_space<semaphore_mem>>
      %dma_start3A = arith.constant 0 : i32
      %dma_start3A_44 = tpu.memref_slice %arg11[%mul3A_2, %dma_start3A] : memref<10112x128xf32, #tpu.memory_space<vmem_shared>> -> memref<632x128xf32, #tpu.memory_space<vmem_shared>>
      %dma_start3A_45 = arith.constant 0 : i32
      %dma_start3A_46 = tpu.memref_slice %arg7[%mul3A_2, %dma_start3A_45] : memref<10112x128xf32, #tpu.memory_space<hbm>> -> memref<632x128xf32, #tpu.memory_space<hbm>>
      tpu.enqueue_dma source(%dma_start3A_46 : memref<632x128xf32, #tpu.memory_space<hbm>>) target(%dma_start3A_44 : memref<632x128xf32, #tpu.memory_space<vmem_shared>>) target_semaphore(%run_scoped3A_43 : memref<!tpu.dma_semaphore, #tpu.memory_space<semaphore_mem>>)
      %dma_wait3A = arith.constant 0 : i32
      %dma_wait3A_47 = tpu.memref_slice %arg11[%mul3A_2, %dma_wait3A] : memref<10112x128xf32, #tpu.memory_space<vmem_shared>> -> memref<632x128xf32, #tpu.memory_space<vmem_shared>>
      %dma_wait3A_48 = arith.constant 0 : i32
      %dma_wait3A_49 = tpu.memref_slice %arg7[%mul3A_2, %dma_wait3A_48] : memref<10112x128xf32, #tpu.memory_space<hbm>> -> memref<632x128xf32, #tpu.memory_space<hbm>>
      tpu.wait_dma2 semaphore(%run_scoped3A_43 : memref<!tpu.dma_semaphore, #tpu.memory_space<semaphore_mem>>) src(%dma_wait3A_49 : memref<632x128xf32, #tpu.memory_space<hbm>>) dst(%dma_wait3A_47 : memref<632x128xf32, #tpu.memory_space<vmem_shared>>)
      tpu.yield
    }) : () -> ()
    %barrier3A_24 = arith.constant 0 : index
    tpu.barrier barrier_id(%barrier3A_24)
    %scan3A_25 = arith.constant 0 : i32
    %scan3A_26 = arith.constant 0 : i32
    %scan3A_27 = arith.constant 48 : i32
    %scan3A_28 = arith.addi %scan3A_26, %scan3A_27 : i32
    %scan3A_29 = arith.constant 1 : i32
    scf.for %scan3A_43 = %scan3A_26 to %scan3A_28 step %scan3A_29  : i32 {
      %mul3A_44 = arith.constant 128 : i32
      %mul3A_45 = arith.muli %scan3A_43, %mul3A_44 : i32
      %add3A_46 = arith.addi %mul3A_6, %mul3A_45 : i32
      %lt3A = arith.constant 170000 : i32
      %lt3A_47 = arith.cmpi slt, %add3A_46, %lt3A : i32
      %convert_element_type3A = arith.extui %lt3A_47 : i1 to i32
      %cond3A = arith.constant 0 : i32
      %cond3A_48 = arith.cmpi ne, %convert_element_type3A, %cond3A : i32
      scf.if %cond3A_48 {
        %mul3A_49 = arith.constant 128 : i32
        %mul3A_50 = arith.muli %scan3A_43, %mul3A_49 : i32
        %add3A_51 = arith.addi %mul3A_6, %mul3A_50 : i32
        "tpu.region"() ({
          %run_scoped3A_52 = tpu.sem_alloc : memref<!tpu.dma_semaphore, #tpu.memory_space<semaphore_mem>>
          %dma_start3A = arith.constant 0 : i32
          %dma_start3A_53 = tpu.memref_slice %arg4[%add3A_51, %dma_start3A] : memref<196608x128xf32, #tpu.memory_space<hbm>> -> memref<128x128xf32, #tpu.memory_space<hbm>>
          %dma_start3A_54 = arith.constant 0 : i32
          %dma_start3A_55 = tpu.memref_slice %arg4[%add3A_51, %dma_start3A_54] : memref<196608x128xf32, #tpu.memory_space<hbm>> -> memref<128x128xf32, #tpu.memory_space<hbm>>
          tpu.enqueue_dma source(%dma_start3A_55 : memref<128x128xf32, #tpu.memory_space<hbm>>) target(%arg10 : memref<128x128xf32, #tpu.memory_space<vmem>>) target_semaphore(%run_scoped3A_52 : memref<!tpu.dma_semaphore, #tpu.memory_space<semaphore_mem>>)
          %dma_wait3A = arith.constant 0 : i32
          %dma_wait3A_56 = tpu.memref_slice %arg4[%add3A_51, %dma_wait3A] : memref<196608x128xf32, #tpu.memory_space<hbm>> -> memref<128x128xf32, #tpu.memory_space<hbm>>
          %dma_wait3A_57 = arith.constant 0 : i32
          %dma_wait3A_58 = tpu.memref_slice %arg4[%add3A_51, %dma_wait3A_57] : memref<196608x128xf32, #tpu.memory_space<hbm>> -> memref<128x128xf32, #tpu.memory_space<hbm>>
          tpu.wait_dma2 semaphore(%run_scoped3A_52 : memref<!tpu.dma_semaphore, #tpu.memory_space<semaphore_mem>>) src(%dma_wait3A_58 : memref<128x128xf32, #tpu.memory_space<hbm>>) dst(%arg10 : memref<128x128xf32, #tpu.memory_space<vmem>>)
          tpu.yield
        }) : () -> ()
        "tpu.region"() ({
          %run_scoped3A_52 = tpu.sem_alloc : memref<!tpu.dma_semaphore, #tpu.memory_space<semaphore_mem>>
          %dma_start3A = arith.constant 0 : i32
          %dma_start3A_53 = tpu.memref_slice %arg9[%scan3A_43, %dma_start3A] : memref<48x128xi32, #tpu.memory_space<vmem>> -> memref<1x128xi32, #tpu.memory_space<vmem>>
          %dma_start3A_54 = tpu.memref_squeeze %dma_start3A_53 : memref<1x128xi32, #tpu.memory_space<vmem>> -> memref<128xi32, #tpu.memory_space<vmem>>
          %dma_start3A_55 = arith.constant 0 : i32
          %dma_start3A_56 = arith.constant 0 : i32
          %dma_start3A_57 = tpu.memref_slice %arg11[%dma_start3A_55, %dma_start3A_56] : memref<10112x128xf32, #tpu.memory_space<vmem_shared>> -> memref<10112x128xf32, #tpu.memory_space<vmem_shared>>
          tpu.enqueue_indirect_dma source(%arg10 : memref<128x128xf32, #tpu.memory_space<vmem>>) target(%dma_start3A_57 : memref<10112x128xf32, #tpu.memory_space<vmem_shared>>) offsets(%dma_start3A_54 : memref<128xi32, #tpu.memory_space<vmem>>) semaphore(%run_scoped3A_52 : memref<!tpu.dma_semaphore, #tpu.memory_space<semaphore_mem>>) {add = true}
          %dma_wait3A = arith.constant 0 : i32
          %dma_wait3A_58 = tpu.memref_slice %arg9[%scan3A_43, %dma_wait3A] : memref<48x128xi32, #tpu.memory_space<vmem>> -> memref<1x128xi32, #tpu.memory_space<vmem>>
          %dma_wait3A_59 = tpu.memref_squeeze %dma_wait3A_58 : memref<1x128xi32, #tpu.memory_space<vmem>> -> memref<128xi32, #tpu.memory_space<vmem>>
          %dma_wait3A_60 = arith.constant 0 : i32
          %dma_wait3A_61 = arith.constant 0 : i32
          %dma_wait3A_62 = tpu.memref_slice %arg11[%dma_wait3A_60, %dma_wait3A_61] : memref<10112x128xf32, #tpu.memory_space<vmem_shared>> -> memref<10112x128xf32, #tpu.memory_space<vmem_shared>>
          tpu.wait_indirect_dma semaphore(%run_scoped3A_52 : memref<!tpu.dma_semaphore, #tpu.memory_space<semaphore_mem>>) src(%arg10 : memref<128x128xf32, #tpu.memory_space<vmem>>) dst(%dma_wait3A_62 : memref<10112x128xf32, #tpu.memory_space<vmem_shared>>)
          tpu.yield
        }) : () -> ()
      } else {
      }
    }
    %scan3A_30 = arith.constant 48 : i32
    %barrier3A_31 = arith.constant 0 : index
    tpu.barrier barrier_id(%barrier3A_31)
    %run_scoped3A_32 = arith.constant 2 : i32
    "tpu.region"() ({
      %run_scoped3A_43 = tpu.sem_alloc : memref<!tpu.dma_semaphore, #tpu.memory_space<semaphore_mem>>
      %dma_start3A = arith.constant 0 : i32
      %dma_start3A_44 = tpu.memref_slice %arg8[%arg0, %run_scoped3A_32, %mul3A_2, %dma_start3A] : memref<2x4x10112x128xf32, #tpu.memory_space<hbm>> -> memref<1x1x632x128xf32, #tpu.memory_space<hbm>>
      %dma_start3A_45 = tpu.memref_squeeze %dma_start3A_44 : memref<1x1x632x128xf32, #tpu.memory_space<hbm>> -> memref<632x128xf32, #tpu.memory_space<hbm>>
      %dma_start3A_46 = arith.constant 0 : i32
      %dma_start3A_47 = tpu.memref_slice %arg11[%mul3A_2, %dma_start3A_46] : memref<10112x128xf32, #tpu.memory_space<vmem_shared>> -> memref<632x128xf32, #tpu.memory_space<vmem_shared>>
      tpu.enqueue_dma source(%dma_start3A_47 : memref<632x128xf32, #tpu.memory_space<vmem_shared>>) target(%dma_start3A_45 : memref<632x128xf32, #tpu.memory_space<hbm>>) target_semaphore(%run_scoped3A_43 : memref<!tpu.dma_semaphore, #tpu.memory_space<semaphore_mem>>)
      %dma_wait3A = arith.constant 0 : i32
      %dma_wait3A_48 = tpu.memref_slice %arg8[%arg0, %run_scoped3A_32, %mul3A_2, %dma_wait3A] : memref<2x4x10112x128xf32, #tpu.memory_space<hbm>> -> memref<1x1x632x128xf32, #tpu.memory_space<hbm>>
      %dma_wait3A_49 = tpu.memref_squeeze %dma_wait3A_48 : memref<1x1x632x128xf32, #tpu.memory_space<hbm>> -> memref<632x128xf32, #tpu.memory_space<hbm>>
      %dma_wait3A_50 = arith.constant 0 : i32
      %dma_wait3A_51 = tpu.memref_slice %arg11[%mul3A_2, %dma_wait3A_50] : memref<10112x128xf32, #tpu.memory_space<vmem_shared>> -> memref<632x128xf32, #tpu.memory_space<vmem_shared>>
      tpu.wait_dma2 semaphore(%run_scoped3A_43 : memref<!tpu.dma_semaphore, #tpu.memory_space<semaphore_mem>>) src(%dma_wait3A_51 : memref<632x128xf32, #tpu.memory_space<vmem_shared>>) dst(%dma_wait3A_49 : memref<632x128xf32, #tpu.memory_space<hbm>>)
      tpu.yield
    }) : () -> ()
    %barrier3A_33 = arith.constant 0 : index
    tpu.barrier barrier_id(%barrier3A_33)
    "tpu.region"() ({
      %run_scoped3A_43 = tpu.sem_alloc : memref<!tpu.dma_semaphore, #tpu.memory_space<semaphore_mem>>
      %dma_start3A = arith.constant 0 : i32
      %dma_start3A_44 = tpu.memref_slice %arg11[%mul3A_2, %dma_start3A] : memref<10112x128xf32, #tpu.memory_space<vmem_shared>> -> memref<632x128xf32, #tpu.memory_space<vmem_shared>>
      %dma_start3A_45 = arith.constant 0 : i32
      %dma_start3A_46 = tpu.memref_slice %arg7[%mul3A_2, %dma_start3A_45] : memref<10112x128xf32, #tpu.memory_space<hbm>> -> memref<632x128xf32, #tpu.memory_space<hbm>>
      tpu.enqueue_dma source(%dma_start3A_46 : memref<632x128xf32, #tpu.memory_space<hbm>>) target(%dma_start3A_44 : memref<632x128xf32, #tpu.memory_space<vmem_shared>>) target_semaphore(%run_scoped3A_43 : memref<!tpu.dma_semaphore, #tpu.memory_space<semaphore_mem>>)
      %dma_wait3A = arith.constant 0 : i32
      %dma_wait3A_47 = tpu.memref_slice %arg11[%mul3A_2, %dma_wait3A] : memref<10112x128xf32, #tpu.memory_space<vmem_shared>> -> memref<632x128xf32, #tpu.memory_space<vmem_shared>>
      %dma_wait3A_48 = arith.constant 0 : i32
      %dma_wait3A_49 = tpu.memref_slice %arg7[%mul3A_2, %dma_wait3A_48] : memref<10112x128xf32, #tpu.memory_space<hbm>> -> memref<632x128xf32, #tpu.memory_space<hbm>>
      tpu.wait_dma2 semaphore(%run_scoped3A_43 : memref<!tpu.dma_semaphore, #tpu.memory_space<semaphore_mem>>) src(%dma_wait3A_49 : memref<632x128xf32, #tpu.memory_space<hbm>>) dst(%dma_wait3A_47 : memref<632x128xf32, #tpu.memory_space<vmem_shared>>)
      tpu.yield
    }) : () -> ()
    %barrier3A_34 = arith.constant 0 : index
    tpu.barrier barrier_id(%barrier3A_34)
    %scan3A_35 = arith.constant 0 : i32
    %scan3A_36 = arith.constant 0 : i32
    %scan3A_37 = arith.constant 48 : i32
    %scan3A_38 = arith.addi %scan3A_36, %scan3A_37 : i32
    %scan3A_39 = arith.constant 1 : i32
    scf.for %scan3A_43 = %scan3A_36 to %scan3A_38 step %scan3A_39  : i32 {
      %mul3A_44 = arith.constant 128 : i32
      %mul3A_45 = arith.muli %scan3A_43, %mul3A_44 : i32
      %add3A_46 = arith.addi %mul3A_6, %mul3A_45 : i32
      %lt3A = arith.constant 170000 : i32
      %lt3A_47 = arith.cmpi slt, %add3A_46, %lt3A : i32
      %convert_element_type3A = arith.extui %lt3A_47 : i1 to i32
      %cond3A = arith.constant 0 : i32
      %cond3A_48 = arith.cmpi ne, %convert_element_type3A, %cond3A : i32
      scf.if %cond3A_48 {
        %mul3A_49 = arith.constant 128 : i32
        %mul3A_50 = arith.muli %scan3A_43, %mul3A_49 : i32
        %add3A_51 = arith.addi %mul3A_6, %mul3A_50 : i32
        "tpu.region"() ({
          %run_scoped3A_52 = tpu.sem_alloc : memref<!tpu.dma_semaphore, #tpu.memory_space<semaphore_mem>>
          %dma_start3A = arith.constant 0 : i32
          %dma_start3A_53 = tpu.memref_slice %arg5[%add3A_51, %dma_start3A] : memref<196608x128xf32, #tpu.memory_space<hbm>> -> memref<128x128xf32, #tpu.memory_space<hbm>>
          %dma_start3A_54 = arith.constant 0 : i32
          %dma_start3A_55 = tpu.memref_slice %arg5[%add3A_51, %dma_start3A_54] : memref<196608x128xf32, #tpu.memory_space<hbm>> -> memref<128x128xf32, #tpu.memory_space<hbm>>
          tpu.enqueue_dma source(%dma_start3A_55 : memref<128x128xf32, #tpu.memory_space<hbm>>) target(%arg10 : memref<128x128xf32, #tpu.memory_space<vmem>>) target_semaphore(%run_scoped3A_52 : memref<!tpu.dma_semaphore, #tpu.memory_space<semaphore_mem>>)
          %dma_wait3A = arith.constant 0 : i32
          %dma_wait3A_56 = tpu.memref_slice %arg5[%add3A_51, %dma_wait3A] : memref<196608x128xf32, #tpu.memory_space<hbm>> -> memref<128x128xf32, #tpu.memory_space<hbm>>
          %dma_wait3A_57 = arith.constant 0 : i32
          %dma_wait3A_58 = tpu.memref_slice %arg5[%add3A_51, %dma_wait3A_57] : memref<196608x128xf32, #tpu.memory_space<hbm>> -> memref<128x128xf32, #tpu.memory_space<hbm>>
          tpu.wait_dma2 semaphore(%run_scoped3A_52 : memref<!tpu.dma_semaphore, #tpu.memory_space<semaphore_mem>>) src(%dma_wait3A_58 : memref<128x128xf32, #tpu.memory_space<hbm>>) dst(%arg10 : memref<128x128xf32, #tpu.memory_space<vmem>>)
          tpu.yield
        }) : () -> ()
        "tpu.region"() ({
          %run_scoped3A_52 = tpu.sem_alloc : memref<!tpu.dma_semaphore, #tpu.memory_space<semaphore_mem>>
          %dma_start3A = arith.constant 0 : i32
          %dma_start3A_53 = tpu.memref_slice %arg9[%scan3A_43, %dma_start3A] : memref<48x128xi32, #tpu.memory_space<vmem>> -> memref<1x128xi32, #tpu.memory_space<vmem>>
          %dma_start3A_54 = tpu.memref_squeeze %dma_start3A_53 : memref<1x128xi32, #tpu.memory_space<vmem>> -> memref<128xi32, #tpu.memory_space<vmem>>
          %dma_start3A_55 = arith.constant 0 : i32
          %dma_start3A_56 = arith.constant 0 : i32
          %dma_start3A_57 = tpu.memref_slice %arg11[%dma_start3A_55, %dma_start3A_56] : memref<10112x128xf32, #tpu.memory_space<vmem_shared>> -> memref<10112x128xf32, #tpu.memory_space<vmem_shared>>
          tpu.enqueue_indirect_dma source(%arg10 : memref<128x128xf32, #tpu.memory_space<vmem>>) target(%dma_start3A_57 : memref<10112x128xf32, #tpu.memory_space<vmem_shared>>) offsets(%dma_start3A_54 : memref<128xi32, #tpu.memory_space<vmem>>) semaphore(%run_scoped3A_52 : memref<!tpu.dma_semaphore, #tpu.memory_space<semaphore_mem>>) {add = true}
          %dma_wait3A = arith.constant 0 : i32
          %dma_wait3A_58 = tpu.memref_slice %arg9[%scan3A_43, %dma_wait3A] : memref<48x128xi32, #tpu.memory_space<vmem>> -> memref<1x128xi32, #tpu.memory_space<vmem>>
          %dma_wait3A_59 = tpu.memref_squeeze %dma_wait3A_58 : memref<1x128xi32, #tpu.memory_space<vmem>> -> memref<128xi32, #tpu.memory_space<vmem>>
          %dma_wait3A_60 = arith.constant 0 : i32
          %dma_wait3A_61 = arith.constant 0 : i32
          %dma_wait3A_62 = tpu.memref_slice %arg11[%dma_wait3A_60, %dma_wait3A_61] : memref<10112x128xf32, #tpu.memory_space<vmem_shared>> -> memref<10112x128xf32, #tpu.memory_space<vmem_shared>>
          tpu.wait_indirect_dma semaphore(%run_scoped3A_52 : memref<!tpu.dma_semaphore, #tpu.memory_space<semaphore_mem>>) src(%arg10 : memref<128x128xf32, #tpu.memory_space<vmem>>) dst(%dma_wait3A_62 : memref<10112x128xf32, #tpu.memory_space<vmem_shared>>)
          tpu.yield
        }) : () -> ()
      } else {
      }
    }
    %scan3A_40 = arith.constant 48 : i32
    %barrier3A_41 = arith.constant 0 : index
    tpu.barrier barrier_id(%barrier3A_41)
    %run_scoped3A_42 = arith.constant 3 : i32
    "tpu.region"() ({
      %run_scoped3A_43 = tpu.sem_alloc : memref<!tpu.dma_semaphore, #tpu.memory_space<semaphore_mem>>
      %dma_start3A = arith.constant 0 : i32
      %dma_start3A_44 = tpu.memref_slice %arg8[%arg0, %run_scoped3A_42, %mul3A_2, %dma_start3A] : memref<2x4x10112x128xf32, #tpu.memory_space<hbm>> -> memref<1x1x632x128xf32, #tpu.memory_space<hbm>>
      %dma_start3A_45 = tpu.memref_squeeze %dma_start3A_44 : memref<1x1x632x128xf32, #tpu.memory_space<hbm>> -> memref<632x128xf32, #tpu.memory_space<hbm>>
      %dma_start3A_46 = arith.constant 0 : i32
      %dma_start3A_47 = tpu.memref_slice %arg11[%mul3A_2, %dma_start3A_46] : memref<10112x128xf32, #tpu.memory_space<vmem_shared>> -> memref<632x128xf32, #tpu.memory_space<vmem_shared>>
      tpu.enqueue_dma source(%dma_start3A_47 : memref<632x128xf32, #tpu.memory_space<vmem_shared>>) target(%dma_start3A_45 : memref<632x128xf32, #tpu.memory_space<hbm>>) target_semaphore(%run_scoped3A_43 : memref<!tpu.dma_semaphore, #tpu.memory_space<semaphore_mem>>)
      %dma_wait3A = arith.constant 0 : i32
      %dma_wait3A_48 = tpu.memref_slice %arg8[%arg0, %run_scoped3A_42, %mul3A_2, %dma_wait3A] : memref<2x4x10112x128xf32, #tpu.memory_space<hbm>> -> memref<1x1x632x128xf32, #tpu.memory_space<hbm>>
      %dma_wait3A_49 = tpu.memref_squeeze %dma_wait3A_48 : memref<1x1x632x128xf32, #tpu.memory_space<hbm>> -> memref<632x128xf32, #tpu.memory_space<hbm>>
      %dma_wait3A_50 = arith.constant 0 : i32
      %dma_wait3A_51 = tpu.memref_slice %arg11[%mul3A_2, %dma_wait3A_50] : memref<10112x128xf32, #tpu.memory_space<vmem_shared>> -> memref<632x128xf32, #tpu.memory_space<vmem_shared>>
      tpu.wait_dma2 semaphore(%run_scoped3A_43 : memref<!tpu.dma_semaphore, #tpu.memory_space<semaphore_mem>>) src(%dma_wait3A_51 : memref<632x128xf32, #tpu.memory_space<vmem_shared>>) dst(%dma_wait3A_49 : memref<632x128xf32, #tpu.memory_space<hbm>>)
      tpu.yield
    }) : () -> ()
    return
  }
}

module attributes {stable_mosaic.version = 14 : i64} {
  func.func @_lin2_body(%arg0: i32, %arg1: memref<512x128xf32, #tpu.memory_space<vmem>>, %arg2: memref<128x256xf32, #tpu.memory_space<vmem>>, %arg3: memref<1x256xf32, #tpu.memory_space<vmem>>, %arg4: memref<128x256xf32, #tpu.memory_space<vmem>>, %arg5: memref<1x256xf32, #tpu.memory_space<vmem>>, %arg6: memref<512x256xf32, #tpu.memory_space<vmem>>, %arg7: memref<512x256xf32, #tpu.memory_space<vmem>>) attributes {dimension_semantics = [#tpu.dimension_semantics<arbitrary>], iteration_bounds = array<i64: 20>, scalar_prefetch = 0 : i64, scratch_operands = 0 : i64, tpu.core_type = #tpu.core_type<tc>, window_params = [{transform_indices = @transform_0, window_bounds = array<i64: 512, 128>}, {pipeline_mode = #tpu.pipeline_mode<synchronous>, transform_indices = @transform_1, window_bounds = array<i64: 128, 256>}, {pipeline_mode = #tpu.pipeline_mode<synchronous>, transform_indices = @transform_2, window_bounds = array<i64: 1, 256>}, {pipeline_mode = #tpu.pipeline_mode<synchronous>, transform_indices = @transform_3, window_bounds = array<i64: 128, 256>}, {pipeline_mode = #tpu.pipeline_mode<synchronous>, transform_indices = @transform_4, window_bounds = array<i64: 1, 256>}, {transform_indices = @transform_5, window_bounds = array<i64: 512, 256>}, {transform_indices = @transform_6, window_bounds = array<i64: 512, 256>}]} {
    %get3A = arith.constant 0 : index
    %get3A_0 = arith.constant 0 : index
    %get3A_1 = vector.load %arg1[%get3A, %get3A_0] : memref<512x128xf32, #tpu.memory_space<vmem>>, vector<512x128xf32>
    %get3A_2 = arith.constant 0 : index
    %get3A_3 = arith.constant 0 : index
    %get3A_4 = vector.load %arg2[%get3A_2, %get3A_3] : memref<128x256xf32, #tpu.memory_space<vmem>>, vector<128x256xf32>
    %dot_general3A = arith.constant dense<0.000000e+00> : vector<512x256xf32>
    %dot_general3A_5 = tpu.matmul %get3A_1, %get3A_4, %dot_general3A {dimension_numbers = #tpu.dot_dimension_numbers<[1], [0], [0], [1], [0, 0, 1, 1], [], []>, transpose_lhs_hint = false} : vector<512x128xf32>, vector<128x256xf32>, vector<512x256xf32> -> vector<512x256xf32>
    %get3A_6 = arith.constant 0 : index
    %get3A_7 = arith.constant 0 : index
    %get3A_8 = vector.load %arg3[%get3A_6, %get3A_7] : memref<1x256xf32, #tpu.memory_space<vmem>>, vector<1x256xf32>
    %add3A = vector.broadcast %get3A_8 : vector<1x256xf32> to vector<512x256xf32>
    %add3A_9 = arith.addf %dot_general3A_5, %add3A : vector<512x256xf32>
    %swap3A = arith.constant 0 : index
    %swap3A_10 = arith.constant 0 : index
    %swap3A_11 = vector.load %arg6[%swap3A, %swap3A_10] : memref<512x256xf32, #tpu.memory_space<vmem>>, vector<512x256xf32>
    tpu.vector_store %arg6[%swap3A, %swap3A_10], %add3A_9 {strides = array<i32>} : memref<512x256xf32, #tpu.memory_space<vmem>>, vector<512x256xf32>,
    %get3A_12 = arith.constant 0 : index
    %get3A_13 = arith.constant 0 : index
    %get3A_14 = vector.load %arg4[%get3A_12, %get3A_13] : memref<128x256xf32, #tpu.memory_space<vmem>>, vector<128x256xf32>
    %dot_general3A_15 = arith.constant dense<0.000000e+00> : vector<512x256xf32>
    %dot_general3A_16 = tpu.matmul %get3A_1, %get3A_14, %dot_general3A_15 {dimension_numbers = #tpu.dot_dimension_numbers<[1], [0], [0], [1], [0, 0, 1, 1], [], []>, transpose_lhs_hint = false} : vector<512x128xf32>, vector<128x256xf32>, vector<512x256xf32> -> vector<512x256xf32>
    %get3A_17 = arith.constant 0 : index
    %get3A_18 = arith.constant 0 : index
    %get3A_19 = vector.load %arg5[%get3A_17, %get3A_18] : memref<1x256xf32, #tpu.memory_space<vmem>>, vector<1x256xf32>
    %add3A_20 = vector.broadcast %get3A_19 : vector<1x256xf32> to vector<512x256xf32>
    %add3A_21 = arith.addf %dot_general3A_16, %add3A_20 : vector<512x256xf32>
    %swap3A_22 = arith.constant 0 : index
    %swap3A_23 = arith.constant 0 : index
    %swap3A_24 = vector.load %arg7[%swap3A_22, %swap3A_23] : memref<512x256xf32, #tpu.memory_space<vmem>>, vector<512x256xf32>
    tpu.vector_store %arg7[%swap3A_22, %swap3A_23], %add3A_21 {strides = array<i32>} : memref<512x256xf32, #tpu.memory_space<vmem>>, vector<512x256xf32>,
    return
  }
  func.func @transform_0(%arg0: i32) -> (i32, i32) {
    %c0_i32 = arith.constant 0 : i32
    %c0_i32_0 = arith.constant 0 : i32
    return %arg0, %c0_i32 : i32, i32
  }
  func.func @transform_1(%arg0: i32) -> (i32, i32) {
    %c0_i32 = arith.constant 0 : i32
    %c0_i32_0 = arith.constant 0 : i32
    %c0_i32_1 = arith.constant 0 : i32
    return %c0_i32, %c0_i32_0 : i32, i32
  }
  func.func @transform_2(%arg0: i32) -> (i32, i32) {
    %c0_i32 = arith.constant 0 : i32
    %c0_i32_0 = arith.constant 0 : i32
    %c0_i32_1 = arith.constant 0 : i32
    return %c0_i32, %c0_i32_0 : i32, i32
  }
  func.func @transform_3(%arg0: i32) -> (i32, i32) {
    %c0_i32 = arith.constant 0 : i32
    %c0_i32_0 = arith.constant 0 : i32
    %c0_i32_1 = arith.constant 0 : i32
    return %c0_i32, %c0_i32_0 : i32, i32
  }
  func.func @transform_4(%arg0: i32) -> (i32, i32) {
    %c0_i32 = arith.constant 0 : i32
    %c0_i32_0 = arith.constant 0 : i32
    %c0_i32_1 = arith.constant 0 : i32
    return %c0_i32, %c0_i32_0 : i32, i32
  }
  func.func @transform_5(%arg0: i32) -> (i32, i32) {
    %c0_i32 = arith.constant 0 : i32
    %c0_i32_0 = arith.constant 0 : i32
    return %arg0, %c0_i32 : i32, i32
  }
  func.func @transform_6(%arg0: i32) -> (i32, i32) {
    %c0_i32 = arith.constant 0 : i32
    %c0_i32_0 = arith.constant 0 : i32
    return %arg0, %c0_i32 : i32, i32
  }
}

module attributes {stable_mosaic.version = 14 : i64} {
  func.func @body(%arg0: i32, %arg1: memref<512x256xf32, #tpu.memory_space<vmem>>, %arg2: memref<512x256xf32, #tpu.memory_space<vmem>>, %arg3: memref<1x256xf32, #tpu.memory_space<vmem>>, %arg4: memref<512x128xf32, #tpu.memory_space<vmem>>, %arg5: memref<512x128xf32, #tpu.memory_space<vmem>>) attributes {dimension_semantics = [#tpu.dimension_semantics<arbitrary>], iteration_bounds = array<i64: 336>, scalar_prefetch = 0 : i64, scratch_operands = 0 : i64, tpu.core_type = #tpu.core_type<tc>, window_params = [{transform_indices = @transform_0, window_bounds = array<i64: 512, 256>}, {transform_indices = @transform_1, window_bounds = array<i64: 512, 256>}, {pipeline_mode = #tpu.pipeline_mode<synchronous>, transform_indices = @transform_2, window_bounds = array<i64: 1, 256>}, {transform_indices = @transform_3, window_bounds = array<i64: 512, 128>}, {transform_indices = @transform_4, window_bounds = array<i64: 512, 128>}]} {
    %get3A = arith.constant 0 : index
    %get3A_0 = arith.constant 0 : index
    %get3A_1 = vector.load %arg1[%get3A, %get3A_0] : memref<512x256xf32, #tpu.memory_space<vmem>>, vector<512x256xf32>
    %get3A_2 = arith.constant 0 : index
    %get3A_3 = arith.constant 0 : index
    %get3A_4 = vector.load %arg2[%get3A_2, %get3A_3] : memref<512x256xf32, #tpu.memory_space<vmem>>, vector<512x256xf32>
    %add3A = arith.addf %get3A_1, %get3A_4 : vector<512x256xf32>
    %ge3A = arith.constant 0.000000e+00 : f32
    %ge3A_5 = vector.broadcast %ge3A : f32 to vector<512x256xf32>
    %ge3A_6 = arith.cmpf oge, %add3A, %ge3A_5 : vector<512x256xf32>
    %mul3A = arith.constant 2.000000e-01 : f32
    %mul3A_7 = vector.broadcast %mul3A : f32 to vector<512x256xf32>
    %mul3A_8 = arith.mulf %mul3A_7, %add3A : vector<512x256xf32>
    %select_n3A = arith.select %ge3A_6, %add3A, %mul3A_8 : vector<512x256xi1>, vector<512x256xf32>
    %get3A_9 = arith.constant 0 : index
    %get3A_10 = arith.constant 0 : index
    %get3A_11 = vector.load %arg3[%get3A_9, %get3A_10] : memref<1x256xf32, #tpu.memory_space<vmem>>, vector<1x256xf32>
    %mul3A_12 = vector.broadcast %get3A_11 : vector<1x256xf32> to vector<512x256xf32>
    %mul3A_13 = arith.mulf %select_n3A, %mul3A_12 : vector<512x256xf32>
    %slice3A = vector.extract_strided_slice %mul3A_13 {offsets = [0, 0], sizes = [512, 64], strides = [1, 1]} : vector<512x256xf32> to vector<512x64xf32>
    %reduce_sum3A = arith.constant dense<0.000000e+00> : vector<512xf32>
    %reduce_sum3A_14 = vector.multi_reduction <add>, %slice3A, %reduce_sum3A [1] : vector<512x64xf32> to vector<512xf32>
    %broadcast_in_dim3A = vector.shape_cast %reduce_sum3A_14 : vector<512xf32> to vector<512x1xf32>
    %exp3A = math.exp %broadcast_in_dim3A : vector<512x1xf32>
    %slice3A_15 = vector.extract_strided_slice %mul3A_13 {offsets = [0, 64], sizes = [512, 64], strides = [1, 1]} : vector<512x256xf32> to vector<512x64xf32>
    %reduce_sum3A_16 = arith.constant dense<0.000000e+00> : vector<512xf32>
    %reduce_sum3A_17 = vector.multi_reduction <add>, %slice3A_15, %reduce_sum3A_16 [1] : vector<512x64xf32> to vector<512xf32>
    %broadcast_in_dim3A_18 = vector.shape_cast %reduce_sum3A_17 : vector<512xf32> to vector<512x1xf32>
    %exp3A_19 = math.exp %broadcast_in_dim3A_18 : vector<512x1xf32>
    %slice3A_20 = vector.extract_strided_slice %mul3A_13 {offsets = [0, 128], sizes = [512, 64], strides = [1, 1]} : vector<512x256xf32> to vector<512x64xf32>
    %reduce_sum3A_21 = arith.constant dense<0.000000e+00> : vector<512xf32>
    %reduce_sum3A_22 = vector.multi_reduction <add>, %slice3A_20, %reduce_sum3A_21 [1] : vector<512x64xf32> to vector<512xf32>
    %broadcast_in_dim3A_23 = vector.shape_cast %reduce_sum3A_22 : vector<512xf32> to vector<512x1xf32>
    %exp3A_24 = math.exp %broadcast_in_dim3A_23 : vector<512x1xf32>
    %slice3A_25 = vector.extract_strided_slice %get3A_1 {offsets = [0, 0], sizes = [512, 64], strides = [1, 1]} : vector<512x256xf32> to vector<512x64xf32>
    %mul3A_26 = vector.broadcast %exp3A : vector<512x1xf32> to vector<512x64xf32>
    %mul3A_27 = arith.mulf %slice3A_25, %mul3A_26 : vector<512x64xf32>
    %slice3A_28 = vector.extract_strided_slice %get3A_1 {offsets = [0, 64], sizes = [512, 64], strides = [1, 1]} : vector<512x256xf32> to vector<512x64xf32>
    %mul3A_29 = vector.broadcast %exp3A_19 : vector<512x1xf32> to vector<512x64xf32>
    %mul3A_30 = arith.mulf %slice3A_28, %mul3A_29 : vector<512x64xf32>
    %concatenate3A = tpu.concatenate %mul3A_27, %mul3A_30 in 1 : vector<512x64xf32>, vector<512x64xf32> -> vector<512x128xf32>
    %swap3A = arith.constant 0 : index
    %swap3A_31 = arith.constant 0 : index
    %swap3A_32 = vector.load %arg4[%swap3A, %swap3A_31] : memref<512x128xf32, #tpu.memory_space<vmem>>, vector<512x128xf32>
    tpu.vector_store %arg4[%swap3A, %swap3A_31], %concatenate3A {strides = array<i32>} : memref<512x128xf32, #tpu.memory_space<vmem>>, vector<512x128xf32>,
    %slice3A_33 = vector.extract_strided_slice %get3A_1 {offsets = [0, 128], sizes = [512, 64], strides = [1, 1]} : vector<512x256xf32> to vector<512x64xf32>
    %mul3A_34 = vector.broadcast %exp3A_24 : vector<512x1xf32> to vector<512x64xf32>
    %mul3A_35 = arith.mulf %slice3A_33, %mul3A_34 : vector<512x64xf32>
    %iota3A = tpu.iota {dimensions = array<i32: 1>} : vector<512x64xi32>
    %broadcast_in_dim3A_36 = arith.constant 0.000000e+00 : f32
    %broadcast_in_dim3A_37 = vector.broadcast %broadcast_in_dim3A_36 : f32 to vector<512x64xf32>
    %eq3A = arith.constant 0 : i32
    %eq3A_38 = vector.broadcast %eq3A : i32 to vector<512x64xi32>
    %eq3A_39 = arith.cmpi eq, %iota3A, %eq3A_38 : vector<512x64xi32>
    %broadcast_in_dim3A_40 = vector.shape_cast %exp3A : vector<512x1xf32> to vector<512x1xf32>
    %broadcast_in_dim3A_41 = vector.broadcast %broadcast_in_dim3A_40 : vector<512x1xf32> to vector<512x64xf32>
    %select_n3A_42 = arith.select %eq3A_39, %broadcast_in_dim3A_41, %broadcast_in_dim3A_37 : vector<512x64xi1>, vector<512x64xf32>
    %eq3A_43 = arith.constant 1 : i32
    %eq3A_44 = vector.broadcast %eq3A_43 : i32 to vector<512x64xi32>
    %eq3A_45 = arith.cmpi eq, %iota3A, %eq3A_44 : vector<512x64xi32>
    %broadcast_in_dim3A_46 = vector.shape_cast %exp3A_19 : vector<512x1xf32> to vector<512x1xf32>
    %broadcast_in_dim3A_47 = vector.broadcast %broadcast_in_dim3A_46 : vector<512x1xf32> to vector<512x64xf32>
    %select_n3A_48 = arith.select %eq3A_45, %broadcast_in_dim3A_47, %select_n3A_42 : vector<512x64xi1>, vector<512x64xf32>
    %eq3A_49 = arith.constant 2 : i32
    %eq3A_50 = vector.broadcast %eq3A_49 : i32 to vector<512x64xi32>
    %eq3A_51 = arith.cmpi eq, %iota3A, %eq3A_50 : vector<512x64xi32>
    %broadcast_in_dim3A_52 = vector.shape_cast %exp3A_24 : vector<512x1xf32> to vector<512x1xf32>
    %broadcast_in_dim3A_53 = vector.broadcast %broadcast_in_dim3A_52 : vector<512x1xf32> to vector<512x64xf32>
    %select_n3A_54 = arith.select %eq3A_51, %broadcast_in_dim3A_53, %select_n3A_48 : vector<512x64xi1>, vector<512x64xf32>
    %concatenate3A_55 = tpu.concatenate %mul3A_35, %select_n3A_54 in 1 : vector<512x64xf32>, vector<512x64xf32> -> vector<512x128xf32>
    %swap3A_56 = arith.constant 0 : index
    %swap3A_57 = arith.constant 0 : index
    %swap3A_58 = vector.load %arg5[%swap3A_56, %swap3A_57] : memref<512x128xf32, #tpu.memory_space<vmem>>, vector<512x128xf32>
    tpu.vector_store %arg5[%swap3A_56, %swap3A_57], %concatenate3A_55 {strides = array<i32>} : memref<512x128xf32, #tpu.memory_space<vmem>>, vector<512x128xf32>,
    return
  }
  func.func @transform_0(%arg0: i32) -> (i32, i32) {
    %c0_i32 = arith.constant 0 : i32
    %c0_i32_0 = arith.constant 0 : i32
    return %arg0, %c0_i32 : i32, i32
  }
  func.func @transform_1(%arg0: i32) -> (i32, i32) {
    %c0_i32 = arith.constant 0 : i32
    %c0_i32_0 = arith.constant 0 : i32
    return %arg0, %c0_i32 : i32, i32
  }
  func.func @transform_2(%arg0: i32) -> (i32, i32) {
    %c0_i32 = arith.constant 0 : i32
    %c0_i32_0 = arith.constant 0 : i32
    %c0_i32_1 = arith.constant 0 : i32
    return %c0_i32, %c0_i32_0 : i32, i32
  }
  func.func @transform_3(%arg0: i32) -> (i32, i32) {
    %c0_i32 = arith.constant 0 : i32
    %c0_i32_0 = arith.constant 0 : i32
    return %arg0, %c0_i32 : i32, i32
  }
  func.func @transform_4(%arg0: i32) -> (i32, i32) {
    %c0_i32 = arith.constant 0 : i32
    %c0_i32_0 = arith.constant 0 : i32
    return %arg0, %c0_i32 : i32, i32
  }
}

module attributes {stable_mosaic.version = 14 : i64} {
  func.func @_t1_body(%arg0: i32, %arg1: memref<2x2x512x128xf32, #tpu.memory_space<vmem>>, %arg2: memref<1x192xf32, #tpu.memory_space<vmem>>, %arg3: memref<512x8xf32, #tpu.memory_space<vmem>>, %arg4: memref<512x192xf32, #tpu.memory_space<vmem>>, %arg5: memref<8x192xf32, #tpu.memory_space<vmem>>, %arg6: memref<8x192xf32, #tpu.memory_space<vmem>>, %arg7: memref<8x128xf32, #tpu.memory_space<vmem>>) attributes {dimension_semantics = [#tpu.dimension_semantics<arbitrary>], iteration_bounds = array<i64: 20>, scalar_prefetch = 0 : i64, scratch_operands = 0 : i64, tpu.core_type = #tpu.core_type<tc>, window_params = [{transform_indices = @transform_0, window_bounds = array<i64: 2, 2, 512, 128>}, {pipeline_mode = #tpu.pipeline_mode<synchronous>, transform_indices = @transform_1, window_bounds = array<i64: 1, 192>}, {transform_indices = @transform_2, window_bounds = array<i64: 512, 8>}, {transform_indices = @transform_3, window_bounds = array<i64: 512, 192>}, {pipeline_mode = #tpu.pipeline_mode<synchronous>, transform_indices = @transform_4, window_bounds = array<i64: 8, 192>}, {pipeline_mode = #tpu.pipeline_mode<synchronous>, transform_indices = @transform_5, window_bounds = array<i64: 8, 192>}, {pipeline_mode = #tpu.pipeline_mode<synchronous>, transform_indices = @transform_6, window_bounds = array<i64: 8, 128>}]} {
    %get3A = arith.constant 0 : index
    %get3A_0 = arith.constant 0 : index
    %get3A_1 = arith.constant 0 : index
    %get3A_2 = arith.constant 0 : index
    %get3A_3 = vector.load %arg1[%get3A, %get3A_0, %get3A_1, %get3A_2] : memref<2x2x512x128xf32, #tpu.memory_space<vmem>>, vector<2x2x512x128xf32>
    %get3A_4 = arith.constant 0 : index
    %get3A_5 = arith.constant 0 : index
    %get3A_6 = vector.load %arg2[%get3A_4, %get3A_5] : memref<1x192xf32, #tpu.memory_space<vmem>>, vector<1x192xf32>
    %slice3A = vector.extract_strided_slice %get3A_3 {offsets = [0, 0, 0, 0], sizes = [1, 1, 512, 128], strides = [1, 1, 1, 1]} : vector<2x2x512x128xf32> to vector<1x1x512x128xf32>
    %squeeze3A = vector.shape_cast %slice3A : vector<1x1x512x128xf32> to vector<512x128xf32>
    %slice3A_7 = vector.extract_strided_slice %get3A_3 {offsets = [1, 0, 0, 0], sizes = [1, 1, 512, 128], strides = [1, 1, 1, 1]} : vector<2x2x512x128xf32> to vector<1x1x512x128xf32>
    %squeeze3A_8 = vector.shape_cast %slice3A_7 : vector<1x1x512x128xf32> to vector<512x128xf32>
    %add3A = arith.addf %squeeze3A, %squeeze3A_8 : vector<512x128xf32>
    %slice3A_9 = vector.extract_strided_slice %get3A_3 {offsets = [0, 1, 0, 0], sizes = [1, 1, 512, 128], strides = [1, 1, 1, 1]} : vector<2x2x512x128xf32> to vector<1x1x512x128xf32>
    %squeeze3A_10 = vector.shape_cast %slice3A_9 : vector<1x1x512x128xf32> to vector<512x128xf32>
    %slice3A_11 = vector.extract_strided_slice %get3A_3 {offsets = [1, 1, 0, 0], sizes = [1, 1, 512, 128], strides = [1, 1, 1, 1]} : vector<2x2x512x128xf32> to vector<1x1x512x128xf32>
    %squeeze3A_12 = vector.shape_cast %slice3A_11 : vector<1x1x512x128xf32> to vector<512x128xf32>
    %add3A_13 = arith.addf %squeeze3A_10, %squeeze3A_12 : vector<512x128xf32>
    %slice3A_14 = vector.extract_strided_slice %add3A {offsets = [0, 0], sizes = [512, 64], strides = [1, 1]} : vector<512x128xf32> to vector<512x64xf32>
    %slice3A_15 = vector.extract_strided_slice %add3A_13 {offsets = [0, 64], sizes = [512, 1], strides = [1, 1]} : vector<512x128xf32> to vector<512x1xf32>
    %add3A_16 = arith.constant 1.000000e-16 : f32
    %add3A_17 = vector.broadcast %add3A_16 : f32 to vector<512x1xf32>
    %add3A_18 = arith.addf %slice3A_15, %add3A_17 : vector<512x1xf32>
    %div3A = vector.broadcast %add3A_18 : vector<512x1xf32> to vector<512x64xf32>
    %div3A_19 = arith.divf %slice3A_14, %div3A : vector<512x64xf32>
    %slice3A_20 = vector.extract_strided_slice %add3A {offsets = [0, 64], sizes = [512, 64], strides = [1, 1]} : vector<512x128xf32> to vector<512x64xf32>
    %slice3A_21 = vector.extract_strided_slice %add3A_13 {offsets = [0, 65], sizes = [512, 1], strides = [1, 1]} : vector<512x128xf32> to vector<512x1xf32>
    %add3A_22 = arith.constant 1.000000e-16 : f32
    %add3A_23 = vector.broadcast %add3A_22 : f32 to vector<512x1xf32>
    %add3A_24 = arith.addf %slice3A_21, %add3A_23 : vector<512x1xf32>
    %div3A_25 = vector.broadcast %add3A_24 : vector<512x1xf32> to vector<512x64xf32>
    %div3A_26 = arith.divf %slice3A_20, %div3A_25 : vector<512x64xf32>
    %slice3A_27 = vector.extract_strided_slice %add3A_13 {offsets = [0, 0], sizes = [512, 64], strides = [1, 1]} : vector<512x128xf32> to vector<512x64xf32>
    %slice3A_28 = vector.extract_strided_slice %add3A_13 {offsets = [0, 66], sizes = [512, 1], strides = [1, 1]} : vector<512x128xf32> to vector<512x1xf32>
    %add3A_29 = arith.constant 1.000000e-16 : f32
    %add3A_30 = vector.broadcast %add3A_29 : f32 to vector<512x1xf32>
    %add3A_31 = arith.addf %slice3A_28, %add3A_30 : vector<512x1xf32>
    %div3A_32 = vector.broadcast %add3A_31 : vector<512x1xf32> to vector<512x64xf32>
    %div3A_33 = arith.divf %slice3A_27, %div3A_32 : vector<512x64xf32>
    %concatenate3A = tpu.concatenate %div3A_19, %div3A_26, %div3A_33 in 1 : vector<512x64xf32>, vector<512x64xf32>, vector<512x64xf32> -> vector<512x192xf32>
    %add3A_34 = vector.broadcast %get3A_6 : vector<1x192xf32> to vector<512x192xf32>
    %add3A_35 = arith.addf %concatenate3A, %add3A_34 : vector<512x192xf32>
    %max3A = arith.constant 0.000000e+00 : f32
    %max3A_36 = vector.broadcast %max3A : f32 to vector<512x192xf32>
    %max3A_37 = arith.maximumf %add3A_35, %max3A_36 : vector<512x192xf32>
    %swap3A = arith.constant 0 : index
    %swap3A_38 = arith.constant 0 : index
    %swap3A_39 = vector.load %arg4[%swap3A, %swap3A_38] : memref<512x192xf32, #tpu.memory_space<vmem>>, vector<512x192xf32>
    tpu.vector_store %arg4[%swap3A, %swap3A_38], %max3A_37 {strides = array<i32>} : memref<512x192xf32, #tpu.memory_space<vmem>>, vector<512x192xf32>,
    %get3A_40 = arith.constant 0 : index
    %get3A_41 = arith.constant 0 : index
    %get3A_42 = vector.load %arg3[%get3A_40, %get3A_41] : memref<512x8xf32, #tpu.memory_space<vmem>>, vector<512x8xf32>
    %eq3A = arith.constant 0 : i32
    %eq3A_43 = arith.cmpi eq, %arg0, %eq3A : i32
    %convert_element_type3A = arith.extui %eq3A_43 : i1 to i32
    %cond3A = arith.constant 0 : i32
    %cond3A_44 = arith.cmpi ne, %convert_element_type3A, %cond3A : i32
    scf.if %cond3A_44 {
      %broadcast_in_dim3A_72 = arith.constant 0.000000e+00 : f32
      %broadcast_in_dim3A_73 = vector.broadcast %broadcast_in_dim3A_72 : f32 to vector<8x192xf32>
      %swap3A_74 = arith.constant 0 : index
      %swap3A_75 = arith.constant 0 : index
      %swap3A_76 = vector.load %arg5[%swap3A_74, %swap3A_75] : memref<8x192xf32, #tpu.memory_space<vmem>>, vector<8x192xf32>
      tpu.vector_store %arg5[%swap3A_74, %swap3A_75], %broadcast_in_dim3A_73 {strides = array<i32>} : memref<8x192xf32, #tpu.memory_space<vmem>>, vector<8x192xf32>,
      %broadcast_in_dim3A_77 = arith.constant 0.000000e+00 : f32
      %broadcast_in_dim3A_78 = vector.broadcast %broadcast_in_dim3A_77 : f32 to vector<8x192xf32>
      %swap3A_79 = arith.constant 0 : index
      %swap3A_80 = arith.constant 0 : index
      %swap3A_81 = vector.load %arg6[%swap3A_79, %swap3A_80] : memref<8x192xf32, #tpu.memory_space<vmem>>, vector<8x192xf32>
      tpu.vector_store %arg6[%swap3A_79, %swap3A_80], %broadcast_in_dim3A_78 {strides = array<i32>} : memref<8x192xf32, #tpu.memory_space<vmem>>, vector<8x192xf32>,
      %broadcast_in_dim3A_82 = arith.constant 0.000000e+00 : f32
      %broadcast_in_dim3A_83 = vector.broadcast %broadcast_in_dim3A_82 : f32 to vector<8x128xf32>
      %swap3A_84 = arith.constant 0 : index
      %swap3A_85 = arith.constant 0 : index
      %swap3A_86 = vector.load %arg7[%swap3A_84, %swap3A_85] : memref<8x128xf32, #tpu.memory_space<vmem>>, vector<8x128xf32>
      tpu.vector_store %arg7[%swap3A_84, %swap3A_85], %broadcast_in_dim3A_83 {strides = array<i32>} : memref<8x128xf32, #tpu.memory_space<vmem>>, vector<8x128xf32>,
    } else {
    }
    %get3A_45 = arith.constant 0 : index
    %get3A_46 = arith.constant 0 : index
    %get3A_47 = vector.load %arg5[%get3A_45, %get3A_46] : memref<8x192xf32, #tpu.memory_space<vmem>>, vector<8x192xf32>
    %dot_general3A = arith.constant dense<0.000000e+00> : vector<8x192xf32>
    %dot_general3A_48 = tpu.matmul %get3A_42, %max3A_37, %dot_general3A {dimension_numbers = #tpu.dot_dimension_numbers<[0], [0], [1], [1], [0, 1, 1, 1], [], []>, transpose_lhs_hint = false} : vector<512x8xf32>, vector<512x192xf32>, vector<8x192xf32> -> vector<8x192xf32>
    %add3A_49 = arith.addf %get3A_47, %dot_general3A_48 : vector<8x192xf32>
    %swap3A_50 = arith.constant 0 : index
    %swap3A_51 = arith.constant 0 : index
    %swap3A_52 = vector.load %arg5[%swap3A_50, %swap3A_51] : memref<8x192xf32, #tpu.memory_space<vmem>>, vector<8x192xf32>
    tpu.vector_store %arg5[%swap3A_50, %swap3A_51], %add3A_49 {strides = array<i32>} : memref<8x192xf32, #tpu.memory_space<vmem>>, vector<8x192xf32>,
    %get3A_53 = arith.constant 0 : index
    %get3A_54 = arith.constant 0 : index
    %get3A_55 = vector.load %arg6[%get3A_53, %get3A_54] : memref<8x192xf32, #tpu.memory_space<vmem>>, vector<8x192xf32>
    %mul3A = arith.mulf %max3A_37, %max3A_37 : vector<512x192xf32>
    %dot_general3A_56 = arith.constant dense<0.000000e+00> : vector<8x192xf32>
    %dot_general3A_57 = tpu.matmul %get3A_42, %mul3A, %dot_general3A_56 {dimension_numbers = #tpu.dot_dimension_numbers<[0], [0], [1], [1], [0, 1, 1, 1], [], []>, transpose_lhs_hint = false} : vector<512x8xf32>, vector<512x192xf32>, vector<8x192xf32> -> vector<8x192xf32>
    %add3A_58 = arith.addf %get3A_55, %dot_general3A_57 : vector<8x192xf32>
    %swap3A_59 = arith.constant 0 : index
    %swap3A_60 = arith.constant 0 : index
    %swap3A_61 = vector.load %arg6[%swap3A_59, %swap3A_60] : memref<8x192xf32, #tpu.memory_space<vmem>>, vector<8x192xf32>
    tpu.vector_store %arg6[%swap3A_59, %swap3A_60], %add3A_58 {strides = array<i32>} : memref<8x192xf32, #tpu.memory_space<vmem>>, vector<8x192xf32>,
    %get3A_62 = arith.constant 0 : index
    %get3A_63 = arith.constant 0 : index
    %get3A_64 = vector.load %arg7[%get3A_62, %get3A_63] : memref<8x128xf32, #tpu.memory_space<vmem>>, vector<8x128xf32>
    %broadcast_in_dim3A = arith.constant 1.000000e+00 : f32
    %broadcast_in_dim3A_65 = vector.broadcast %broadcast_in_dim3A : f32 to vector<512x128xf32>
    %dot_general3A_66 = arith.constant dense<0.000000e+00> : vector<8x128xf32>
    %dot_general3A_67 = tpu.matmul %get3A_42, %broadcast_in_dim3A_65, %dot_general3A_66 {dimension_numbers = #tpu.dot_dimension_numbers<[0], [0], [1], [1], [0, 1, 1, 1], [], []>, transpose_lhs_hint = false} : vector<512x8xf32>, vector<512x128xf32>, vector<8x128xf32> -> vector<8x128xf32>
    %add3A_68 = arith.addf %get3A_64, %dot_general3A_67 : vector<8x128xf32>
    %swap3A_69 = arith.constant 0 : index
    %swap3A_70 = arith.constant 0 : index
    %swap3A_71 = vector.load %arg7[%swap3A_69, %swap3A_70] : memref<8x128xf32, #tpu.memory_space<vmem>>, vector<8x128xf32>
    tpu.vector_store %arg7[%swap3A_69, %swap3A_70], %add3A_68 {strides = array<i32>} : memref<8x128xf32, #tpu.memory_space<vmem>>, vector<8x128xf32>,
    return
  }
  func.func @transform_0(%arg0: i32) -> (i32, i32, i32, i32) {
    %c0_i32 = arith.constant 0 : i32
    %c0_i32_0 = arith.constant 0 : i32
    %c0_i32_1 = arith.constant 0 : i32
    %c0_i32_2 = arith.constant 0 : i32
    return %c0_i32, %c0_i32_0, %arg0, %c0_i32_1 : i32, i32, i32, i32
  }
  func.func @transform_1(%arg0: i32) -> (i32, i32) {
    %c0_i32 = arith.constant 0 : i32
    %c0_i32_0 = arith.constant 0 : i32
    %c0_i32_1 = arith.constant 0 : i32
    return %c0_i32, %c0_i32_0 : i32, i32
  }
  func.func @transform_2(%arg0: i32) -> (i32, i32) {
    %c0_i32 = arith.constant 0 : i32
    %c0_i32_0 = arith.constant 0 : i32
    return %arg0, %c0_i32 : i32, i32
  }
  func.func @transform_3(%arg0: i32) -> (i32, i32) {
    %c0_i32 = arith.constant 0 : i32
    %c0_i32_0 = arith.constant 0 : i32
    return %arg0, %c0_i32 : i32, i32
  }
  func.func @transform_4(%arg0: i32) -> (i32, i32) {
    %c0_i32 = arith.constant 0 : i32
    %c0_i32_0 = arith.constant 0 : i32
    %c0_i32_1 = arith.constant 0 : i32
    return %c0_i32, %c0_i32_0 : i32, i32
  }
  func.func @transform_5(%arg0: i32) -> (i32, i32) {
    %c0_i32 = arith.constant 0 : i32
    %c0_i32_0 = arith.constant 0 : i32
    %c0_i32_1 = arith.constant 0 : i32
    return %c0_i32, %c0_i32_0 : i32, i32
  }
  func.func @transform_6(%arg0: i32) -> (i32, i32) {
    %c0_i32 = arith.constant 0 : i32
    %c0_i32_0 = arith.constant 0 : i32
    %c0_i32_1 = arith.constant 0 : i32
    return %c0_i32, %c0_i32_0 : i32, i32
  }
}

module attributes {stable_mosaic.version = 14 : i64} {
  func.func @_t2_body(%arg0: i32, %arg1: memref<512x192xf32, #tpu.memory_space<vmem>>, %arg2: memref<8x192xf32, #tpu.memory_space<vmem>>, %arg3: memref<8x192xf32, #tpu.memory_space<vmem>>, %arg4: memref<8x128xf32, #tpu.memory_space<vmem>>, %arg5: memref<512x8xf32, #tpu.memory_space<vmem>>, %arg6: memref<1x192xf32, #tpu.memory_space<vmem>>, %arg7: memref<1x192xf32, #tpu.memory_space<vmem>>, %arg8: memref<192x256xf32, #tpu.memory_space<vmem>>, %arg9: memref<1x256xf32, #tpu.memory_space<vmem>>, %arg10: memref<192x256xf32, #tpu.memory_space<vmem>>, %arg11: memref<1x256xf32, #tpu.memory_space<vmem>>, %arg12: memref<512x256xf32, #tpu.memory_space<vmem>>, %arg13: memref<512x256xf32, #tpu.memory_space<vmem>>) attributes {dimension_semantics = [#tpu.dimension_semantics<arbitrary>], iteration_bounds = array<i64: 20>, scalar_prefetch = 0 : i64, scratch_operands = 0 : i64, tpu.core_type = #tpu.core_type<tc>, window_params = [{transform_indices = @transform_0, window_bounds = array<i64: 512, 192>}, {pipeline_mode = #tpu.pipeline_mode<synchronous>, transform_indices = @transform_1, window_bounds = array<i64: 8, 192>}, {pipeline_mode = #tpu.pipeline_mode<synchronous>, transform_indices = @transform_2, window_bounds = array<i64: 8, 192>}, {pipeline_mode = #tpu.pipeline_mode<synchronous>, transform_indices = @transform_3, window_bounds = array<i64: 8, 128>}, {transform_indices = @transform_4, window_bounds = array<i64: 512, 8>}, {pipeline_mode = #tpu.pipeline_mode<synchronous>, transform_indices = @transform_5, window_bounds = array<i64: 1, 192>}, {pipeline_mode = #tpu.pipeline_mode<synchronous>, transform_indices = @transform_6, window_bounds = array<i64: 1, 192>}, {pipeline_mode = #tpu.pipeline_mode<synchronous>, transform_indices = @transform_7, window_bounds = array<i64: 192, 256>}, {pipeline_mode = #tpu.pipeline_mode<synchronous>, transform_indices = @transform_8, window_bounds = array<i64: 1, 256>}, {pipeline_mode = #tpu.pipeline_mode<synchronous>, transform_indices = @transform_9, window_bounds = array<i64: 192, 256>}, {pipeline_mode = #tpu.pipeline_mode<synchronous>, transform_indices = @transform_10, window_bounds = array<i64: 1, 256>}, {transform_indices = @transform_11, window_bounds = array<i64: 512, 256>}, {transform_indices = @transform_12, window_bounds = array<i64: 512, 256>}]} {
    %get3A = arith.constant 0 : index
    %get3A_0 = arith.constant 0 : index
    %get3A_1 = vector.load %arg4[%get3A, %get3A_0] : memref<8x128xf32, #tpu.memory_space<vmem>>, vector<8x1xf32>
    %mul3A = arith.constant 1.920000e+02 : f32
    %mul3A_2 = vector.broadcast %mul3A : f32 to vector<8x1xf32>
    %mul3A_3 = arith.mulf %get3A_1, %mul3A_2 : vector<8x1xf32>
    %max3A = arith.constant 1.000000e+00 : f32
    %max3A_4 = vector.broadcast %max3A : f32 to vector<8x1xf32>
    %max3A_5 = arith.maximumf %mul3A_3, %max3A_4 : vector<8x1xf32>
    %get3A_6 = arith.constant 0 : index
    %get3A_7 = arith.constant 0 : index
    %get3A_8 = vector.load %arg2[%get3A_6, %get3A_7] : memref<8x192xf32, #tpu.memory_space<vmem>>, vector<8x192xf32>
    %reduce_sum3A = arith.constant dense<0.000000e+00> : vector<8xf32>
    %reduce_sum3A_9 = vector.multi_reduction <add>, %get3A_8, %reduce_sum3A [1] : vector<8x192xf32> to vector<8xf32>
    %broadcast_in_dim3A = vector.shape_cast %reduce_sum3A_9 : vector<8xf32> to vector<8x1xf32>
    %div3A = arith.divf %broadcast_in_dim3A, %max3A_5 : vector<8x1xf32>
    %get3A_10 = arith.constant 0 : index
    %get3A_11 = arith.constant 0 : index
    %get3A_12 = vector.load %arg3[%get3A_10, %get3A_11] : memref<8x192xf32, #tpu.memory_space<vmem>>, vector<8x192xf32>
    %reduce_sum3A_13 = arith.constant dense<0.000000e+00> : vector<8xf32>
    %reduce_sum3A_14 = vector.multi_reduction <add>, %get3A_12, %reduce_sum3A_13 [1] : vector<8x192xf32> to vector<8xf32>
    %broadcast_in_dim3A_15 = vector.shape_cast %reduce_sum3A_14 : vector<8xf32> to vector<8x1xf32>
    %div3A_16 = arith.divf %broadcast_in_dim3A_15, %max3A_5 : vector<8x1xf32>
    %mul3A_17 = arith.mulf %div3A, %div3A : vector<8x1xf32>
    %sub3A = arith.subf %div3A_16, %mul3A_17 : vector<8x1xf32>
    %get3A_18 = arith.constant 0 : index
    %get3A_19 = arith.constant 0 : index
    %get3A_20 = vector.load %arg5[%get3A_18, %get3A_19] : memref<512x8xf32, #tpu.memory_space<vmem>>, vector<512x8xf32>
    %dot_general3A = arith.constant dense<0.000000e+00> : vector<512x1xf32>
    %dot_general3A_21 = tpu.matmul %get3A_20, %div3A, %dot_general3A {dimension_numbers = #tpu.dot_dimension_numbers<[1], [0], [0], [1], [0, 0, 1, 1], [], []>, transpose_lhs_hint = false} : vector<512x8xf32>, vector<8x1xf32>, vector<512x1xf32> -> vector<512x1xf32>
    %dot_general3A_22 = arith.constant dense<0.000000e+00> : vector<512x1xf32>
    %dot_general3A_23 = tpu.matmul %get3A_20, %sub3A, %dot_general3A_22 {dimension_numbers = #tpu.dot_dimension_numbers<[1], [0], [0], [1], [0, 0, 1, 1], [], []>, transpose_lhs_hint = false} : vector<512x8xf32>, vector<8x1xf32>, vector<512x1xf32> -> vector<512x1xf32>
    %get3A_24 = arith.constant 0 : index
    %get3A_25 = arith.constant 0 : index
    %get3A_26 = vector.load %arg1[%get3A_24, %get3A_25] : memref<512x192xf32, #tpu.memory_space<vmem>>, vector<512x192xf32>
    %sub3A_27 = vector.broadcast %dot_general3A_21 : vector<512x1xf32> to vector<512x192xf32>
    %sub3A_28 = arith.subf %get3A_26, %sub3A_27 : vector<512x192xf32>
    %add3A = arith.constant 9.99999974E-6 : f32
    %add3A_29 = vector.broadcast %add3A : f32 to vector<512x1xf32>
    %add3A_30 = arith.addf %dot_general3A_23, %add3A_29 : vector<512x1xf32>
    %sqrt3A = math.sqrt %add3A_30 : vector<512x1xf32>
    %div3A_31 = vector.broadcast %sqrt3A : vector<512x1xf32> to vector<512x192xf32>
    %div3A_32 = arith.divf %sub3A_28, %div3A_31 : vector<512x192xf32>
    %get3A_33 = arith.constant 0 : index
    %get3A_34 = arith.constant 0 : index
    %get3A_35 = vector.load %arg6[%get3A_33, %get3A_34] : memref<1x192xf32, #tpu.memory_space<vmem>>, vector<1x192xf32>
    %mul3A_36 = vector.broadcast %get3A_35 : vector<1x192xf32> to vector<512x192xf32>
    %mul3A_37 = arith.mulf %div3A_32, %mul3A_36 : vector<512x192xf32>
    %get3A_38 = arith.constant 0 : index
    %get3A_39 = arith.constant 0 : index
    %get3A_40 = vector.load %arg7[%get3A_38, %get3A_39] : memref<1x192xf32, #tpu.memory_space<vmem>>, vector<1x192xf32>
    %add3A_41 = vector.broadcast %get3A_40 : vector<1x192xf32> to vector<512x192xf32>
    %add3A_42 = arith.addf %mul3A_37, %add3A_41 : vector<512x192xf32>
    %get3A_43 = arith.constant 0 : index
    %get3A_44 = arith.constant 0 : index
    %get3A_45 = vector.load %arg8[%get3A_43, %get3A_44] : memref<192x256xf32, #tpu.memory_space<vmem>>, vector<192x256xf32>
    %dot_general3A_46 = arith.constant dense<0.000000e+00> : vector<512x256xf32>
    %dot_general3A_47 = tpu.matmul %add3A_42, %get3A_45, %dot_general3A_46 {dimension_numbers = #tpu.dot_dimension_numbers<[1], [0], [0], [1], [0, 0, 1, 1], [], []>, transpose_lhs_hint = false} : vector<512x192xf32>, vector<192x256xf32>, vector<512x256xf32> -> vector<512x256xf32>
    %get3A_48 = arith.constant 0 : index
    %get3A_49 = arith.constant 0 : index
    %get3A_50 = vector.load %arg9[%get3A_48, %get3A_49] : memref<1x256xf32, #tpu.memory_space<vmem>>, vector<1x256xf32>
    %add3A_51 = vector.broadcast %get3A_50 : vector<1x256xf32> to vector<512x256xf32>
    %add3A_52 = arith.addf %dot_general3A_47, %add3A_51 : vector<512x256xf32>
    %swap3A = arith.constant 0 : index
    %swap3A_53 = arith.constant 0 : index
    %swap3A_54 = vector.load %arg12[%swap3A, %swap3A_53] : memref<512x256xf32, #tpu.memory_space<vmem>>, vector<512x256xf32>
    tpu.vector_store %arg12[%swap3A, %swap3A_53], %add3A_52 {strides = array<i32>} : memref<512x256xf32, #tpu.memory_space<vmem>>, vector<512x256xf32>,
    %get3A_55 = arith.constant 0 : index
    %get3A_56 = arith.constant 0 : index
    %get3A_57 = vector.load %arg10[%get3A_55, %get3A_56] : memref<192x256xf32, #tpu.memory_space<vmem>>, vector<192x256xf32>
    %dot_general3A_58 = arith.constant dense<0.000000e+00> : vector<512x256xf32>
    %dot_general3A_59 = tpu.matmul %add3A_42, %get3A_57, %dot_general3A_58 {dimension_numbers = #tpu.dot_dimension_numbers<[1], [0], [0], [1], [0, 0, 1, 1], [], []>, transpose_lhs_hint = false} : vector<512x192xf32>, vector<192x256xf32>, vector<512x256xf32> -> vector<512x256xf32>
    %get3A_60 = arith.constant 0 : index
    %get3A_61 = arith.constant 0 : index
    %get3A_62 = vector.load %arg11[%get3A_60, %get3A_61] : memref<1x256xf32, #tpu.memory_space<vmem>>, vector<1x256xf32>
    %add3A_63 = vector.broadcast %get3A_62 : vector<1x256xf32> to vector<512x256xf32>
    %add3A_64 = arith.addf %dot_general3A_59, %add3A_63 : vector<512x256xf32>
    %swap3A_65 = arith.constant 0 : index
    %swap3A_66 = arith.constant 0 : index
    %swap3A_67 = vector.load %arg13[%swap3A_65, %swap3A_66] : memref<512x256xf32, #tpu.memory_space<vmem>>, vector<512x256xf32>
    tpu.vector_store %arg13[%swap3A_65, %swap3A_66], %add3A_64 {strides = array<i32>} : memref<512x256xf32, #tpu.memory_space<vmem>>, vector<512x256xf32>,
    return
  }
  func.func @transform_0(%arg0: i32) -> (i32, i32) {
    %c0_i32 = arith.constant 0 : i32
    %c0_i32_0 = arith.constant 0 : i32
    return %arg0, %c0_i32 : i32, i32
  }
  func.func @transform_1(%arg0: i32) -> (i32, i32) {
    %c0_i32 = arith.constant 0 : i32
    %c0_i32_0 = arith.constant 0 : i32
    %c0_i32_1 = arith.constant 0 : i32
    return %c0_i32, %c0_i32_0 : i32, i32
  }
  func.func @transform_2(%arg0: i32) -> (i32, i32) {
    %c0_i32 = arith.constant 0 : i32
    %c0_i32_0 = arith.constant 0 : i32
    %c0_i32_1 = arith.constant 0 : i32
    return %c0_i32, %c0_i32_0 : i32, i32
  }
  func.func @transform_3(%arg0: i32) -> (i32, i32) {
    %c0_i32 = arith.constant 0 : i32
    %c0_i32_0 = arith.constant 0 : i32
    %c0_i32_1 = arith.constant 0 : i32
    return %c0_i32, %c0_i32_0 : i32, i32
  }
  func.func @transform_4(%arg0: i32) -> (i32, i32) {
    %c0_i32 = arith.constant 0 : i32
    %c0_i32_0 = arith.constant 0 : i32
    return %arg0, %c0_i32 : i32, i32
  }
  func.func @transform_5(%arg0: i32) -> (i32, i32) {
    %c0_i32 = arith.constant 0 : i32
    %c0_i32_0 = arith.constant 0 : i32
    %c0_i32_1 = arith.constant 0 : i32
    return %c0_i32, %c0_i32_0 : i32, i32
  }
  func.func @transform_6(%arg0: i32) -> (i32, i32) {
    %c0_i32 = arith.constant 0 : i32
    %c0_i32_0 = arith.constant 0 : i32
    %c0_i32_1 = arith.constant 0 : i32
    return %c0_i32, %c0_i32_0 : i32, i32
  }
  func.func @transform_7(%arg0: i32) -> (i32, i32) {
    %c0_i32 = arith.constant 0 : i32
    %c0_i32_0 = arith.constant 0 : i32
    %c0_i32_1 = arith.constant 0 : i32
    return %c0_i32, %c0_i32_0 : i32, i32
  }
  func.func @transform_8(%arg0: i32) -> (i32, i32) {
    %c0_i32 = arith.constant 0 : i32
    %c0_i32_0 = arith.constant 0 : i32
    %c0_i32_1 = arith.constant 0 : i32
    return %c0_i32, %c0_i32_0 : i32, i32
  }
  func.func @transform_9(%arg0: i32) -> (i32, i32) {
    %c0_i32 = arith.constant 0 : i32
    %c0_i32_0 = arith.constant 0 : i32
    %c0_i32_1 = arith.constant 0 : i32
    return %c0_i32, %c0_i32_0 : i32, i32
  }
  func.func @transform_10(%arg0: i32) -> (i32, i32) {
    %c0_i32 = arith.constant 0 : i32
    %c0_i32_0 = arith.constant 0 : i32
    %c0_i32_1 = arith.constant 0 : i32
    return %c0_i32, %c0_i32_0 : i32, i32
  }
  func.func @transform_11(%arg0: i32) -> (i32, i32) {
    %c0_i32 = arith.constant 0 : i32
    %c0_i32_0 = arith.constant 0 : i32
    return %arg0, %c0_i32 : i32, i32
  }
  func.func @transform_12(%arg0: i32) -> (i32, i32) {
    %c0_i32 = arith.constant 0 : i32
    %c0_i32_0 = arith.constant 0 : i32
    return %arg0, %c0_i32 : i32, i32
  }
}

module attributes {stable_mosaic.version = 14 : i64} {
  func.func @_t3_body(%arg0: i32, %arg1: memref<2x2x512x128xf32, #tpu.memory_space<vmem>>, %arg2: memref<1x192xf32, #tpu.memory_space<vmem>>, %arg3: memref<512x8xf32, #tpu.memory_space<vmem>>, %arg4: memref<192x384xf32, #tpu.memory_space<vmem>>, %arg5: memref<1x384xf32, #tpu.memory_space<vmem>>, %arg6: memref<192x384xf32, #tpu.memory_space<vmem>>, %arg7: memref<1x384xf32, #tpu.memory_space<vmem>>, %arg8: memref<512x384xf32, #tpu.memory_space<vmem>>, %arg9: memref<512x384xf32, #tpu.memory_space<vmem>>, %arg10: memref<8x192xf32, #tpu.memory_space<vmem>>) attributes {dimension_semantics = [#tpu.dimension_semantics<arbitrary>], iteration_bounds = array<i64: 20>, scalar_prefetch = 0 : i64, scratch_operands = 0 : i64, tpu.core_type = #tpu.core_type<tc>, window_params = [{transform_indices = @transform_0, window_bounds = array<i64: 2, 2, 512, 128>}, {pipeline_mode = #tpu.pipeline_mode<synchronous>, transform_indices = @transform_1, window_bounds = array<i64: 1, 192>}, {transform_indices = @transform_2, window_bounds = array<i64: 512, 8>}, {pipeline_mode = #tpu.pipeline_mode<synchronous>, transform_indices = @transform_3, window_bounds = array<i64: 192, 384>}, {pipeline_mode = #tpu.pipeline_mode<synchronous>, transform_indices = @transform_4, window_bounds = array<i64: 1, 384>}, {pipeline_mode = #tpu.pipeline_mode<synchronous>, transform_indices = @transform_5, window_bounds = array<i64: 192, 384>}, {pipeline_mode = #tpu.pipeline_mode<synchronous>, transform_indices = @transform_6, window_bounds = array<i64: 1, 384>}, {transform_indices = @transform_7, window_bounds = array<i64: 512, 384>}, {transform_indices = @transform_8, window_bounds = array<i64: 512, 384>}, {pipeline_mode = #tpu.pipeline_mode<synchronous>, transform_indices = @transform_9, window_bounds = array<i64: 8, 192>}]} {
    %get3A = arith.constant 0 : index
    %get3A_0 = arith.constant 0 : index
    %get3A_1 = arith.constant 0 : index
    %get3A_2 = arith.constant 0 : index
    %get3A_3 = vector.load %arg1[%get3A, %get3A_0, %get3A_1, %get3A_2] : memref<2x2x512x128xf32, #tpu.memory_space<vmem>>, vector<2x2x512x128xf32>
    %get3A_4 = arith.constant 0 : index
    %get3A_5 = arith.constant 0 : index
    %get3A_6 = vector.load %arg2[%get3A_4, %get3A_5] : memref<1x192xf32, #tpu.memory_space<vmem>>, vector<1x192xf32>
    %slice3A = vector.extract_strided_slice %get3A_3 {offsets = [0, 0, 0, 0], sizes = [1, 1, 512, 128], strides = [1, 1, 1, 1]} : vector<2x2x512x128xf32> to vector<1x1x512x128xf32>
    %squeeze3A = vector.shape_cast %slice3A : vector<1x1x512x128xf32> to vector<512x128xf32>
    %slice3A_7 = vector.extract_strided_slice %get3A_3 {offsets = [1, 0, 0, 0], sizes = [1, 1, 512, 128], strides = [1, 1, 1, 1]} : vector<2x2x512x128xf32> to vector<1x1x512x128xf32>
    %squeeze3A_8 = vector.shape_cast %slice3A_7 : vector<1x1x512x128xf32> to vector<512x128xf32>
    %add3A = arith.addf %squeeze3A, %squeeze3A_8 : vector<512x128xf32>
    %slice3A_9 = vector.extract_strided_slice %get3A_3 {offsets = [0, 1, 0, 0], sizes = [1, 1, 512, 128], strides = [1, 1, 1, 1]} : vector<2x2x512x128xf32> to vector<1x1x512x128xf32>
    %squeeze3A_10 = vector.shape_cast %slice3A_9 : vector<1x1x512x128xf32> to vector<512x128xf32>
    %slice3A_11 = vector.extract_strided_slice %get3A_3 {offsets = [1, 1, 0, 0], sizes = [1, 1, 512, 128], strides = [1, 1, 1, 1]} : vector<2x2x512x128xf32> to vector<1x1x512x128xf32>
    %squeeze3A_12 = vector.shape_cast %slice3A_11 : vector<1x1x512x128xf32> to vector<512x128xf32>
    %add3A_13 = arith.addf %squeeze3A_10, %squeeze3A_12 : vector<512x128xf32>
    %slice3A_14 = vector.extract_strided_slice %add3A {offsets = [0, 0], sizes = [512, 64], strides = [1, 1]} : vector<512x128xf32> to vector<512x64xf32>
    %slice3A_15 = vector.extract_strided_slice %add3A_13 {offsets = [0, 64], sizes = [512, 1], strides = [1, 1]} : vector<512x128xf32> to vector<512x1xf32>
    %add3A_16 = arith.constant 1.000000e-16 : f32
    %add3A_17 = vector.broadcast %add3A_16 : f32 to vector<512x1xf32>
    %add3A_18 = arith.addf %slice3A_15, %add3A_17 : vector<512x1xf32>
    %div3A = vector.broadcast %add3A_18 : vector<512x1xf32> to vector<512x64xf32>
    %div3A_19 = arith.divf %slice3A_14, %div3A : vector<512x64xf32>
    %slice3A_20 = vector.extract_strided_slice %add3A {offsets = [0, 64], sizes = [512, 64], strides = [1, 1]} : vector<512x128xf32> to vector<512x64xf32>
    %slice3A_21 = vector.extract_strided_slice %add3A_13 {offsets = [0, 65], sizes = [512, 1], strides = [1, 1]} : vector<512x128xf32> to vector<512x1xf32>
    %add3A_22 = arith.constant 1.000000e-16 : f32
    %add3A_23 = vector.broadcast %add3A_22 : f32 to vector<512x1xf32>
    %add3A_24 = arith.addf %slice3A_21, %add3A_23 : vector<512x1xf32>
    %div3A_25 = vector.broadcast %add3A_24 : vector<512x1xf32> to vector<512x64xf32>
    %div3A_26 = arith.divf %slice3A_20, %div3A_25 : vector<512x64xf32>
    %slice3A_27 = vector.extract_strided_slice %add3A_13 {offsets = [0, 0], sizes = [512, 64], strides = [1, 1]} : vector<512x128xf32> to vector<512x64xf32>
    %slice3A_28 = vector.extract_strided_slice %add3A_13 {offsets = [0, 66], sizes = [512, 1], strides = [1, 1]} : vector<512x128xf32> to vector<512x1xf32>
    %add3A_29 = arith.constant 1.000000e-16 : f32
    %add3A_30 = vector.broadcast %add3A_29 : f32 to vector<512x1xf32>
    %add3A_31 = arith.addf %slice3A_28, %add3A_30 : vector<512x1xf32>
    %div3A_32 = vector.broadcast %add3A_31 : vector<512x1xf32> to vector<512x64xf32>
    %div3A_33 = arith.divf %slice3A_27, %div3A_32 : vector<512x64xf32>
    %concatenate3A = tpu.concatenate %div3A_19, %div3A_26, %div3A_33 in 1 : vector<512x64xf32>, vector<512x64xf32>, vector<512x64xf32> -> vector<512x192xf32>
    %add3A_34 = vector.broadcast %get3A_6 : vector<1x192xf32> to vector<512x192xf32>
    %add3A_35 = arith.addf %concatenate3A, %add3A_34 : vector<512x192xf32>
    %get3A_36 = arith.constant 0 : index
    %get3A_37 = arith.constant 0 : index
    %get3A_38 = vector.load %arg3[%get3A_36, %get3A_37] : memref<512x8xf32, #tpu.memory_space<vmem>>, vector<512x8xf32>
    %eq3A = arith.constant 0 : i32
    %eq3A_39 = arith.cmpi eq, %arg0, %eq3A : i32
    %convert_element_type3A = arith.extui %eq3A_39 : i1 to i32
    %cond3A = arith.constant 0 : i32
    %cond3A_40 = arith.cmpi ne, %convert_element_type3A, %cond3A : i32
    scf.if %cond3A_40 {
      %broadcast_in_dim3A = arith.constant 0.000000e+00 : f32
      %broadcast_in_dim3A_76 = vector.broadcast %broadcast_in_dim3A : f32 to vector<8x192xf32>
      %swap3A_77 = arith.constant 0 : index
      %swap3A_78 = arith.constant 0 : index
      %swap3A_79 = vector.load %arg10[%swap3A_77, %swap3A_78] : memref<8x192xf32, #tpu.memory_space<vmem>>, vector<8x192xf32>
      tpu.vector_store %arg10[%swap3A_77, %swap3A_78], %broadcast_in_dim3A_76 {strides = array<i32>} : memref<8x192xf32, #tpu.memory_space<vmem>>, vector<8x192xf32>,
    } else {
    }
    %get3A_41 = arith.constant 0 : index
    %get3A_42 = arith.constant 0 : index
    %get3A_43 = vector.load %arg10[%get3A_41, %get3A_42] : memref<8x192xf32, #tpu.memory_space<vmem>>, vector<8x192xf32>
    %dot_general3A = arith.constant dense<0.000000e+00> : vector<8x192xf32>
    %dot_general3A_44 = tpu.matmul %get3A_38, %add3A_35, %dot_general3A {dimension_numbers = #tpu.dot_dimension_numbers<[0], [0], [1], [1], [0, 1, 1, 1], [], []>, transpose_lhs_hint = false} : vector<512x8xf32>, vector<512x192xf32>, vector<8x192xf32> -> vector<8x192xf32>
    %add3A_45 = arith.addf %get3A_43, %dot_general3A_44 : vector<8x192xf32>
    %swap3A = arith.constant 0 : index
    %swap3A_46 = arith.constant 0 : index
    %swap3A_47 = vector.load %arg10[%swap3A, %swap3A_46] : memref<8x192xf32, #tpu.memory_space<vmem>>, vector<8x192xf32>
    tpu.vector_store %arg10[%swap3A, %swap3A_46], %add3A_45 {strides = array<i32>} : memref<8x192xf32, #tpu.memory_space<vmem>>, vector<8x192xf32>,
    %max3A = arith.constant 0.000000e+00 : f32
    %max3A_48 = vector.broadcast %max3A : f32 to vector<512x192xf32>
    %max3A_49 = arith.maximumf %add3A_35, %max3A_48 : vector<512x192xf32>
    %get3A_50 = arith.constant 0 : index
    %get3A_51 = arith.constant 0 : index
    %get3A_52 = vector.load %arg4[%get3A_50, %get3A_51] : memref<192x384xf32, #tpu.memory_space<vmem>>, vector<192x384xf32>
    %dot_general3A_53 = arith.constant dense<0.000000e+00> : vector<512x384xf32>
    %dot_general3A_54 = tpu.matmul %max3A_49, %get3A_52, %dot_general3A_53 {dimension_numbers = #tpu.dot_dimension_numbers<[1], [0], [0], [1], [0, 0, 1, 1], [], []>, transpose_lhs_hint = false} : vector<512x192xf32>, vector<192x384xf32>, vector<512x384xf32> -> vector<512x384xf32>
    %get3A_55 = arith.constant 0 : index
    %get3A_56 = arith.constant 0 : index
    %get3A_57 = vector.load %arg5[%get3A_55, %get3A_56] : memref<1x384xf32, #tpu.memory_space<vmem>>, vector<1x384xf32>
    %add3A_58 = vector.broadcast %get3A_57 : vector<1x384xf32> to vector<512x384xf32>
    %add3A_59 = arith.addf %dot_general3A_54, %add3A_58 : vector<512x384xf32>
    %swap3A_60 = arith.constant 0 : index
    %swap3A_61 = arith.constant 0 : index
    %swap3A_62 = vector.load %arg8[%swap3A_60, %swap3A_61] : memref<512x384xf32, #tpu.memory_space<vmem>>, vector<512x384xf32>
    tpu.vector_store %arg8[%swap3A_60, %swap3A_61], %add3A_59 {strides = array<i32>} : memref<512x384xf32, #tpu.memory_space<vmem>>, vector<512x384xf32>,
    %get3A_63 = arith.constant 0 : index
    %get3A_64 = arith.constant 0 : index
    %get3A_65 = vector.load %arg6[%get3A_63, %get3A_64] : memref<192x384xf32, #tpu.memory_space<vmem>>, vector<192x384xf32>
    %dot_general3A_66 = arith.constant dense<0.000000e+00> : vector<512x384xf32>
    %dot_general3A_67 = tpu.matmul %max3A_49, %get3A_65, %dot_general3A_66 {dimension_numbers = #tpu.dot_dimension_numbers<[1], [0], [0], [1], [0, 0, 1, 1], [], []>, transpose_lhs_hint = false} : vector<512x192xf32>, vector<192x384xf32>, vector<512x384xf32> -> vector<512x384xf32>
    %get3A_68 = arith.constant 0 : index
    %get3A_69 = arith.constant 0 : index
    %get3A_70 = vector.load %arg7[%get3A_68, %get3A_69] : memref<1x384xf32, #tpu.memory_space<vmem>>, vector<1x384xf32>
    %add3A_71 = vector.broadcast %get3A_70 : vector<1x384xf32> to vector<512x384xf32>
    %add3A_72 = arith.addf %dot_general3A_67, %add3A_71 : vector<512x384xf32>
    %swap3A_73 = arith.constant 0 : index
    %swap3A_74 = arith.constant 0 : index
    %swap3A_75 = vector.load %arg9[%swap3A_73, %swap3A_74] : memref<512x384xf32, #tpu.memory_space<vmem>>, vector<512x384xf32>
    tpu.vector_store %arg9[%swap3A_73, %swap3A_74], %add3A_72 {strides = array<i32>} : memref<512x384xf32, #tpu.memory_space<vmem>>, vector<512x384xf32>,
    return
  }
  func.func @transform_0(%arg0: i32) -> (i32, i32, i32, i32) {
    %c0_i32 = arith.constant 0 : i32
    %c0_i32_0 = arith.constant 0 : i32
    %c0_i32_1 = arith.constant 0 : i32
    %c0_i32_2 = arith.constant 0 : i32
    return %c0_i32, %c0_i32_0, %arg0, %c0_i32_1 : i32, i32, i32, i32
  }
  func.func @transform_1(%arg0: i32) -> (i32, i32) {
    %c0_i32 = arith.constant 0 : i32
    %c0_i32_0 = arith.constant 0 : i32
    %c0_i32_1 = arith.constant 0 : i32
    return %c0_i32, %c0_i32_0 : i32, i32
  }
  func.func @transform_2(%arg0: i32) -> (i32, i32) {
    %c0_i32 = arith.constant 0 : i32
    %c0_i32_0 = arith.constant 0 : i32
    return %arg0, %c0_i32 : i32, i32
  }
  func.func @transform_3(%arg0: i32) -> (i32, i32) {
    %c0_i32 = arith.constant 0 : i32
    %c0_i32_0 = arith.constant 0 : i32
    %c0_i32_1 = arith.constant 0 : i32
    return %c0_i32, %c0_i32_0 : i32, i32
  }
  func.func @transform_4(%arg0: i32) -> (i32, i32) {
    %c0_i32 = arith.constant 0 : i32
    %c0_i32_0 = arith.constant 0 : i32
    %c0_i32_1 = arith.constant 0 : i32
    return %c0_i32, %c0_i32_0 : i32, i32
  }
  func.func @transform_5(%arg0: i32) -> (i32, i32) {
    %c0_i32 = arith.constant 0 : i32
    %c0_i32_0 = arith.constant 0 : i32
    %c0_i32_1 = arith.constant 0 : i32
    return %c0_i32, %c0_i32_0 : i32, i32
  }
  func.func @transform_6(%arg0: i32) -> (i32, i32) {
    %c0_i32 = arith.constant 0 : i32
    %c0_i32_0 = arith.constant 0 : i32
    %c0_i32_1 = arith.constant 0 : i32
    return %c0_i32, %c0_i32_0 : i32, i32
  }
  func.func @transform_7(%arg0: i32) -> (i32, i32) {
    %c0_i32 = arith.constant 0 : i32
    %c0_i32_0 = arith.constant 0 : i32
    return %arg0, %c0_i32 : i32, i32
  }
  func.func @transform_8(%arg0: i32) -> (i32, i32) {
    %c0_i32 = arith.constant 0 : i32
    %c0_i32_0 = arith.constant 0 : i32
    return %arg0, %c0_i32 : i32, i32
  }
  func.func @transform_9(%arg0: i32) -> (i32, i32) {
    %c0_i32 = arith.constant 0 : i32
    %c0_i32_0 = arith.constant 0 : i32
    %c0_i32_1 = arith.constant 0 : i32
    return %c0_i32, %c0_i32_0 : i32, i32
  }
}

module attributes {stable_mosaic.version = 14 : i64} {
  func.func @body(%arg0: i32, %arg1: memref<512x384xf32, #tpu.memory_space<vmem>>, %arg2: memref<512x384xf32, #tpu.memory_space<vmem>>, %arg3: memref<1x384xf32, #tpu.memory_space<vmem>>, %arg4: memref<512x128xf32, #tpu.memory_space<vmem>>, %arg5: memref<512x128xf32, #tpu.memory_space<vmem>>, %arg6: memref<512x128xf32, #tpu.memory_space<vmem>>, %arg7: memref<512x128xf32, #tpu.memory_space<vmem>>) attributes {dimension_semantics = [#tpu.dimension_semantics<arbitrary>], iteration_bounds = array<i64: 336>, scalar_prefetch = 0 : i64, scratch_operands = 0 : i64, tpu.core_type = #tpu.core_type<tc>, window_params = [{transform_indices = @transform_0, window_bounds = array<i64: 512, 384>}, {transform_indices = @transform_1, window_bounds = array<i64: 512, 384>}, {pipeline_mode = #tpu.pipeline_mode<synchronous>, transform_indices = @transform_2, window_bounds = array<i64: 1, 384>}, {transform_indices = @transform_3, window_bounds = array<i64: 512, 128>}, {transform_indices = @transform_4, window_bounds = array<i64: 512, 128>}, {transform_indices = @transform_5, window_bounds = array<i64: 512, 128>}, {transform_indices = @transform_6, window_bounds = array<i64: 512, 128>}]} {
    %get3A = arith.constant 0 : index
    %get3A_0 = arith.constant 0 : index
    %get3A_1 = vector.load %arg1[%get3A, %get3A_0] : memref<512x384xf32, #tpu.memory_space<vmem>>, vector<512x384xf32>
    %get3A_2 = arith.constant 0 : index
    %get3A_3 = arith.constant 0 : index
    %get3A_4 = vector.load %arg2[%get3A_2, %get3A_3] : memref<512x384xf32, #tpu.memory_space<vmem>>, vector<512x384xf32>
    %add3A = arith.addf %get3A_1, %get3A_4 : vector<512x384xf32>
    %ge3A = arith.constant 0.000000e+00 : f32
    %ge3A_5 = vector.broadcast %ge3A : f32 to vector<512x384xf32>
    %ge3A_6 = arith.cmpf oge, %add3A, %ge3A_5 : vector<512x384xf32>
    %mul3A = arith.constant 2.000000e-01 : f32
    %mul3A_7 = vector.broadcast %mul3A : f32 to vector<512x384xf32>
    %mul3A_8 = arith.mulf %mul3A_7, %add3A : vector<512x384xf32>
    %select_n3A = arith.select %ge3A_6, %add3A, %mul3A_8 : vector<512x384xi1>, vector<512x384xf32>
    %get3A_9 = arith.constant 0 : index
    %get3A_10 = arith.constant 0 : index
    %get3A_11 = vector.load %arg3[%get3A_9, %get3A_10] : memref<1x384xf32, #tpu.memory_space<vmem>>, vector<1x384xf32>
    %mul3A_12 = vector.broadcast %get3A_11 : vector<1x384xf32> to vector<512x384xf32>
    %mul3A_13 = arith.mulf %select_n3A, %mul3A_12 : vector<512x384xf32>
    %slice3A = vector.extract_strided_slice %mul3A_13 {offsets = [0, 0], sizes = [512, 128], strides = [1, 1]} : vector<512x384xf32> to vector<512x128xf32>
    %reduce_sum3A = arith.constant dense<0.000000e+00> : vector<512xf32>
    %reduce_sum3A_14 = vector.multi_reduction <add>, %slice3A, %reduce_sum3A [1] : vector<512x128xf32> to vector<512xf32>
    %broadcast_in_dim3A = vector.shape_cast %reduce_sum3A_14 : vector<512xf32> to vector<512x1xf32>
    %exp3A = math.exp %broadcast_in_dim3A : vector<512x1xf32>
    %slice3A_15 = vector.extract_strided_slice %mul3A_13 {offsets = [0, 128], sizes = [512, 128], strides = [1, 1]} : vector<512x384xf32> to vector<512x128xf32>
    %reduce_sum3A_16 = arith.constant dense<0.000000e+00> : vector<512xf32>
    %reduce_sum3A_17 = vector.multi_reduction <add>, %slice3A_15, %reduce_sum3A_16 [1] : vector<512x128xf32> to vector<512xf32>
    %broadcast_in_dim3A_18 = vector.shape_cast %reduce_sum3A_17 : vector<512xf32> to vector<512x1xf32>
    %exp3A_19 = math.exp %broadcast_in_dim3A_18 : vector<512x1xf32>
    %slice3A_20 = vector.extract_strided_slice %mul3A_13 {offsets = [0, 256], sizes = [512, 128], strides = [1, 1]} : vector<512x384xf32> to vector<512x128xf32>
    %reduce_sum3A_21 = arith.constant dense<0.000000e+00> : vector<512xf32>
    %reduce_sum3A_22 = vector.multi_reduction <add>, %slice3A_20, %reduce_sum3A_21 [1] : vector<512x128xf32> to vector<512xf32>
    %broadcast_in_dim3A_23 = vector.shape_cast %reduce_sum3A_22 : vector<512xf32> to vector<512x1xf32>
    %exp3A_24 = math.exp %broadcast_in_dim3A_23 : vector<512x1xf32>
    %slice3A_25 = vector.extract_strided_slice %get3A_1 {offsets = [0, 0], sizes = [512, 128], strides = [1, 1]} : vector<512x384xf32> to vector<512x128xf32>
    %mul3A_26 = vector.broadcast %exp3A : vector<512x1xf32> to vector<512x128xf32>
    %mul3A_27 = arith.mulf %slice3A_25, %mul3A_26 : vector<512x128xf32>
    %swap3A = arith.constant 0 : index
    %swap3A_28 = arith.constant 0 : index
    %swap3A_29 = vector.load %arg4[%swap3A, %swap3A_28] : memref<512x128xf32, #tpu.memory_space<vmem>>, vector<512x128xf32>
    tpu.vector_store %arg4[%swap3A, %swap3A_28], %mul3A_27 {strides = array<i32>} : memref<512x128xf32, #tpu.memory_space<vmem>>, vector<512x128xf32>,
    %slice3A_30 = vector.extract_strided_slice %get3A_1 {offsets = [0, 128], sizes = [512, 128], strides = [1, 1]} : vector<512x384xf32> to vector<512x128xf32>
    %mul3A_31 = vector.broadcast %exp3A_19 : vector<512x1xf32> to vector<512x128xf32>
    %mul3A_32 = arith.mulf %slice3A_30, %mul3A_31 : vector<512x128xf32>
    %swap3A_33 = arith.constant 0 : index
    %swap3A_34 = arith.constant 0 : index
    %swap3A_35 = vector.load %arg5[%swap3A_33, %swap3A_34] : memref<512x128xf32, #tpu.memory_space<vmem>>, vector<512x128xf32>
    tpu.vector_store %arg5[%swap3A_33, %swap3A_34], %mul3A_32 {strides = array<i32>} : memref<512x128xf32, #tpu.memory_space<vmem>>, vector<512x128xf32>,
    %slice3A_36 = vector.extract_strided_slice %get3A_1 {offsets = [0, 256], sizes = [512, 128], strides = [1, 1]} : vector<512x384xf32> to vector<512x128xf32>
    %mul3A_37 = vector.broadcast %exp3A_24 : vector<512x1xf32> to vector<512x128xf32>
    %mul3A_38 = arith.mulf %slice3A_36, %mul3A_37 : vector<512x128xf32>
    %swap3A_39 = arith.constant 0 : index
    %swap3A_40 = arith.constant 0 : index
    %swap3A_41 = vector.load %arg6[%swap3A_39, %swap3A_40] : memref<512x128xf32, #tpu.memory_space<vmem>>, vector<512x128xf32>
    tpu.vector_store %arg6[%swap3A_39, %swap3A_40], %mul3A_38 {strides = array<i32>} : memref<512x128xf32, #tpu.memory_space<vmem>>, vector<512x128xf32>,
    %iota3A = tpu.iota {dimensions = array<i32: 1>} : vector<512x128xi32>
    %broadcast_in_dim3A_42 = arith.constant 0.000000e+00 : f32
    %broadcast_in_dim3A_43 = vector.broadcast %broadcast_in_dim3A_42 : f32 to vector<512x128xf32>
    %eq3A = arith.constant 0 : i32
    %eq3A_44 = vector.broadcast %eq3A : i32 to vector<512x128xi32>
    %eq3A_45 = arith.cmpi eq, %iota3A, %eq3A_44 : vector<512x128xi32>
    %broadcast_in_dim3A_46 = vector.shape_cast %exp3A : vector<512x1xf32> to vector<512x1xf32>
    %broadcast_in_dim3A_47 = vector.broadcast %broadcast_in_dim3A_46 : vector<512x1xf32> to vector<512x128xf32>
    %select_n3A_48 = arith.select %eq3A_45, %broadcast_in_dim3A_47, %broadcast_in_dim3A_43 : vector<512x128xi1>, vector<512x128xf32>
    %eq3A_49 = arith.constant 1 : i32
    %eq3A_50 = vector.broadcast %eq3A_49 : i32 to vector<512x128xi32>
    %eq3A_51 = arith.cmpi eq, %iota3A, %eq3A_50 : vector<512x128xi32>
    %broadcast_in_dim3A_52 = vector.shape_cast %exp3A_19 : vector<512x1xf32> to vector<512x1xf32>
    %broadcast_in_dim3A_53 = vector.broadcast %broadcast_in_dim3A_52 : vector<512x1xf32> to vector<512x128xf32>
    %select_n3A_54 = arith.select %eq3A_51, %broadcast_in_dim3A_53, %select_n3A_48 : vector<512x128xi1>, vector<512x128xf32>
    %eq3A_55 = arith.constant 2 : i32
    %eq3A_56 = vector.broadcast %eq3A_55 : i32 to vector<512x128xi32>
    %eq3A_57 = arith.cmpi eq, %iota3A, %eq3A_56 : vector<512x128xi32>
    %broadcast_in_dim3A_58 = vector.shape_cast %exp3A_24 : vector<512x1xf32> to vector<512x1xf32>
    %broadcast_in_dim3A_59 = vector.broadcast %broadcast_in_dim3A_58 : vector<512x1xf32> to vector<512x128xf32>
    %select_n3A_60 = arith.select %eq3A_57, %broadcast_in_dim3A_59, %select_n3A_54 : vector<512x128xi1>, vector<512x128xf32>
    %swap3A_61 = arith.constant 0 : index
    %swap3A_62 = arith.constant 0 : index
    %swap3A_63 = vector.load %arg7[%swap3A_61, %swap3A_62] : memref<512x128xf32, #tpu.memory_space<vmem>>, vector<512x128xf32>
    tpu.vector_store %arg7[%swap3A_61, %swap3A_62], %select_n3A_60 {strides = array<i32>} : memref<512x128xf32, #tpu.memory_space<vmem>>, vector<512x128xf32>,
    return
  }
  func.func @transform_0(%arg0: i32) -> (i32, i32) {
    %c0_i32 = arith.constant 0 : i32
    %c0_i32_0 = arith.constant 0 : i32
    return %arg0, %c0_i32 : i32, i32
  }
  func.func @transform_1(%arg0: i32) -> (i32, i32) {
    %c0_i32 = arith.constant 0 : i32
    %c0_i32_0 = arith.constant 0 : i32
    return %arg0, %c0_i32 : i32, i32
  }
  func.func @transform_2(%arg0: i32) -> (i32, i32) {
    %c0_i32 = arith.constant 0 : i32
    %c0_i32_0 = arith.constant 0 : i32
    %c0_i32_1 = arith.constant 0 : i32
    return %c0_i32, %c0_i32_0 : i32, i32
  }
  func.func @transform_3(%arg0: i32) -> (i32, i32) {
    %c0_i32 = arith.constant 0 : i32
    %c0_i32_0 = arith.constant 0 : i32
    return %arg0, %c0_i32 : i32, i32
  }
  func.func @transform_4(%arg0: i32) -> (i32, i32) {
    %c0_i32 = arith.constant 0 : i32
    %c0_i32_0 = arith.constant 0 : i32
    return %arg0, %c0_i32 : i32, i32
  }
  func.func @transform_5(%arg0: i32) -> (i32, i32) {
    %c0_i32 = arith.constant 0 : i32
    %c0_i32_0 = arith.constant 0 : i32
    return %arg0, %c0_i32 : i32, i32
  }
  func.func @transform_6(%arg0: i32) -> (i32, i32) {
    %c0_i32 = arith.constant 0 : i32
    %c0_i32_0 = arith.constant 0 : i32
    return %arg0, %c0_i32 : i32, i32
  }
}

module attributes {stable_mosaic.version = 14 : i64} {
  func.func @_t4_body(%arg0: i32, %arg1: memref<2x4x512x128xf32, #tpu.memory_space<vmem>>, %arg2: memref<1x128xf32, #tpu.memory_space<vmem>>, %arg3: memref<8x192xf32, #tpu.memory_space<vmem>>, %arg4: memref<8x128xf32, #tpu.memory_space<vmem>>, %arg5: memref<192x128xf32, #tpu.memory_space<vmem>>, %arg6: memref<1x128xf32, #tpu.memory_space<vmem>>, %arg7: memref<512x128xf32, #tpu.memory_space<vmem>>, %arg8: memref<8x128xf32, #tpu.memory_space<vmem>>) attributes {dimension_semantics = [#tpu.dimension_semantics<arbitrary>], iteration_bounds = array<i64: 20>, scalar_prefetch = 0 : i64, scratch_operands = 0 : i64, tpu.core_type = #tpu.core_type<tc>, window_params = [{transform_indices = @transform_0, window_bounds = array<i64: 2, 4, 512, 128>}, {pipeline_mode = #tpu.pipeline_mode<synchronous>, transform_indices = @transform_1, window_bounds = array<i64: 1, 128>}, {pipeline_mode = #tpu.pipeline_mode<synchronous>, transform_indices = @transform_2, window_bounds = array<i64: 8, 192>}, {pipeline_mode = #tpu.pipeline_mode<synchronous>, transform_indices = @transform_3, window_bounds = array<i64: 8, 128>}, {pipeline_mode = #tpu.pipeline_mode<synchronous>, transform_indices = @transform_4, window_bounds = array<i64: 192, 128>}, {pipeline_mode = #tpu.pipeline_mode<synchronous>, transform_indices = @transform_5, window_bounds = array<i64: 1, 128>}, {transform_indices = @transform_6, window_bounds = array<i64: 512, 128>}, {pipeline_mode = #tpu.pipeline_mode<synchronous>, transform_indices = @transform_7, window_bounds = array<i64: 8, 128>}]} {
    %get3A = arith.constant 0 : index
    %get3A_0 = arith.constant 0 : index
    %get3A_1 = arith.constant 0 : index
    %get3A_2 = arith.constant 0 : index
    %get3A_3 = vector.load %arg1[%get3A, %get3A_0, %get3A_1, %get3A_2] : memref<2x4x512x128xf32, #tpu.memory_space<vmem>>, vector<2x4x512x128xf32>
    %slice3A = vector.extract_strided_slice %get3A_3 {offsets = [0, 3, 0, 0], sizes = [1, 1, 512, 128], strides = [1, 1, 1, 1]} : vector<2x4x512x128xf32> to vector<1x1x512x128xf32>
    %squeeze3A = vector.shape_cast %slice3A : vector<1x1x512x128xf32> to vector<512x128xf32>
    %slice3A_4 = vector.extract_strided_slice %get3A_3 {offsets = [1, 3, 0, 0], sizes = [1, 1, 512, 128], strides = [1, 1, 1, 1]} : vector<2x4x512x128xf32> to vector<1x1x512x128xf32>
    %squeeze3A_5 = vector.shape_cast %slice3A_4 : vector<1x1x512x128xf32> to vector<512x128xf32>
    %add3A = arith.addf %squeeze3A, %squeeze3A_5 : vector<512x128xf32>
    %broadcast_in_dim3A = arith.constant 0.000000e+00 : f32
    %broadcast_in_dim3A_6 = vector.broadcast %broadcast_in_dim3A : f32 to vector<512x128xf32>
    %slice3A_7 = vector.extract_strided_slice %get3A_3 {offsets = [0, 0, 0, 0], sizes = [1, 1, 512, 128], strides = [1, 1, 1, 1]} : vector<2x4x512x128xf32> to vector<1x1x512x128xf32>
    %squeeze3A_8 = vector.shape_cast %slice3A_7 : vector<1x1x512x128xf32> to vector<512x128xf32>
    %slice3A_9 = vector.extract_strided_slice %get3A_3 {offsets = [1, 0, 0, 0], sizes = [1, 1, 512, 128], strides = [1, 1, 1, 1]} : vector<2x4x512x128xf32> to vector<1x1x512x128xf32>
    %squeeze3A_10 = vector.shape_cast %slice3A_9 : vector<1x1x512x128xf32> to vector<512x128xf32>
    %add3A_11 = arith.addf %squeeze3A_8, %squeeze3A_10 : vector<512x128xf32>
    %slice3A_12 = vector.extract_strided_slice %add3A {offsets = [0, 0], sizes = [512, 1], strides = [1, 1]} : vector<512x128xf32> to vector<512x1xf32>
    %add3A_13 = arith.constant 1.000000e-16 : f32
    %add3A_14 = vector.broadcast %add3A_13 : f32 to vector<512x1xf32>
    %add3A_15 = arith.addf %slice3A_12, %add3A_14 : vector<512x1xf32>
    %div3A = vector.broadcast %add3A_15 : vector<512x1xf32> to vector<512x128xf32>
    %div3A_16 = arith.divf %add3A_11, %div3A : vector<512x128xf32>
    %add3A_17 = arith.addf %broadcast_in_dim3A_6, %div3A_16 : vector<512x128xf32>
    %slice3A_18 = vector.extract_strided_slice %get3A_3 {offsets = [0, 1, 0, 0], sizes = [1, 1, 512, 128], strides = [1, 1, 1, 1]} : vector<2x4x512x128xf32> to vector<1x1x512x128xf32>
    %squeeze3A_19 = vector.shape_cast %slice3A_18 : vector<1x1x512x128xf32> to vector<512x128xf32>
    %slice3A_20 = vector.extract_strided_slice %get3A_3 {offsets = [1, 1, 0, 0], sizes = [1, 1, 512, 128], strides = [1, 1, 1, 1]} : vector<2x4x512x128xf32> to vector<1x1x512x128xf32>
    %squeeze3A_21 = vector.shape_cast %slice3A_20 : vector<1x1x512x128xf32> to vector<512x128xf32>
    %add3A_22 = arith.addf %squeeze3A_19, %squeeze3A_21 : vector<512x128xf32>
    %slice3A_23 = vector.extract_strided_slice %add3A {offsets = [0, 1], sizes = [512, 1], strides = [1, 1]} : vector<512x128xf32> to vector<512x1xf32>
    %add3A_24 = arith.constant 1.000000e-16 : f32
    %add3A_25 = vector.broadcast %add3A_24 : f32 to vector<512x1xf32>
    %add3A_26 = arith.addf %slice3A_23, %add3A_25 : vector<512x1xf32>
    %div3A_27 = vector.broadcast %add3A_26 : vector<512x1xf32> to vector<512x128xf32>
    %div3A_28 = arith.divf %add3A_22, %div3A_27 : vector<512x128xf32>
    %add3A_29 = arith.addf %add3A_17, %div3A_28 : vector<512x128xf32>
    %slice3A_30 = vector.extract_strided_slice %get3A_3 {offsets = [0, 2, 0, 0], sizes = [1, 1, 512, 128], strides = [1, 1, 1, 1]} : vector<2x4x512x128xf32> to vector<1x1x512x128xf32>
    %squeeze3A_31 = vector.shape_cast %slice3A_30 : vector<1x1x512x128xf32> to vector<512x128xf32>
    %slice3A_32 = vector.extract_strided_slice %get3A_3 {offsets = [1, 2, 0, 0], sizes = [1, 1, 512, 128], strides = [1, 1, 1, 1]} : vector<2x4x512x128xf32> to vector<1x1x512x128xf32>
    %squeeze3A_33 = vector.shape_cast %slice3A_32 : vector<1x1x512x128xf32> to vector<512x128xf32>
    %add3A_34 = arith.addf %squeeze3A_31, %squeeze3A_33 : vector<512x128xf32>
    %slice3A_35 = vector.extract_strided_slice %add3A {offsets = [0, 2], sizes = [512, 1], strides = [1, 1]} : vector<512x128xf32> to vector<512x1xf32>
    %add3A_36 = arith.constant 1.000000e-16 : f32
    %add3A_37 = vector.broadcast %add3A_36 : f32 to vector<512x1xf32>
    %add3A_38 = arith.addf %slice3A_35, %add3A_37 : vector<512x1xf32>
    %div3A_39 = vector.broadcast %add3A_38 : vector<512x1xf32> to vector<512x128xf32>
    %div3A_40 = arith.divf %add3A_34, %div3A_39 : vector<512x128xf32>
    %add3A_41 = arith.addf %add3A_29, %div3A_40 : vector<512x128xf32>
    %mul3A = arith.constant 0.333333343 : f32
    %mul3A_42 = vector.broadcast %mul3A : f32 to vector<512x128xf32>
    %mul3A_43 = arith.mulf %add3A_41, %mul3A_42 : vector<512x128xf32>
    %get3A_44 = arith.constant 0 : index
    %get3A_45 = arith.constant 0 : index
    %get3A_46 = vector.load %arg2[%get3A_44, %get3A_45] : memref<1x128xf32, #tpu.memory_space<vmem>>, vector<1x128xf32>
    %add3A_47 = vector.broadcast %get3A_46 : vector<1x128xf32> to vector<512x128xf32>
    %add3A_48 = arith.addf %mul3A_43, %add3A_47 : vector<512x128xf32>
    %swap3A = arith.constant 0 : index
    %swap3A_49 = arith.constant 0 : index
    %swap3A_50 = vector.load %arg7[%swap3A, %swap3A_49] : memref<512x128xf32, #tpu.memory_space<vmem>>, vector<512x128xf32>
    tpu.vector_store %arg7[%swap3A, %swap3A_49], %add3A_48 {strides = array<i32>} : memref<512x128xf32, #tpu.memory_space<vmem>>, vector<512x128xf32>,
    %eq3A = arith.constant 0 : i32
    %eq3A_51 = arith.cmpi eq, %arg0, %eq3A : i32
    %convert_element_type3A = arith.extui %eq3A_51 : i1 to i32
    %cond3A = arith.constant 0 : i32
    %cond3A_52 = arith.cmpi ne, %convert_element_type3A, %cond3A : i32
    scf.if %cond3A_52 {
      %get3A_53 = arith.constant 0 : index
      %get3A_54 = arith.constant 0 : index
      %get3A_55 = vector.load %arg4[%get3A_53, %get3A_54] : memref<8x128xf32, #tpu.memory_space<vmem>>, vector<8x1xf32>
      %max3A = arith.constant 1.000000e+00 : f32
      %max3A_56 = vector.broadcast %max3A : f32 to vector<8x1xf32>
      %max3A_57 = arith.maximumf %get3A_55, %max3A_56 : vector<8x1xf32>
      %get3A_58 = arith.constant 0 : index
      %get3A_59 = arith.constant 0 : index
      %get3A_60 = vector.load %arg3[%get3A_58, %get3A_59] : memref<8x192xf32, #tpu.memory_space<vmem>>, vector<8x192xf32>
      %div3A_61 = vector.broadcast %max3A_57 : vector<8x1xf32> to vector<8x192xf32>
      %div3A_62 = arith.divf %get3A_60, %div3A_61 : vector<8x192xf32>
      %get3A_63 = arith.constant 0 : index
      %get3A_64 = arith.constant 0 : index
      %get3A_65 = vector.load %arg5[%get3A_63, %get3A_64] : memref<192x128xf32, #tpu.memory_space<vmem>>, vector<192x128xf32>
      %dot_general3A = arith.constant dense<0.000000e+00> : vector<8x128xf32>
      %dot_general3A_66 = tpu.matmul %div3A_62, %get3A_65, %dot_general3A {dimension_numbers = #tpu.dot_dimension_numbers<[1], [0], [0], [1], [0, 0, 1, 1], [], []>, transpose_lhs_hint = false} : vector<8x192xf32>, vector<192x128xf32>, vector<8x128xf32> -> vector<8x128xf32>
      %get3A_67 = arith.constant 0 : index
      %get3A_68 = arith.constant 0 : index
      %get3A_69 = vector.load %arg6[%get3A_67, %get3A_68] : memref<1x128xf32, #tpu.memory_space<vmem>>, vector<1x128xf32>
      %add3A_70 = vector.broadcast %get3A_69 : vector<1x128xf32> to vector<8x128xf32>
      %add3A_71 = arith.addf %dot_general3A_66, %add3A_70 : vector<8x128xf32>
      %swap3A_72 = arith.constant 0 : index
      %swap3A_73 = arith.constant 0 : index
      %swap3A_74 = vector.load %arg8[%swap3A_72, %swap3A_73] : memref<8x128xf32, #tpu.memory_space<vmem>>, vector<8x128xf32>
      tpu.vector_store %arg8[%swap3A_72, %swap3A_73], %add3A_71 {strides = array<i32>} : memref<8x128xf32, #tpu.memory_space<vmem>>, vector<8x128xf32>,
    } else {
    }
    return
  }
  func.func @transform_0(%arg0: i32) -> (i32, i32, i32, i32) {
    %c0_i32 = arith.constant 0 : i32
    %c0_i32_0 = arith.constant 0 : i32
    %c0_i32_1 = arith.constant 0 : i32
    %c0_i32_2 = arith.constant 0 : i32
    return %c0_i32, %c0_i32_0, %arg0, %c0_i32_1 : i32, i32, i32, i32
  }
  func.func @transform_1(%arg0: i32) -> (i32, i32) {
    %c0_i32 = arith.constant 0 : i32
    %c0_i32_0 = arith.constant 0 : i32
    %c0_i32_1 = arith.constant 0 : i32
    return %c0_i32, %c0_i32_0 : i32, i32
  }
  func.func @transform_2(%arg0: i32) -> (i32, i32) {
    %c0_i32 = arith.constant 0 : i32
    %c0_i32_0 = arith.constant 0 : i32
    %c0_i32_1 = arith.constant 0 : i32
    return %c0_i32, %c0_i32_0 : i32, i32
  }
  func.func @transform_3(%arg0: i32) -> (i32, i32) {
    %c0_i32 = arith.constant 0 : i32
    %c0_i32_0 = arith.constant 0 : i32
    %c0_i32_1 = arith.constant 0 : i32
    return %c0_i32, %c0_i32_0 : i32, i32
  }
  func.func @transform_4(%arg0: i32) -> (i32, i32) {
    %c0_i32 = arith.constant 0 : i32
    %c0_i32_0 = arith.constant 0 : i32
    %c0_i32_1 = arith.constant 0 : i32
    return %c0_i32, %c0_i32_0 : i32, i32
  }
  func.func @transform_5(%arg0: i32) -> (i32, i32) {
    %c0_i32 = arith.constant 0 : i32
    %c0_i32_0 = arith.constant 0 : i32
    %c0_i32_1 = arith.constant 0 : i32
    return %c0_i32, %c0_i32_0 : i32, i32
  }
  func.func @transform_6(%arg0: i32) -> (i32, i32) {
    %c0_i32 = arith.constant 0 : i32
    %c0_i32_0 = arith.constant 0 : i32
    return %arg0, %c0_i32 : i32, i32
  }
  func.func @transform_7(%arg0: i32) -> (i32, i32) {
    %c0_i32 = arith.constant 0 : i32
    %c0_i32_0 = arith.constant 0 : i32
    %c0_i32_1 = arith.constant 0 : i32
    return %c0_i32, %c0_i32_0 : i32, i32
  }
}

</mosaic_0001>

<sc_bundles>
// kernel: kernel.16.cloned.1.call-start
scs
__scs_entry_jumppad:
0x0: {  	(pc) =	sbr.rel $0x88, $3  }
0x1: {  	(tag) =	ssettag $0x0;
	lr =	simm.s32 $0x1  }
0x2: {  	[smem:$0x3F88] =	sst lr;
	_ =	strace $0xD0000000  }
0x3: {  	_ = 	snop  }
0x4: {  	_ = 	snop  }
0x5: {  	_ = 	snop  }
0x6: {  	_ = 	snop  }
0x7: {  	_ = 	snop  }
__scs_overlays_trampoline_lowered:
0x8: {  	[smem:$0x3F97] =	sst s0  }
0x9: {  	[smem:$0x3F98] =	sst s1  }
0xa: {  	[smem:$0x3F99] =	sst s2  }
0xb: {  	[smem:$0x3F9A] =	sst s3  }
0xc: {  	[smem:$0x3F9B] =	sst s4  }
0xd: {  	[smem:$0x3F9C] =	sst s5  }
0xe: {  	[smem:$0x3F9D] =	sst s6  }
0xf: {  	[smem:$0x3F9E] =	sst s7  }
0x10: {  	[smem:$0x3F9F] =	sst s8  }
0x11: {  	[smem:$0x3FA0] =	sst s9;
	s0 =	simm.s32 @!p0 $0x0  }
0x12: {  	s1 =	sld [smem:$0x3F86];
	s0 =	simm.s32 @p0 $0x1  }
0x13: {  	[smem:$0x3FA1] =	sst s0;
	s0 =	simm.s32 @!p1 $0x0  }
0x14: {  	s2 =	sld [smem:$0x3F85];
	s0 =	simm.s32 @p1 $0x1  }
0x15: {  	[smem:$0x3FA2] =	sst s0;
	s0 =	simm.s32 @!p2 $0x0  }
0x16: {  	s3 =	sld [smem:$0x3FDB];
	s0 =	simm.s32 @p2 $0x1  }
0x17: {  	s4 =	simm.s32 $0x1BF5;
	[smem:$0x3FA4] =	sst s0  }
0x18: {  	s0 =	sld [smem:$0x3F87];
	_ =	swait.ge [sflag:s4], $0x0  }
0x19: {  	s7 =	sld [smem:$0x3F88]  }
0x1a: {  	s8 =	sadd.s32 $0xFFFFE003, lr  }
0x1b: {  	s9 =	sadd.s32 $0xFFFFFEF7, lr;
	s5 =	simm.s32 $0xFFFFFFFF;
	p2 =	slt.u32 s8, $0xFFFFF086  }
0x1c: {  	p1 =	slt.u32 s9, $0xF7A;
	s5 =	simm.s32 @!p2 $0x0  }
0x1d: {  	s5 =	simm.s32 @p1 $0x1;
	p0 =	seq.s32 s7, s2  }
0x1e: {  	s7 =	smul.u32 @!p0 $0xF7A, s2;
	p2 =	seq.s32 @!p0 s5, $0x0  }
0x1f: {  	s9 =	smul.u32 $0xF7A, s1;
	s8 =	simm.s32 @!p0 $0x1BF5;
	p2 =	por !p2, p0  }
0x20: {  	[sflag:s8] =	ssyncset.s32 @!p0 $0xFFFFF086;
	s6 =	sadd.s32 @!p0 s3, s7;
	s7 =	simm.s32 @!p0 $0x108  }
0x21: {  	s3 =	sadd.s32 s3, s9;
	s6 =	sadd.s32 @!p0 $0x88, s6;
	s7 =	simm.s32 @p2 $0x1082  }
0x22: {  	[simem:s7], [sflag:s8] =	dma.local @!p0 [hbm:s6], $0xF7A  }
0x23: {  	s9 =	sor.u32 $0xD0000000, s2;
	s6 =	simm.s32 $0x108;
	_ =	swait.ge @!p0 [sflag:s8], $0x0  }
0x24: {  	s3 =	sadd.s32 $0x88, s3;
	s6 =	simm.s32 @!p1 $0x1082;
	[sflag:s4] =	ssyncset.s32 $0xFFFFF086  }
0x25: {  	[simem:s6], [sflag:s4] =	dma.local [hbm:s3], $0xF7A  }
0x26: {  	[smem:$0x3F88] =	sst s1;
	(tag) =	ssettag s2;
	_ =	strace s9  }
0x27: {  	s1 =	sld [smem:$0x3F98]  }
0x28: {  	s2 =	sld [smem:$0x3F99]  }
0x29: {  	s4 =	sld [smem:$0x3F9B]  }
0x2a: {  	p0 =	seq.s32 s5, $0x0;
	s5 =	sld [smem:$0x3F9C]  }
0x2b: {  	s6 =	sld [smem:$0x3F9D]  }
0x2c: {  	s7 =	sld [smem:$0x3F9E]  }
0x2d: {  	s3 =	simm.s32 $0x108;
	s8 =	sld [smem:$0x3F9F]  }
0x2e: {  	s3 =	simm.s32 @!p0 $0x1082;
	s9 =	sld [smem:$0x3FA0]  }
0x2f: {  	lr =	sadd.s32 s0, s3;
	s0 =	sld [smem:$0x3F97]  }
0x30: {  	s3 =	sld [smem:$0x3F9A]  }
0x31: {  	[smem:$0x3FA3] =	sst s10  }
0x32: {  	s10 =	sld [smem:$0x3FA1];
	_ =	sdelay $0x3  }
0x33: {  	p0 =	seq.s32 s10, $0x1;
	s10 =	sld [smem:$0x3FA3];
	_ =	sdelay $0x3  }
0x34: {  	[smem:$0x3FA3] =	sst s10  }
0x35: {  	s10 =	sld [smem:$0x3FA2];
	_ =	sdelay $0x3  }
0x36: {  	p1 =	seq.s32 s10, $0x1;
	s10 =	sld [smem:$0x3FA3];
	_ =	sdelay $0x3  }
0x37: {  	[smem:$0x3FA3] =	sst s10  }
0x38: {  	s10 =	sld [smem:$0x3FA4]  }
0x39: {  	_ = 	snop;
	(pc) =	sbr.ind lr, $3  }
0x3a: {  	_ = 	snop  }
0x3b: {  	_ = 	snop  }
0x3c: {  	p2 =	seq.s32 s10, $0x1;
	s10 =	sld [smem:$0x3FA3]  }
0x3d: {  	_ =	shalt  }
0x3e: {  	_ =	shalt  }
0x3f: {  	_ =	shalt  }
0x40: {  	_ =	shalt  }
0x41: {  	_ =	shalt  }
0x42: {  	_ =	shalt  }
0x43: {  	_ =	shalt  }
0x44: {  	_ =	shalt  }
0x45: {  	_ =	shalt  }
0x46: {  	_ =	shalt  }
0x47: {  	_ =	shalt  }
0x48: {  	_ =	shalt  }
0x49: {  	_ =	shalt  }
0x4a: {  	_ =	shalt  }
0x4b: {  	_ =	shalt  }
0x4c: {  	_ =	shalt  }
0x4d: {  	_ =	shalt  }
0x4e: {  	_ =	shalt  }
0x4f: {  	_ =	shalt  }
0x50: {  	_ =	shalt  }
0x51: {  	_ =	shalt  }
0x52: {  	_ =	shalt  }
0x53: {  	_ =	shalt  }
0x54: {  	_ =	shalt  }
0x55: {  	_ =	shalt  }
0x56: {  	_ =	shalt  }
0x57: {  	_ =	shalt  }
0x58: {  	_ =	shalt  }
0x59: {  	_ =	shalt  }
0x5a: {  	_ =	shalt  }
0x5b: {  	_ =	shalt  }
0x5c: {  	_ =	shalt  }
0x5d: {  	_ =	shalt  }
0x5e: {  	_ =	shalt  }
0x5f: {  	_ =	shalt  }
0x60: {  	_ =	shalt  }
0x61: {  	_ =	shalt  }
0x62: {  	_ =	shalt  }
0x63: {  	_ =	shalt  }
0x64: {  	_ =	shalt  }
0x65: {  	_ =	shalt  }
0x66: {  	_ =	shalt  }
0x67: {  	_ =	shalt  }
0x68: {  	_ =	shalt  }
0x69: {  	_ =	shalt  }
0x6a: {  	_ =	shalt  }
0x6b: {  	_ =	shalt  }
0x6c: {  	_ =	shalt  }
0x6d: {  	_ =	shalt  }
0x6e: {  	_ =	shalt  }
0x6f: {  	_ =	shalt  }
0x70: {  	_ =	shalt  }
0x71: {  	_ =	shalt  }
0x72: {  	_ =	shalt  }
0x73: {  	_ =	shalt  }
0x74: {  	_ =	shalt  }
0x75: {  	_ =	shalt  }
0x76: {  	_ =	shalt  }
0x77: {  	_ =	shalt  }
0x78: {  	_ =	shalt  }
0x79: {  	_ =	shalt  }
0x7a: {  	_ =	shalt  }
0x7b: {  	_ =	shalt  }
0x7c: {  	_ =	shalt  }
0x7d: {  	_ =	shalt  }
0x7e: {  	_ =	shalt  }
0x7f: {  	_ =	shalt  }
0x80: {  	_ =	shalt  }
0x81: {  	_ =	shalt  }
0x82: {  	_ =	shalt  }
0x83: {  	_ =	shalt  }
0x84: {  	_ =	shalt  }
0x85: {  	_ =	shalt  }
0x86: {  	_ =	shalt  }
0x87: {  	_ =	shalt  }
.Lfunc_end0:
.L_simem_size_0:
called_computation_lowered:
.L_overlay_start_0:
0x88: {  	s2 =	sld [smem:$0x3FD9]  }
0x89: {  	s3 =	sld [smem:$0x3FFE];
	_ =	sdelay $0x1  }
0x8a: {  	s1 =	srdreg.scid  }
0x8b: {  	s0 =	sand.u32 $0x1, s1  }
0x8c: {  	s14 =	sshll.u32 s0, $0xA;
	s2 =	sadd.s32 s3, s2  }
0x8d: {  	s2 =	sadd.s32 s2, s14  }
0x8e: {  	[smem:$0x3FAF] =	sst s2  }
0x8f: {  	_ = 	snop  }
0x90: {  	s2 =	sld [smem:$0x3FD0];
	_ =	sdelay $0x2  }
0x91: {  	s15 =	simm.s32 $0xA;
	s4 =	simm.s32 $0x10  }
0x92: {  	[smem:s4], [sflag:s15] =	dma.local [hbm:s2], $0x1  }
0x93: {  	_ =	swait.eq [sflag:s15], $0x1  }
0x94: {  	[sflag:s15] =	ssyncset.done $0x0  }
0x95: {  	[sflag:s15] =	ssyncadd.s32 $0xFFFFFFFF  }
0x96: {  	s16 =	sld [smem:$0x11];
	(tm) =	ssettm $0x1  }
0x97: {  	s17 =	sld [smem:$0x3FFB];
	_ =	sdelay $0x3  }
0x98: {  	_ =	strace s17  }
0x99: {  	s3 =	sld [smem:$0x3FFC];
	_ =	sdelay $0x3  }
0x9a: {  	_ =	strace s3  }
0x9b: {  	s3 =	sld [smem:$0x3FFD];
	_ =	sdelay $0x3  }
0x9c: {  	_ =	strace s3  }
0x9d: {  	_ =	strace $0x8FFFFFFF  }
0x9e: {  	s18 =	sld [smem:$0x3FDB];
	_ =	sdelay $0x1  }
0x9f: {  	s19 =	simm.s32 $_scs_section_size  }
0xa0: {  	s5 =	simm.s32 $_size__tile_overlayer_lowered;
	s6 =	simm.s32 $_tile_overlayer_lowered  }
0xa1: {  	s22 =	simm.s32 $0x1BFF;
	s21 =	sshll.u32 s6, $0x1;
	s3 =	sadd.s32 s19, s18  }
0xa2: {  	s7 =	simm.s32 $0x0;
	s20 =	sshll.u32 s5, $0x1;
	s5 =	sadd.s32 s21, s3  }
0xa3: {  	[timem:s7], [sflag:s22] =	dma.local [hbm:s5], s20  }
0xa4: {  	_ =	swait.ge [sflag:s22], s20  }
0xa5: {  	s4 =	ssub.s32 $0x0, s20;
	[sflag:s22] =	ssyncset.done $0x0  }
0xa6: {  	[sflag:s22] =	ssyncadd.s32 s4;
	_ =	sdelay $0x1  }
0xa7: {  	s23 =	simm.s32 $0x1B8B  }
0xa8: {  	_ =	swait.ge [sflag:s23], $0x1  }
0xa9: {  	[sflag:s23] =	ssyncset.done $0x0  }
0xaa: {  	s25 =	simm.s32 $0x1B8E;
	s24 =	sld [smem:$0x3FFE];
	[sflag:s23] =	ssyncadd.s32 $0xFFFFFFFF  }
0xab: {  	s26 =	simm.s32 $execute0_lowered;
	[smem:$0x3FD2] =	sst s25  }
0xac: {  	s5 =	sshll.u32 s26, $0x1;
	_ =	strace $0x80000046;
	[dreg:$0x1] =	wrdreg $0xFFFFFFFF  }
0xad: {  	s28 =	simm.s32 $_size_execute0_lowered;
	s3 =	sadd.s32 s3, s5;
	[dreg:$0x0] =	wrdreg $0x0  }
0xae: {  	s5 =	sshll.u32 s28, $0x1;
	[dreg:$0x2] =	wrdreg s3  }
0xaf: {  	[dreg:$0x3] =	wrdreg s5  }
0xb0: {  	[dreg:$0x4] =	wrdreg $0xC0  }
0xb1: {  	_ =	task [dreg:s7], $0x5FFFF  }
0xb2: {  	[dreg:$0x1] =	wrdreg $0xFFFFFFFF  }
0xb3: {  	[dreg:$0x0] =	wrdreg $0x60  }
0xb4: {  	[dreg:$0x2] =	wrdreg s24  }
0xb5: {  	[dreg:$0x3] =	wrdreg s16  }
0xb6: {  	[dreg:$0x4] =	wrdreg $0x9  }
0xb7: {  	_ =	task.clear_ibuf [dreg:s7], $0x5FFFF;
	_ =	strace $0x90000046  }
0xb8: {  	s29 =	simm.s32 $0x9;
	_ =	strace $0x80000048  }
0xb9: {  	_ =	swait.ge [sflag:s29], $0x1  }
0xba: {  	[sflag:s29] =	ssyncadd.s32 $0xFFFFFFFF  }
0xbb: {  	_ =	strace $0x90000048  }
0xbc: {  	_ =	sfence  }
0xbd: {  	s30 =	sld [smem:$0x0];
	_ =	sdelay $0x2  }
0xbe: {  	s31 =	sshll.u32 s1, $0xD;
	s1 =	sshrl.u32 s1, $0x2  }
0xbf: {  	s3 =	sand.u32 $0x4000, s31;
	s1 =	sadd.s32 s1, s30  }
0xc0: {  	s0 =	sor.u32 s3, s0;
	s1 =	sshll.u32 s1, $0x11  }
0xc1: {  	s0 =	sor.u32 s1, s0  }
0xc2: {  	s0 =	sadd.s32 $0x8F2B, s0  }
0xc3: {  	[sflag:s0] =	ssyncadd.remote.s32 $0x1  }
0xc4: {  	_ =	sfence.sel $0xFFFF  }
0xc5: {  	[dreg:$0x0] =	wrdreg $0xFFFFFFFF;
	(pc) =	sbr.abs _section_cstart, $3  }
0xc6: {  	[dreg:$0x1] =	wrdreg $0xFFFFFFFF  }
0xc7: {  	_ =	task.clear_ibuf [dreg:s7], $0x2FFFF;
	_ =	strace $0x9FFFFFFF  }
0xc8: {  	(tm) =	ssettm $0x7FFFFFFF  }
0xc9: {  	_ =	shalt  }
tec
execute0_lowered:
.L_overlay_start_1:
0x0: {  	(tag) =	ssettag $0x1  }
0x1: {  	s0 =	rddreg [dreg:$0x0];
	s1 =	srdreg.scid  }
0x2: {  	s11 =	stileid.u32;
	s5 =	rddreg [dreg:$0x1];
	s2 =	simm.s32 $0x0  }
0x3: {  	s13 =	simm.s32 $0x3000;
	s30 =	simm.s32 $0xB000;
	s31 =	simm.s32 $0xB800  }
0x4: {  	s12 =	simm.s32 $0xD000;
	s14 =	simm.s32 $0xF800;
	s15 =	simm.s32 $0x10000  }
0x5: {  	s16 =	simm.s32 $0x10800;
	s17 =	simm.s32 $0x11000;
	s18 =	simm.s32 $0x11800  }
0x6: {  	s19 =	simm.s32 $0x12000;
	s20 =	simm.s32 $0x12800;
	s21 =	simm.s32 $0x1  }
0x7: {  	s22 =	simm.s32 $0x4;
	s23 =	simm.s32 $0x2;
	s7 =	smul.u32 $0x60000, s11  }
0x8: {  	s1 =	sand.u32 $0x1, s1;
	s3 =	sshll.u32 s11, $0x1;
	s25 =	smul.u32 $0x3000, s11  }
0x9: {  	[smem:$0x7FF] =	sst s2;
	s4 =	sadd.s32 $0xCC00, s0;
	s10 =	smul.u32 $0x30000, s1  }
0xa: {  	s3 =	sor.u32 s1, s3;
	s9 =	ssub.s32 $0x2, s1;
	s1 =	smul.u32 $0x1800, s1  }
0xb: {  	s11 =	simm.s32 $0x3;
	_ =	strace $0x80000047;
	s6 =	smul.u32 $0x300, s3  }
0xc: {  	s3 =	sadd.s32 $0x5CC00, s0;
	s24 =	sshrl.u32 s9, $0x1;
	s29 =	sadd.s32 s1, s25  }
0xd: {  	s1 =	simm.s32 $0xC000;
	s25 =	simm.s32 $0x0;
	s8 =	sadd.s32 s6, s0  }
0xe: {  	s0 =	sadd.s32 s7, s0;
	s7 =	ssub.s32 s9, s24;
	s5 =	sadd.s32 s5, s6  }
.Ltmp0:
0xf: {  	[dreg:$0x6] =	wrdreg s29;
	s6 =	simm.s32 $0xE000;
	(pc) =	sbr.rel .LBB2_1-.Ltmp0, $4  }
0x10: {  	[dreg:$0x3] =	wrdreg s5;
	s26 =	sadd.s32 $0x6C00, s8;
	s0 =	sadd.s32 s10, s0  }
0x11: {  	v2 =	vlaneseq.u32;
	s28 =	smax.u32 s7, $0x1;
	s5 =	simm.s32 $0xD800;
	[dreg:$0x4] =	wrdreg s26  }
0x12: {  	vm0 =	vmmov $0xffff;
	v1 =	vshrl.u32 v2, $0x3;
	s7 =	simm.s32 $0xE800;
	s10 =	simm.s32 $0xF000;
	[dreg:$0x5] =	wrdreg s28  }
0x13: {  	v0 =	vand.u32 $0x7, v2;
	v2 =	vor.u32 $0x8, v2;
	v1 =	vmul.u32 $0x8, v1;
	s8 =	sadd.s32 $0xACC00, s0;
	s9 =	sadd.s32 $0x6ACC00, s0;
	s0 =	simm.s32 $0xC800  }
.LBB2_5:
0x14: {  	s25 =	rddreg [dreg:$0x7]  }
0x15: {  	s24 =	rddreg [dreg:$0x5];
	s25 =	sadd.s32 $0x1, s25  }
0x16: {  	p0 =	sne.s32 s25, s24  }
.Ltmp1:
0x17: {  	_ = 	snop;
	(pc) =	sbr.rel @!p0 .LBB2_6-.Ltmp1, $1  }
0x18: {  	_ =	sdelay $0x3  }
.LBB2_1:
0x19: {  	[dreg:$0x7] =	wrdreg s25  }
0x1a: {  	s24 =	rddreg [dreg:$0x3]  }
0x1b: {  	[tilespmem:s2], [sflag:$0x3] =	stream.linear.gather [hbm4b:s24+s2], $0x1800, $0x38;
	[tilespmem:$0x13000] =	vst v63  }
0x1c: {  	_ =	swait.ge [sflag:s11], $0x1800  }
0x1d: {  	s29 =	simm.s32 $0x1800;
	[sflag:s11] =	ssyncset.done $0x0  }
.Ltmp2:
0x1e: {  	s26 =	rddreg [dreg:$0x4];
	[sflag:s11] =	ssyncadd.s32 $0xFFFFE800;
	(pc) =	sbr.rel .LBB2_2-.Ltmp2, $4  }
0x1f: {  	[tilespmem:s29], [sflag:$0x3] =	stream.linear.gather [hbm4b:s26+s2], $0x1800, $0x38;
	[tilespmem:$0x13000] =	vst v63  }
0x20: {  	_ =	swait.ge [sflag:s11], $0x1800  }
0x21: {  	s25 =	simm.s32 $0x40;
	s28 =	simm.s32 $0x0;
	[sflag:s11] =	ssyncset.done $0x0  }
0x22: {  	s24 =	simm.s32 $0x1840;
	s26 =	rddreg [dreg:$0x6];
	[sflag:s11] =	ssyncadd.s32 $0xFFFFE800  }
.LBB2_4:
0x23: {  	s28 =	sadd.s32 $0x1000, s28  }
0x24: {  	p0 =	sne.s32 s28, $0x30000  }
.Ltmp3:
0x25: {  	_ = 	snop;
	(pc) =	sbr.rel @!p0 .LBB2_5-.Ltmp3, $2  }
0x26: {  	_ =	sdelay $0x2  }
0x27: {  	s26 =	sadd.s32 $0x80, s26;
	s24 =	sadd.s32 $0x80, s24;
	s25 =	sadd.s32 $0x80, s25  }
.LBB2_2:
0x28: {  	p0 =	sgt.u32 s26, $0x2980F  }
.Ltmp4:
0x29: {  	_ = 	snop;
	(pc) =	sbr.rel @p0 .LBB2_4-.Ltmp4, $1  }
0x2a: {  	_ =	sdelay $0x3  }
0x2b: {  	v3 =	vld [tilespmem:s25+$0xFFFFFFC0];
	_ =	sdelay $0x4  }
0x2c: {  	v4 =	vshll.u32 v3, $0x1  }
0x2d: {  	v3 =	vand.u32 $0x7, v3;
	v4 =	vand.u32 $0xFFFFFFF0, v4  }
0x2e: {  	v3 =	vor.u32 v3, v4  }
0x2f: {  	v4 =	vperm.xlane v3, v0;
	_ =	sdelay $0x1  }
0x30: {  	v3 =	vperm.xlane v3, v2;
	v4 =	vadd.s32 v1, v4;
	_ =	sdelay $0x1  }
0x31: {  	v3 =	vadd.s32 v1, v3;
	_ =	sdelay $0x2  }
0x32: {  	[tilespmem:s13], [sflag:$0x1] =	stream.indirect_vreg.gather [hbm4b:s3+s2], $0x80, v4, vm0, $0xb8;
	[tilespmem:$0x13000] =	vst v63  }
0x33: {  	s29 =	simm.s32 $0x3800  }
0x34: {  	[tilespmem:s29], [sflag:$0x1] =	stream.indirect_vreg.gather [hbm4b:s3+s2], $0x80, v3, vm0, $0xb8;
	[tilespmem:$0x13000] =	vst v63  }
0x35: {  	v3 =	vld [tilespmem:s25+$0xFFFFFFD0];
	_ =	sdelay $0x4  }
0x36: {  	v49 =	vshll.u32 v3, $0x1  }
0x37: {  	v3 =	vand.u32 $0x7, v3;
	v4 =	vand.u32 $0xFFFFFFF0, v49  }
0x38: {  	v3 =	vor.u32 v3, v4  }
0x39: {  	v4 =	vperm.xlane v3, v0;
	_ =	sdelay $0x1  }
0x3a: {  	v3 =	vperm.xlane v3, v2;
	v4 =	vadd.s32 v1, v4;
	_ =	sdelay $0x1  }
0x3b: {  	v3 =	vadd.s32 v1, v3;
	_ =	sdelay $0x1  }
0x3c: {  	s29 =	simm.s32 $0x4000  }
0x3d: {  	[tilespmem:s29], [sflag:$0x1] =	stream.indirect_vreg.gather [hbm4b:s3+s2], $0x80, v4, vm0, $0xb8;
	[tilespmem:$0x13000] =	vst v63  }
0x3e: {  	s29 =	simm.s32 $0x4800  }
0x3f: {  	[tilespmem:s29], [sflag:$0x1] =	stream.indirect_vreg.gather [hbm4b:s3+s2], $0x80, v3, vm0, $0xb8;
	[tilespmem:$0x13000] =	vst v63  }
0x40: {  	v3 =	vld [tilespmem:s25+$0xFFFFFFE0];
	_ =	sdelay $0x4  }
0x41: {  	v50 =	vshll.u32 v3, $0x1  }
0x42: {  	v3 =	vand.u32 $0x7, v3;
	v4 =	vand.u32 $0xFFFFFFF0, v50  }
0x43: {  	v3 =	vor.u32 v3, v4  }
0x44: {  	v4 =	vperm.xlane v3, v0;
	_ =	sdelay $0x1  }
0x45: {  	v3 =	vperm.xlane v3, v2;
	v4 =	vadd.s32 v1, v4;
	_ =	sdelay $0x1  }
0x46: {  	v3 =	vadd.s32 v1, v3;
	_ =	sdelay $0x1  }
0x47: {  	s29 =	simm.s32 $0x5000  }
0x48: {  	[tilespmem:s29], [sflag:$0x1] =	stream.indirect_vreg.gather [hbm4b:s3+s2], $0x80, v4, vm0, $0xb8;
	[tilespmem:$0x13000] =	vst v63  }
0x49: {  	s29 =	simm.s32 $0x5800  }
0x4a: {  	[tilespmem:s29], [sflag:$0x1] =	stream.indirect_vreg.gather [hbm4b:s3+s2], $0x80, v3, vm0, $0xb8;
	[tilespmem:$0x13000] =	vst v63  }
0x4b: {  	v3 =	vld [tilespmem:s25+$0xFFFFFFF0];
	_ =	sdelay $0x4  }
0x4c: {  	v51 =	vshll.u32 v3, $0x1  }
0x4d: {  	v3 =	vand.u32 $0x7, v3;
	v4 =	vand.u32 $0xFFFFFFF0, v51  }
0x4e: {  	v3 =	vor.u32 v3, v4  }
0x4f: {  	v4 =	vperm.xlane v3, v0;
	_ =	sdelay $0x1  }
0x50: {  	v3 =	vperm.xlane v3, v2;
	v4 =	vadd.s32 v1, v4;
	_ =	sdelay $0x1  }
0x51: {  	v3 =	vadd.s32 v1, v3;
	_ =	sdelay $0x1  }
0x52: {  	s29 =	simm.s32 $0x6000  }
0x53: {  	[tilespmem:s29], [sflag:$0x1] =	stream.indirect_vreg.gather [hbm4b:s3+s2], $0x80, v4, vm0, $0xb8;
	[tilespmem:$0x13000] =	vst v63  }
0x54: {  	s29 =	simm.s32 $0x6800  }
0x55: {  	[tilespmem:s29], [sflag:$0x1] =	stream.indirect_vreg.gather [hbm4b:s3+s2], $0x80, v3, vm0, $0xb8;
	[tilespmem:$0x13000] =	vst v63  }
0x56: {  	v3 =	vld [tilespmem:s25+$0x0];
	_ =	sdelay $0x4  }
0x57: {  	v52 =	vshll.u32 v3, $0x1  }
0x58: {  	v3 =	vand.u32 $0x7, v3;
	v4 =	vand.u32 $0xFFFFFFF0, v52  }
0x59: {  	v3 =	vor.u32 v3, v4  }
0x5a: {  	v4 =	vperm.xlane v3, v0;
	_ =	sdelay $0x1  }
0x5b: {  	v3 =	vperm.xlane v3, v2;
	v4 =	vadd.s32 v1, v4;
	_ =	sdelay $0x1  }
0x5c: {  	v3 =	vadd.s32 v1, v3;
	_ =	sdelay $0x1  }
0x5d: {  	s29 =	simm.s32 $0x7000  }
0x5e: {  	[tilespmem:s29], [sflag:$0x1] =	stream.indirect_vreg.gather [hbm4b:s3+s2], $0x80, v4, vm0, $0xb8;
	[tilespmem:$0x13000] =	vst v63  }
0x5f: {  	s29 =	simm.s32 $0x7800  }
0x60: {  	[tilespmem:s29], [sflag:$0x1] =	stream.indirect_vreg.gather [hbm4b:s3+s2], $0x80, v3, vm0, $0xb8;
	[tilespmem:$0x13000] =	vst v63  }
0x61: {  	v3 =	vld [tilespmem:s25+$0x10];
	_ =	sdelay $0x4  }
0x62: {  	v53 =	vshll.u32 v3, $0x1  }
0x63: {  	v3 =	vand.u32 $0x7, v3;
	v4 =	vand.u32 $0xFFFFFFF0, v53  }
0x64: {  	v3 =	vor.u32 v3, v4  }
0x65: {  	v4 =	vperm.xlane v3, v0;
	_ =	sdelay $0x1  }
0x66: {  	v3 =	vperm.xlane v3, v2;
	v4 =	vadd.s32 v1, v4;
	_ =	sdelay $0x1  }
0x67: {  	v3 =	vadd.s32 v1, v3;
	_ =	sdelay $0x1  }
0x68: {  	s29 =	simm.s32 $0x8000  }
0x69: {  	[tilespmem:s29], [sflag:$0x1] =	stream.indirect_vreg.gather [hbm4b:s3+s2], $0x80, v4, vm0, $0xb8;
	[tilespmem:$0x13000] =	vst v63  }
0x6a: {  	s29 =	simm.s32 $0x8800  }
0x6b: {  	[tilespmem:s29], [sflag:$0x1] =	stream.indirect_vreg.gather [hbm4b:s3+s2], $0x80, v3, vm0, $0xb8;
	[tilespmem:$0x13000] =	vst v63  }
0x6c: {  	v3 =	vld [tilespmem:s25+$0x20];
	_ =	sdelay $0x4  }
0x6d: {  	v54 =	vshll.u32 v3, $0x1  }
0x6e: {  	v3 =	vand.u32 $0x7, v3;
	v4 =	vand.u32 $0xFFFFFFF0, v54  }
0x6f: {  	v3 =	vor.u32 v3, v4  }
0x70: {  	v4 =	vperm.xlane v3, v0;
	_ =	sdelay $0x1  }
0x71: {  	v3 =	vperm.xlane v3, v2;
	v4 =	vadd.s32 v1, v4;
	_ =	sdelay $0x1  }
0x72: {  	v3 =	vadd.s32 v1, v3;
	_ =	sdelay $0x1  }
0x73: {  	s29 =	simm.s32 $0x9000  }
0x74: {  	[tilespmem:s29], [sflag:$0x1] =	stream.indirect_vreg.gather [hbm4b:s3+s2], $0x80, v4, vm0, $0xb8;
	[tilespmem:$0x13000] =	vst v63  }
0x75: {  	s29 =	simm.s32 $0x9800  }
0x76: {  	[tilespmem:s29], [sflag:$0x1] =	stream.indirect_vreg.gather [hbm4b:s3+s2], $0x80, v3, vm0, $0xb8;
	[tilespmem:$0x13000] =	vst v63  }
0x77: {  	v3 =	vld [tilespmem:s25+$0x30];
	_ =	sdelay $0x4  }
0x78: {  	v55 =	vshll.u32 v3, $0x1  }
0x79: {  	v3 =	vand.u32 $0x7, v3;
	v4 =	vand.u32 $0xFFFFFFF0, v55  }
0x7a: {  	v3 =	vor.u32 v3, v4  }
0x7b: {  	v4 =	vperm.xlane v3, v0;
	_ =	sdelay $0x1  }
0x7c: {  	v3 =	vperm.xlane v3, v2;
	v4 =	vadd.s32 v1, v4;
	_ =	sdelay $0x1  }
0x7d: {  	v3 =	vadd.s32 v1, v3;
	_ =	sdelay $0x1  }
0x7e: {  	s29 =	simm.s32 $0xA000  }
0x7f: {  	[tilespmem:s29], [sflag:$0x1] =	stream.indirect_vreg.gather [hbm4b:s3+s2], $0x80, v4, vm0, $0xb8;
	[tilespmem:$0x13000] =	vst v63  }
0x80: {  	s29 =	simm.s32 $0xA800  }
0x81: {  	[tilespmem:s29], [sflag:$0x1] =	stream.indirect_vreg.gather [hbm4b:s3+s2], $0x80, v3, vm0, $0xb8;
	[tilespmem:$0x13000] =	vst v63  }
0x82: {  	v3 =	vld [tilespmem:s24+$0xFFFFFFC0];
	_ =	sdelay $0x4  }
0x83: {  	v56 =	vshll.u32 v3, $0x1  }
0x84: {  	v3 =	vand.u32 $0x7, v3;
	v4 =	vand.u32 $0xFFFFFFF0, v56  }
0x85: {  	v3 =	vor.u32 v3, v4  }
0x86: {  	v4 =	vperm.xlane v3, v0;
	_ =	sdelay $0x1  }
0x87: {  	v3 =	vperm.xlane v3, v2;
	v4 =	vadd.s32 v1, v4;
	_ =	sdelay $0x1  }
0x88: {  	v3 =	vadd.s32 v1, v3;
	_ =	sdelay $0x2  }
0x89: {  	[tilespmem:s30], [sflag:$0x2] =	stream.indirect_vreg.gather [hbm4b:s4+s2], $0x80, v4, vm0, $0xb8;
	[tilespmem:$0x13000] =	vst v63  }
0x8a: {  	_ = 	snop  }
0x8b: {  	[tilespmem:s31], [sflag:$0x2] =	stream.indirect_vreg.gather [hbm4b:s4+s2], $0x80, v3, vm0, $0xb8;
	[tilespmem:$0x13000] =	vst v63  }
0x8c: {  	v3 =	vld [tilespmem:s24+$0xFFFFFFD0];
	_ =	sdelay $0x4  }
0x8d: {  	v57 =	vshll.u32 v3, $0x1  }
0x8e: {  	v3 =	vand.u32 $0x7, v3;
	v4 =	vand.u32 $0xFFFFFFF0, v57  }
0x8f: {  	v3 =	vor.u32 v3, v4  }
0x90: {  	v4 =	vperm.xlane v3, v0;
	_ =	sdelay $0x1  }
0x91: {  	v3 =	vperm.xlane v3, v2;
	v4 =	vadd.s32 v1, v4;
	_ =	sdelay $0x1  }
0x92: {  	v3 =	vadd.s32 v1, v3;
	_ =	sdelay $0x2  }
0x93: {  	[tilespmem:s1], [sflag:$0x2] =	stream.indirect_vreg.gather [hbm4b:s4+s2], $0x80, v4, vm0, $0xb8;
	[tilespmem:$0x13000] =	vst v63  }
0x94: {  	_ = 	snop  }
0x95: {  	[tilespmem:s0], [sflag:$0x2] =	stream.indirect_vreg.gather [hbm4b:s4+s2], $0x80, v3, vm0, $0xb8;
	[tilespmem:$0x13000] =	vst v63  }
0x96: {  	v3 =	vld [tilespmem:s24+$0xFFFFFFE0];
	_ =	sdelay $0x4  }
0x97: {  	v58 =	vshll.u32 v3, $0x1  }
0x98: {  	v3 =	vand.u32 $0x7, v3;
	v4 =	vand.u32 $0xFFFFFFF0, v58  }
0x99: {  	v3 =	vor.u32 v3, v4  }
0x9a: {  	v4 =	vperm.xlane v3, v0;
	_ =	sdelay $0x1  }
0x9b: {  	v3 =	vperm.xlane v3, v2;
	v4 =	vadd.s32 v1, v4;
	_ =	sdelay $0x1  }
0x9c: {  	v3 =	vadd.s32 v1, v3;
	_ =	sdelay $0x2  }
0x9d: {  	[tilespmem:s12], [sflag:$0x2] =	stream.indirect_vreg.gather [hbm4b:s4+s2], $0x80, v4, vm0, $0xb8;
	[tilespmem:$0x13000] =	vst v63  }
0x9e: {  	_ = 	snop  }
0x9f: {  	[tilespmem:s5], [sflag:$0x2] =	stream.indirect_vreg.gather [hbm4b:s4+s2], $0x80, v3, vm0, $0xb8;
	[tilespmem:$0x13000] =	vst v63  }
0xa0: {  	v3 =	vld [tilespmem:s24+$0xFFFFFFF0];
	_ =	sdelay $0x4  }
0xa1: {  	v59 =	vshll.u32 v3, $0x1  }
0xa2: {  	v3 =	vand.u32 $0x7, v3;
	v4 =	vand.u32 $0xFFFFFFF0, v59  }
0xa3: {  	v3 =	vor.u32 v3, v4  }
0xa4: {  	v4 =	vperm.xlane v3, v0;
	_ =	sdelay $0x1  }
0xa5: {  	v3 =	vperm.xlane v3, v2;
	v4 =	vadd.s32 v1, v4;
	_ =	sdelay $0x1  }
0xa6: {  	v3 =	vadd.s32 v1, v3;
	_ =	sdelay $0x2  }
0xa7: {  	[tilespmem:s6], [sflag:$0x2] =	stream.indirect_vreg.gather [hbm4b:s4+s2], $0x80, v4, vm0, $0xb8;
	[tilespmem:$0x13000] =	vst v63  }
0xa8: {  	_ = 	snop  }
0xa9: {  	[tilespmem:s7], [sflag:$0x2] =	stream.indirect_vreg.gather [hbm4b:s4+s2], $0x80, v3, vm0, $0xb8;
	[tilespmem:$0x13000] =	vst v63  }
0xaa: {  	v3 =	vld [tilespmem:s24+$0x0];
	_ =	sdelay $0x4  }
0xab: {  	v60 =	vshll.u32 v3, $0x1  }
0xac: {  	v3 =	vand.u32 $0x7, v3;
	v4 =	vand.u32 $0xFFFFFFF0, v60  }
0xad: {  	v3 =	vor.u32 v3, v4  }
0xae: {  	v4 =	vperm.xlane v3, v0;
	_ =	sdelay $0x1  }
0xaf: {  	v3 =	vperm.xlane v3, v2;
	v4 =	vadd.s32 v1, v4;
	_ =	sdelay $0x1  }
0xb0: {  	v3 =	vadd.s32 v1, v3;
	_ =	sdelay $0x2  }
0xb1: {  	[tilespmem:s10], [sflag:$0x2] =	stream.indirect_vreg.gather [hbm4b:s4+s2], $0x80, v4, vm0, $0xb8;
	[tilespmem:$0x13000] =	vst v63  }
0xb2: {  	_ = 	snop  }
0xb3: {  	[tilespmem:s14], [sflag:$0x2] =	stream.indirect_vreg.gather [hbm4b:s4+s2], $0x80, v3, vm0, $0xb8;
	[tilespmem:$0x13000] =	vst v63  }
0xb4: {  	v3 =	vld [tilespmem:s24+$0x10];
	_ =	sdelay $0x4  }
0xb5: {  	v61 =	vshll.u32 v3, $0x1  }
0xb6: {  	v3 =	vand.u32 $0x7, v3;
	v4 =	vand.u32 $0xFFFFFFF0, v61  }
0xb7: {  	v3 =	vor.u32 v3, v4  }
0xb8: {  	v4 =	vperm.xlane v3, v0;
	_ =	sdelay $0x1  }
0xb9: {  	v3 =	vperm.xlane v3, v2;
	v4 =	vadd.s32 v1, v4;
	_ =	sdelay $0x1  }
0xba: {  	v3 =	vadd.s32 v1, v3;
	_ =	sdelay $0x2  }
0xbb: {  	[tilespmem:s15], [sflag:$0x2] =	stream.indirect_vreg.gather [hbm4b:s4+s2], $0x80, v4, vm0, $0xb8;
	[tilespmem:$0x13000] =	vst v63  }
0xbc: {  	_ = 	snop  }
0xbd: {  	[tilespmem:s16], [sflag:$0x2] =	stream.indirect_vreg.gather [hbm4b:s4+s2], $0x80, v3, vm0, $0xb8;
	[tilespmem:$0x13000] =	vst v63  }
0xbe: {  	v3 =	vld [tilespmem:s24+$0x20];
	_ =	sdelay $0x4  }
0xbf: {  	v62 =	vshll.u32 v3, $0x1  }
0xc0: {  	v3 =	vand.u32 $0x7, v3;
	v4 =	vand.u32 $0xFFFFFFF0, v62  }
0xc1: {  	v3 =	vor.u32 v3, v4  }
0xc2: {  	v4 =	vperm.xlane v3, v0;
	_ =	sdelay $0x1  }
0xc3: {  	v3 =	vperm.xlane v3, v2;
	v4 =	vadd.s32 v1, v4;
	_ =	sdelay $0x1  }
0xc4: {  	v3 =	vadd.s32 v1, v3;
	_ =	sdelay $0x2  }
0xc5: {  	[tilespmem:s17], [sflag:$0x2] =	stream.indirect_vreg.gather [hbm4b:s4+s2], $0x80, v4, vm0, $0xb8;
	[tilespmem:$0x13000] =	vst v63  }
0xc6: {  	_ = 	snop  }
0xc7: {  	[tilespmem:s18], [sflag:$0x2] =	stream.indirect_vreg.gather [hbm4b:s4+s2], $0x80, v3, vm0, $0xb8;
	[tilespmem:$0x13000] =	vst v63  }
0xc8: {  	v3 =	vld [tilespmem:s24+$0x30];
	_ =	sdelay $0x4  }
0xc9: {  	v63 =	vshll.u32 v3, $0x1  }
0xca: {  	v3 =	vand.u32 $0x7, v3;
	v4 =	vand.u32 $0xFFFFFFF0, v63  }
0xcb: {  	v3 =	vor.u32 v3, v4  }
0xcc: {  	v4 =	vperm.xlane v3, v0;
	_ =	sdelay $0x1  }
0xcd: {  	v3 =	vperm.xlane v3, v2;
	v4 =	vadd.s32 v1, v4;
	_ =	sdelay $0x1  }
0xce: {  	v3 =	vadd.s32 v1, v3;
	_ =	sdelay $0x2  }
0xcf: {  	[tilespmem:s19], [sflag:$0x2] =	stream.indirect_vreg.gather [hbm4b:s4+s2], $0x80, v4, vm0, $0xb8;
	[tilespmem:$0x13000] =	vst v63  }
0xd0: {  	_ = 	snop  }
0xd1: {  	[tilespmem:s20], [sflag:$0x2] =	stream.indirect_vreg.gather [hbm4b:s4+s2], $0x80, v3, vm0, $0xb8;
	[tilespmem:$0x13000] =	vst v63  }
0xd2: {  	_ =	swait.ge [sflag:s21], $0x8000  }
0xd3: {  	[sflag:s21] =	ssyncset.done $0x0  }
0xd4: {  	s29 =	sadd.s32 s28, s8;
	[sflag:s21] =	ssyncadd.s32 $0xFFFF8000  }
0xd5: {  	[hbm4b:s29+s2] =	stream.linear.scatter [tilespmem:s13], [sflag:$0x4], $0x8000, $0x38;
	[tilespmem:$0x13000] =	vst v63  }
0xd6: {  	_ =	swait.ge [sflag:s22], $0x8000  }
0xd7: {  	[sflag:s22] =	ssyncset.done $0x0  }
0xd8: {  	[sflag:s22] =	ssyncadd.s32 $0xFFFF8000  }
0xd9: {  	_ =	swait.ge [sflag:s23], $0x8000  }
0xda: {  	[sflag:s23] =	ssyncset.done $0x0  }
.Ltmp5:
0xdb: {  	s29 =	sadd.s32 s28, s9;
	[sflag:s23] =	ssyncadd.s32 $0xFFFF8000;
	(pc) =	sbr.rel .LBB2_4-.Ltmp5, $4  }
0xdc: {  	[hbm4b:s29+s2] =	stream.linear.scatter [tilespmem:s30], [sflag:$0x3], $0x8000, $0x38;
	[tilespmem:$0x13000] =	vst v63  }
0xdd: {  	_ =	swait.ge [sflag:s11], $0x8000  }
0xde: {  	[sflag:s11] =	ssyncset.done $0x0  }
0xdf: {  	[sflag:s11] =	ssyncadd.s32 $0xFFFF8000  }
.LBB2_6:
0xe0: {  	_ =	sfence.sel $0x180000  }
0xe1: {  	[bflag:$0x0] =	sbarrier.arrive $0xFFFF  }
0xe2: {  	_ =	strace $0x90000047  }
0xe3: {  	s0 =	stileid.u32;
	[bflag:$0x2] =	sbarrier.arrive $0xFFFF  }
0xe4: {  	p0 =	sne.s32 s0, $0x0;
	s0 =	rddreg [dreg:$0x2]  }
0xe5: {  	s0 =	sadd.s32 @!p0 $0x100000, s0  }
0xe6: {  	[sflag:s0] =	ssyncadd.tile.s32 @!p0 $0x1;
	_ =	shalt  }
.Lfunc_end2:
_tile_overlayer_lowered:
.L_overlay_start_2:
0xe7: {  	(tag) =	ssettag $0x2  }
0xe8: {  	s0 =	rddreg [dreg:$0x0];
	s2 =	stileid.u32  }
0xe9: {  	s1 =	rddreg [dreg:$0x1];
	p0 =	sne.s32 s2, $0x0  }
0xea: {  	s3 =	rddreg [dreg:$0x2];
	[bflag:$0x3] =	sbarrier.arrive $0xFFFF;
	s2 =	simm.s32 @!p0 $0x1C03  }
0xeb: {  	[timem:s3], [sflag:s2] =	dma.local @!p0 [hbm:s0], s1  }
0xec: {  	s0 =	simm.s32 @!p0 $0x3  }
0xed: {  	_ =	swait.ge @!p0 [sflag:s0], s1  }
0xee: {  	s1 =	ssub.s32 @!p0 $0x0, s1;
	[sflag:s0] =	ssyncset.done @!p0 $0x0  }
0xef: {  	[sflag:s0] =	ssyncadd.s32 @!p0 s1  }
0xf0: {  	[bflag:$0x3] =	sbarrier.arrive $0xFFFF  }
0xf1: {  	_ =	shalt  }

// kernel: kernel.19.cloned.1.call-start
scs
__scs_entry_jumppad:
0x0: {  	(pc) =	sbr.rel $0x88, $3  }
0x1: {  	(tag) =	ssettag $0x0;
	lr =	simm.s32 $0x1  }
0x2: {  	[smem:$0x3F88] =	sst lr;
	_ =	strace $0xD0000000  }
0x3: {  	_ = 	snop  }
0x4: {  	_ = 	snop  }
0x5: {  	_ = 	snop  }
0x6: {  	_ = 	snop  }
0x7: {  	_ = 	snop  }
__scs_overlays_trampoline_lowered:
0x8: {  	[smem:$0x3F97] =	sst s0  }
0x9: {  	[smem:$0x3F98] =	sst s1  }
0xa: {  	[smem:$0x3F99] =	sst s2  }
0xb: {  	[smem:$0x3F9A] =	sst s3  }
0xc: {  	[smem:$0x3F9B] =	sst s4  }
0xd: {  	[smem:$0x3F9C] =	sst s5  }
0xe: {  	[smem:$0x3F9D] =	sst s6  }
0xf: {  	[smem:$0x3F9E] =	sst s7  }
0x10: {  	[smem:$0x3F9F] =	sst s8  }
0x11: {  	[smem:$0x3FA0] =	sst s9;
	s0 =	simm.s32 @!p0 $0x0  }
0x12: {  	s1 =	sld [smem:$0x3F86];
	s0 =	simm.s32 @p0 $0x1  }
0x13: {  	[smem:$0x3FA1] =	sst s0;
	s0 =	simm.s32 @!p1 $0x0  }
0x14: {  	s2 =	sld [smem:$0x3F85];
	s0 =	simm.s32 @p1 $0x1  }
0x15: {  	[smem:$0x3FA2] =	sst s0;
	s0 =	simm.s32 @!p2 $0x0  }
0x16: {  	s3 =	sld [smem:$0x3FDB];
	s0 =	simm.s32 @p2 $0x1  }
0x17: {  	s4 =	simm.s32 $0x1BF5;
	[smem:$0x3FA4] =	sst s0  }
0x18: {  	s0 =	sld [smem:$0x3F87];
	_ =	swait.ge [sflag:s4], $0x0  }
0x19: {  	s7 =	sld [smem:$0x3F88]  }
0x1a: {  	s8 =	sadd.s32 $0xFFFFE003, lr  }
0x1b: {  	s9 =	sadd.s32 $0xFFFFFEF7, lr;
	s5 =	simm.s32 $0xFFFFFFFF;
	p2 =	slt.u32 s8, $0xFFFFF086  }
0x1c: {  	p1 =	slt.u32 s9, $0xF7A;
	s5 =	simm.s32 @!p2 $0x0  }
0x1d: {  	s5 =	simm.s32 @p1 $0x1;
	p0 =	seq.s32 s7, s2  }
0x1e: {  	s7 =	smul.u32 @!p0 $0xF7A, s2;
	p2 =	seq.s32 @!p0 s5, $0x0  }
0x1f: {  	s9 =	smul.u32 $0xF7A, s1;
	s8 =	simm.s32 @!p0 $0x1BF5;
	p2 =	por !p2, p0  }
0x20: {  	[sflag:s8] =	ssyncset.s32 @!p0 $0xFFFFF086;
	s6 =	sadd.s32 @!p0 s3, s7;
	s7 =	simm.s32 @!p0 $0x108  }
0x21: {  	s3 =	sadd.s32 s3, s9;
	s6 =	sadd.s32 @!p0 $0x88, s6;
	s7 =	simm.s32 @p2 $0x1082  }
0x22: {  	[simem:s7], [sflag:s8] =	dma.local @!p0 [hbm:s6], $0xF7A  }
0x23: {  	s9 =	sor.u32 $0xD0000000, s2;
	s6 =	simm.s32 $0x108;
	_ =	swait.ge @!p0 [sflag:s8], $0x0  }
0x24: {  	s3 =	sadd.s32 $0x88, s3;
	s6 =	simm.s32 @!p1 $0x1082;
	[sflag:s4] =	ssyncset.s32 $0xFFFFF086  }
0x25: {  	[simem:s6], [sflag:s4] =	dma.local [hbm:s3], $0xF7A  }
0x26: {  	[smem:$0x3F88] =	sst s1;
	(tag) =	ssettag s2;
	_ =	strace s9  }
0x27: {  	s1 =	sld [smem:$0x3F98]  }
0x28: {  	s2 =	sld [smem:$0x3F99]  }
0x29: {  	s4 =	sld [smem:$0x3F9B]  }
0x2a: {  	p0 =	seq.s32 s5, $0x0;
	s5 =	sld [smem:$0x3F9C]  }
0x2b: {  	s6 =	sld [smem:$0x3F9D]  }
0x2c: {  	s7 =	sld [smem:$0x3F9E]  }
0x2d: {  	s3 =	simm.s32 $0x108;
	s8 =	sld [smem:$0x3F9F]  }
0x2e: {  	s3 =	simm.s32 @!p0 $0x1082;
	s9 =	sld [smem:$0x3FA0]  }
0x2f: {  	lr =	sadd.s32 s0, s3;
	s0 =	sld [smem:$0x3F97]  }
0x30: {  	s3 =	sld [smem:$0x3F9A]  }
0x31: {  	[smem:$0x3FA3] =	sst s10  }
0x32: {  	s10 =	sld [smem:$0x3FA1];
	_ =	sdelay $0x3  }
0x33: {  	p0 =	seq.s32 s10, $0x1;
	s10 =	sld [smem:$0x3FA3];
	_ =	sdelay $0x3  }
0x34: {  	[smem:$0x3FA3] =	sst s10  }
0x35: {  	s10 =	sld [smem:$0x3FA2];
	_ =	sdelay $0x3  }
0x36: {  	p1 =	seq.s32 s10, $0x1;
	s10 =	sld [smem:$0x3FA3];
	_ =	sdelay $0x3  }
0x37: {  	[smem:$0x3FA3] =	sst s10  }
0x38: {  	s10 =	sld [smem:$0x3FA4]  }
0x39: {  	_ = 	snop;
	(pc) =	sbr.ind lr, $3  }
0x3a: {  	_ = 	snop  }
0x3b: {  	_ = 	snop  }
0x3c: {  	p2 =	seq.s32 s10, $0x1;
	s10 =	sld [smem:$0x3FA3]  }
0x3d: {  	_ =	shalt  }
0x3e: {  	_ =	shalt  }
0x3f: {  	_ =	shalt  }
0x40: {  	_ =	shalt  }
0x41: {  	_ =	shalt  }
0x42: {  	_ =	shalt  }
0x43: {  	_ =	shalt  }
0x44: {  	_ =	shalt  }
0x45: {  	_ =	shalt  }
0x46: {  	_ =	shalt  }
0x47: {  	_ =	shalt  }
0x48: {  	_ =	shalt  }
0x49: {  	_ =	shalt  }
0x4a: {  	_ =	shalt  }
0x4b: {  	_ =	shalt  }
0x4c: {  	_ =	shalt  }
0x4d: {  	_ =	shalt  }
0x4e: {  	_ =	shalt  }
0x4f: {  	_ =	shalt  }
0x50: {  	_ =	shalt  }
0x51: {  	_ =	shalt  }
0x52: {  	_ =	shalt  }
0x53: {  	_ =	shalt  }
0x54: {  	_ =	shalt  }
0x55: {  	_ =	shalt  }
0x56: {  	_ =	shalt  }
0x57: {  	_ =	shalt  }
0x58: {  	_ =	shalt  }
0x59: {  	_ =	shalt  }
0x5a: {  	_ =	shalt  }
0x5b: {  	_ =	shalt  }
0x5c: {  	_ =	shalt  }
0x5d: {  	_ =	shalt  }
0x5e: {  	_ =	shalt  }
0x5f: {  	_ =	shalt  }
0x60: {  	_ =	shalt  }
0x61: {  	_ =	shalt  }
0x62: {  	_ =	shalt  }
0x63: {  	_ =	shalt  }
0x64: {  	_ =	shalt  }
0x65: {  	_ =	shalt  }
0x66: {  	_ =	shalt  }
0x67: {  	_ =	shalt  }
0x68: {  	_ =	shalt  }
0x69: {  	_ =	shalt  }
0x6a: {  	_ =	shalt  }
0x6b: {  	_ =	shalt  }
0x6c: {  	_ =	shalt  }
0x6d: {  	_ =	shalt  }
0x6e: {  	_ =	shalt  }
0x6f: {  	_ =	shalt  }
0x70: {  	_ =	shalt  }
0x71: {  	_ =	shalt  }
0x72: {  	_ =	shalt  }
0x73: {  	_ =	shalt  }
0x74: {  	_ =	shalt  }
0x75: {  	_ =	shalt  }
0x76: {  	_ =	shalt  }
0x77: {  	_ =	shalt  }
0x78: {  	_ =	shalt  }
0x79: {  	_ =	shalt  }
0x7a: {  	_ =	shalt  }
0x7b: {  	_ =	shalt  }
0x7c: {  	_ =	shalt  }
0x7d: {  	_ =	shalt  }
0x7e: {  	_ =	shalt  }
0x7f: {  	_ =	shalt  }
0x80: {  	_ =	shalt  }
0x81: {  	_ =	shalt  }
0x82: {  	_ =	shalt  }
0x83: {  	_ =	shalt  }
0x84: {  	_ =	shalt  }
0x85: {  	_ =	shalt  }
0x86: {  	_ =	shalt  }
0x87: {  	_ =	shalt  }
.Lfunc_end0:
.L_simem_size_0:
called_computation.1_lowered:
.L_overlay_start_0:
0x88: {  	s2 =	sld [smem:$0x3FD9]  }
0x89: {  	s3 =	sld [smem:$0x3FFE];
	_ =	sdelay $0x1  }
0x8a: {  	s1 =	srdreg.scid  }
0x8b: {  	s0 =	sand.u32 $0x1, s1  }
0x8c: {  	s16 =	sshll.u32 s0, $0xA;
	s2 =	sadd.s32 s3, s2  }
0x8d: {  	s2 =	sadd.s32 s2, s16  }
0x8e: {  	[smem:$0x3FAF] =	sst s2  }
0x8f: {  	_ = 	snop  }
0x90: {  	(tm) =	ssettm $0x1  }
0x91: {  	s17 =	sld [smem:$0x3FFB];
	_ =	sdelay $0x3  }
0x92: {  	_ =	strace s17  }
0x93: {  	s2 =	sld [smem:$0x3FFC];
	_ =	sdelay $0x3  }
0x94: {  	_ =	strace s2  }
0x95: {  	s2 =	sld [smem:$0x3FFD];
	_ =	sdelay $0x3  }
0x96: {  	_ =	strace s2  }
0x97: {  	_ =	strace $0x8FFFFFFF  }
0x98: {  	s18 =	sld [smem:$0x3FDB];
	_ =	sdelay $0x1  }
0x99: {  	s19 =	simm.s32 $_scs_section_size  }
0x9a: {  	s4 =	simm.s32 $_size__tile_overlayer_lowered;
	s5 =	simm.s32 $_tile_overlayer_lowered  }
0x9b: {  	s22 =	simm.s32 $0x1BFF;
	s21 =	sshll.u32 s5, $0x1;
	s2 =	sadd.s32 s19, s18  }
0x9c: {  	s6 =	simm.s32 $0x0;
	s20 =	sshll.u32 s4, $0x1;
	s4 =	sadd.s32 s21, s2  }
0x9d: {  	[timem:s6], [sflag:s22] =	dma.local [hbm:s4], s20  }
0x9e: {  	_ =	swait.ge [sflag:s22], s20  }
0x9f: {  	s3 =	ssub.s32 $0x0, s20;
	[sflag:s22] =	ssyncset.done $0x0  }
0xa0: {  	[sflag:s22] =	ssyncadd.s32 s3;
	_ =	sdelay $0x1  }
0xa1: {  	s23 =	simm.s32 $0x1B8B  }
0xa2: {  	_ =	swait.ge [sflag:s23], $0x1  }
0xa3: {  	[sflag:s23] =	ssyncset.done $0x0  }
0xa4: {  	s25 =	simm.s32 $0x1B8E;
	s24 =	sld [smem:$0x3FFE];
	[sflag:s23] =	ssyncadd.s32 $0xFFFFFFFF  }
0xa5: {  	s26 =	simm.s32 $execute0_lowered;
	[smem:$0x3FD2] =	sst s25  }
0xa6: {  	s4 =	sshll.u32 s26, $0x1;
	_ =	strace $0x80000049;
	[dreg:$0x1] =	wrdreg $0xFFFFFFFF  }
0xa7: {  	s28 =	simm.s32 $_size_execute0_lowered;
	s2 =	sadd.s32 s2, s4;
	[dreg:$0x0] =	wrdreg $0x0  }
0xa8: {  	s4 =	sshll.u32 s28, $0x1;
	[dreg:$0x2] =	wrdreg s2  }
0xa9: {  	[dreg:$0x3] =	wrdreg s4  }
0xaa: {  	[dreg:$0x4] =	wrdreg $0xC0  }
0xab: {  	_ =	task [dreg:s6], $0x5FFFF  }
0xac: {  	[dreg:$0x1] =	wrdreg $0xFFFFFFFF  }
0xad: {  	[dreg:$0x0] =	wrdreg $0x60  }
0xae: {  	[dreg:$0x2] =	wrdreg s24  }
0xaf: {  	[dreg:$0x3] =	wrdreg $0x58000  }
0xb0: {  	[dreg:$0x4] =	wrdreg $0x9  }
0xb1: {  	_ =	task.clear_ibuf [dreg:s6], $0x5FFFF;
	_ =	strace $0x90000049  }
0xb2: {  	s29 =	simm.s32 $0x9;
	_ =	strace $0x8000004B  }
0xb3: {  	_ =	swait.ge [sflag:s29], $0x1  }
0xb4: {  	[sflag:s29] =	ssyncadd.s32 $0xFFFFFFFF  }
0xb5: {  	_ =	strace $0x9000004B  }
0xb6: {  	_ =	sfence  }
0xb7: {  	s30 =	sld [smem:$0x0];
	_ =	sdelay $0x2  }
0xb8: {  	s31 =	sshll.u32 s1, $0xD;
	s1 =	sshrl.u32 s1, $0x2  }
0xb9: {  	s3 =	sand.u32 $0x4000, s31;
	s1 =	sadd.s32 s1, s30  }
0xba: {  	s0 =	sor.u32 s3, s0;
	s1 =	sshll.u32 s1, $0x11  }
0xbb: {  	s0 =	sor.u32 s1, s0  }
0xbc: {  	s0 =	sadd.s32 $0x8F2B, s0  }
0xbd: {  	[sflag:s0] =	ssyncadd.remote.s32 $0x1  }
0xbe: {  	_ =	sfence.sel $0xFFFF  }
0xbf: {  	[dreg:$0x0] =	wrdreg $0xFFFFFFFF;
	(pc) =	sbr.abs _section_cstart, $3  }
0xc0: {  	[dreg:$0x1] =	wrdreg $0xFFFFFFFF  }
0xc1: {  	_ =	task.clear_ibuf [dreg:s6], $0x2FFFF;
	_ =	strace $0x9FFFFFFF  }
0xc2: {  	(tm) =	ssettm $0x7FFFFFFF  }
0xc3: {  	_ =	shalt  }
tec
execute0_lowered:
.L_overlay_start_1:
0x0: {  	(tag) =	ssettag $0x1  }
0x1: {  	s0 =	stileid.u32;
	s1 =	srdreg.scid  }
0x2: {  	s4 =	rddreg [dreg:$0x0];
	s5 =	smul.u32 $0x30000, s0  }
0x3: {  	s2 =	rddreg [dreg:$0x1];
	s8 =	smul.u32 $0x13C00, s0  }
0x4: {  	s3 =	simm.s32 $0x0;
	s15 =	simm.s32 $0x0;
	s12 =	smul.u32 $0x4F000, s0  }
0x5: {  	s6 =	sand.u32 $0x1, s1;
	s1 =	rddreg [dreg:$0x2];
	s30 =	smul.u32 $0x3000, s0  }
0x6: {  	s23 =	sshll.u32 s0, $0x1;
	[smem:$0x7FF] =	sst s3;
	s9 =	smul.u32 $0x278000, s6  }
0x7: {  	s31 =	sshll.u32 s0, $0x6;
	s7 =	sor.u32 s6, s23;
	s28 =	smul.u32 $0x18000, s6  }
0x8: {  	_ =	strace $0x8000004A;
	s26 =	ssub.s32 $0x2, s6;
	s13 =	smul.u32 $0x1800, s6  }
0x9: {  	s7 =	smul.u32 $0x300, s7;
	s10 =	sadd.s32 s5, s4;
	s25 =	sshrl.u32 s8, $0x3  }
0xa: {  	s11 =	sshrl.u32 s26, $0x1;
	s29 =	sshrl.u32 s12, $0x2;
	s12 =	simm.s32 $0x1  }
0xb: {  	s8 =	sadd.s32 s8, s9;
	s9 =	ssub.s32 s26, s11;
	s14 =	sadd.s32 s29, s2  }
0xc: {  	s11 =	sadd.s32 s28, s10;
	s10 =	sadd.s32 s13, s30;
	s13 =	sor.u32 $0x1C01, s31  }
0xd: {  	s24 =	sadd.s32 s7, s4;
	s7 =	sadd.s32 s25, s4;
	s8 =	sshrl.u32 s8, $0x3  }
0xe: {  	s14 =	sshrl.u32 s14, $0x3;
	s8 =	sadd.s32 s8, s4;
	s4 =	sadd.s32 $0x6C00, s24  }
0xf: {  	s5 =	sadd.s32 $0xCC00, s7;
	s6 =	sadd.s32 $0x34400, s8;
	s7 =	sadd.s32 $0x5BC00, s8  }
0x10: {  	s8 =	smax.u32 s9, $0x1;
	s9 =	sadd.s32 $0xCACC00, s11;
	s11 =	sadd.s32 $0xFACC00, s11  }
.LBB2_1:
0x11: {  	[tilespmem:s3], [sflag:$0x1] =	stream.linear.gather [hbm4b:s4+s3], $0x1800, $0x38;
	[tilespmem:$0x19400] =	vst v63  }
0x12: {  	_ =	swait.ge [sflag:s12], $0x1800  }
0x13: {  	[sflag:s12] =	ssyncset.done $0x0  }
0x14: {  	[sflag:s12] =	ssyncadd.s32 $0xFFFFE800  }
0x15: {  	[spmem:s14], [sflag:s13] =	dma.local [hbm:s5], $0x2780  }
0x16: {  	s16 =	sadd.s32 $0x0, s10;
	_ =	swait.ge [sflag:s12], $0x2780  }
0x17: {  	p1 =	sgt.u32 s16, $0x2980F;
	[sflag:s12] =	ssyncset.done $0x0  }
0x18: {  	p0 =	por p1, p1;
	s16 =	simm.s32 @!p1 $0x0;
	[sflag:s12] =	ssyncadd.s32 $0xFFFFD880  }
0x19: {  	s17 =	simm.s32 @!p1 $0x1800;
	s18 =	simm.s32 @!p0 $0x2;
	[bflag:$0x0] =	sbarrier.arrive $0xFFFF  }
0x1a: {  	[tilespmem:s17], [sflag:$0x2] =	stream.linear.gather @!p0 [hbm4b:s9+s16], $0x4000, $0x38;
	[tilespmem:$0x19400] =	vst v63  }
0x1b: {  	s31 =	sadd.s32 $0x80, s10;
	_ =	swait.ge @!p0 [sflag:s18], $0x4000  }
0x1c: {  	p1 =	sgt.u32 s31, $0x2980F;
	s19 =	simm.s32 @!p0 $0x1;
	[sflag:s18] =	ssyncset.done @!p0 $0x0  }
0x1d: {  	s16 =	simm.s32 $0x80;
	[sflag:s18] =	ssyncadd.s32 @!p0 $0xFFFFC000;
	s18 =	simm.s32 @!p0 $0x80  }
0x1e: {  	[spmem:s2] =	stream.indirect.scatter.add.f32 @!p0 [tilespmem:s17], [sflag:$0x1], $0x80, s3, s18, $0xb8;
	[tilespmem:$0x19400] =	vst v63  }
0x1f: {  	s18 =	simm.s32 $0x100;
	s17 =	sadd.s32 $0x800, s9;
	_ =	swait.ge @!p0 [sflag:s19], $0x4000  }
.LBB2_2:
0x20: {  	s20 =	simm.s32 @!p1 $0x0;
	s21 =	simm.s32 @!p1 $0x1800  }
0x21: {  	[sflag:s19] =	ssyncset.done @!p0 $0x0;
	s22 =	smov.u32 s18;
	s23 =	smov.u32 s16  }
0x22: {  	p2 =	por p0, p0;
	p0 =	por p1, p1;
	s18 =	sadd.s32 $0x80, s18  }
0x23: {  	s24 =	simm.s32 @!p0 $0x2;
	[sflag:s19] =	ssyncadd.s32 @!p2 $0xFFFFC000;
	p2 =	sne.s32 s18, $0x1800  }
0x24: {  	[tilespmem:s21], [sflag:$0x2] =	stream.linear.gather @!p0 [hbm4b:s17+s20], $0x4000, $0x38;
	[tilespmem:$0x19400] =	vst v63  }
.Ltmp0:
0x25: {  	_ =	swait.ge @!p0 [sflag:s24], $0x4000;
	(pc) =	sbr.rel @p2 .LBB2_2-.Ltmp0, $4  }
0x26: {  	s16 =	sadd.s32 $0x80, s16;
	s19 =	simm.s32 @!p0 $0x1;
	[sflag:s24] =	ssyncset.done @!p0 $0x0  }
0x27: {  	s20 =	sadd.s32 s22, s10;
	s22 =	simm.s32 @!p0 $0x80;
	[sflag:s24] =	ssyncadd.s32 @!p0 $0xFFFFC000  }
0x28: {  	[spmem:s2] =	stream.indirect.scatter.add.f32 @!p0 [tilespmem:s21], [sflag:$0x1], $0x80, s23, s22, $0xb8;
	[tilespmem:$0x19400] =	vst v63  }
0x29: {  	s17 =	sadd.s32 $0x800, s17;
	p1 =	sgt.u32 s20, $0x2980F;
	_ =	swait.ge @!p0 [sflag:s19], $0x4000  }
0x2a: {  	s18 =	simm.s32 @!p1 $0x0  }
0x2b: {  	[sflag:s19] =	ssyncset.done @!p0 $0x0;
	p0 =	por p0, p0;
	p2 =	por p1, p1  }
0x2c: {  	s20 =	simm.s32 @!p1 $0x1800;
	s21 =	simm.s32 @!p2 $0x2;
	[sflag:s19] =	ssyncadd.s32 @!p0 $0xFFFFC000  }
0x2d: {  	[tilespmem:s20], [sflag:$0x2] =	stream.linear.gather @!p2 [hbm4b:s17+s18], $0x4000, $0x38;
	[tilespmem:$0x19400] =	vst v63  }
0x2e: {  	_ =	swait.ge @!p2 [sflag:s21], $0x4000  }
0x2f: {  	[sflag:s21] =	ssyncset.done @!p2 $0x0  }
0x30: {  	s17 =	simm.s32 @!p2 $0x1;
	s18 =	simm.s32 @!p2 $0x80;
	[sflag:s21] =	ssyncadd.s32 @!p2 $0xFFFFC000  }
0x31: {  	[spmem:s2] =	stream.indirect.scatter.add.f32 @!p2 [tilespmem:s20], [sflag:$0x1], $0x80, s16, s18, $0xb8;
	[tilespmem:$0x19400] =	vst v63  }
0x32: {  	_ =	swait.ge @!p2 [sflag:s17], $0x4000  }
0x33: {  	p0 =	por p2, p2;
	[sflag:s17] =	ssyncset.done @!p2 $0x0  }
0x34: {  	[sflag:s17] =	ssyncadd.s32 @!p0 $0xFFFFC000  }
0x35: {  	[bflag:$0x0] =	sbarrier.arrive $0xFFFF  }
0x36: {  	[hbm:s6], [sflag:s13] =	dma.local [spmem:s14], $0x2780  }
0x37: {  	_ =	swait.ge [sflag:s12], $0x2780  }
0x38: {  	[sflag:s12] =	ssyncset.done $0x0  }
0x39: {  	[sflag:s12] =	ssyncadd.s32 $0xFFFFD880  }
0x3a: {  	[bflag:$0x0] =	sbarrier.arrive $0xFFFF  }
0x3b: {  	[spmem:s14], [sflag:s13] =	dma.local [hbm:s5], $0x2780  }
0x3c: {  	s30 =	sadd.s32 $0x0, s10;
	_ =	swait.ge [sflag:s12], $0x2780  }
0x3d: {  	p1 =	sgt.u32 s30, $0x2980F;
	[sflag:s12] =	ssyncset.done $0x0  }
0x3e: {  	s16 =	simm.s32 @!p1 $0x0;
	p0 =	por p1, p1;
	[sflag:s12] =	ssyncadd.s32 $0xFFFFD880  }
0x3f: {  	s17 =	simm.s32 @!p1 $0x1800;
	s18 =	simm.s32 @!p0 $0x2;
	[bflag:$0x0] =	sbarrier.arrive $0xFFFF  }
0x40: {  	[tilespmem:s17], [sflag:$0x2] =	stream.linear.gather @!p0 [hbm4b:s11+s16], $0x4000, $0x38;
	[tilespmem:$0x19400] =	vst v63  }
0x41: {  	_ =	swait.ge @!p0 [sflag:s18], $0x4000  }
0x42: {  	s31 =	sadd.s32 $0x80, s10;
	[sflag:s18] =	ssyncset.done @!p0 $0x0  }
0x43: {  	s19 =	simm.s32 $0x0;
	[sflag:s18] =	ssyncadd.s32 @!p0 $0xFFFFC000;
	s18 =	simm.s32 @!p0 $0x80  }
0x44: {  	[spmem:s2] =	stream.indirect.scatter.add.f32 @!p0 [tilespmem:s17], [sflag:$0x1], $0x80, s19, s18, $0xb8;
	[tilespmem:$0x19400] =	vst v63  }
0x45: {  	p1 =	sgt.u32 s31, $0x2980F;
	s16 =	simm.s32 $0x80;
	s19 =	simm.s32 @!p0 $0x1  }
0x46: {  	s18 =	simm.s32 $0x100;
	s17 =	sadd.s32 $0x800, s11;
	_ =	swait.ge @!p0 [sflag:s19], $0x4000  }
.LBB2_4:
0x47: {  	s20 =	simm.s32 @!p1 $0x0;
	s21 =	simm.s32 @!p1 $0x1800  }
0x48: {  	[sflag:s19] =	ssyncset.done @!p0 $0x0;
	s22 =	smov.u32 s18;
	s23 =	smov.u32 s16  }
0x49: {  	p2 =	por p0, p0;
	p0 =	por p1, p1;
	s18 =	sadd.s32 $0x80, s18  }
0x4a: {  	s24 =	simm.s32 @!p0 $0x2;
	[sflag:s19] =	ssyncadd.s32 @!p2 $0xFFFFC000;
	p2 =	sne.s32 s18, $0x1800  }
0x4b: {  	[tilespmem:s21], [sflag:$0x2] =	stream.linear.gather @!p0 [hbm4b:s17+s20], $0x4000, $0x38;
	[tilespmem:$0x19400] =	vst v63  }
.Ltmp1:
0x4c: {  	_ =	swait.ge @!p0 [sflag:s24], $0x4000;
	(pc) =	sbr.rel @p2 .LBB2_4-.Ltmp1, $4  }
0x4d: {  	s16 =	sadd.s32 $0x80, s16;
	s19 =	simm.s32 @!p0 $0x1;
	[sflag:s24] =	ssyncset.done @!p0 $0x0  }
0x4e: {  	s20 =	sadd.s32 s22, s10;
	s22 =	simm.s32 @!p0 $0x80;
	[sflag:s24] =	ssyncadd.s32 @!p0 $0xFFFFC000  }
0x4f: {  	[spmem:s2] =	stream.indirect.scatter.add.f32 @!p0 [tilespmem:s21], [sflag:$0x1], $0x80, s23, s22, $0xb8;
	[tilespmem:$0x19400] =	vst v63  }
0x50: {  	s17 =	sadd.s32 $0x800, s17;
	p1 =	sgt.u32 s20, $0x2980F;
	_ =	swait.ge @!p0 [sflag:s19], $0x4000  }
0x51: {  	s18 =	simm.s32 @!p1 $0x0  }
0x52: {  	[sflag:s19] =	ssyncset.done @!p0 $0x0;
	p0 =	por p0, p0;
	p2 =	por p1, p1  }
0x53: {  	s20 =	simm.s32 @!p1 $0x1800;
	s21 =	simm.s32 @!p2 $0x2;
	[sflag:s19] =	ssyncadd.s32 @!p0 $0xFFFFC000  }
0x54: {  	[tilespmem:s20], [sflag:$0x2] =	stream.linear.gather @!p2 [hbm4b:s17+s18], $0x4000, $0x38;
	[tilespmem:$0x19400] =	vst v63  }
0x55: {  	_ =	swait.ge @!p2 [sflag:s21], $0x4000  }
0x56: {  	[sflag:s21] =	ssyncset.done @!p2 $0x0  }
0x57: {  	s17 =	simm.s32 @!p2 $0x1;
	s18 =	simm.s32 @!p2 $0x80;
	[sflag:s21] =	ssyncadd.s32 @!p2 $0xFFFFC000  }
0x58: {  	[spmem:s2] =	stream.indirect.scatter.add.f32 @!p2 [tilespmem:s20], [sflag:$0x1], $0x80, s16, s18, $0xb8;
	[tilespmem:$0x19400] =	vst v63  }
0x59: {  	_ =	swait.ge @!p2 [sflag:s17], $0x4000  }
0x5a: {  	s15 =	sadd.s32 $0x1, s15;
	p0 =	por p2, p2;
	[sflag:s17] =	ssyncset.done @!p2 $0x0  }
0x5b: {  	[sflag:s17] =	ssyncadd.s32 @!p0 $0xFFFFC000;
	p0 =	sne.s32 s15, s8  }
.Ltmp2:
0x5c: {  	[bflag:$0x0] =	sbarrier.arrive $0xFFFF;
	(pc) =	sbr.rel @p0 .LBB2_1-.Ltmp2, $4  }
0x5d: {  	[hbm:s7], [sflag:s13] =	dma.local [spmem:s14], $0x2780  }
0x5e: {  	_ =	swait.ge [sflag:s12], $0x2780  }
0x5f: {  	[sflag:s12] =	ssyncset.done $0x0  }
0x60: {  	[sflag:s12] =	ssyncadd.s32 $0xFFFFD880  }
0x61: {  	_ =	sfence.sel $0x180000  }
0x62: {  	[bflag:$0x0] =	sbarrier.arrive $0xFFFF  }
0x63: {  	p0 =	sne.s32 s0, $0x0;
	_ =	strace $0x9000004A  }
0x64: {  	s0 =	sadd.s32 @!p0 $0x100000, s1;
	[bflag:$0x2] =	sbarrier.arrive $0xFFFF  }
0x65: {  	[sflag:s0] =	ssyncadd.tile.s32 @!p0 $0x1;
	_ =	shalt  }
.Lfunc_end2:
_tile_overlayer_lowered:
.L_overlay_start_2:
0x66: {  	(tag) =	ssettag $0x2  }
0x67: {  	s0 =	rddreg [dreg:$0x0];
	s2 =	stileid.u32  }
0x68: {  	s1 =	rddreg [dreg:$0x1];
	p0 =	sne.s32 s2, $0x0  }
0x69: {  	s3 =	rddreg [dreg:$0x2];
	[bflag:$0x3] =	sbarrier.arrive $0xFFFF;
	s2 =	simm.s32 @!p0 $0x1C01  }
0x6a: {  	[timem:s3], [sflag:s2] =	dma.local @!p0 [hbm:s0], s1  }
0x6b: {  	s0 =	simm.s32 @!p0 $0x1  }
0x6c: {  	_ =	swait.ge @!p0 [sflag:s0], s1  }
0x6d: {  	s1 =	ssub.s32 @!p0 $0x0, s1;
	[sflag:s0] =	ssyncset.done @!p0 $0x0  }
0x6e: {  	[sflag:s0] =	ssyncadd.s32 @!p0 s1  }
0x6f: {  	[bflag:$0x3] =	sbarrier.arrive $0xFFFF  }
0x70: {  	_ =	shalt  }

// kernel: kernel.22.cloned.1.call-start
scs
__scs_entry_jumppad:
0x0: {  	(pc) =	sbr.rel $0x88, $3  }
0x1: {  	(tag) =	ssettag $0x0;
	lr =	simm.s32 $0x1  }
0x2: {  	[smem:$0x3F88] =	sst lr;
	_ =	strace $0xD0000000  }
0x3: {  	_ = 	snop  }
0x4: {  	_ = 	snop  }
0x5: {  	_ = 	snop  }
0x6: {  	_ = 	snop  }
0x7: {  	_ = 	snop  }
__scs_overlays_trampoline_lowered:
0x8: {  	[smem:$0x3F97] =	sst s0  }
0x9: {  	[smem:$0x3F98] =	sst s1  }
0xa: {  	[smem:$0x3F99] =	sst s2  }
0xb: {  	[smem:$0x3F9A] =	sst s3  }
0xc: {  	[smem:$0x3F9B] =	sst s4  }
0xd: {  	[smem:$0x3F9C] =	sst s5  }
0xe: {  	[smem:$0x3F9D] =	sst s6  }
0xf: {  	[smem:$0x3F9E] =	sst s7  }
0x10: {  	[smem:$0x3F9F] =	sst s8  }
0x11: {  	[smem:$0x3FA0] =	sst s9;
	s0 =	simm.s32 @!p0 $0x0  }
0x12: {  	s1 =	sld [smem:$0x3F86];
	s0 =	simm.s32 @p0 $0x1  }
0x13: {  	[smem:$0x3FA1] =	sst s0;
	s0 =	simm.s32 @!p1 $0x0  }
0x14: {  	s2 =	sld [smem:$0x3F85];
	s0 =	simm.s32 @p1 $0x1  }
0x15: {  	[smem:$0x3FA2] =	sst s0;
	s0 =	simm.s32 @!p2 $0x0  }
0x16: {  	s3 =	sld [smem:$0x3FDB];
	s0 =	simm.s32 @p2 $0x1  }
0x17: {  	s4 =	simm.s32 $0x1BF5;
	[smem:$0x3FA4] =	sst s0  }
0x18: {  	s0 =	sld [smem:$0x3F87];
	_ =	swait.ge [sflag:s4], $0x0  }
0x19: {  	s7 =	sld [smem:$0x3F88]  }
0x1a: {  	s8 =	sadd.s32 $0xFFFFE003, lr  }
0x1b: {  	s9 =	sadd.s32 $0xFFFFFEF7, lr;
	s5 =	simm.s32 $0xFFFFFFFF;
	p2 =	slt.u32 s8, $0xFFFFF086  }
0x1c: {  	p1 =	slt.u32 s9, $0xF7A;
	s5 =	simm.s32 @!p2 $0x0  }
0x1d: {  	s5 =	simm.s32 @p1 $0x1;
	p0 =	seq.s32 s7, s2  }
0x1e: {  	s7 =	smul.u32 @!p0 $0xF7A, s2;
	p2 =	seq.s32 @!p0 s5, $0x0  }
0x1f: {  	s9 =	smul.u32 $0xF7A, s1;
	s8 =	simm.s32 @!p0 $0x1BF5;
	p2 =	por !p2, p0  }
0x20: {  	[sflag:s8] =	ssyncset.s32 @!p0 $0xFFFFF086;
	s6 =	sadd.s32 @!p0 s3, s7;
	s7 =	simm.s32 @!p0 $0x108  }
0x21: {  	s3 =	sadd.s32 s3, s9;
	s6 =	sadd.s32 @!p0 $0x88, s6;
	s7 =	simm.s32 @p2 $0x1082  }
0x22: {  	[simem:s7], [sflag:s8] =	dma.local @!p0 [hbm:s6], $0xF7A  }
0x23: {  	s9 =	sor.u32 $0xD0000000, s2;
	s6 =	simm.s32 $0x108;
	_ =	swait.ge @!p0 [sflag:s8], $0x0  }
0x24: {  	s3 =	sadd.s32 $0x88, s3;
	s6 =	simm.s32 @!p1 $0x1082;
	[sflag:s4] =	ssyncset.s32 $0xFFFFF086  }
0x25: {  	[simem:s6], [sflag:s4] =	dma.local [hbm:s3], $0xF7A  }
0x26: {  	[smem:$0x3F88] =	sst s1;
	(tag) =	ssettag s2;
	_ =	strace s9  }
0x27: {  	s1 =	sld [smem:$0x3F98]  }
0x28: {  	s2 =	sld [smem:$0x3F99]  }
0x29: {  	s4 =	sld [smem:$0x3F9B]  }
0x2a: {  	p0 =	seq.s32 s5, $0x0;
	s5 =	sld [smem:$0x3F9C]  }
0x2b: {  	s6 =	sld [smem:$0x3F9D]  }
0x2c: {  	s7 =	sld [smem:$0x3F9E]  }
0x2d: {  	s3 =	simm.s32 $0x108;
	s8 =	sld [smem:$0x3F9F]  }
0x2e: {  	s3 =	simm.s32 @!p0 $0x1082;
	s9 =	sld [smem:$0x3FA0]  }
0x2f: {  	lr =	sadd.s32 s0, s3;
	s0 =	sld [smem:$0x3F97]  }
0x30: {  	s3 =	sld [smem:$0x3F9A]  }
0x31: {  	[smem:$0x3FA3] =	sst s10  }
0x32: {  	s10 =	sld [smem:$0x3FA1];
	_ =	sdelay $0x3  }
0x33: {  	p0 =	seq.s32 s10, $0x1;
	s10 =	sld [smem:$0x3FA3];
	_ =	sdelay $0x3  }
0x34: {  	[smem:$0x3FA3] =	sst s10  }
0x35: {  	s10 =	sld [smem:$0x3FA2];
	_ =	sdelay $0x3  }
0x36: {  	p1 =	seq.s32 s10, $0x1;
	s10 =	sld [smem:$0x3FA3];
	_ =	sdelay $0x3  }
0x37: {  	[smem:$0x3FA3] =	sst s10  }
0x38: {  	s10 =	sld [smem:$0x3FA4]  }
0x39: {  	_ = 	snop;
	(pc) =	sbr.ind lr, $3  }
0x3a: {  	_ = 	snop  }
0x3b: {  	_ = 	snop  }
0x3c: {  	p2 =	seq.s32 s10, $0x1;
	s10 =	sld [smem:$0x3FA3]  }
0x3d: {  	_ =	shalt  }
0x3e: {  	_ =	shalt  }
0x3f: {  	_ =	shalt  }
0x40: {  	_ =	shalt  }
0x41: {  	_ =	shalt  }
0x42: {  	_ =	shalt  }
0x43: {  	_ =	shalt  }
0x44: {  	_ =	shalt  }
0x45: {  	_ =	shalt  }
0x46: {  	_ =	shalt  }
0x47: {  	_ =	shalt  }
0x48: {  	_ =	shalt  }
0x49: {  	_ =	shalt  }
0x4a: {  	_ =	shalt  }
0x4b: {  	_ =	shalt  }
0x4c: {  	_ =	shalt  }
0x4d: {  	_ =	shalt  }
0x4e: {  	_ =	shalt  }
0x4f: {  	_ =	shalt  }
0x50: {  	_ =	shalt  }
0x51: {  	_ =	shalt  }
0x52: {  	_ =	shalt  }
0x53: {  	_ =	shalt  }
0x54: {  	_ =	shalt  }
0x55: {  	_ =	shalt  }
0x56: {  	_ =	shalt  }
0x57: {  	_ =	shalt  }
0x58: {  	_ =	shalt  }
0x59: {  	_ =	shalt  }
0x5a: {  	_ =	shalt  }
0x5b: {  	_ =	shalt  }
0x5c: {  	_ =	shalt  }
0x5d: {  	_ =	shalt  }
0x5e: {  	_ =	shalt  }
0x5f: {  	_ =	shalt  }
0x60: {  	_ =	shalt  }
0x61: {  	_ =	shalt  }
0x62: {  	_ =	shalt  }
0x63: {  	_ =	shalt  }
0x64: {  	_ =	shalt  }
0x65: {  	_ =	shalt  }
0x66: {  	_ =	shalt  }
0x67: {  	_ =	shalt  }
0x68: {  	_ =	shalt  }
0x69: {  	_ =	shalt  }
0x6a: {  	_ =	shalt  }
0x6b: {  	_ =	shalt  }
0x6c: {  	_ =	shalt  }
0x6d: {  	_ =	shalt  }
0x6e: {  	_ =	shalt  }
0x6f: {  	_ =	shalt  }
0x70: {  	_ =	shalt  }
0x71: {  	_ =	shalt  }
0x72: {  	_ =	shalt  }
0x73: {  	_ =	shalt  }
0x74: {  	_ =	shalt  }
0x75: {  	_ =	shalt  }
0x76: {  	_ =	shalt  }
0x77: {  	_ =	shalt  }
0x78: {  	_ =	shalt  }
0x79: {  	_ =	shalt  }
0x7a: {  	_ =	shalt  }
0x7b: {  	_ =	shalt  }
0x7c: {  	_ =	shalt  }
0x7d: {  	_ =	shalt  }
0x7e: {  	_ =	shalt  }
0x7f: {  	_ =	shalt  }
0x80: {  	_ =	shalt  }
0x81: {  	_ =	shalt  }
0x82: {  	_ =	shalt  }
0x83: {  	_ =	shalt  }
0x84: {  	_ =	shalt  }
0x85: {  	_ =	shalt  }
0x86: {  	_ =	shalt  }
0x87: {  	_ =	shalt  }
.Lfunc_end0:
.L_simem_size_0:
called_computation.2_lowered:
.L_overlay_start_0:
0x88: {  	s2 =	sld [smem:$0x3FD9]  }
0x89: {  	s3 =	sld [smem:$0x3FFE];
	_ =	sdelay $0x1  }
0x8a: {  	s1 =	srdreg.scid  }
0x8b: {  	s0 =	sand.u32 $0x1, s1  }
0x8c: {  	s14 =	sshll.u32 s0, $0xA;
	s2 =	sadd.s32 s3, s2  }
0x8d: {  	s2 =	sadd.s32 s2, s14  }
0x8e: {  	[smem:$0x3FAF] =	sst s2  }
0x8f: {  	_ = 	snop  }
0x90: {  	s2 =	sld [smem:$0x3FD0];
	_ =	sdelay $0x2  }
0x91: {  	s15 =	simm.s32 $0xA;
	s4 =	simm.s32 $0x10  }
0x92: {  	[smem:s4], [sflag:s15] =	dma.local [hbm:s2], $0x1  }
0x93: {  	_ =	swait.eq [sflag:s15], $0x1  }
0x94: {  	[sflag:s15] =	ssyncset.done $0x0  }
0x95: {  	[sflag:s15] =	ssyncadd.s32 $0xFFFFFFFF  }
0x96: {  	s16 =	sld [smem:$0x11];
	(tm) =	ssettm $0x1  }
0x97: {  	s17 =	sld [smem:$0x3FFB];
	_ =	sdelay $0x3  }
0x98: {  	_ =	strace s17  }
0x99: {  	s3 =	sld [smem:$0x3FFC];
	_ =	sdelay $0x3  }
0x9a: {  	_ =	strace s3  }
0x9b: {  	s3 =	sld [smem:$0x3FFD];
	_ =	sdelay $0x3  }
0x9c: {  	_ =	strace s3  }
0x9d: {  	_ =	strace $0x8FFFFFFF  }
0x9e: {  	s18 =	sld [smem:$0x3FDB];
	_ =	sdelay $0x1  }
0x9f: {  	s19 =	simm.s32 $_scs_section_size  }
0xa0: {  	s5 =	simm.s32 $_size__tile_overlayer_lowered;
	s6 =	simm.s32 $_tile_overlayer_lowered  }
0xa1: {  	s22 =	simm.s32 $0x1BFF;
	s21 =	sshll.u32 s6, $0x1;
	s3 =	sadd.s32 s19, s18  }
0xa2: {  	s7 =	simm.s32 $0x0;
	s20 =	sshll.u32 s5, $0x1;
	s5 =	sadd.s32 s21, s3  }
0xa3: {  	[timem:s7], [sflag:s22] =	dma.local [hbm:s5], s20  }
0xa4: {  	_ =	swait.ge [sflag:s22], s20  }
0xa5: {  	s4 =	ssub.s32 $0x0, s20;
	[sflag:s22] =	ssyncset.done $0x0  }
0xa6: {  	[sflag:s22] =	ssyncadd.s32 s4;
	_ =	sdelay $0x1  }
0xa7: {  	s23 =	simm.s32 $0x1B8B  }
0xa8: {  	_ =	swait.ge [sflag:s23], $0x1  }
0xa9: {  	[sflag:s23] =	ssyncset.done $0x0  }
0xaa: {  	s25 =	simm.s32 $0x1B8E;
	s24 =	sld [smem:$0x3FFE];
	[sflag:s23] =	ssyncadd.s32 $0xFFFFFFFF  }
0xab: {  	s26 =	simm.s32 $execute0_lowered;
	[smem:$0x3FD2] =	sst s25  }
0xac: {  	s5 =	sshll.u32 s26, $0x1;
	_ =	strace $0x8000004C;
	[dreg:$0x1] =	wrdreg $0xFFFFFFFF  }
0xad: {  	s28 =	simm.s32 $_size_execute0_lowered;
	s3 =	sadd.s32 s3, s5;
	[dreg:$0x0] =	wrdreg $0x0  }
0xae: {  	s5 =	sshll.u32 s28, $0x1;
	[dreg:$0x2] =	wrdreg s3  }
0xaf: {  	[dreg:$0x3] =	wrdreg s5  }
0xb0: {  	[dreg:$0x4] =	wrdreg $0xC0  }
0xb1: {  	_ =	task [dreg:s7], $0x5FFFF  }
0xb2: {  	[dreg:$0x1] =	wrdreg $0xFFFFFFFF  }
0xb3: {  	[dreg:$0x0] =	wrdreg $0x60  }
0xb4: {  	[dreg:$0x2] =	wrdreg s24  }
0xb5: {  	[dreg:$0x3] =	wrdreg s16  }
0xb6: {  	[dreg:$0x4] =	wrdreg $0x9  }
0xb7: {  	_ =	task.clear_ibuf [dreg:s7], $0x5FFFF;
	_ =	strace $0x9000004C  }
0xb8: {  	s29 =	simm.s32 $0x9;
	_ =	strace $0x8000004E  }
0xb9: {  	_ =	swait.ge [sflag:s29], $0x1  }
0xba: {  	[sflag:s29] =	ssyncadd.s32 $0xFFFFFFFF  }
0xbb: {  	_ =	strace $0x9000004E  }
0xbc: {  	_ =	sfence  }
0xbd: {  	s30 =	sld [smem:$0x0];
	_ =	sdelay $0x2  }
0xbe: {  	s31 =	sshll.u32 s1, $0xD;
	s1 =	sshrl.u32 s1, $0x2  }
0xbf: {  	s3 =	sand.u32 $0x4000, s31;
	s1 =	sadd.s32 s1, s30  }
0xc0: {  	s0 =	sor.u32 s3, s0;
	s1 =	sshll.u32 s1, $0x11  }
0xc1: {  	s0 =	sor.u32 s1, s0  }
0xc2: {  	s0 =	sadd.s32 $0x8F2B, s0  }
0xc3: {  	[sflag:s0] =	ssyncadd.remote.s32 $0x1  }
0xc4: {  	_ =	sfence.sel $0xFFFF  }
0xc5: {  	[dreg:$0x0] =	wrdreg $0xFFFFFFFF;
	(pc) =	sbr.abs _section_cstart, $3  }
0xc6: {  	[dreg:$0x1] =	wrdreg $0xFFFFFFFF  }
0xc7: {  	_ =	task.clear_ibuf [dreg:s7], $0x2FFFF;
	_ =	strace $0x9FFFFFFF  }
0xc8: {  	(tm) =	ssettm $0x7FFFFFFF  }
0xc9: {  	_ =	shalt  }
tec
execute0_lowered:
.L_overlay_start_1:
0x0: {  	(tag) =	ssettag $0x1  }
0x1: {  	s0 =	rddreg [dreg:$0x0];
	s1 =	srdreg.scid  }
0x2: {  	s11 =	stileid.u32;
	s5 =	rddreg [dreg:$0x1];
	s2 =	simm.s32 $0x0  }
0x3: {  	s13 =	simm.s32 $0x3000;
	s30 =	simm.s32 $0xB000;
	s31 =	simm.s32 $0xB800  }
0x4: {  	s12 =	simm.s32 $0xD000;
	s14 =	simm.s32 $0xF800;
	s15 =	simm.s32 $0x10000  }
0x5: {  	s16 =	simm.s32 $0x10800;
	s17 =	simm.s32 $0x11000;
	s18 =	simm.s32 $0x11800  }
0x6: {  	s19 =	simm.s32 $0x12000;
	s20 =	simm.s32 $0x12800;
	s21 =	simm.s32 $0x1  }
0x7: {  	s22 =	simm.s32 $0x4;
	s23 =	simm.s32 $0x2;
	s7 =	smul.u32 $0x60000, s11  }
0x8: {  	s1 =	sand.u32 $0x1, s1;
	s3 =	sshll.u32 s11, $0x1;
	s25 =	smul.u32 $0x3000, s11  }
0x9: {  	[smem:$0x7FF] =	sst s2;
	s4 =	sadd.s32 $0xFA400, s0;
	s10 =	smul.u32 $0x30000, s1  }
0xa: {  	s3 =	sor.u32 s1, s3;
	s9 =	ssub.s32 $0x2, s1;
	s1 =	smul.u32 $0x1800, s1  }
0xb: {  	s11 =	simm.s32 $0x3;
	_ =	strace $0x8000004D;
	s6 =	smul.u32 $0x300, s3  }
0xc: {  	s3 =	sadd.s32 $0x34400, s0;
	s24 =	sshrl.u32 s9, $0x1;
	s29 =	sadd.s32 s1, s25  }
0xd: {  	s1 =	simm.s32 $0xC000;
	s25 =	simm.s32 $0x0;
	s8 =	sadd.s32 s6, s0  }
0xe: {  	s0 =	sadd.s32 s7, s0;
	s7 =	ssub.s32 s9, s24;
	s5 =	sadd.s32 s5, s6  }
.Ltmp0:
0xf: {  	[dreg:$0x6] =	wrdreg s29;
	s6 =	simm.s32 $0xE000;
	(pc) =	sbr.rel .LBB2_1-.Ltmp0, $4  }
0x10: {  	[dreg:$0x3] =	wrdreg s5;
	s26 =	sadd.s32 $0x6C00, s8;
	s0 =	sadd.s32 s10, s0  }
0x11: {  	v2 =	vlaneseq.u32;
	s28 =	smax.u32 s7, $0x1;
	s5 =	simm.s32 $0xD800;
	s7 =	simm.s32 $0xE800  }
0x12: {  	vm0 =	vmmov $0xffff;
	v1 =	vshrl.u32 v2, $0x3;
	s10 =	simm.s32 $0xF000;
	[dreg:$0x4] =	wrdreg s26;
	s8 =	sadd.s32 $0x14A400, s0  }
0x13: {  	v0 =	vand.u32 $0x7, v2;
	v2 =	vor.u32 $0x8, v2;
	v1 =	vmul.u32 $0x8, v1;
	[dreg:$0x5] =	wrdreg s28;
	s9 =	sadd.s32 $0x74A400, s0;
	s0 =	simm.s32 $0xC800  }
.LBB2_5:
0x14: {  	s25 =	rddreg [dreg:$0x7]  }
0x15: {  	s24 =	rddreg [dreg:$0x5];
	s25 =	sadd.s32 $0x1, s25  }
0x16: {  	p0 =	sne.s32 s25, s24  }
.Ltmp1:
0x17: {  	_ = 	snop;
	(pc) =	sbr.rel @!p0 .LBB2_6-.Ltmp1, $1  }
0x18: {  	_ =	sdelay $0x3  }
.LBB2_1:
0x19: {  	[dreg:$0x7] =	wrdreg s25  }
0x1a: {  	s24 =	rddreg [dreg:$0x3]  }
0x1b: {  	[tilespmem:s2], [sflag:$0x3] =	stream.linear.gather [hbm4b:s24+s2], $0x1800, $0x38;
	[tilespmem:$0x13000] =	vst v63  }
0x1c: {  	_ =	swait.ge [sflag:s11], $0x1800  }
0x1d: {  	s29 =	simm.s32 $0x1800;
	[sflag:s11] =	ssyncset.done $0x0  }
.Ltmp2:
0x1e: {  	s26 =	rddreg [dreg:$0x4];
	[sflag:s11] =	ssyncadd.s32 $0xFFFFE800;
	(pc) =	sbr.rel .LBB2_2-.Ltmp2, $4  }
0x1f: {  	[tilespmem:s29], [sflag:$0x3] =	stream.linear.gather [hbm4b:s26+s2], $0x1800, $0x38;
	[tilespmem:$0x13000] =	vst v63  }
0x20: {  	_ =	swait.ge [sflag:s11], $0x1800  }
0x21: {  	s25 =	simm.s32 $0x40;
	s28 =	simm.s32 $0x0;
	[sflag:s11] =	ssyncset.done $0x0  }
0x22: {  	s24 =	simm.s32 $0x1840;
	s26 =	rddreg [dreg:$0x6];
	[sflag:s11] =	ssyncadd.s32 $0xFFFFE800  }
.LBB2_4:
0x23: {  	s28 =	sadd.s32 $0x1000, s28  }
0x24: {  	p0 =	sne.s32 s28, $0x30000  }
.Ltmp3:
0x25: {  	_ = 	snop;
	(pc) =	sbr.rel @!p0 .LBB2_5-.Ltmp3, $2  }
0x26: {  	_ =	sdelay $0x2  }
0x27: {  	s26 =	sadd.s32 $0x80, s26;
	s24 =	sadd.s32 $0x80, s24;
	s25 =	sadd.s32 $0x80, s25  }
.LBB2_2:
0x28: {  	p0 =	sgt.u32 s26, $0x2980F  }
.Ltmp4:
0x29: {  	_ = 	snop;
	(pc) =	sbr.rel @p0 .LBB2_4-.Ltmp4, $1  }
0x2a: {  	_ =	sdelay $0x3  }
0x2b: {  	v3 =	vld [tilespmem:s25+$0xFFFFFFC0];
	_ =	sdelay $0x4  }
0x2c: {  	v4 =	vshll.u32 v3, $0x1  }
0x2d: {  	v3 =	vand.u32 $0x7, v3;
	v4 =	vand.u32 $0xFFFFFFF0, v4  }
0x2e: {  	v3 =	vor.u32 v3, v4  }
0x2f: {  	v4 =	vperm.xlane v3, v0;
	_ =	sdelay $0x1  }
0x30: {  	v3 =	vperm.xlane v3, v2;
	v4 =	vadd.s32 v1, v4;
	_ =	sdelay $0x1  }
0x31: {  	v3 =	vadd.s32 v1, v3;
	_ =	sdelay $0x2  }
0x32: {  	[tilespmem:s13], [sflag:$0x1] =	stream.indirect_vreg.gather [hbm4b:s3+s2], $0x80, v4, vm0, $0xb8;
	[tilespmem:$0x13000] =	vst v63  }
0x33: {  	s29 =	simm.s32 $0x3800  }
0x34: {  	[tilespmem:s29], [sflag:$0x1] =	stream.indirect_vreg.gather [hbm4b:s3+s2], $0x80, v3, vm0, $0xb8;
	[tilespmem:$0x13000] =	vst v63  }
0x35: {  	v3 =	vld [tilespmem:s25+$0xFFFFFFD0];
	_ =	sdelay $0x4  }
0x36: {  	v49 =	vshll.u32 v3, $0x1  }
0x37: {  	v3 =	vand.u32 $0x7, v3;
	v4 =	vand.u32 $0xFFFFFFF0, v49  }
0x38: {  	v3 =	vor.u32 v3, v4  }
0x39: {  	v4 =	vperm.xlane v3, v0;
	_ =	sdelay $0x1  }
0x3a: {  	v3 =	vperm.xlane v3, v2;
	v4 =	vadd.s32 v1, v4;
	_ =	sdelay $0x1  }
0x3b: {  	v3 =	vadd.s32 v1, v3;
	_ =	sdelay $0x1  }
0x3c: {  	s29 =	simm.s32 $0x4000  }
0x3d: {  	[tilespmem:s29], [sflag:$0x1] =	stream.indirect_vreg.gather [hbm4b:s3+s2], $0x80, v4, vm0, $0xb8;
	[tilespmem:$0x13000] =	vst v63  }
0x3e: {  	s29 =	simm.s32 $0x4800  }
0x3f: {  	[tilespmem:s29], [sflag:$0x1] =	stream.indirect_vreg.gather [hbm4b:s3+s2], $0x80, v3, vm0, $0xb8;
	[tilespmem:$0x13000] =	vst v63  }
0x40: {  	v3 =	vld [tilespmem:s25+$0xFFFFFFE0];
	_ =	sdelay $0x4  }
0x41: {  	v50 =	vshll.u32 v3, $0x1  }
0x42: {  	v3 =	vand.u32 $0x7, v3;
	v4 =	vand.u32 $0xFFFFFFF0, v50  }
0x43: {  	v3 =	vor.u32 v3, v4  }
0x44: {  	v4 =	vperm.xlane v3, v0;
	_ =	sdelay $0x1  }
0x45: {  	v3 =	vperm.xlane v3, v2;
	v4 =	vadd.s32 v1, v4;
	_ =	sdelay $0x1  }
0x46: {  	v3 =	vadd.s32 v1, v3;
	_ =	sdelay $0x1  }
0x47: {  	s29 =	simm.s32 $0x5000  }
0x48: {  	[tilespmem:s29], [sflag:$0x1] =	stream.indirect_vreg.gather [hbm4b:s3+s2], $0x80, v4, vm0, $0xb8;
	[tilespmem:$0x13000] =	vst v63  }
0x49: {  	s29 =	simm.s32 $0x5800  }
0x4a: {  	[tilespmem:s29], [sflag:$0x1] =	stream.indirect_vreg.gather [hbm4b:s3+s2], $0x80, v3, vm0, $0xb8;
	[tilespmem:$0x13000] =	vst v63  }
0x4b: {  	v3 =	vld [tilespmem:s25+$0xFFFFFFF0];
	_ =	sdelay $0x4  }
0x4c: {  	v51 =	vshll.u32 v3, $0x1  }
0x4d: {  	v3 =	vand.u32 $0x7, v3;
	v4 =	vand.u32 $0xFFFFFFF0, v51  }
0x4e: {  	v3 =	vor.u32 v3, v4  }
0x4f: {  	v4 =	vperm.xlane v3, v0;
	_ =	sdelay $0x1  }
0x50: {  	v3 =	vperm.xlane v3, v2;
	v4 =	vadd.s32 v1, v4;
	_ =	sdelay $0x1  }
0x51: {  	v3 =	vadd.s32 v1, v3;
	_ =	sdelay $0x1  }
0x52: {  	s29 =	simm.s32 $0x6000  }
0x53: {  	[tilespmem:s29], [sflag:$0x1] =	stream.indirect_vreg.gather [hbm4b:s3+s2], $0x80, v4, vm0, $0xb8;
	[tilespmem:$0x13000] =	vst v63  }
0x54: {  	s29 =	simm.s32 $0x6800  }
0x55: {  	[tilespmem:s29], [sflag:$0x1] =	stream.indirect_vreg.gather [hbm4b:s3+s2], $0x80, v3, vm0, $0xb8;
	[tilespmem:$0x13000] =	vst v63  }
0x56: {  	v3 =	vld [tilespmem:s25+$0x0];
	_ =	sdelay $0x4  }
0x57: {  	v52 =	vshll.u32 v3, $0x1  }
0x58: {  	v3 =	vand.u32 $0x7, v3;
	v4 =	vand.u32 $0xFFFFFFF0, v52  }
0x59: {  	v3 =	vor.u32 v3, v4  }
0x5a: {  	v4 =	vperm.xlane v3, v0;
	_ =	sdelay $0x1  }
0x5b: {  	v3 =	vperm.xlane v3, v2;
	v4 =	vadd.s32 v1, v4;
	_ =	sdelay $0x1  }
0x5c: {  	v3 =	vadd.s32 v1, v3;
	_ =	sdelay $0x1  }
0x5d: {  	s29 =	simm.s32 $0x7000  }
0x5e: {  	[tilespmem:s29], [sflag:$0x1] =	stream.indirect_vreg.gather [hbm4b:s3+s2], $0x80, v4, vm0, $0xb8;
	[tilespmem:$0x13000] =	vst v63  }
0x5f: {  	s29 =	simm.s32 $0x7800  }
0x60: {  	[tilespmem:s29], [sflag:$0x1] =	stream.indirect_vreg.gather [hbm4b:s3+s2], $0x80, v3, vm0, $0xb8;
	[tilespmem:$0x13000] =	vst v63  }
0x61: {  	v3 =	vld [tilespmem:s25+$0x10];
	_ =	sdelay $0x4  }
0x62: {  	v53 =	vshll.u32 v3, $0x1  }
0x63: {  	v3 =	vand.u32 $0x7, v3;
	v4 =	vand.u32 $0xFFFFFFF0, v53  }
0x64: {  	v3 =	vor.u32 v3, v4  }
0x65: {  	v4 =	vperm.xlane v3, v0;
	_ =	sdelay $0x1  }
0x66: {  	v3 =	vperm.xlane v3, v2;
	v4 =	vadd.s32 v1, v4;
	_ =	sdelay $0x1  }
0x67: {  	v3 =	vadd.s32 v1, v3;
	_ =	sdelay $0x1  }
0x68: {  	s29 =	simm.s32 $0x8000  }
0x69: {  	[tilespmem:s29], [sflag:$0x1] =	stream.indirect_vreg.gather [hbm4b:s3+s2], $0x80, v4, vm0, $0xb8;
	[tilespmem:$0x13000] =	vst v63  }
0x6a: {  	s29 =	simm.s32 $0x8800  }
0x6b: {  	[tilespmem:s29], [sflag:$0x1] =	stream.indirect_vreg.gather [hbm4b:s3+s2], $0x80, v3, vm0, $0xb8;
	[tilespmem:$0x13000] =	vst v63  }
0x6c: {  	v3 =	vld [tilespmem:s25+$0x20];
	_ =	sdelay $0x4  }
0x6d: {  	v54 =	vshll.u32 v3, $0x1  }
0x6e: {  	v3 =	vand.u32 $0x7, v3;
	v4 =	vand.u32 $0xFFFFFFF0, v54  }
0x6f: {  	v3 =	vor.u32 v3, v4  }
0x70: {  	v4 =	vperm.xlane v3, v0;
	_ =	sdelay $0x1  }
0x71: {  	v3 =	vperm.xlane v3, v2;
	v4 =	vadd.s32 v1, v4;
	_ =	sdelay $0x1  }
0x72: {  	v3 =	vadd.s32 v1, v3;
	_ =	sdelay $0x1  }
0x73: {  	s29 =	simm.s32 $0x9000  }
0x74: {  	[tilespmem:s29], [sflag:$0x1] =	stream.indirect_vreg.gather [hbm4b:s3+s2], $0x80, v4, vm0, $0xb8;
	[tilespmem:$0x13000] =	vst v63  }
0x75: {  	s29 =	simm.s32 $0x9800  }
0x76: {  	[tilespmem:s29], [sflag:$0x1] =	stream.indirect_vreg.gather [hbm4b:s3+s2], $0x80, v3, vm0, $0xb8;
	[tilespmem:$0x13000] =	vst v63  }
0x77: {  	v3 =	vld [tilespmem:s25+$0x30];
	_ =	sdelay $0x4  }
0x78: {  	v55 =	vshll.u32 v3, $0x1  }
0x79: {  	v3 =	vand.u32 $0x7, v3;
	v4 =	vand.u32 $0xFFFFFFF0, v55  }
0x7a: {  	v3 =	vor.u32 v3, v4  }
0x7b: {  	v4 =	vperm.xlane v3, v0;
	_ =	sdelay $0x1  }
0x7c: {  	v3 =	vperm.xlane v3, v2;
	v4 =	vadd.s32 v1, v4;
	_ =	sdelay $0x1  }
0x7d: {  	v3 =	vadd.s32 v1, v3;
	_ =	sdelay $0x1  }
0x7e: {  	s29 =	simm.s32 $0xA000  }
0x7f: {  	[tilespmem:s29], [sflag:$0x1] =	stream.indirect_vreg.gather [hbm4b:s3+s2], $0x80, v4, vm0, $0xb8;
	[tilespmem:$0x13000] =	vst v63  }
0x80: {  	s29 =	simm.s32 $0xA800  }
0x81: {  	[tilespmem:s29], [sflag:$0x1] =	stream.indirect_vreg.gather [hbm4b:s3+s2], $0x80, v3, vm0, $0xb8;
	[tilespmem:$0x13000] =	vst v63  }
0x82: {  	v3 =	vld [tilespmem:s24+$0xFFFFFFC0];
	_ =	sdelay $0x4  }
0x83: {  	v56 =	vshll.u32 v3, $0x1  }
0x84: {  	v3 =	vand.u32 $0x7, v3;
	v4 =	vand.u32 $0xFFFFFFF0, v56  }
0x85: {  	v3 =	vor.u32 v3, v4  }
0x86: {  	v4 =	vperm.xlane v3, v0;
	_ =	sdelay $0x1  }
0x87: {  	v3 =	vperm.xlane v3, v2;
	v4 =	vadd.s32 v1, v4;
	_ =	sdelay $0x1  }
0x88: {  	v3 =	vadd.s32 v1, v3;
	_ =	sdelay $0x2  }
0x89: {  	[tilespmem:s30], [sflag:$0x2] =	stream.indirect_vreg.gather [hbm4b:s4+s2], $0x80, v4, vm0, $0xb8;
	[tilespmem:$0x13000] =	vst v63  }
0x8a: {  	_ = 	snop  }
0x8b: {  	[tilespmem:s31], [sflag:$0x2] =	stream.indirect_vreg.gather [hbm4b:s4+s2], $0x80, v3, vm0, $0xb8;
	[tilespmem:$0x13000] =	vst v63  }
0x8c: {  	v3 =	vld [tilespmem:s24+$0xFFFFFFD0];
	_ =	sdelay $0x4  }
0x8d: {  	v57 =	vshll.u32 v3, $0x1  }
0x8e: {  	v3 =	vand.u32 $0x7, v3;
	v4 =	vand.u32 $0xFFFFFFF0, v57  }
0x8f: {  	v3 =	vor.u32 v3, v4  }
0x90: {  	v4 =	vperm.xlane v3, v0;
	_ =	sdelay $0x1  }
0x91: {  	v3 =	vperm.xlane v3, v2;
	v4 =	vadd.s32 v1, v4;
	_ =	sdelay $0x1  }
0x92: {  	v3 =	vadd.s32 v1, v3;
	_ =	sdelay $0x2  }
0x93: {  	[tilespmem:s1], [sflag:$0x2] =	stream.indirect_vreg.gather [hbm4b:s4+s2], $0x80, v4, vm0, $0xb8;
	[tilespmem:$0x13000] =	vst v63  }
0x94: {  	_ = 	snop  }
0x95: {  	[tilespmem:s0], [sflag:$0x2] =	stream.indirect_vreg.gather [hbm4b:s4+s2], $0x80, v3, vm0, $0xb8;
	[tilespmem:$0x13000] =	vst v63  }
0x96: {  	v3 =	vld [tilespmem:s24+$0xFFFFFFE0];
	_ =	sdelay $0x4  }
0x97: {  	v58 =	vshll.u32 v3, $0x1  }
0x98: {  	v3 =	vand.u32 $0x7, v3;
	v4 =	vand.u32 $0xFFFFFFF0, v58  }
0x99: {  	v3 =	vor.u32 v3, v4  }
0x9a: {  	v4 =	vperm.xlane v3, v0;
	_ =	sdelay $0x1  }
0x9b: {  	v3 =	vperm.xlane v3, v2;
	v4 =	vadd.s32 v1, v4;
	_ =	sdelay $0x1  }
0x9c: {  	v3 =	vadd.s32 v1, v3;
	_ =	sdelay $0x2  }
0x9d: {  	[tilespmem:s12], [sflag:$0x2] =	stream.indirect_vreg.gather [hbm4b:s4+s2], $0x80, v4, vm0, $0xb8;
	[tilespmem:$0x13000] =	vst v63  }
0x9e: {  	_ = 	snop  }
0x9f: {  	[tilespmem:s5], [sflag:$0x2] =	stream.indirect_vreg.gather [hbm4b:s4+s2], $0x80, v3, vm0, $0xb8;
	[tilespmem:$0x13000] =	vst v63  }
0xa0: {  	v3 =	vld [tilespmem:s24+$0xFFFFFFF0];
	_ =	sdelay $0x4  }
0xa1: {  	v59 =	vshll.u32 v3, $0x1  }
0xa2: {  	v3 =	vand.u32 $0x7, v3;
	v4 =	vand.u32 $0xFFFFFFF0, v59  }
0xa3: {  	v3 =	vor.u32 v3, v4  }
0xa4: {  	v4 =	vperm.xlane v3, v0;
	_ =	sdelay $0x1  }
0xa5: {  	v3 =	vperm.xlane v3, v2;
	v4 =	vadd.s32 v1, v4;
	_ =	sdelay $0x1  }
0xa6: {  	v3 =	vadd.s32 v1, v3;
	_ =	sdelay $0x2  }
0xa7: {  	[tilespmem:s6], [sflag:$0x2] =	stream.indirect_vreg.gather [hbm4b:s4+s2], $0x80, v4, vm0, $0xb8;
	[tilespmem:$0x13000] =	vst v63  }
0xa8: {  	_ = 	snop  }
0xa9: {  	[tilespmem:s7], [sflag:$0x2] =	stream.indirect_vreg.gather [hbm4b:s4+s2], $0x80, v3, vm0, $0xb8;
	[tilespmem:$0x13000] =	vst v63  }
0xaa: {  	v3 =	vld [tilespmem:s24+$0x0];
	_ =	sdelay $0x4  }
0xab: {  	v60 =	vshll.u32 v3, $0x1  }
0xac: {  	v3 =	vand.u32 $0x7, v3;
	v4 =	vand.u32 $0xFFFFFFF0, v60  }
0xad: {  	v3 =	vor.u32 v3, v4  }
0xae: {  	v4 =	vperm.xlane v3, v0;
	_ =	sdelay $0x1  }
0xaf: {  	v3 =	vperm.xlane v3, v2;
	v4 =	vadd.s32 v1, v4;
	_ =	sdelay $0x1  }
0xb0: {  	v3 =	vadd.s32 v1, v3;
	_ =	sdelay $0x2  }
0xb1: {  	[tilespmem:s10], [sflag:$0x2] =	stream.indirect_vreg.gather [hbm4b:s4+s2], $0x80, v4, vm0, $0xb8;
	[tilespmem:$0x13000] =	vst v63  }
0xb2: {  	_ = 	snop  }
0xb3: {  	[tilespmem:s14], [sflag:$0x2] =	stream.indirect_vreg.gather [hbm4b:s4+s2], $0x80, v3, vm0, $0xb8;
	[tilespmem:$0x13000] =	vst v63  }
0xb4: {  	v3 =	vld [tilespmem:s24+$0x10];
	_ =	sdelay $0x4  }
0xb5: {  	v61 =	vshll.u32 v3, $0x1  }
0xb6: {  	v3 =	vand.u32 $0x7, v3;
	v4 =	vand.u32 $0xFFFFFFF0, v61  }
0xb7: {  	v3 =	vor.u32 v3, v4  }
0xb8: {  	v4 =	vperm.xlane v3, v0;
	_ =	sdelay $0x1  }
0xb9: {  	v3 =	vperm.xlane v3, v2;
	v4 =	vadd.s32 v1, v4;
	_ =	sdelay $0x1  }
0xba: {  	v3 =	vadd.s32 v1, v3;
	_ =	sdelay $0x2  }
0xbb: {  	[tilespmem:s15], [sflag:$0x2] =	stream.indirect_vreg.gather [hbm4b:s4+s2], $0x80, v4, vm0, $0xb8;
	[tilespmem:$0x13000] =	vst v63  }
0xbc: {  	_ = 	snop  }
0xbd: {  	[tilespmem:s16], [sflag:$0x2] =	stream.indirect_vreg.gather [hbm4b:s4+s2], $0x80, v3, vm0, $0xb8;
	[tilespmem:$0x13000] =	vst v63  }
0xbe: {  	v3 =	vld [tilespmem:s24+$0x20];
	_ =	sdelay $0x4  }
0xbf: {  	v62 =	vshll.u32 v3, $0x1  }
0xc0: {  	v3 =	vand.u32 $0x7, v3;
	v4 =	vand.u32 $0xFFFFFFF0, v62  }
0xc1: {  	v3 =	vor.u32 v3, v4  }
0xc2: {  	v4 =	vperm.xlane v3, v0;
	_ =	sdelay $0x1  }
0xc3: {  	v3 =	vperm.xlane v3, v2;
	v4 =	vadd.s32 v1, v4;
	_ =	sdelay $0x1  }
0xc4: {  	v3 =	vadd.s32 v1, v3;
	_ =	sdelay $0x2  }
0xc5: {  	[tilespmem:s17], [sflag:$0x2] =	stream.indirect_vreg.gather [hbm4b:s4+s2], $0x80, v4, vm0, $0xb8;
	[tilespmem:$0x13000] =	vst v63  }
0xc6: {  	_ = 	snop  }
0xc7: {  	[tilespmem:s18], [sflag:$0x2] =	stream.indirect_vreg.gather [hbm4b:s4+s2], $0x80, v3, vm0, $0xb8;
	[tilespmem:$0x13000] =	vst v63  }
0xc8: {  	v3 =	vld [tilespmem:s24+$0x30];
	_ =	sdelay $0x4  }
0xc9: {  	v63 =	vshll.u32 v3, $0x1  }
0xca: {  	v3 =	vand.u32 $0x7, v3;
	v4 =	vand.u32 $0xFFFFFFF0, v63  }
0xcb: {  	v3 =	vor.u32 v3, v4  }
0xcc: {  	v4 =	vperm.xlane v3, v0;
	_ =	sdelay $0x1  }
0xcd: {  	v3 =	vperm.xlane v3, v2;
	v4 =	vadd.s32 v1, v4;
	_ =	sdelay $0x1  }
0xce: {  	v3 =	vadd.s32 v1, v3;
	_ =	sdelay $0x2  }
0xcf: {  	[tilespmem:s19], [sflag:$0x2] =	stream.indirect_vreg.gather [hbm4b:s4+s2], $0x80, v4, vm0, $0xb8;
	[tilespmem:$0x13000] =	vst v63  }
0xd0: {  	_ = 	snop  }
0xd1: {  	[tilespmem:s20], [sflag:$0x2] =	stream.indirect_vreg.gather [hbm4b:s4+s2], $0x80, v3, vm0, $0xb8;
	[tilespmem:$0x13000] =	vst v63  }
0xd2: {  	_ =	swait.ge [sflag:s21], $0x8000  }
0xd3: {  	[sflag:s21] =	ssyncset.done $0x0  }
0xd4: {  	s29 =	sadd.s32 s28, s8;
	[sflag:s21] =	ssyncadd.s32 $0xFFFF8000  }
0xd5: {  	[hbm4b:s29+s2] =	stream.linear.scatter [tilespmem:s13], [sflag:$0x4], $0x8000, $0x38;
	[tilespmem:$0x13000] =	vst v63  }
0xd6: {  	_ =	swait.ge [sflag:s22], $0x8000  }
0xd7: {  	[sflag:s22] =	ssyncset.done $0x0  }
0xd8: {  	[sflag:s22] =	ssyncadd.s32 $0xFFFF8000  }
0xd9: {  	_ =	swait.ge [sflag:s23], $0x8000  }
0xda: {  	[sflag:s23] =	ssyncset.done $0x0  }
.Ltmp5:
0xdb: {  	s29 =	sadd.s32 s28, s9;
	[sflag:s23] =	ssyncadd.s32 $0xFFFF8000;
	(pc) =	sbr.rel .LBB2_4-.Ltmp5, $4  }
0xdc: {  	[hbm4b:s29+s2] =	stream.linear.scatter [tilespmem:s30], [sflag:$0x3], $0x8000, $0x38;
	[tilespmem:$0x13000] =	vst v63  }
0xdd: {  	_ =	swait.ge [sflag:s11], $0x8000  }
0xde: {  	[sflag:s11] =	ssyncset.done $0x0  }
0xdf: {  	[sflag:s11] =	ssyncadd.s32 $0xFFFF8000  }
.LBB2_6:
0xe0: {  	_ =	sfence.sel $0x180000  }
0xe1: {  	[bflag:$0x0] =	sbarrier.arrive $0xFFFF  }
0xe2: {  	_ =	strace $0x9000004D  }
0xe3: {  	s0 =	stileid.u32;
	[bflag:$0x2] =	sbarrier.arrive $0xFFFF  }
0xe4: {  	p0 =	sne.s32 s0, $0x0;
	s0 =	rddreg [dreg:$0x2]  }
0xe5: {  	s0 =	sadd.s32 @!p0 $0x100000, s0  }
0xe6: {  	[sflag:s0] =	ssyncadd.tile.s32 @!p0 $0x1;
	_ =	shalt  }
.Lfunc_end2:
_tile_overlayer_lowered:
.L_overlay_start_2:
0xe7: {  	(tag) =	ssettag $0x2  }
0xe8: {  	s0 =	rddreg [dreg:$0x0];
	s2 =	stileid.u32  }
0xe9: {  	s1 =	rddreg [dreg:$0x1];
	p0 =	sne.s32 s2, $0x0  }
0xea: {  	s3 =	rddreg [dreg:$0x2];
	[bflag:$0x3] =	sbarrier.arrive $0xFFFF;
	s2 =	simm.s32 @!p0 $0x1C03  }
0xeb: {  	[timem:s3], [sflag:s2] =	dma.local @!p0 [hbm:s0], s1  }
0xec: {  	s0 =	simm.s32 @!p0 $0x3  }
0xed: {  	_ =	swait.ge @!p0 [sflag:s0], s1  }
0xee: {  	s1 =	ssub.s32 @!p0 $0x0, s1;
	[sflag:s0] =	ssyncset.done @!p0 $0x0  }
0xef: {  	[sflag:s0] =	ssyncadd.s32 @!p0 s1  }
0xf0: {  	[bflag:$0x3] =	sbarrier.arrive $0xFFFF  }
0xf1: {  	_ =	shalt  }

// kernel: kernel.25.cloned.1.call-start
scs
__scs_entry_jumppad:
0x0: {  	(pc) =	sbr.rel $0x88, $3  }
0x1: {  	(tag) =	ssettag $0x0;
	lr =	simm.s32 $0x1  }
0x2: {  	[smem:$0x3F88] =	sst lr;
	_ =	strace $0xD0000000  }
0x3: {  	_ = 	snop  }
0x4: {  	_ = 	snop  }
0x5: {  	_ = 	snop  }
0x6: {  	_ = 	snop  }
0x7: {  	_ = 	snop  }
__scs_overlays_trampoline_lowered:
0x8: {  	[smem:$0x3F97] =	sst s0  }
0x9: {  	[smem:$0x3F98] =	sst s1  }
0xa: {  	[smem:$0x3F99] =	sst s2  }
0xb: {  	[smem:$0x3F9A] =	sst s3  }
0xc: {  	[smem:$0x3F9B] =	sst s4  }
0xd: {  	[smem:$0x3F9C] =	sst s5  }
0xe: {  	[smem:$0x3F9D] =	sst s6  }
0xf: {  	[smem:$0x3F9E] =	sst s7  }
0x10: {  	[smem:$0x3F9F] =	sst s8  }
0x11: {  	[smem:$0x3FA0] =	sst s9;
	s0 =	simm.s32 @!p0 $0x0  }
0x12: {  	s1 =	sld [smem:$0x3F86];
	s0 =	simm.s32 @p0 $0x1  }
0x13: {  	[smem:$0x3FA1] =	sst s0;
	s0 =	simm.s32 @!p1 $0x0  }
0x14: {  	s2 =	sld [smem:$0x3F85];
	s0 =	simm.s32 @p1 $0x1  }
0x15: {  	[smem:$0x3FA2] =	sst s0;
	s0 =	simm.s32 @!p2 $0x0  }
0x16: {  	s3 =	sld [smem:$0x3FDB];
	s0 =	simm.s32 @p2 $0x1  }
0x17: {  	s4 =	simm.s32 $0x1BF5;
	[smem:$0x3FA4] =	sst s0  }
0x18: {  	s0 =	sld [smem:$0x3F87];
	_ =	swait.ge [sflag:s4], $0x0  }
0x19: {  	s7 =	sld [smem:$0x3F88]  }
0x1a: {  	s8 =	sadd.s32 $0xFFFFE003, lr  }
0x1b: {  	s9 =	sadd.s32 $0xFFFFFEF7, lr;
	s5 =	simm.s32 $0xFFFFFFFF;
	p2 =	slt.u32 s8, $0xFFFFF086  }
0x1c: {  	p1 =	slt.u32 s9, $0xF7A;
	s5 =	simm.s32 @!p2 $0x0  }
0x1d: {  	s5 =	simm.s32 @p1 $0x1;
	p0 =	seq.s32 s7, s2  }
0x1e: {  	s7 =	smul.u32 @!p0 $0xF7A, s2;
	p2 =	seq.s32 @!p0 s5, $0x0  }
0x1f: {  	s9 =	smul.u32 $0xF7A, s1;
	s8 =	simm.s32 @!p0 $0x1BF5;
	p2 =	por !p2, p0  }
0x20: {  	[sflag:s8] =	ssyncset.s32 @!p0 $0xFFFFF086;
	s6 =	sadd.s32 @!p0 s3, s7;
	s7 =	simm.s32 @!p0 $0x108  }
0x21: {  	s3 =	sadd.s32 s3, s9;
	s6 =	sadd.s32 @!p0 $0x88, s6;
	s7 =	simm.s32 @p2 $0x1082  }
0x22: {  	[simem:s7], [sflag:s8] =	dma.local @!p0 [hbm:s6], $0xF7A  }
0x23: {  	s9 =	sor.u32 $0xD0000000, s2;
	s6 =	simm.s32 $0x108;
	_ =	swait.ge @!p0 [sflag:s8], $0x0  }
0x24: {  	s3 =	sadd.s32 $0x88, s3;
	s6 =	simm.s32 @!p1 $0x1082;
	[sflag:s4] =	ssyncset.s32 $0xFFFFF086  }
0x25: {  	[simem:s6], [sflag:s4] =	dma.local [hbm:s3], $0xF7A  }
0x26: {  	[smem:$0x3F88] =	sst s1;
	(tag) =	ssettag s2;
	_ =	strace s9  }
0x27: {  	s1 =	sld [smem:$0x3F98]  }
0x28: {  	s2 =	sld [smem:$0x3F99]  }
0x29: {  	s4 =	sld [smem:$0x3F9B]  }
0x2a: {  	p0 =	seq.s32 s5, $0x0;
	s5 =	sld [smem:$0x3F9C]  }
0x2b: {  	s6 =	sld [smem:$0x3F9D]  }
0x2c: {  	s7 =	sld [smem:$0x3F9E]  }
0x2d: {  	s3 =	simm.s32 $0x108;
	s8 =	sld [smem:$0x3F9F]  }
0x2e: {  	s3 =	simm.s32 @!p0 $0x1082;
	s9 =	sld [smem:$0x3FA0]  }
0x2f: {  	lr =	sadd.s32 s0, s3;
	s0 =	sld [smem:$0x3F97]  }
0x30: {  	s3 =	sld [smem:$0x3F9A]  }
0x31: {  	[smem:$0x3FA3] =	sst s10  }
0x32: {  	s10 =	sld [smem:$0x3FA1];
	_ =	sdelay $0x3  }
0x33: {  	p0 =	seq.s32 s10, $0x1;
	s10 =	sld [smem:$0x3FA3];
	_ =	sdelay $0x3  }
0x34: {  	[smem:$0x3FA3] =	sst s10  }
0x35: {  	s10 =	sld [smem:$0x3FA2];
	_ =	sdelay $0x3  }
0x36: {  	p1 =	seq.s32 s10, $0x1;
	s10 =	sld [smem:$0x3FA3];
	_ =	sdelay $0x3  }
0x37: {  	[smem:$0x3FA3] =	sst s10  }
0x38: {  	s10 =	sld [smem:$0x3FA4]  }
0x39: {  	_ = 	snop;
	(pc) =	sbr.ind lr, $3  }
0x3a: {  	_ = 	snop  }
0x3b: {  	_ = 	snop  }
0x3c: {  	p2 =	seq.s32 s10, $0x1;
	s10 =	sld [smem:$0x3FA3]  }
0x3d: {  	_ =	shalt  }
0x3e: {  	_ =	shalt  }
0x3f: {  	_ =	shalt  }
0x40: {  	_ =	shalt  }
0x41: {  	_ =	shalt  }
0x42: {  	_ =	shalt  }
0x43: {  	_ =	shalt  }
0x44: {  	_ =	shalt  }
0x45: {  	_ =	shalt  }
0x46: {  	_ =	shalt  }
0x47: {  	_ =	shalt  }
0x48: {  	_ =	shalt  }
0x49: {  	_ =	shalt  }
0x4a: {  	_ =	shalt  }
0x4b: {  	_ =	shalt  }
0x4c: {  	_ =	shalt  }
0x4d: {  	_ =	shalt  }
0x4e: {  	_ =	shalt  }
0x4f: {  	_ =	shalt  }
0x50: {  	_ =	shalt  }
0x51: {  	_ =	shalt  }
0x52: {  	_ =	shalt  }
0x53: {  	_ =	shalt  }
0x54: {  	_ =	shalt  }
0x55: {  	_ =	shalt  }
0x56: {  	_ =	shalt  }
0x57: {  	_ =	shalt  }
0x58: {  	_ =	shalt  }
0x59: {  	_ =	shalt  }
0x5a: {  	_ =	shalt  }
0x5b: {  	_ =	shalt  }
0x5c: {  	_ =	shalt  }
0x5d: {  	_ =	shalt  }
0x5e: {  	_ =	shalt  }
0x5f: {  	_ =	shalt  }
0x60: {  	_ =	shalt  }
0x61: {  	_ =	shalt  }
0x62: {  	_ =	shalt  }
0x63: {  	_ =	shalt  }
0x64: {  	_ =	shalt  }
0x65: {  	_ =	shalt  }
0x66: {  	_ =	shalt  }
0x67: {  	_ =	shalt  }
0x68: {  	_ =	shalt  }
0x69: {  	_ =	shalt  }
0x6a: {  	_ =	shalt  }
0x6b: {  	_ =	shalt  }
0x6c: {  	_ =	shalt  }
0x6d: {  	_ =	shalt  }
0x6e: {  	_ =	shalt  }
0x6f: {  	_ =	shalt  }
0x70: {  	_ =	shalt  }
0x71: {  	_ =	shalt  }
0x72: {  	_ =	shalt  }
0x73: {  	_ =	shalt  }
0x74: {  	_ =	shalt  }
0x75: {  	_ =	shalt  }
0x76: {  	_ =	shalt  }
0x77: {  	_ =	shalt  }
0x78: {  	_ =	shalt  }
0x79: {  	_ =	shalt  }
0x7a: {  	_ =	shalt  }
0x7b: {  	_ =	shalt  }
0x7c: {  	_ =	shalt  }
0x7d: {  	_ =	shalt  }
0x7e: {  	_ =	shalt  }
0x7f: {  	_ =	shalt  }
0x80: {  	_ =	shalt  }
0x81: {  	_ =	shalt  }
0x82: {  	_ =	shalt  }
0x83: {  	_ =	shalt  }
0x84: {  	_ =	shalt  }
0x85: {  	_ =	shalt  }
0x86: {  	_ =	shalt  }
0x87: {  	_ =	shalt  }
.Lfunc_end0:
.L_simem_size_0:
called_computation.3_lowered:
.L_overlay_start_0:
0x88: {  	s2 =	sld [smem:$0x3FD9]  }
0x89: {  	s3 =	sld [smem:$0x3FFE];
	_ =	sdelay $0x1  }
0x8a: {  	s1 =	srdreg.scid  }
0x8b: {  	s0 =	sand.u32 $0x1, s1  }
0x8c: {  	s16 =	sshll.u32 s0, $0xA;
	s2 =	sadd.s32 s3, s2  }
0x8d: {  	s2 =	sadd.s32 s2, s16  }
0x8e: {  	[smem:$0x3FAF] =	sst s2  }
0x8f: {  	_ = 	snop  }
0x90: {  	(tm) =	ssettm $0x1  }
0x91: {  	s17 =	sld [smem:$0x3FFB];
	_ =	sdelay $0x3  }
0x92: {  	_ =	strace s17  }
0x93: {  	s2 =	sld [smem:$0x3FFC];
	_ =	sdelay $0x3  }
0x94: {  	_ =	strace s2  }
0x95: {  	s2 =	sld [smem:$0x3FFD];
	_ =	sdelay $0x3  }
0x96: {  	_ =	strace s2  }
0x97: {  	_ =	strace $0x8FFFFFFF  }
0x98: {  	s18 =	sld [smem:$0x3FDB];
	_ =	sdelay $0x1  }
0x99: {  	s19 =	simm.s32 $_scs_section_size  }
0x9a: {  	s4 =	simm.s32 $_size__tile_overlayer_lowered;
	s5 =	simm.s32 $_tile_overlayer_lowered  }
0x9b: {  	s22 =	simm.s32 $0x1BFF;
	s21 =	sshll.u32 s5, $0x1;
	s2 =	sadd.s32 s19, s18  }
0x9c: {  	s6 =	simm.s32 $0x0;
	s20 =	sshll.u32 s4, $0x1;
	s4 =	sadd.s32 s21, s2  }
0x9d: {  	[timem:s6], [sflag:s22] =	dma.local [hbm:s4], s20  }
0x9e: {  	_ =	swait.ge [sflag:s22], s20  }
0x9f: {  	s3 =	ssub.s32 $0x0, s20;
	[sflag:s22] =	ssyncset.done $0x0  }
0xa0: {  	[sflag:s22] =	ssyncadd.s32 s3;
	_ =	sdelay $0x1  }
0xa1: {  	s23 =	simm.s32 $0x1B8B  }
0xa2: {  	_ =	swait.ge [sflag:s23], $0x1  }
0xa3: {  	[sflag:s23] =	ssyncset.done $0x0  }
0xa4: {  	s25 =	simm.s32 $0x1B8E;
	s24 =	sld [smem:$0x3FFE];
	[sflag:s23] =	ssyncadd.s32 $0xFFFFFFFF  }
0xa5: {  	s26 =	simm.s32 $execute0_lowered;
	[smem:$0x3FD2] =	sst s25  }
0xa6: {  	s4 =	sshll.u32 s26, $0x1;
	_ =	strace $0x8000004F;
	[dreg:$0x1] =	wrdreg $0xFFFFFFFF  }
0xa7: {  	s28 =	simm.s32 $_size_execute0_lowered;
	s2 =	sadd.s32 s2, s4;
	[dreg:$0x0] =	wrdreg $0x0  }
0xa8: {  	s4 =	sshll.u32 s28, $0x1;
	[dreg:$0x2] =	wrdreg s2  }
0xa9: {  	[dreg:$0x3] =	wrdreg s4  }
0xaa: {  	[dreg:$0x4] =	wrdreg $0xC0  }
0xab: {  	_ =	task [dreg:s6], $0x5FFFF  }
0xac: {  	[dreg:$0x1] =	wrdreg $0xFFFFFFFF  }
0xad: {  	[dreg:$0x0] =	wrdreg $0x60  }
0xae: {  	[dreg:$0x2] =	wrdreg s24  }
0xaf: {  	[dreg:$0x3] =	wrdreg $0x58000  }
0xb0: {  	[dreg:$0x4] =	wrdreg $0x9  }
0xb1: {  	_ =	task.clear_ibuf [dreg:s6], $0x5FFFF;
	_ =	strace $0x9000004F  }
0xb2: {  	s29 =	simm.s32 $0x9;
	_ =	strace $0x80000051  }
0xb3: {  	_ =	swait.ge [sflag:s29], $0x1  }
0xb4: {  	[sflag:s29] =	ssyncadd.s32 $0xFFFFFFFF  }
0xb5: {  	_ =	strace $0x90000051  }
0xb6: {  	_ =	sfence  }
0xb7: {  	s30 =	sld [smem:$0x0];
	_ =	sdelay $0x2  }
0xb8: {  	s31 =	sshll.u32 s1, $0xD;
	s1 =	sshrl.u32 s1, $0x2  }
0xb9: {  	s3 =	sand.u32 $0x4000, s31;
	s1 =	sadd.s32 s1, s30  }
0xba: {  	s0 =	sor.u32 s3, s0;
	s1 =	sshll.u32 s1, $0x11  }
0xbb: {  	s0 =	sor.u32 s1, s0  }
0xbc: {  	s0 =	sadd.s32 $0x8F2B, s0  }
0xbd: {  	[sflag:s0] =	ssyncadd.remote.s32 $0x1  }
0xbe: {  	_ =	sfence.sel $0xFFFF  }
0xbf: {  	[dreg:$0x0] =	wrdreg $0xFFFFFFFF;
	(pc) =	sbr.abs _section_cstart, $3  }
0xc0: {  	[dreg:$0x1] =	wrdreg $0xFFFFFFFF  }
0xc1: {  	_ =	task.clear_ibuf [dreg:s6], $0x2FFFF;
	_ =	strace $0x9FFFFFFF  }
0xc2: {  	(tm) =	ssettm $0x7FFFFFFF  }
0xc3: {  	_ =	shalt  }
tec
execute0_lowered:
.L_overlay_start_1:
0x0: {  	(tag) =	ssettag $0x1  }
0x1: {  	s0 =	stileid.u32;
	s1 =	srdreg.scid  }
0x2: {  	s4 =	rddreg [dreg:$0x0];
	s5 =	smul.u32 $0x30000, s0  }
0x3: {  	s2 =	rddreg [dreg:$0x1];
	s8 =	smul.u32 $0x13C00, s0  }
0x4: {  	s3 =	simm.s32 $0x0;
	s15 =	simm.s32 $0x0;
	s12 =	smul.u32 $0x4F000, s0  }
0x5: {  	s6 =	sand.u32 $0x1, s1;
	s1 =	rddreg [dreg:$0x2];
	s30 =	smul.u32 $0x3000, s0  }
0x6: {  	s23 =	sshll.u32 s0, $0x1;
	[smem:$0x7FF] =	sst s3;
	s9 =	smul.u32 $0x278000, s6  }
0x7: {  	s31 =	sshll.u32 s0, $0x6;
	s7 =	sor.u32 s6, s23;
	s28 =	smul.u32 $0x18000, s6  }
0x8: {  	_ =	strace $0x80000050;
	s26 =	ssub.s32 $0x2, s6;
	s13 =	smul.u32 $0x1800, s6  }
0x9: {  	s7 =	smul.u32 $0x300, s7;
	s10 =	sadd.s32 s5, s4;
	s25 =	sshrl.u32 s8, $0x3  }
0xa: {  	s11 =	sshrl.u32 s26, $0x1;
	s29 =	sshrl.u32 s12, $0x2;
	s12 =	simm.s32 $0x1  }
0xb: {  	s8 =	sadd.s32 s8, s9;
	s9 =	ssub.s32 s26, s11;
	s14 =	sadd.s32 s29, s2  }
0xc: {  	s11 =	sadd.s32 s28, s10;
	s10 =	sadd.s32 s13, s30;
	s13 =	sor.u32 $0x1C01, s31  }
0xd: {  	s24 =	sadd.s32 s7, s4;
	s7 =	sadd.s32 s25, s4;
	s8 =	sshrl.u32 s8, $0x3  }
0xe: {  	s14 =	sshrl.u32 s14, $0x3;
	s8 =	sadd.s32 s8, s4;
	s4 =	sadd.s32 $0x6C00, s24  }
0xf: {  	s5 =	sadd.s32 $0xCC00, s7;
	s6 =	sadd.s32 $0x34400, s8;
	s7 =	sadd.s32 $0x5BC00, s8  }
0x10: {  	s8 =	smax.u32 s9, $0x1;
	s9 =	sadd.s32 $0xD4A400, s11;
	s11 =	sadd.s32 $0x104A400, s11  }
.LBB2_1:
0x11: {  	[tilespmem:s3], [sflag:$0x1] =	stream.linear.gather [hbm4b:s4+s3], $0x1800, $0x38;
	[tilespmem:$0x19400] =	vst v63  }
0x12: {  	_ =	swait.ge [sflag:s12], $0x1800  }
0x13: {  	[sflag:s12] =	ssyncset.done $0x0  }
0x14: {  	[sflag:s12] =	ssyncadd.s32 $0xFFFFE800  }
0x15: {  	[spmem:s14], [sflag:s13] =	dma.local [hbm:s5], $0x2780  }
0x16: {  	s16 =	sadd.s32 $0x0, s10;
	_ =	swait.ge [sflag:s12], $0x2780  }
0x17: {  	p1 =	sgt.u32 s16, $0x2980F;
	[sflag:s12] =	ssyncset.done $0x0  }
0x18: {  	p0 =	por p1, p1;
	s16 =	simm.s32 @!p1 $0x0;
	[sflag:s12] =	ssyncadd.s32 $0xFFFFD880  }
0x19: {  	s17 =	simm.s32 @!p1 $0x1800;
	s18 =	simm.s32 @!p0 $0x2;
	[bflag:$0x0] =	sbarrier.arrive $0xFFFF  }
0x1a: {  	[tilespmem:s17], [sflag:$0x2] =	stream.linear.gather @!p0 [hbm4b:s9+s16], $0x4000, $0x38;
	[tilespmem:$0x19400] =	vst v63  }
0x1b: {  	s31 =	sadd.s32 $0x80, s10;
	_ =	swait.ge @!p0 [sflag:s18], $0x4000  }
0x1c: {  	p1 =	sgt.u32 s31, $0x2980F;
	s19 =	simm.s32 @!p0 $0x1;
	[sflag:s18] =	ssyncset.done @!p0 $0x0  }
0x1d: {  	s16 =	simm.s32 $0x80;
	[sflag:s18] =	ssyncadd.s32 @!p0 $0xFFFFC000;
	s18 =	simm.s32 @!p0 $0x80  }
0x1e: {  	[spmem:s2] =	stream.indirect.scatter.add.f32 @!p0 [tilespmem:s17], [sflag:$0x1], $0x80, s3, s18, $0xb8;
	[tilespmem:$0x19400] =	vst v63  }
0x1f: {  	s18 =	simm.s32 $0x100;
	s17 =	sadd.s32 $0x800, s9;
	_ =	swait.ge @!p0 [sflag:s19], $0x4000  }
.LBB2_2:
0x20: {  	s20 =	simm.s32 @!p1 $0x0;
	s21 =	simm.s32 @!p1 $0x1800  }
0x21: {  	[sflag:s19] =	ssyncset.done @!p0 $0x0;
	s22 =	smov.u32 s18;
	s23 =	smov.u32 s16  }
0x22: {  	p2 =	por p0, p0;
	p0 =	por p1, p1;
	s18 =	sadd.s32 $0x80, s18  }
0x23: {  	s24 =	simm.s32 @!p0 $0x2;
	[sflag:s19] =	ssyncadd.s32 @!p2 $0xFFFFC000;
	p2 =	sne.s32 s18, $0x1800  }
0x24: {  	[tilespmem:s21], [sflag:$0x2] =	stream.linear.gather @!p0 [hbm4b:s17+s20], $0x4000, $0x38;
	[tilespmem:$0x19400] =	vst v63  }
.Ltmp0:
0x25: {  	_ =	swait.ge @!p0 [sflag:s24], $0x4000;
	(pc) =	sbr.rel @p2 .LBB2_2-.Ltmp0, $4  }
0x26: {  	s16 =	sadd.s32 $0x80, s16;
	s19 =	simm.s32 @!p0 $0x1;
	[sflag:s24] =	ssyncset.done @!p0 $0x0  }
0x27: {  	s20 =	sadd.s32 s22, s10;
	s22 =	simm.s32 @!p0 $0x80;
	[sflag:s24] =	ssyncadd.s32 @!p0 $0xFFFFC000  }
0x28: {  	[spmem:s2] =	stream.indirect.scatter.add.f32 @!p0 [tilespmem:s21], [sflag:$0x1], $0x80, s23, s22, $0xb8;
	[tilespmem:$0x19400] =	vst v63  }
0x29: {  	s17 =	sadd.s32 $0x800, s17;
	p1 =	sgt.u32 s20, $0x2980F;
	_ =	swait.ge @!p0 [sflag:s19], $0x4000  }
0x2a: {  	s18 =	simm.s32 @!p1 $0x0  }
0x2b: {  	[sflag:s19] =	ssyncset.done @!p0 $0x0;
	p0 =	por p0, p0;
	p2 =	por p1, p1  }
0x2c: {  	s20 =	simm.s32 @!p1 $0x1800;
	s21 =	simm.s32 @!p2 $0x2;
	[sflag:s19] =	ssyncadd.s32 @!p0 $0xFFFFC000  }
0x2d: {  	[tilespmem:s20], [sflag:$0x2] =	stream.linear.gather @!p2 [hbm4b:s17+s18], $0x4000, $0x38;
	[tilespmem:$0x19400] =	vst v63  }
0x2e: {  	_ =	swait.ge @!p2 [sflag:s21], $0x4000  }
0x2f: {  	[sflag:s21] =	ssyncset.done @!p2 $0x0  }
0x30: {  	s17 =	simm.s32 @!p2 $0x1;
	s18 =	simm.s32 @!p2 $0x80;
	[sflag:s21] =	ssyncadd.s32 @!p2 $0xFFFFC000  }
0x31: {  	[spmem:s2] =	stream.indirect.scatter.add.f32 @!p2 [tilespmem:s20], [sflag:$0x1], $0x80, s16, s18, $0xb8;
	[tilespmem:$0x19400] =	vst v63  }
0x32: {  	_ =	swait.ge @!p2 [sflag:s17], $0x4000  }
0x33: {  	p0 =	por p2, p2;
	[sflag:s17] =	ssyncset.done @!p2 $0x0  }
0x34: {  	[sflag:s17] =	ssyncadd.s32 @!p0 $0xFFFFC000  }
0x35: {  	[bflag:$0x0] =	sbarrier.arrive $0xFFFF  }
0x36: {  	[hbm:s6], [sflag:s13] =	dma.local [spmem:s14], $0x2780  }
0x37: {  	_ =	swait.ge [sflag:s12], $0x2780  }
0x38: {  	[sflag:s12] =	ssyncset.done $0x0  }
0x39: {  	[sflag:s12] =	ssyncadd.s32 $0xFFFFD880  }
0x3a: {  	[bflag:$0x0] =	sbarrier.arrive $0xFFFF  }
0x3b: {  	[spmem:s14], [sflag:s13] =	dma.local [hbm:s5], $0x2780  }
0x3c: {  	s30 =	sadd.s32 $0x0, s10;
	_ =	swait.ge [sflag:s12], $0x2780  }
0x3d: {  	p1 =	sgt.u32 s30, $0x2980F;
	[sflag:s12] =	ssyncset.done $0x0  }
0x3e: {  	s16 =	simm.s32 @!p1 $0x0;
	p0 =	por p1, p1;
	[sflag:s12] =	ssyncadd.s32 $0xFFFFD880  }
0x3f: {  	s17 =	simm.s32 @!p1 $0x1800;
	s18 =	simm.s32 @!p0 $0x2;
	[bflag:$0x0] =	sbarrier.arrive $0xFFFF  }
0x40: {  	[tilespmem:s17], [sflag:$0x2] =	stream.linear.gather @!p0 [hbm4b:s11+s16], $0x4000, $0x38;
	[tilespmem:$0x19400] =	vst v63  }
0x41: {  	_ =	swait.ge @!p0 [sflag:s18], $0x4000  }
0x42: {  	s31 =	sadd.s32 $0x80, s10;
	[sflag:s18] =	ssyncset.done @!p0 $0x0  }
0x43: {  	s19 =	simm.s32 $0x0;
	[sflag:s18] =	ssyncadd.s32 @!p0 $0xFFFFC000;
	s18 =	simm.s32 @!p0 $0x80  }
0x44: {  	[spmem:s2] =	stream.indirect.scatter.add.f32 @!p0 [tilespmem:s17], [sflag:$0x1], $0x80, s19, s18, $0xb8;
	[tilespmem:$0x19400] =	vst v63  }
0x45: {  	p1 =	sgt.u32 s31, $0x2980F;
	s16 =	simm.s32 $0x80;
	s19 =	simm.s32 @!p0 $0x1  }
0x46: {  	s18 =	simm.s32 $0x100;
	s17 =	sadd.s32 $0x800, s11;
	_ =	swait.ge @!p0 [sflag:s19], $0x4000  }
.LBB2_4:
0x47: {  	s20 =	simm.s32 @!p1 $0x0;
	s21 =	simm.s32 @!p1 $0x1800  }
0x48: {  	[sflag:s19] =	ssyncset.done @!p0 $0x0;
	s22 =	smov.u32 s18;
	s23 =	smov.u32 s16  }
0x49: {  	p2 =	por p0, p0;
	p0 =	por p1, p1;
	s18 =	sadd.s32 $0x80, s18  }
0x4a: {  	s24 =	simm.s32 @!p0 $0x2;
	[sflag:s19] =	ssyncadd.s32 @!p2 $0xFFFFC000;
	p2 =	sne.s32 s18, $0x1800  }
0x4b: {  	[tilespmem:s21], [sflag:$0x2] =	stream.linear.gather @!p0 [hbm4b:s17+s20], $0x4000, $0x38;
	[tilespmem:$0x19400] =	vst v63  }
.Ltmp1:
0x4c: {  	_ =	swait.ge @!p0 [sflag:s24], $0x4000;
	(pc) =	sbr.rel @p2 .LBB2_4-.Ltmp1, $4  }
0x4d: {  	s16 =	sadd.s32 $0x80, s16;
	s19 =	simm.s32 @!p0 $0x1;
	[sflag:s24] =	ssyncset.done @!p0 $0x0  }
0x4e: {  	s20 =	sadd.s32 s22, s10;
	s22 =	simm.s32 @!p0 $0x80;
	[sflag:s24] =	ssyncadd.s32 @!p0 $0xFFFFC000  }
0x4f: {  	[spmem:s2] =	stream.indirect.scatter.add.f32 @!p0 [tilespmem:s21], [sflag:$0x1], $0x80, s23, s22, $0xb8;
	[tilespmem:$0x19400] =	vst v63  }
0x50: {  	s17 =	sadd.s32 $0x800, s17;
	p1 =	sgt.u32 s20, $0x2980F;
	_ =	swait.ge @!p0 [sflag:s19], $0x4000  }
0x51: {  	s18 =	simm.s32 @!p1 $0x0  }
0x52: {  	[sflag:s19] =	ssyncset.done @!p0 $0x0;
	p0 =	por p0, p0;
	p2 =	por p1, p1  }
0x53: {  	s20 =	simm.s32 @!p1 $0x1800;
	s21 =	simm.s32 @!p2 $0x2;
	[sflag:s19] =	ssyncadd.s32 @!p0 $0xFFFFC000  }
0x54: {  	[tilespmem:s20], [sflag:$0x2] =	stream.linear.gather @!p2 [hbm4b:s17+s18], $0x4000, $0x38;
	[tilespmem:$0x19400] =	vst v63  }
0x55: {  	_ =	swait.ge @!p2 [sflag:s21], $0x4000  }
0x56: {  	[sflag:s21] =	ssyncset.done @!p2 $0x0  }
0x57: {  	s17 =	simm.s32 @!p2 $0x1;
	s18 =	simm.s32 @!p2 $0x80;
	[sflag:s21] =	ssyncadd.s32 @!p2 $0xFFFFC000  }
0x58: {  	[spmem:s2] =	stream.indirect.scatter.add.f32 @!p2 [tilespmem:s20], [sflag:$0x1], $0x80, s16, s18, $0xb8;
	[tilespmem:$0x19400] =	vst v63  }
0x59: {  	_ =	swait.ge @!p2 [sflag:s17], $0x4000  }
0x5a: {  	s15 =	sadd.s32 $0x1, s15;
	p0 =	por p2, p2;
	[sflag:s17] =	ssyncset.done @!p2 $0x0  }
0x5b: {  	[sflag:s17] =	ssyncadd.s32 @!p0 $0xFFFFC000;
	p0 =	sne.s32 s15, s8  }
.Ltmp2:
0x5c: {  	[bflag:$0x0] =	sbarrier.arrive $0xFFFF;
	(pc) =	sbr.rel @p0 .LBB2_1-.Ltmp2, $4  }
0x5d: {  	[hbm:s7], [sflag:s13] =	dma.local [spmem:s14], $0x2780  }
0x5e: {  	_ =	swait.ge [sflag:s12], $0x2780  }
0x5f: {  	[sflag:s12] =	ssyncset.done $0x0  }
0x60: {  	[sflag:s12] =	ssyncadd.s32 $0xFFFFD880  }
0x61: {  	_ =	sfence.sel $0x180000  }
0x62: {  	[bflag:$0x0] =	sbarrier.arrive $0xFFFF  }
0x63: {  	p0 =	sne.s32 s0, $0x0;
	_ =	strace $0x90000050  }
0x64: {  	s0 =	sadd.s32 @!p0 $0x100000, s1;
	[bflag:$0x2] =	sbarrier.arrive $0xFFFF  }
0x65: {  	[sflag:s0] =	ssyncadd.tile.s32 @!p0 $0x1;
	_ =	shalt  }
.Lfunc_end2:
_tile_overlayer_lowered:
.L_overlay_start_2:
0x66: {  	(tag) =	ssettag $0x2  }
0x67: {  	s0 =	rddreg [dreg:$0x0];
	s2 =	stileid.u32  }
0x68: {  	s1 =	rddreg [dreg:$0x1];
	p0 =	sne.s32 s2, $0x0  }
0x69: {  	s3 =	rddreg [dreg:$0x2];
	[bflag:$0x3] =	sbarrier.arrive $0xFFFF;
	s2 =	simm.s32 @!p0 $0x1C01  }
0x6a: {  	[timem:s3], [sflag:s2] =	dma.local @!p0 [hbm:s0], s1  }
0x6b: {  	s0 =	simm.s32 @!p0 $0x1  }
0x6c: {  	_ =	swait.ge @!p0 [sflag:s0], s1  }
0x6d: {  	s1 =	ssub.s32 @!p0 $0x0, s1;
	[sflag:s0] =	ssyncset.done @!p0 $0x0  }
0x6e: {  	[sflag:s0] =	ssyncadd.s32 @!p0 s1  }
0x6f: {  	[bflag:$0x3] =	sbarrier.arrive $0xFFFF  }
0x70: {  	_ =	shalt  }

// kernel: kernel.28.cloned.1.call-start
scs
__scs_entry_jumppad:
0x0: {  	(pc) =	sbr.rel $0x88, $3  }
0x1: {  	(tag) =	ssettag $0x0;
	lr =	simm.s32 $0x1  }
0x2: {  	[smem:$0x3F88] =	sst lr;
	_ =	strace $0xD0000000  }
0x3: {  	_ = 	snop  }
0x4: {  	_ = 	snop  }
0x5: {  	_ = 	snop  }
0x6: {  	_ = 	snop  }
0x7: {  	_ = 	snop  }
__scs_overlays_trampoline_lowered:
0x8: {  	[smem:$0x3F97] =	sst s0  }
0x9: {  	[smem:$0x3F98] =	sst s1  }
0xa: {  	[smem:$0x3F99] =	sst s2  }
0xb: {  	[smem:$0x3F9A] =	sst s3  }
0xc: {  	[smem:$0x3F9B] =	sst s4  }
0xd: {  	[smem:$0x3F9C] =	sst s5  }
0xe: {  	[smem:$0x3F9D] =	sst s6  }
0xf: {  	[smem:$0x3F9E] =	sst s7  }
0x10: {  	[smem:$0x3F9F] =	sst s8  }
0x11: {  	[smem:$0x3FA0] =	sst s9;
	s0 =	simm.s32 @!p0 $0x0  }
0x12: {  	s1 =	sld [smem:$0x3F86];
	s0 =	simm.s32 @p0 $0x1  }
0x13: {  	[smem:$0x3FA1] =	sst s0;
	s0 =	simm.s32 @!p1 $0x0  }
0x14: {  	s2 =	sld [smem:$0x3F85];
	s0 =	simm.s32 @p1 $0x1  }
0x15: {  	[smem:$0x3FA2] =	sst s0;
	s0 =	simm.s32 @!p2 $0x0  }
0x16: {  	s3 =	sld [smem:$0x3FDB];
	s0 =	simm.s32 @p2 $0x1  }
0x17: {  	s4 =	simm.s32 $0x1BF5;
	[smem:$0x3FA4] =	sst s0  }
0x18: {  	s0 =	sld [smem:$0x3F87];
	_ =	swait.ge [sflag:s4], $0x0  }
0x19: {  	s7 =	sld [smem:$0x3F88]  }
0x1a: {  	s8 =	sadd.s32 $0xFFFFE003, lr  }
0x1b: {  	s9 =	sadd.s32 $0xFFFFFEF7, lr;
	s5 =	simm.s32 $0xFFFFFFFF;
	p2 =	slt.u32 s8, $0xFFFFF086  }
0x1c: {  	p1 =	slt.u32 s9, $0xF7A;
	s5 =	simm.s32 @!p2 $0x0  }
0x1d: {  	s5 =	simm.s32 @p1 $0x1;
	p0 =	seq.s32 s7, s2  }
0x1e: {  	s7 =	smul.u32 @!p0 $0xF7A, s2;
	p2 =	seq.s32 @!p0 s5, $0x0  }
0x1f: {  	s9 =	smul.u32 $0xF7A, s1;
	s8 =	simm.s32 @!p0 $0x1BF5;
	p2 =	por !p2, p0  }
0x20: {  	[sflag:s8] =	ssyncset.s32 @!p0 $0xFFFFF086;
	s6 =	sadd.s32 @!p0 s3, s7;
	s7 =	simm.s32 @!p0 $0x108  }
0x21: {  	s3 =	sadd.s32 s3, s9;
	s6 =	sadd.s32 @!p0 $0x88, s6;
	s7 =	simm.s32 @p2 $0x1082  }
0x22: {  	[simem:s7], [sflag:s8] =	dma.local @!p0 [hbm:s6], $0xF7A  }
0x23: {  	s9 =	sor.u32 $0xD0000000, s2;
	s6 =	simm.s32 $0x108;
	_ =	swait.ge @!p0 [sflag:s8], $0x0  }
0x24: {  	s3 =	sadd.s32 $0x88, s3;
	s6 =	simm.s32 @!p1 $0x1082;
	[sflag:s4] =	ssyncset.s32 $0xFFFFF086  }
0x25: {  	[simem:s6], [sflag:s4] =	dma.local [hbm:s3], $0xF7A  }
0x26: {  	[smem:$0x3F88] =	sst s1;
	(tag) =	ssettag s2;
	_ =	strace s9  }
0x27: {  	s1 =	sld [smem:$0x3F98]  }
0x28: {  	s2 =	sld [smem:$0x3F99]  }
0x29: {  	s4 =	sld [smem:$0x3F9B]  }
0x2a: {  	p0 =	seq.s32 s5, $0x0;
	s5 =	sld [smem:$0x3F9C]  }
0x2b: {  	s6 =	sld [smem:$0x3F9D]  }
0x2c: {  	s7 =	sld [smem:$0x3F9E]  }
0x2d: {  	s3 =	simm.s32 $0x108;
	s8 =	sld [smem:$0x3F9F]  }
0x2e: {  	s3 =	simm.s32 @!p0 $0x1082;
	s9 =	sld [smem:$0x3FA0]  }
0x2f: {  	lr =	sadd.s32 s0, s3;
	s0 =	sld [smem:$0x3F97]  }
0x30: {  	s3 =	sld [smem:$0x3F9A]  }
0x31: {  	[smem:$0x3FA3] =	sst s10  }
0x32: {  	s10 =	sld [smem:$0x3FA1];
	_ =	sdelay $0x3  }
0x33: {  	p0 =	seq.s32 s10, $0x1;
	s10 =	sld [smem:$0x3FA3];
	_ =	sdelay $0x3  }
0x34: {  	[smem:$0x3FA3] =	sst s10  }
0x35: {  	s10 =	sld [smem:$0x3FA2];
	_ =	sdelay $0x3  }
0x36: {  	p1 =	seq.s32 s10, $0x1;
	s10 =	sld [smem:$0x3FA3];
	_ =	sdelay $0x3  }
0x37: {  	[smem:$0x3FA3] =	sst s10  }
0x38: {  	s10 =	sld [smem:$0x3FA4]  }
0x39: {  	_ = 	snop;
	(pc) =	sbr.ind lr, $3  }
0x3a: {  	_ = 	snop  }
0x3b: {  	_ = 	snop  }
0x3c: {  	p2 =	seq.s32 s10, $0x1;
	s10 =	sld [smem:$0x3FA3]  }
0x3d: {  	_ =	shalt  }
0x3e: {  	_ =	shalt  }
0x3f: {  	_ =	shalt  }
0x40: {  	_ =	shalt  }
0x41: {  	_ =	shalt  }
0x42: {  	_ =	shalt  }
0x43: {  	_ =	shalt  }
0x44: {  	_ =	shalt  }
0x45: {  	_ =	shalt  }
0x46: {  	_ =	shalt  }
0x47: {  	_ =	shalt  }
0x48: {  	_ =	shalt  }
0x49: {  	_ =	shalt  }
0x4a: {  	_ =	shalt  }
0x4b: {  	_ =	shalt  }
0x4c: {  	_ =	shalt  }
0x4d: {  	_ =	shalt  }
0x4e: {  	_ =	shalt  }
0x4f: {  	_ =	shalt  }
0x50: {  	_ =	shalt  }
0x51: {  	_ =	shalt  }
0x52: {  	_ =	shalt  }
0x53: {  	_ =	shalt  }
0x54: {  	_ =	shalt  }
0x55: {  	_ =	shalt  }
0x56: {  	_ =	shalt  }
0x57: {  	_ =	shalt  }
0x58: {  	_ =	shalt  }
0x59: {  	_ =	shalt  }
0x5a: {  	_ =	shalt  }
0x5b: {  	_ =	shalt  }
0x5c: {  	_ =	shalt  }
0x5d: {  	_ =	shalt  }
0x5e: {  	_ =	shalt  }
0x5f: {  	_ =	shalt  }
0x60: {  	_ =	shalt  }
0x61: {  	_ =	shalt  }
0x62: {  	_ =	shalt  }
0x63: {  	_ =	shalt  }
0x64: {  	_ =	shalt  }
0x65: {  	_ =	shalt  }
0x66: {  	_ =	shalt  }
0x67: {  	_ =	shalt  }
0x68: {  	_ =	shalt  }
0x69: {  	_ =	shalt  }
0x6a: {  	_ =	shalt  }
0x6b: {  	_ =	shalt  }
0x6c: {  	_ =	shalt  }
0x6d: {  	_ =	shalt  }
0x6e: {  	_ =	shalt  }
0x6f: {  	_ =	shalt  }
0x70: {  	_ =	shalt  }
0x71: {  	_ =	shalt  }
0x72: {  	_ =	shalt  }
0x73: {  	_ =	shalt  }
0x74: {  	_ =	shalt  }
0x75: {  	_ =	shalt  }
0x76: {  	_ =	shalt  }
0x77: {  	_ =	shalt  }
0x78: {  	_ =	shalt  }
0x79: {  	_ =	shalt  }
0x7a: {  	_ =	shalt  }
0x7b: {  	_ =	shalt  }
0x7c: {  	_ =	shalt  }
0x7d: {  	_ =	shalt  }
0x7e: {  	_ =	shalt  }
0x7f: {  	_ =	shalt  }
0x80: {  	_ =	shalt  }
0x81: {  	_ =	shalt  }
0x82: {  	_ =	shalt  }
0x83: {  	_ =	shalt  }
0x84: {  	_ =	shalt  }
0x85: {  	_ =	shalt  }
0x86: {  	_ =	shalt  }
0x87: {  	_ =	shalt  }
.Lfunc_end0:
.L_simem_size_0:
called_computation.4_lowered:
.L_overlay_start_0:
0x88: {  	s2 =	sld [smem:$0x3FD9]  }
0x89: {  	s3 =	sld [smem:$0x3FFE];
	_ =	sdelay $0x1  }
0x8a: {  	s1 =	srdreg.scid  }
0x8b: {  	s0 =	sand.u32 $0x1, s1  }
0x8c: {  	s14 =	sshll.u32 s0, $0xA;
	s2 =	sadd.s32 s3, s2  }
0x8d: {  	s2 =	sadd.s32 s2, s14  }
0x8e: {  	[smem:$0x3FAF] =	sst s2  }
0x8f: {  	_ = 	snop  }
0x90: {  	s2 =	sld [smem:$0x3FD0];
	_ =	sdelay $0x2  }
0x91: {  	s15 =	simm.s32 $0xA;
	s4 =	simm.s32 $0x10  }
0x92: {  	[smem:s4], [sflag:s15] =	dma.local [hbm:s2], $0x1  }
0x93: {  	_ =	swait.eq [sflag:s15], $0x1  }
0x94: {  	[sflag:s15] =	ssyncset.done $0x0  }
0x95: {  	[sflag:s15] =	ssyncadd.s32 $0xFFFFFFFF  }
0x96: {  	s16 =	sld [smem:$0x11];
	(tm) =	ssettm $0x1  }
0x97: {  	s17 =	sld [smem:$0x3FFB];
	_ =	sdelay $0x3  }
0x98: {  	_ =	strace s17  }
0x99: {  	s3 =	sld [smem:$0x3FFC];
	_ =	sdelay $0x3  }
0x9a: {  	_ =	strace s3  }
0x9b: {  	s3 =	sld [smem:$0x3FFD];
	_ =	sdelay $0x3  }
0x9c: {  	_ =	strace s3  }
0x9d: {  	_ =	strace $0x8FFFFFFF  }
0x9e: {  	s18 =	sld [smem:$0x3FDB];
	_ =	sdelay $0x1  }
0x9f: {  	s19 =	simm.s32 $_scs_section_size  }
0xa0: {  	s5 =	simm.s32 $_size__tile_overlayer_lowered;
	s6 =	simm.s32 $_tile_overlayer_lowered  }
0xa1: {  	s22 =	simm.s32 $0x1BFF;
	s21 =	sshll.u32 s6, $0x1;
	s3 =	sadd.s32 s19, s18  }
0xa2: {  	s7 =	simm.s32 $0x0;
	s20 =	sshll.u32 s5, $0x1;
	s5 =	sadd.s32 s21, s3  }
0xa3: {  	[timem:s7], [sflag:s22] =	dma.local [hbm:s5], s20  }
0xa4: {  	_ =	swait.ge [sflag:s22], s20  }
0xa5: {  	s4 =	ssub.s32 $0x0, s20;
	[sflag:s22] =	ssyncset.done $0x0  }
0xa6: {  	[sflag:s22] =	ssyncadd.s32 s4;
	_ =	sdelay $0x1  }
0xa7: {  	s23 =	simm.s32 $0x1B8B  }
0xa8: {  	_ =	swait.ge [sflag:s23], $0x1  }
0xa9: {  	[sflag:s23] =	ssyncset.done $0x0  }
0xaa: {  	s25 =	simm.s32 $0x1B8E;
	s24 =	sld [smem:$0x3FFE];
	[sflag:s23] =	ssyncadd.s32 $0xFFFFFFFF  }
0xab: {  	s26 =	simm.s32 $execute0_lowered;
	[smem:$0x3FD2] =	sst s25  }
0xac: {  	s5 =	sshll.u32 s26, $0x1;
	_ =	strace $0x80000052;
	[dreg:$0x1] =	wrdreg $0xFFFFFFFF  }
0xad: {  	s28 =	simm.s32 $_size_execute0_lowered;
	s3 =	sadd.s32 s3, s5;
	[dreg:$0x0] =	wrdreg $0x0  }
0xae: {  	s5 =	sshll.u32 s28, $0x1;
	[dreg:$0x2] =	wrdreg s3  }
0xaf: {  	[dreg:$0x3] =	wrdreg s5  }
0xb0: {  	[dreg:$0x4] =	wrdreg $0xC0  }
0xb1: {  	_ =	task [dreg:s7], $0x5FFFF  }
0xb2: {  	[dreg:$0x1] =	wrdreg $0xFFFFFFFF  }
0xb3: {  	[dreg:$0x0] =	wrdreg $0x60  }
0xb4: {  	[dreg:$0x2] =	wrdreg s24  }
0xb5: {  	[dreg:$0x3] =	wrdreg s16  }
0xb6: {  	[dreg:$0x4] =	wrdreg $0x9  }
0xb7: {  	_ =	task.clear_ibuf [dreg:s7], $0x5FFFF;
	_ =	strace $0x90000052  }
0xb8: {  	s29 =	simm.s32 $0x9;
	_ =	strace $0x80000054  }
0xb9: {  	_ =	swait.ge [sflag:s29], $0x1  }
0xba: {  	[sflag:s29] =	ssyncadd.s32 $0xFFFFFFFF  }
0xbb: {  	_ =	strace $0x90000054  }
0xbc: {  	_ =	sfence  }
0xbd: {  	s30 =	sld [smem:$0x0];
	_ =	sdelay $0x2  }
0xbe: {  	s31 =	sshll.u32 s1, $0xD;
	s1 =	sshrl.u32 s1, $0x2  }
0xbf: {  	s3 =	sand.u32 $0x4000, s31;
	s1 =	sadd.s32 s1, s30  }
0xc0: {  	s0 =	sor.u32 s3, s0;
	s1 =	sshll.u32 s1, $0x11  }
0xc1: {  	s0 =	sor.u32 s1, s0  }
0xc2: {  	s0 =	sadd.s32 $0x8F2B, s0  }
0xc3: {  	[sflag:s0] =	ssyncadd.remote.s32 $0x1  }
0xc4: {  	_ =	sfence.sel $0xFFFF  }
0xc5: {  	[dreg:$0x0] =	wrdreg $0xFFFFFFFF;
	(pc) =	sbr.abs _section_cstart, $3  }
0xc6: {  	[dreg:$0x1] =	wrdreg $0xFFFFFFFF  }
0xc7: {  	_ =	task.clear_ibuf [dreg:s7], $0x2FFFF;
	_ =	strace $0x9FFFFFFF  }
0xc8: {  	(tm) =	ssettm $0x7FFFFFFF  }
0xc9: {  	_ =	shalt  }
tec
execute0_lowered:
.L_overlay_start_1:
0x0: {  	(tag) =	ssettag $0x1  }
0x1: {  	s0 =	srdreg.scid;
	s1 =	rddreg [dreg:$0x0]  }
0x2: {  	s2 =	stileid.u32;
	s6 =	rddreg [dreg:$0x1]  }
0x3: {  	s13 =	simm.s32 $0x3;
	s15 =	simm.s32 $0x3000;
	s22 =	simm.s32 $0x16400  }
0x4: {  	s23 =	simm.s32 $0x16800;
	s24 =	simm.s32 $0x17000;
	s28 =	simm.s32 $0x17C00  }
0x5: {  	s29 =	simm.s32 $0x18000;
	s30 =	simm.s32 $0x18800;
	s31 =	simm.s32 $0x18C00  }
0x6: {  	s14 =	simm.s32 $0x1A000;
	s10 =	simm.s32 $0x4;
	s16 =	simm.s32 $0x2  }
0x7: {  	s18 =	simm.s32 $0x0;
	s0 =	sand.u32 $0x1, s0;
	s3 =	smul.u32 $0x3000, s2  }
0x8: {  	s5 =	sshll.u32 s2, $0x1;
	s2 =	simm.s32 $0x0;
	s4 =	smul.u32 $0x1800, s0  }
0x9: {  	s5 =	sor.u32 s0, s5;
	[smem:$0x7FF] =	sst s2;
	s0 =	ssub.s32 $0x2, s0  }
0xa: {  	s25 =	smul.u32 $0x300, s5;
	s5 =	sadd.s32 $0x34400, s1;
	s9 =	sshrl.u32 s0, $0x1  }
0xb: {  	s4 =	sadd.s32 s4, s3;
	s0 =	ssub.s32 s0, s9;
	s9 =	sadd.s32 $0x34500, s1  }
0xc: {  	[dreg:$0x3] =	wrdreg s4;
	s4 =	sshrl.u32 s4, $0x3;
	s8 =	sadd.s32 s25, s1  }
0xd: {  	s3 =	sadd.s32 s6, s25;
	s0 =	smax.u32 s0, $0x1;
	s25 =	simm.s32 $0xF000  }
0xe: {  	s6 =	simm.s32 $0x1A400;
	_ =	strace $0x80000053;
	s7 =	smul.u32 $0x180, s4  }
.Ltmp0:
0xf: {  	s4 =	sadd.s32 $0xAC400, s1;
	[dreg:$0x4] =	wrdreg s3;
	(pc) =	sbr.rel .LBB2_1-.Ltmp0, $4  }
0x10: {  	s26 =	sadd.s32 $0x6C00, s8;
	s8 =	sadd.s32 $0xAC500, s1;
	[dreg:$0x6] =	wrdreg s0  }
0x11: {  	v2 =	vlaneseq.u32;
	s0 =	simm.s32 $0x19800;
	s3 =	simm.s32 $0x1;
	s7 =	sadd.s32 s7, s1  }
0x12: {  	vm0 =	vmmov $0xffff;
	vm1 =	vmmov $0xff;
	v1 =	vshrl.u32 v2, $0x3;
	[dreg:$0x5] =	wrdreg s26;
	s26 =	simm.s32 $0x17400;
	s11 =	sadd.s32 $0x124600, s7  }
0x13: {  	v0 =	vand.u32 $0x7, v2;
	v2 =	vor.u32 $0x8, v2;
	v1 =	vmul.u32 $0x8, v1;
	s1 =	simm.s32 $0x19400;
	s12 =	sadd.s32 $0xA24600, s7;
	s7 =	simm.s32 $0x1AC00  }
.LBB2_5:
0x14: {  	s18 =	rddreg [dreg:$0x7]  }
0x15: {  	s17 =	rddreg [dreg:$0x6];
	s18 =	sadd.s32 $0x1, s18  }
0x16: {  	p0 =	sne.s32 s18, s17  }
.Ltmp1:
0x17: {  	_ = 	snop;
	(pc) =	sbr.rel @!p0 .LBB2_6-.Ltmp1, $1  }
0x18: {  	_ =	sdelay $0x3  }
.LBB2_1:
0x19: {  	[dreg:$0x7] =	wrdreg s18  }
0x1a: {  	s17 =	rddreg [dreg:$0x4]  }
0x1b: {  	[tilespmem:s2], [sflag:$0x3] =	stream.linear.gather [hbm4b:s17+s2], $0x1800, $0x38;
	[tilespmem:$0x1B000] =	vst v63  }
0x1c: {  	_ =	swait.ge [sflag:s13], $0x1800  }
0x1d: {  	s21 =	simm.s32 $0x1800;
	[sflag:s13] =	ssyncset.done $0x0  }
.Ltmp2:
0x1e: {  	s20 =	rddreg [dreg:$0x5];
	[sflag:s13] =	ssyncadd.s32 $0xFFFFE800;
	(pc) =	sbr.rel .LBB2_2-.Ltmp2, $4  }
0x1f: {  	[tilespmem:s21], [sflag:$0x3] =	stream.linear.gather [hbm4b:s20+s2], $0x1800, $0x38;
	[tilespmem:$0x1B000] =	vst v63  }
0x20: {  	_ =	swait.ge [sflag:s13], $0x1800  }
0x21: {  	s18 =	simm.s32 $0x40;
	s17 =	simm.s32 $0x1840;
	[sflag:s13] =	ssyncset.done $0x0  }
0x22: {  	s20 =	simm.s32 $0x0;
	s19 =	rddreg [dreg:$0x3];
	[sflag:s13] =	ssyncadd.s32 $0xFFFFE800  }
.LBB2_4:
0x23: {  	s20 =	sadd.s32 $0x1800, s20  }
0x24: {  	p0 =	sne.s32 s20, $0x48000  }
.Ltmp3:
0x25: {  	_ = 	snop;
	(pc) =	sbr.rel @!p0 .LBB2_5-.Ltmp3, $2  }
0x26: {  	_ =	sdelay $0x2  }
0x27: {  	s19 =	sadd.s32 $0x80, s19;
	s17 =	sadd.s32 $0x80, s17;
	s18 =	sadd.s32 $0x80, s18  }
.LBB2_2:
0x28: {  	p0 =	sgt.u32 s19, $0x2980F  }
.Ltmp4:
0x29: {  	_ = 	snop;
	(pc) =	sbr.rel @p0 .LBB2_4-.Ltmp4, $1  }
0x2a: {  	_ =	sdelay $0x3  }
0x2b: {  	v3 =	vld [tilespmem:s18+$0xFFFFFFC0];
	_ =	sdelay $0x4  }
0x2c: {  	v4 =	vshrl.u32 v3, $0x3  }
0x2d: {  	v4 =	vmul.u32 $0x18, v4  }
0x2e: {  	v3 =	vand.u32 $0x7, v3  }
0x2f: {  	v3 =	vor.u32 v3, v4  }
0x30: {  	v4 =	vperm.xlane v3, v0;
	_ =	sdelay $0x1  }
0x31: {  	v4 =	vadd.s32 v1, v4;
	_ =	sdelay $0x1  }
0x32: {  	v3 =	vperm.xlane v3, v2;
	_ =	sdelay $0x1  }
0x33: {  	v3 =	vadd.s32 v1, v3  }
0x34: {  	[tilespmem:s15], [sflag:$0x1] =	stream.indirect_vreg.gather [hbm4b:s4+s2], $0x80, v4, vm0, $0xb8;
	[tilespmem:$0x1B000] =	vst v63  }
0x35: {  	s21 =	simm.s32 $0x3800  }
0x36: {  	[tilespmem:s21], [sflag:$0x1] =	stream.indirect_vreg.gather [hbm4b:s8+s2], $0x80, v4, vm1, $0xb8;
	[tilespmem:$0x1B000] =	vst v63  }
0x37: {  	s21 =	simm.s32 $0x3C00  }
0x38: {  	[tilespmem:s21], [sflag:$0x1] =	stream.indirect_vreg.gather [hbm4b:s4+s2], $0x80, v3, vm0, $0xb8;
	[tilespmem:$0x1B000] =	vst v63  }
0x39: {  	s21 =	simm.s32 $0x4400  }
0x3a: {  	[tilespmem:s21], [sflag:$0x1] =	stream.indirect_vreg.gather [hbm4b:s8+s2], $0x80, v3, vm1, $0xb8;
	[tilespmem:$0x1B000] =	vst v63  }
0x3b: {  	v3 =	vld [tilespmem:s18+$0xFFFFFFD0];
	_ =	sdelay $0x4  }
0x3c: {  	v49 =	vshrl.u32 v3, $0x3  }
0x3d: {  	v4 =	vmul.u32 $0x18, v49  }
0x3e: {  	v3 =	vand.u32 $0x7, v3  }
0x3f: {  	v3 =	vor.u32 v3, v4  }
0x40: {  	v4 =	vperm.xlane v3, v0;
	_ =	sdelay $0x1  }
0x41: {  	v4 =	vadd.s32 v1, v4;
	_ =	sdelay $0x1  }
0x42: {  	v3 =	vperm.xlane v3, v2;
	_ =	sdelay $0x1  }
0x43: {  	s21 =	simm.s32 $0x4800;
	v3 =	vadd.s32 v1, v3  }
0x44: {  	[tilespmem:s21], [sflag:$0x1] =	stream.indirect_vreg.gather [hbm4b:s4+s2], $0x80, v4, vm0, $0xb8;
	[tilespmem:$0x1B000] =	vst v63  }
0x45: {  	s21 =	simm.s32 $0x5000  }
0x46: {  	[tilespmem:s21], [sflag:$0x1] =	stream.indirect_vreg.gather [hbm4b:s8+s2], $0x80, v4, vm1, $0xb8;
	[tilespmem:$0x1B000] =	vst v63  }
0x47: {  	s21 =	simm.s32 $0x5400  }
0x48: {  	[tilespmem:s21], [sflag:$0x1] =	stream.indirect_vreg.gather [hbm4b:s4+s2], $0x80, v3, vm0, $0xb8;
	[tilespmem:$0x1B000] =	vst v63  }
0x49: {  	s21 =	simm.s32 $0x5C00  }
0x4a: {  	[tilespmem:s21], [sflag:$0x1] =	stream.indirect_vreg.gather [hbm4b:s8+s2], $0x80, v3, vm1, $0xb8;
	[tilespmem:$0x1B000] =	vst v63  }
0x4b: {  	v3 =	vld [tilespmem:s18+$0xFFFFFFE0];
	_ =	sdelay $0x4  }
0x4c: {  	v50 =	vshrl.u32 v3, $0x3  }
0x4d: {  	v4 =	vmul.u32 $0x18, v50  }
0x4e: {  	v3 =	vand.u32 $0x7, v3  }
0x4f: {  	v3 =	vor.u32 v3, v4  }
0x50: {  	v4 =	vperm.xlane v3, v0;
	_ =	sdelay $0x1  }
0x51: {  	v4 =	vadd.s32 v1, v4;
	_ =	sdelay $0x1  }
0x52: {  	v3 =	vperm.xlane v3, v2;
	_ =	sdelay $0x1  }
0x53: {  	s21 =	simm.s32 $0x6000;
	v3 =	vadd.s32 v1, v3  }
0x54: {  	[tilespmem:s21], [sflag:$0x1] =	stream.indirect_vreg.gather [hbm4b:s4+s2], $0x80, v4, vm0, $0xb8;
	[tilespmem:$0x1B000] =	vst v63  }
0x55: {  	s21 =	simm.s32 $0x6800  }
0x56: {  	[tilespmem:s21], [sflag:$0x1] =	stream.indirect_vreg.gather [hbm4b:s8+s2], $0x80, v4, vm1, $0xb8;
	[tilespmem:$0x1B000] =	vst v63  }
0x57: {  	s21 =	simm.s32 $0x6C00  }
0x58: {  	[tilespmem:s21], [sflag:$0x1] =	stream.indirect_vreg.gather [hbm4b:s4+s2], $0x80, v3, vm0, $0xb8;
	[tilespmem:$0x1B000] =	vst v63  }
0x59: {  	s21 =	simm.s32 $0x7400  }
0x5a: {  	[tilespmem:s21], [sflag:$0x1] =	stream.indirect_vreg.gather [hbm4b:s8+s2], $0x80, v3, vm1, $0xb8;
	[tilespmem:$0x1B000] =	vst v63  }
0x5b: {  	v3 =	vld [tilespmem:s18+$0xFFFFFFF0];
	_ =	sdelay $0x4  }
0x5c: {  	v51 =	vshrl.u32 v3, $0x3  }
0x5d: {  	v4 =	vmul.u32 $0x18, v51  }
0x5e: {  	v3 =	vand.u32 $0x7, v3  }
0x5f: {  	v3 =	vor.u32 v3, v4  }
0x60: {  	v4 =	vperm.xlane v3, v0;
	_ =	sdelay $0x1  }
0x61: {  	v4 =	vadd.s32 v1, v4;
	_ =	sdelay $0x1  }
0x62: {  	v3 =	vperm.xlane v3, v2;
	_ =	sdelay $0x1  }
0x63: {  	s21 =	simm.s32 $0x7800;
	v3 =	vadd.s32 v1, v3  }
0x64: {  	[tilespmem:s21], [sflag:$0x1] =	stream.indirect_vreg.gather [hbm4b:s4+s2], $0x80, v4, vm0, $0xb8;
	[tilespmem:$0x1B000] =	vst v63  }
0x65: {  	s21 =	simm.s32 $0x8000  }
0x66: {  	[tilespmem:s21], [sflag:$0x1] =	stream.indirect_vreg.gather [hbm4b:s8+s2], $0x80, v4, vm1, $0xb8;
	[tilespmem:$0x1B000] =	vst v63  }
0x67: {  	s21 =	simm.s32 $0x8400  }
0x68: {  	[tilespmem:s21], [sflag:$0x1] =	stream.indirect_vreg.gather [hbm4b:s4+s2], $0x80, v3, vm0, $0xb8;
	[tilespmem:$0x1B000] =	vst v63  }
0x69: {  	s21 =	simm.s32 $0x8C00  }
0x6a: {  	[tilespmem:s21], [sflag:$0x1] =	stream.indirect_vreg.gather [hbm4b:s8+s2], $0x80, v3, vm1, $0xb8;
	[tilespmem:$0x1B000] =	vst v63  }
0x6b: {  	v3 =	vld [tilespmem:s18+$0x0];
	_ =	sdelay $0x4  }
0x6c: {  	v52 =	vshrl.u32 v3, $0x3  }
0x6d: {  	v4 =	vmul.u32 $0x18, v52  }
0x6e: {  	v3 =	vand.u32 $0x7, v3  }
0x6f: {  	v3 =	vor.u32 v3, v4  }
0x70: {  	v4 =	vperm.xlane v3, v0;
	_ =	sdelay $0x1  }
0x71: {  	v4 =	vadd.s32 v1, v4;
	_ =	sdelay $0x1  }
0x72: {  	v3 =	vperm.xlane v3, v2;
	_ =	sdelay $0x1  }
0x73: {  	s21 =	simm.s32 $0x9000;
	v3 =	vadd.s32 v1, v3  }
0x74: {  	[tilespmem:s21], [sflag:$0x1] =	stream.indirect_vreg.gather [hbm4b:s4+s2], $0x80, v4, vm0, $0xb8;
	[tilespmem:$0x1B000] =	vst v63  }
0x75: {  	s21 =	simm.s32 $0x9800  }
0x76: {  	[tilespmem:s21], [sflag:$0x1] =	stream.indirect_vreg.gather [hbm4b:s8+s2], $0x80, v4, vm1, $0xb8;
	[tilespmem:$0x1B000] =	vst v63  }
0x77: {  	s21 =	simm.s32 $0x9C00  }
0x78: {  	[tilespmem:s21], [sflag:$0x1] =	stream.indirect_vreg.gather [hbm4b:s4+s2], $0x80, v3, vm0, $0xb8;
	[tilespmem:$0x1B000] =	vst v63  }
0x79: {  	s21 =	simm.s32 $0xA400  }
0x7a: {  	[tilespmem:s21], [sflag:$0x1] =	stream.indirect_vreg.gather [hbm4b:s8+s2], $0x80, v3, vm1, $0xb8;
	[tilespmem:$0x1B000] =	vst v63  }
0x7b: {  	v3 =	vld [tilespmem:s18+$0x10];
	_ =	sdelay $0x4  }
0x7c: {  	v53 =	vshrl.u32 v3, $0x3  }
0x7d: {  	v4 =	vmul.u32 $0x18, v53  }
0x7e: {  	v3 =	vand.u32 $0x7, v3  }
0x7f: {  	v3 =	vor.u32 v3, v4  }
0x80: {  	v4 =	vperm.xlane v3, v0;
	_ =	sdelay $0x1  }
0x81: {  	v4 =	vadd.s32 v1, v4;
	_ =	sdelay $0x1  }
0x82: {  	v3 =	vperm.xlane v3, v2;
	_ =	sdelay $0x1  }
0x83: {  	s21 =	simm.s32 $0xA800;
	v3 =	vadd.s32 v1, v3  }
0x84: {  	[tilespmem:s21], [sflag:$0x1] =	stream.indirect_vreg.gather [hbm4b:s4+s2], $0x80, v4, vm0, $0xb8;
	[tilespmem:$0x1B000] =	vst v63  }
0x85: {  	s21 =	simm.s32 $0xB000  }
0x86: {  	[tilespmem:s21], [sflag:$0x1] =	stream.indirect_vreg.gather [hbm4b:s8+s2], $0x80, v4, vm1, $0xb8;
	[tilespmem:$0x1B000] =	vst v63  }
0x87: {  	s21 =	simm.s32 $0xB400  }
0x88: {  	[tilespmem:s21], [sflag:$0x1] =	stream.indirect_vreg.gather [hbm4b:s4+s2], $0x80, v3, vm0, $0xb8;
	[tilespmem:$0x1B000] =	vst v63  }
0x89: {  	s21 =	simm.s32 $0xBC00  }
0x8a: {  	[tilespmem:s21], [sflag:$0x1] =	stream.indirect_vreg.gather [hbm4b:s8+s2], $0x80, v3, vm1, $0xb8;
	[tilespmem:$0x1B000] =	vst v63  }
0x8b: {  	v3 =	vld [tilespmem:s18+$0x20];
	_ =	sdelay $0x4  }
0x8c: {  	v54 =	vshrl.u32 v3, $0x3  }
0x8d: {  	v4 =	vmul.u32 $0x18, v54  }
0x8e: {  	v3 =	vand.u32 $0x7, v3  }
0x8f: {  	v3 =	vor.u32 v3, v4  }
0x90: {  	v4 =	vperm.xlane v3, v0;
	_ =	sdelay $0x1  }
0x91: {  	v4 =	vadd.s32 v1, v4;
	_ =	sdelay $0x1  }
0x92: {  	v3 =	vperm.xlane v3, v2;
	_ =	sdelay $0x1  }
0x93: {  	s21 =	simm.s32 $0xC000;
	v3 =	vadd.s32 v1, v3  }
0x94: {  	[tilespmem:s21], [sflag:$0x1] =	stream.indirect_vreg.gather [hbm4b:s4+s2], $0x80, v4, vm0, $0xb8;
	[tilespmem:$0x1B000] =	vst v63  }
0x95: {  	s21 =	simm.s32 $0xC800  }
0x96: {  	[tilespmem:s21], [sflag:$0x1] =	stream.indirect_vreg.gather [hbm4b:s8+s2], $0x80, v4, vm1, $0xb8;
	[tilespmem:$0x1B000] =	vst v63  }
0x97: {  	s21 =	simm.s32 $0xCC00  }
0x98: {  	[tilespmem:s21], [sflag:$0x1] =	stream.indirect_vreg.gather [hbm4b:s4+s2], $0x80, v3, vm0, $0xb8;
	[tilespmem:$0x1B000] =	vst v63  }
0x99: {  	s21 =	simm.s32 $0xD400  }
0x9a: {  	[tilespmem:s21], [sflag:$0x1] =	stream.indirect_vreg.gather [hbm4b:s8+s2], $0x80, v3, vm1, $0xb8;
	[tilespmem:$0x1B000] =	vst v63  }
0x9b: {  	v3 =	vld [tilespmem:s18+$0x30];
	_ =	sdelay $0x4  }
0x9c: {  	v55 =	vshrl.u32 v3, $0x3  }
0x9d: {  	v4 =	vmul.u32 $0x18, v55  }
0x9e: {  	v3 =	vand.u32 $0x7, v3  }
0x9f: {  	v3 =	vor.u32 v3, v4  }
0xa0: {  	v4 =	vperm.xlane v3, v0;
	_ =	sdelay $0x1  }
0xa1: {  	v4 =	vadd.s32 v1, v4;
	_ =	sdelay $0x1  }
0xa2: {  	v3 =	vperm.xlane v3, v2;
	_ =	sdelay $0x1  }
0xa3: {  	s21 =	simm.s32 $0xD800;
	v3 =	vadd.s32 v1, v3  }
0xa4: {  	[tilespmem:s21], [sflag:$0x1] =	stream.indirect_vreg.gather [hbm4b:s4+s2], $0x80, v4, vm0, $0xb8;
	[tilespmem:$0x1B000] =	vst v63  }
0xa5: {  	s21 =	simm.s32 $0xE000  }
0xa6: {  	[tilespmem:s21], [sflag:$0x1] =	stream.indirect_vreg.gather [hbm4b:s8+s2], $0x80, v4, vm1, $0xb8;
	[tilespmem:$0x1B000] =	vst v63  }
0xa7: {  	s21 =	simm.s32 $0xE400  }
0xa8: {  	[tilespmem:s21], [sflag:$0x1] =	stream.indirect_vreg.gather [hbm4b:s4+s2], $0x80, v3, vm0, $0xb8;
	[tilespmem:$0x1B000] =	vst v63  }
0xa9: {  	s21 =	simm.s32 $0xEC00  }
0xaa: {  	[tilespmem:s21], [sflag:$0x1] =	stream.indirect_vreg.gather [hbm4b:s8+s2], $0x80, v3, vm1, $0xb8;
	[tilespmem:$0x1B000] =	vst v63  }
0xab: {  	v3 =	vld [tilespmem:s17+$0xFFFFFFC0];
	_ =	sdelay $0x4  }
0xac: {  	v56 =	vshrl.u32 v3, $0x3  }
0xad: {  	v4 =	vmul.u32 $0x18, v56  }
0xae: {  	v3 =	vand.u32 $0x7, v3  }
0xaf: {  	v3 =	vor.u32 v3, v4  }
0xb0: {  	v4 =	vperm.xlane v3, v0;
	_ =	sdelay $0x1  }
0xb1: {  	v4 =	vadd.s32 v1, v4;
	_ =	sdelay $0x1  }
0xb2: {  	v3 =	vperm.xlane v3, v2;
	_ =	sdelay $0x1  }
0xb3: {  	v3 =	vadd.s32 v1, v3  }
0xb4: {  	[tilespmem:s25], [sflag:$0x2] =	stream.indirect_vreg.gather [hbm4b:s5+s2], $0x80, v4, vm0, $0xb8;
	[tilespmem:$0x1B000] =	vst v63  }
0xb5: {  	s21 =	simm.s32 $0xF800  }
0xb6: {  	[tilespmem:s21], [sflag:$0x2] =	stream.indirect_vreg.gather [hbm4b:s9+s2], $0x80, v4, vm1, $0xb8;
	[tilespmem:$0x1B000] =	vst v63  }
0xb7: {  	s21 =	simm.s32 $0xFC00  }
0xb8: {  	[tilespmem:s21], [sflag:$0x2] =	stream.indirect_vreg.gather [hbm4b:s5+s2], $0x80, v3, vm0, $0xb8;
	[tilespmem:$0x1B000] =	vst v63  }
0xb9: {  	s21 =	simm.s32 $0x10400  }
0xba: {  	[tilespmem:s21], [sflag:$0x2] =	stream.indirect_vreg.gather [hbm4b:s9+s2], $0x80, v3, vm1, $0xb8;
	[tilespmem:$0x1B000] =	vst v63  }
0xbb: {  	v3 =	vld [tilespmem:s17+$0xFFFFFFD0];
	_ =	sdelay $0x4  }
0xbc: {  	v57 =	vshrl.u32 v3, $0x3  }
0xbd: {  	v4 =	vmul.u32 $0x18, v57  }
0xbe: {  	v3 =	vand.u32 $0x7, v3  }
0xbf: {  	v3 =	vor.u32 v3, v4  }
0xc0: {  	v4 =	vperm.xlane v3, v0;
	_ =	sdelay $0x1  }
0xc1: {  	v4 =	vadd.s32 v1, v4;
	_ =	sdelay $0x1  }
0xc2: {  	v3 =	vperm.xlane v3, v2;
	_ =	sdelay $0x1  }
0xc3: {  	s21 =	simm.s32 $0x10800;
	v3 =	vadd.s32 v1, v3  }
0xc4: {  	[tilespmem:s21], [sflag:$0x2] =	stream.indirect_vreg.gather [hbm4b:s5+s2], $0x80, v4, vm0, $0xb8;
	[tilespmem:$0x1B000] =	vst v63  }
0xc5: {  	s21 =	simm.s32 $0x11000  }
0xc6: {  	[tilespmem:s21], [sflag:$0x2] =	stream.indirect_vreg.gather [hbm4b:s9+s2], $0x80, v4, vm1, $0xb8;
	[tilespmem:$0x1B000] =	vst v63  }
0xc7: {  	s21 =	simm.s32 $0x11400  }
0xc8: {  	[tilespmem:s21], [sflag:$0x2] =	stream.indirect_vreg.gather [hbm4b:s5+s2], $0x80, v3, vm0, $0xb8;
	[tilespmem:$0x1B000] =	vst v63  }
0xc9: {  	s21 =	simm.s32 $0x11C00  }
0xca: {  	[tilespmem:s21], [sflag:$0x2] =	stream.indirect_vreg.gather [hbm4b:s9+s2], $0x80, v3, vm1, $0xb8;
	[tilespmem:$0x1B000] =	vst v63  }
0xcb: {  	v3 =	vld [tilespmem:s17+$0xFFFFFFE0];
	_ =	sdelay $0x4  }
0xcc: {  	v58 =	vshrl.u32 v3, $0x3  }
0xcd: {  	v4 =	vmul.u32 $0x18, v58  }
0xce: {  	v3 =	vand.u32 $0x7, v3  }
0xcf: {  	v3 =	vor.u32 v3, v4  }
0xd0: {  	v4 =	vperm.xlane v3, v0;
	_ =	sdelay $0x1  }
0xd1: {  	v4 =	vadd.s32 v1, v4;
	_ =	sdelay $0x1  }
0xd2: {  	v3 =	vperm.xlane v3, v2;
	_ =	sdelay $0x1  }
0xd3: {  	s21 =	simm.s32 $0x12000;
	v3 =	vadd.s32 v1, v3  }
0xd4: {  	[tilespmem:s21], [sflag:$0x2] =	stream.indirect_vreg.gather [hbm4b:s5+s2], $0x80, v4, vm0, $0xb8;
	[tilespmem:$0x1B000] =	vst v63  }
0xd5: {  	s21 =	simm.s32 $0x12800  }
0xd6: {  	[tilespmem:s21], [sflag:$0x2] =	stream.indirect_vreg.gather [hbm4b:s9+s2], $0x80, v4, vm1, $0xb8;
	[tilespmem:$0x1B000] =	vst v63  }
0xd7: {  	s21 =	simm.s32 $0x12C00  }
0xd8: {  	[tilespmem:s21], [sflag:$0x2] =	stream.indirect_vreg.gather [hbm4b:s5+s2], $0x80, v3, vm0, $0xb8;
	[tilespmem:$0x1B000] =	vst v63  }
0xd9: {  	s21 =	simm.s32 $0x13400  }
0xda: {  	[tilespmem:s21], [sflag:$0x2] =	stream.indirect_vreg.gather [hbm4b:s9+s2], $0x80, v3, vm1, $0xb8;
	[tilespmem:$0x1B000] =	vst v63  }
0xdb: {  	v3 =	vld [tilespmem:s17+$0xFFFFFFF0];
	_ =	sdelay $0x4  }
0xdc: {  	v59 =	vshrl.u32 v3, $0x3  }
0xdd: {  	v4 =	vmul.u32 $0x18, v59  }
0xde: {  	v3 =	vand.u32 $0x7, v3  }
0xdf: {  	v3 =	vor.u32 v3, v4  }
0xe0: {  	v4 =	vperm.xlane v3, v0;
	_ =	sdelay $0x1  }
0xe1: {  	v4 =	vadd.s32 v1, v4;
	_ =	sdelay $0x1  }
0xe2: {  	v3 =	vperm.xlane v3, v2;
	_ =	sdelay $0x1  }
0xe3: {  	s21 =	simm.s32 $0x13800;
	v3 =	vadd.s32 v1, v3  }
0xe4: {  	[tilespmem:s21], [sflag:$0x2] =	stream.indirect_vreg.gather [hbm4b:s5+s2], $0x80, v4, vm0, $0xb8;
	[tilespmem:$0x1B000] =	vst v63  }
0xe5: {  	s21 =	simm.s32 $0x14000  }
0xe6: {  	[tilespmem:s21], [sflag:$0x2] =	stream.indirect_vreg.gather [hbm4b:s9+s2], $0x80, v4, vm1, $0xb8;
	[tilespmem:$0x1B000] =	vst v63  }
0xe7: {  	s21 =	simm.s32 $0x14400  }
0xe8: {  	[tilespmem:s21], [sflag:$0x2] =	stream.indirect_vreg.gather [hbm4b:s5+s2], $0x80, v3, vm0, $0xb8;
	[tilespmem:$0x1B000] =	vst v63  }
0xe9: {  	s21 =	simm.s32 $0x14C00  }
0xea: {  	[tilespmem:s21], [sflag:$0x2] =	stream.indirect_vreg.gather [hbm4b:s9+s2], $0x80, v3, vm1, $0xb8;
	[tilespmem:$0x1B000] =	vst v63  }
0xeb: {  	v3 =	vld [tilespmem:s17+$0x0];
	_ =	sdelay $0x4  }
0xec: {  	v60 =	vshrl.u32 v3, $0x3  }
0xed: {  	v4 =	vmul.u32 $0x18, v60  }
0xee: {  	v3 =	vand.u32 $0x7, v3  }
0xef: {  	v3 =	vor.u32 v3, v4  }
0xf0: {  	v4 =	vperm.xlane v3, v0;
	_ =	sdelay $0x1  }
0xf1: {  	v4 =	vadd.s32 v1, v4;
	_ =	sdelay $0x1  }
0xf2: {  	v3 =	vperm.xlane v3, v2;
	_ =	sdelay $0x1  }
0xf3: {  	s21 =	simm.s32 $0x15000;
	v3 =	vadd.s32 v1, v3  }
0xf4: {  	[tilespmem:s21], [sflag:$0x2] =	stream.indirect_vreg.gather [hbm4b:s5+s2], $0x80, v4, vm0, $0xb8;
	[tilespmem:$0x1B000] =	vst v63  }
0xf5: {  	s21 =	simm.s32 $0x15800  }
0xf6: {  	[tilespmem:s21], [sflag:$0x2] =	stream.indirect_vreg.gather [hbm4b:s9+s2], $0x80, v4, vm1, $0xb8;
	[tilespmem:$0x1B000] =	vst v63  }
0xf7: {  	s21 =	simm.s32 $0x15C00  }
0xf8: {  	[tilespmem:s21], [sflag:$0x2] =	stream.indirect_vreg.gather [hbm4b:s5+s2], $0x80, v3, vm0, $0xb8;
	[tilespmem:$0x1B000] =	vst v63  }
0xf9: {  	_ = 	snop  }
0xfa: {  	[tilespmem:s22], [sflag:$0x2] =	stream.indirect_vreg.gather [hbm4b:s9+s2], $0x80, v3, vm1, $0xb8;
	[tilespmem:$0x1B000] =	vst v63  }
0xfb: {  	v3 =	vld [tilespmem:s17+$0x10];
	_ =	sdelay $0x4  }
0xfc: {  	v61 =	vshrl.u32 v3, $0x3  }
0xfd: {  	v4 =	vmul.u32 $0x18, v61  }
0xfe: {  	v3 =	vand.u32 $0x7, v3  }
0xff: {  	v3 =	vor.u32 v3, v4  }
0x100: {  	v4 =	vperm.xlane v3, v0;
	_ =	sdelay $0x1  }
0x101: {  	v4 =	vadd.s32 v1, v4;
	_ =	sdelay $0x1  }
0x102: {  	v3 =	vperm.xlane v3, v2;
	_ =	sdelay $0x1  }
0x103: {  	v3 =	vadd.s32 v1, v3  }
0x104: {  	[tilespmem:s23], [sflag:$0x2] =	stream.indirect_vreg.gather [hbm4b:s5+s2], $0x80, v4, vm0, $0xb8;
	[tilespmem:$0x1B000] =	vst v63  }
0x105: {  	_ = 	snop  }
0x106: {  	[tilespmem:s24], [sflag:$0x2] =	stream.indirect_vreg.gather [hbm4b:s9+s2], $0x80, v4, vm1, $0xb8;
	[tilespmem:$0x1B000] =	vst v63  }
0x107: {  	_ = 	snop  }
0x108: {  	[tilespmem:s26], [sflag:$0x2] =	stream.indirect_vreg.gather [hbm4b:s5+s2], $0x80, v3, vm0, $0xb8;
	[tilespmem:$0x1B000] =	vst v63  }
0x109: {  	_ = 	snop  }
0x10a: {  	[tilespmem:s28], [sflag:$0x2] =	stream.indirect_vreg.gather [hbm4b:s9+s2], $0x80, v3, vm1, $0xb8;
	[tilespmem:$0x1B000] =	vst v63  }
0x10b: {  	v3 =	vld [tilespmem:s17+$0x20];
	_ =	sdelay $0x4  }
0x10c: {  	v62 =	vshrl.u32 v3, $0x3  }
0x10d: {  	v4 =	vmul.u32 $0x18, v62  }
0x10e: {  	v3 =	vand.u32 $0x7, v3  }
0x10f: {  	v3 =	vor.u32 v3, v4  }
0x110: {  	v4 =	vperm.xlane v3, v0;
	_ =	sdelay $0x1  }
0x111: {  	v4 =	vadd.s32 v1, v4;
	_ =	sdelay $0x1  }
0x112: {  	v3 =	vperm.xlane v3, v2;
	_ =	sdelay $0x1  }
0x113: {  	v3 =	vadd.s32 v1, v3  }
0x114: {  	[tilespmem:s29], [sflag:$0x2] =	stream.indirect_vreg.gather [hbm4b:s5+s2], $0x80, v4, vm0, $0xb8;
	[tilespmem:$0x1B000] =	vst v63  }
0x115: {  	_ = 	snop  }
0x116: {  	[tilespmem:s30], [sflag:$0x2] =	stream.indirect_vreg.gather [hbm4b:s9+s2], $0x80, v4, vm1, $0xb8;
	[tilespmem:$0x1B000] =	vst v63  }
0x117: {  	_ = 	snop  }
0x118: {  	[tilespmem:s31], [sflag:$0x2] =	stream.indirect_vreg.gather [hbm4b:s5+s2], $0x80, v3, vm0, $0xb8;
	[tilespmem:$0x1B000] =	vst v63  }
0x119: {  	_ = 	snop  }
0x11a: {  	[tilespmem:s1], [sflag:$0x2] =	stream.indirect_vreg.gather [hbm4b:s9+s2], $0x80, v3, vm1, $0xb8;
	[tilespmem:$0x1B000] =	vst v63  }
0x11b: {  	v3 =	vld [tilespmem:s17+$0x30];
	_ =	sdelay $0x4  }
0x11c: {  	v63 =	vshrl.u32 v3, $0x3  }
0x11d: {  	v4 =	vmul.u32 $0x18, v63  }
0x11e: {  	v3 =	vand.u32 $0x7, v3  }
0x11f: {  	v3 =	vor.u32 v3, v4  }
0x120: {  	v4 =	vperm.xlane v3, v0;
	_ =	sdelay $0x1  }
0x121: {  	v4 =	vadd.s32 v1, v4;
	_ =	sdelay $0x1  }
0x122: {  	v3 =	vperm.xlane v3, v2;
	_ =	sdelay $0x1  }
0x123: {  	v3 =	vadd.s32 v1, v3  }
0x124: {  	[tilespmem:s0], [sflag:$0x2] =	stream.indirect_vreg.gather [hbm4b:s5+s2], $0x80, v4, vm0, $0xb8;
	[tilespmem:$0x1B000] =	vst v63  }
0x125: {  	_ = 	snop  }
0x126: {  	[tilespmem:s14], [sflag:$0x2] =	stream.indirect_vreg.gather [hbm4b:s9+s2], $0x80, v4, vm1, $0xb8;
	[tilespmem:$0x1B000] =	vst v63  }
0x127: {  	_ = 	snop  }
0x128: {  	[tilespmem:s6], [sflag:$0x2] =	stream.indirect_vreg.gather [hbm4b:s5+s2], $0x80, v3, vm0, $0xb8;
	[tilespmem:$0x1B000] =	vst v63  }
0x129: {  	_ = 	snop  }
0x12a: {  	[tilespmem:s7], [sflag:$0x2] =	stream.indirect_vreg.gather [hbm4b:s9+s2], $0x80, v3, vm1, $0xb8;
	[tilespmem:$0x1B000] =	vst v63  }
0x12b: {  	_ =	swait.ge [sflag:s3], $0xC000  }
0x12c: {  	[sflag:s3] =	ssyncset.done $0x0  }
0x12d: {  	s21 =	sadd.s32 s20, s11;
	[sflag:s3] =	ssyncadd.s32 $0xFFFF4000  }
0x12e: {  	[hbm4b:s21+s2] =	stream.linear.scatter [tilespmem:s15], [sflag:$0x4], $0xC000, $0x38;
	[tilespmem:$0x1B000] =	vst v63  }
0x12f: {  	_ =	swait.ge [sflag:s10], $0xC000  }
0x130: {  	[sflag:s10] =	ssyncset.done $0x0  }
0x131: {  	[sflag:s10] =	ssyncadd.s32 $0xFFFF4000  }
0x132: {  	_ =	swait.ge [sflag:s16], $0xC000  }
0x133: {  	[sflag:s16] =	ssyncset.done $0x0  }
.Ltmp5:
0x134: {  	s21 =	sadd.s32 s20, s12;
	[sflag:s16] =	ssyncadd.s32 $0xFFFF4000;
	(pc) =	sbr.rel .LBB2_4-.Ltmp5, $4  }
0x135: {  	[hbm4b:s21+s2] =	stream.linear.scatter [tilespmem:s25], [sflag:$0x3], $0xC000, $0x38;
	[tilespmem:$0x1B000] =	vst v63  }
0x136: {  	_ =	swait.ge [sflag:s13], $0xC000  }
0x137: {  	[sflag:s13] =	ssyncset.done $0x0  }
0x138: {  	[sflag:s13] =	ssyncadd.s32 $0xFFFF4000  }
.LBB2_6:
0x139: {  	_ =	sfence.sel $0x180000  }
0x13a: {  	[bflag:$0x0] =	sbarrier.arrive $0xFFFF  }
0x13b: {  	_ =	strace $0x90000053  }
0x13c: {  	s0 =	stileid.u32;
	[bflag:$0x2] =	sbarrier.arrive $0xFFFF  }
0x13d: {  	p0 =	sne.s32 s0, $0x0;
	s0 =	rddreg [dreg:$0x2]  }
0x13e: {  	s0 =	sadd.s32 @!p0 $0x100000, s0  }
0x13f: {  	[sflag:s0] =	ssyncadd.tile.s32 @!p0 $0x1;
	_ =	shalt  }
.Lfunc_end2:
_tile_overlayer_lowered:
.L_overlay_start_2:
0x140: {  	(tag) =	ssettag $0x2  }
0x141: {  	s0 =	rddreg [dreg:$0x0];
	s2 =	stileid.u32  }
0x142: {  	s1 =	rddreg [dreg:$0x1];
	p0 =	sne.s32 s2, $0x0  }
0x143: {  	s3 =	rddreg [dreg:$0x2];
	[bflag:$0x3] =	sbarrier.arrive $0xFFFF;
	s2 =	simm.s32 @!p0 $0x1C03  }
0x144: {  	[timem:s3], [sflag:s2] =	dma.local @!p0 [hbm:s0], s1  }
0x145: {  	s0 =	simm.s32 @!p0 $0x3  }
0x146: {  	_ =	swait.ge @!p0 [sflag:s0], s1  }
0x147: {  	s1 =	ssub.s32 @!p0 $0x0, s1;
	[sflag:s0] =	ssyncset.done @!p0 $0x0  }
0x148: {  	[sflag:s0] =	ssyncadd.s32 @!p0 s1  }
0x149: {  	[bflag:$0x3] =	sbarrier.arrive $0xFFFF  }
0x14a: {  	_ =	shalt  }

// kernel: kernel.31.cloned.1.call-start
scs
__scs_entry_jumppad:
0x0: {  	(pc) =	sbr.rel $0x88, $3  }
0x1: {  	(tag) =	ssettag $0x0;
	lr =	simm.s32 $0x1  }
0x2: {  	[smem:$0x3F88] =	sst lr;
	_ =	strace $0xD0000000  }
0x3: {  	_ = 	snop  }
0x4: {  	_ = 	snop  }
0x5: {  	_ = 	snop  }
0x6: {  	_ = 	snop  }
0x7: {  	_ = 	snop  }
__scs_overlays_trampoline_lowered:
0x8: {  	[smem:$0x3F97] =	sst s0  }
0x9: {  	[smem:$0x3F98] =	sst s1  }
0xa: {  	[smem:$0x3F99] =	sst s2  }
0xb: {  	[smem:$0x3F9A] =	sst s3  }
0xc: {  	[smem:$0x3F9B] =	sst s4  }
0xd: {  	[smem:$0x3F9C] =	sst s5  }
0xe: {  	[smem:$0x3F9D] =	sst s6  }
0xf: {  	[smem:$0x3F9E] =	sst s7  }
0x10: {  	[smem:$0x3F9F] =	sst s8  }
0x11: {  	[smem:$0x3FA0] =	sst s9;
	s0 =	simm.s32 @!p0 $0x0  }
0x12: {  	s1 =	sld [smem:$0x3F86];
	s0 =	simm.s32 @p0 $0x1  }
0x13: {  	[smem:$0x3FA1] =	sst s0;
	s0 =	simm.s32 @!p1 $0x0  }
0x14: {  	s2 =	sld [smem:$0x3F85];
	s0 =	simm.s32 @p1 $0x1  }
0x15: {  	[smem:$0x3FA2] =	sst s0;
	s0 =	simm.s32 @!p2 $0x0  }
0x16: {  	s3 =	sld [smem:$0x3FDB];
	s0 =	simm.s32 @p2 $0x1  }
0x17: {  	s4 =	simm.s32 $0x1BF5;
	[smem:$0x3FA4] =	sst s0  }
0x18: {  	s0 =	sld [smem:$0x3F87];
	_ =	swait.ge [sflag:s4], $0x0  }
0x19: {  	s7 =	sld [smem:$0x3F88]  }
0x1a: {  	s8 =	sadd.s32 $0xFFFFE003, lr  }
0x1b: {  	s9 =	sadd.s32 $0xFFFFFEF7, lr;
	s5 =	simm.s32 $0xFFFFFFFF;
	p2 =	slt.u32 s8, $0xFFFFF086  }
0x1c: {  	p1 =	slt.u32 s9, $0xF7A;
	s5 =	simm.s32 @!p2 $0x0  }
0x1d: {  	s5 =	simm.s32 @p1 $0x1;
	p0 =	seq.s32 s7, s2  }
0x1e: {  	s7 =	smul.u32 @!p0 $0xF7A, s2;
	p2 =	seq.s32 @!p0 s5, $0x0  }
0x1f: {  	s9 =	smul.u32 $0xF7A, s1;
	s8 =	simm.s32 @!p0 $0x1BF5;
	p2 =	por !p2, p0  }
0x20: {  	[sflag:s8] =	ssyncset.s32 @!p0 $0xFFFFF086;
	s6 =	sadd.s32 @!p0 s3, s7;
	s7 =	simm.s32 @!p0 $0x108  }
0x21: {  	s3 =	sadd.s32 s3, s9;
	s6 =	sadd.s32 @!p0 $0x88, s6;
	s7 =	simm.s32 @p2 $0x1082  }
0x22: {  	[simem:s7], [sflag:s8] =	dma.local @!p0 [hbm:s6], $0xF7A  }
0x23: {  	s9 =	sor.u32 $0xD0000000, s2;
	s6 =	simm.s32 $0x108;
	_ =	swait.ge @!p0 [sflag:s8], $0x0  }
0x24: {  	s3 =	sadd.s32 $0x88, s3;
	s6 =	simm.s32 @!p1 $0x1082;
	[sflag:s4] =	ssyncset.s32 $0xFFFFF086  }
0x25: {  	[simem:s6], [sflag:s4] =	dma.local [hbm:s3], $0xF7A  }
0x26: {  	[smem:$0x3F88] =	sst s1;
	(tag) =	ssettag s2;
	_ =	strace s9  }
0x27: {  	s1 =	sld [smem:$0x3F98]  }
0x28: {  	s2 =	sld [smem:$0x3F99]  }
0x29: {  	s4 =	sld [smem:$0x3F9B]  }
0x2a: {  	p0 =	seq.s32 s5, $0x0;
	s5 =	sld [smem:$0x3F9C]  }
0x2b: {  	s6 =	sld [smem:$0x3F9D]  }
0x2c: {  	s7 =	sld [smem:$0x3F9E]  }
0x2d: {  	s3 =	simm.s32 $0x108;
	s8 =	sld [smem:$0x3F9F]  }
0x2e: {  	s3 =	simm.s32 @!p0 $0x1082;
	s9 =	sld [smem:$0x3FA0]  }
0x2f: {  	lr =	sadd.s32 s0, s3;
	s0 =	sld [smem:$0x3F97]  }
0x30: {  	s3 =	sld [smem:$0x3F9A]  }
0x31: {  	[smem:$0x3FA3] =	sst s10  }
0x32: {  	s10 =	sld [smem:$0x3FA1];
	_ =	sdelay $0x3  }
0x33: {  	p0 =	seq.s32 s10, $0x1;
	s10 =	sld [smem:$0x3FA3];
	_ =	sdelay $0x3  }
0x34: {  	[smem:$0x3FA3] =	sst s10  }
0x35: {  	s10 =	sld [smem:$0x3FA2];
	_ =	sdelay $0x3  }
0x36: {  	p1 =	seq.s32 s10, $0x1;
	s10 =	sld [smem:$0x3FA3];
	_ =	sdelay $0x3  }
0x37: {  	[smem:$0x3FA3] =	sst s10  }
0x38: {  	s10 =	sld [smem:$0x3FA4]  }
0x39: {  	_ = 	snop;
	(pc) =	sbr.ind lr, $3  }
0x3a: {  	_ = 	snop  }
0x3b: {  	_ = 	snop  }
0x3c: {  	p2 =	seq.s32 s10, $0x1;
	s10 =	sld [smem:$0x3FA3]  }
0x3d: {  	_ =	shalt  }
0x3e: {  	_ =	shalt  }
0x3f: {  	_ =	shalt  }
0x40: {  	_ =	shalt  }
0x41: {  	_ =	shalt  }
0x42: {  	_ =	shalt  }
0x43: {  	_ =	shalt  }
0x44: {  	_ =	shalt  }
0x45: {  	_ =	shalt  }
0x46: {  	_ =	shalt  }
0x47: {  	_ =	shalt  }
0x48: {  	_ =	shalt  }
0x49: {  	_ =	shalt  }
0x4a: {  	_ =	shalt  }
0x4b: {  	_ =	shalt  }
0x4c: {  	_ =	shalt  }
0x4d: {  	_ =	shalt  }
0x4e: {  	_ =	shalt  }
0x4f: {  	_ =	shalt  }
0x50: {  	_ =	shalt  }
0x51: {  	_ =	shalt  }
0x52: {  	_ =	shalt  }
0x53: {  	_ =	shalt  }
0x54: {  	_ =	shalt  }
0x55: {  	_ =	shalt  }
0x56: {  	_ =	shalt  }
0x57: {  	_ =	shalt  }
0x58: {  	_ =	shalt  }
0x59: {  	_ =	shalt  }
0x5a: {  	_ =	shalt  }
0x5b: {  	_ =	shalt  }
0x5c: {  	_ =	shalt  }
0x5d: {  	_ =	shalt  }
0x5e: {  	_ =	shalt  }
0x5f: {  	_ =	shalt  }
0x60: {  	_ =	shalt  }
0x61: {  	_ =	shalt  }
0x62: {  	_ =	shalt  }
0x63: {  	_ =	shalt  }
0x64: {  	_ =	shalt  }
0x65: {  	_ =	shalt  }
0x66: {  	_ =	shalt  }
0x67: {  	_ =	shalt  }
0x68: {  	_ =	shalt  }
0x69: {  	_ =	shalt  }
0x6a: {  	_ =	shalt  }
0x6b: {  	_ =	shalt  }
0x6c: {  	_ =	shalt  }
0x6d: {  	_ =	shalt  }
0x6e: {  	_ =	shalt  }
0x6f: {  	_ =	shalt  }
0x70: {  	_ =	shalt  }
0x71: {  	_ =	shalt  }
0x72: {  	_ =	shalt  }
0x73: {  	_ =	shalt  }
0x74: {  	_ =	shalt  }
0x75: {  	_ =	shalt  }
0x76: {  	_ =	shalt  }
0x77: {  	_ =	shalt  }
0x78: {  	_ =	shalt  }
0x79: {  	_ =	shalt  }
0x7a: {  	_ =	shalt  }
0x7b: {  	_ =	shalt  }
0x7c: {  	_ =	shalt  }
0x7d: {  	_ =	shalt  }
0x7e: {  	_ =	shalt  }
0x7f: {  	_ =	shalt  }
0x80: {  	_ =	shalt  }
0x81: {  	_ =	shalt  }
0x82: {  	_ =	shalt  }
0x83: {  	_ =	shalt  }
0x84: {  	_ =	shalt  }
0x85: {  	_ =	shalt  }
0x86: {  	_ =	shalt  }
0x87: {  	_ =	shalt  }
.Lfunc_end0:
.L_simem_size_0:
called_computation.5_lowered:
.L_overlay_start_0:
0x88: {  	s2 =	sld [smem:$0x3FD9]  }
0x89: {  	s3 =	sld [smem:$0x3FFE];
	_ =	sdelay $0x1  }
0x8a: {  	s1 =	srdreg.scid  }
0x8b: {  	s0 =	sand.u32 $0x1, s1  }
0x8c: {  	s16 =	sshll.u32 s0, $0xA;
	s2 =	sadd.s32 s3, s2  }
0x8d: {  	s2 =	sadd.s32 s2, s16  }
0x8e: {  	[smem:$0x3FAF] =	sst s2  }
0x8f: {  	_ = 	snop  }
0x90: {  	(tm) =	ssettm $0x1  }
0x91: {  	s17 =	sld [smem:$0x3FFB];
	_ =	sdelay $0x3  }
0x92: {  	_ =	strace s17  }
0x93: {  	s2 =	sld [smem:$0x3FFC];
	_ =	sdelay $0x3  }
0x94: {  	_ =	strace s2  }
0x95: {  	s2 =	sld [smem:$0x3FFD];
	_ =	sdelay $0x3  }
0x96: {  	_ =	strace s2  }
0x97: {  	_ =	strace $0x8FFFFFFF  }
0x98: {  	s18 =	sld [smem:$0x3FDB];
	_ =	sdelay $0x1  }
0x99: {  	s19 =	simm.s32 $_scs_section_size  }
0x9a: {  	s4 =	simm.s32 $_size__tile_overlayer_lowered;
	s5 =	simm.s32 $_tile_overlayer_lowered  }
0x9b: {  	s22 =	simm.s32 $0x1BFF;
	s21 =	sshll.u32 s5, $0x1;
	s2 =	sadd.s32 s19, s18  }
0x9c: {  	s6 =	simm.s32 $0x0;
	s20 =	sshll.u32 s4, $0x1;
	s4 =	sadd.s32 s21, s2  }
0x9d: {  	[timem:s6], [sflag:s22] =	dma.local [hbm:s4], s20  }
0x9e: {  	_ =	swait.ge [sflag:s22], s20  }
0x9f: {  	s3 =	ssub.s32 $0x0, s20;
	[sflag:s22] =	ssyncset.done $0x0  }
0xa0: {  	[sflag:s22] =	ssyncadd.s32 s3;
	_ =	sdelay $0x1  }
0xa1: {  	s23 =	simm.s32 $0x1B8B  }
0xa2: {  	_ =	swait.ge [sflag:s23], $0x1  }
0xa3: {  	[sflag:s23] =	ssyncset.done $0x0  }
0xa4: {  	s25 =	simm.s32 $0x1B8E;
	s24 =	sld [smem:$0x3FFE];
	[sflag:s23] =	ssyncadd.s32 $0xFFFFFFFF  }
0xa5: {  	s26 =	simm.s32 $execute0_lowered;
	[smem:$0x3FD2] =	sst s25  }
0xa6: {  	s4 =	sshll.u32 s26, $0x1;
	_ =	strace $0x80000055;
	[dreg:$0x1] =	wrdreg $0xFFFFFFFF  }
0xa7: {  	s28 =	simm.s32 $_size_execute0_lowered;
	s2 =	sadd.s32 s2, s4;
	[dreg:$0x0] =	wrdreg $0x0  }
0xa8: {  	s4 =	sshll.u32 s28, $0x1;
	[dreg:$0x2] =	wrdreg s2  }
0xa9: {  	[dreg:$0x3] =	wrdreg s4  }
0xaa: {  	[dreg:$0x4] =	wrdreg $0xC0  }
0xab: {  	_ =	task [dreg:s6], $0x5FFFF  }
0xac: {  	[dreg:$0x1] =	wrdreg $0xFFFFFFFF  }
0xad: {  	[dreg:$0x0] =	wrdreg $0x60  }
0xae: {  	[dreg:$0x2] =	wrdreg s24  }
0xaf: {  	[dreg:$0x3] =	wrdreg $0x58000  }
0xb0: {  	[dreg:$0x4] =	wrdreg $0x9  }
0xb1: {  	_ =	task.clear_ibuf [dreg:s6], $0x5FFFF;
	_ =	strace $0x90000055  }
0xb2: {  	s29 =	simm.s32 $0x9;
	_ =	strace $0x80000057  }
0xb3: {  	_ =	swait.ge [sflag:s29], $0x1  }
0xb4: {  	[sflag:s29] =	ssyncadd.s32 $0xFFFFFFFF  }
0xb5: {  	_ =	strace $0x90000057  }
0xb6: {  	_ =	sfence  }
0xb7: {  	s30 =	sld [smem:$0x0];
	_ =	sdelay $0x2  }
0xb8: {  	s31 =	sshll.u32 s1, $0xD;
	s1 =	sshrl.u32 s1, $0x2  }
0xb9: {  	s3 =	sand.u32 $0x4000, s31;
	s1 =	sadd.s32 s1, s30  }
0xba: {  	s0 =	sor.u32 s3, s0;
	s1 =	sshll.u32 s1, $0x11  }
0xbb: {  	s0 =	sor.u32 s1, s0  }
0xbc: {  	s0 =	sadd.s32 $0x8F2B, s0  }
0xbd: {  	[sflag:s0] =	ssyncadd.remote.s32 $0x1  }
0xbe: {  	_ =	sfence.sel $0xFFFF  }
0xbf: {  	[dreg:$0x0] =	wrdreg $0xFFFFFFFF;
	(pc) =	sbr.abs _section_cstart, $3  }
0xc0: {  	[dreg:$0x1] =	wrdreg $0xFFFFFFFF  }
0xc1: {  	_ =	task.clear_ibuf [dreg:s6], $0x2FFFF;
	_ =	strace $0x9FFFFFFF  }
0xc2: {  	(tm) =	ssettm $0x7FFFFFFF  }
0xc3: {  	_ =	shalt  }
tec
execute0_lowered:
.L_overlay_start_1:
0x0: {  	(tag) =	ssettag $0x1  }
0x1: {  	s0 =	stileid.u32  }
0x2: {  	s1 =	srdreg.scid;
	s5 =	smul.u32 $0x30000, s0  }
0x3: {  	s4 =	rddreg [dreg:$0x0];
	s7 =	smul.u32 $0x13C00, s0  }
0x4: {  	s2 =	rddreg [dreg:$0x1];
	s11 =	smul.u32 $0x4F000, s0  }
0x5: {  	s3 =	simm.s32 $0x0;
	s9 =	sand.u32 $0x1, s1;
	s14 =	smul.u32 $0x3000, s0  }
0x6: {  	s19 =	simm.s32 $0x0;
	s24 =	sshll.u32 s0, $0x1;
	s8 =	smul.u32 $0x4F0000, s9  }
0x7: {  	[smem:$0x7FF] =	sst s3;
	s17 =	sshll.u32 s0, $0x6;
	s31 =	smul.u32 $0x18000, s9  }
0x8: {  	s1 =	sor.u32 s9, s24;
	s28 =	ssub.s32 $0x2, s9;
	s16 =	smul.u32 $0x1800, s9  }
0x9: {  	s17 =	sor.u32 $0x1C01, s17;
	s6 =	smul.u32 $0x300, s1;
	s1 =	rddreg [dreg:$0x2]  }
0xa: {  	_ =	strace $0x80000056;
	s10 =	sadd.s32 s5, s4;
	s26 =	sshrl.u32 s7, $0x3  }
0xb: {  	s29 =	sshrl.u32 s28, $0x1;
	s30 =	sshrl.u32 s11, $0x2;
	s7 =	sadd.s32 s7, s8  }
0xc: {  	s13 =	ssub.s32 s28, s29;
	s18 =	sadd.s32 s30, s2;
	s15 =	sadd.s32 s31, s10  }
0xd: {  	s25 =	sadd.s32 s6, s4;
	s7 =	sshrl.u32 s7, $0x3;
	s6 =	sadd.s32 s26, s4  }
0xe: {  	s10 =	smax.u32 s13, $0x1;
	s11 =	sadd.s32 $0x1324600, s15;
	s13 =	sadd.s32 $0x1624600, s15  }
0xf: {  	s12 =	sadd.s32 s7, s4;
	s4 =	sadd.s32 $0x6C00, s25;
	s6 =	sadd.s32 $0xCC00, s6  }
0x10: {  	s18 =	sshrl.u32 s18, $0x3;
	s5 =	sadd.s32 $0x124600, s12;
	s7 =	sadd.s32 $0x14BE00, s12  }
0x11: {  	s8 =	sadd.s32 $0x173600, s12;
	s9 =	sadd.s32 $0x19AE00, s12;
	s12 =	sadd.s32 s16, s14  }
0x12: {  	s14 =	sadd.s32 $0x1924600, s15;
	s15 =	sadd.s32 $0x1C24600, s15;
	s16 =	simm.s32 $0x1  }
.LBB2_1:
0x13: {  	[tilespmem:s3], [sflag:$0x1] =	stream.linear.gather [hbm4b:s4+s3], $0x1800, $0x38;
	[tilespmem:$0x19400] =	vst v63  }
0x14: {  	_ =	swait.ge [sflag:s16], $0x1800  }
0x15: {  	[sflag:s16] =	ssyncset.done $0x0  }
0x16: {  	[sflag:s16] =	ssyncadd.s32 $0xFFFFE800  }
0x17: {  	[spmem:s18], [sflag:s17] =	dma.local [hbm:s6], $0x2780  }
0x18: {  	s20 =	sadd.s32 $0x0, s12;
	_ =	swait.ge [sflag:s16], $0x2780  }
0x19: {  	p1 =	sgt.u32 s20, $0x2980F;
	[sflag:s16] =	ssyncset.done $0x0  }
0x1a: {  	p0 =	por p1, p1;
	s20 =	simm.s32 @!p1 $0x0;
	[sflag:s16] =	ssyncadd.s32 $0xFFFFD880  }
0x1b: {  	s21 =	simm.s32 @!p1 $0x1800;
	s22 =	simm.s32 @!p0 $0x2;
	[bflag:$0x0] =	sbarrier.arrive $0xFFFF  }
0x1c: {  	[tilespmem:s21], [sflag:$0x2] =	stream.linear.gather @!p0 [hbm4b:s11+s20], $0x4000, $0x38;
	[tilespmem:$0x19400] =	vst v63  }
0x1d: {  	s31 =	sadd.s32 $0x80, s12;
	_ =	swait.ge @!p0 [sflag:s22], $0x4000  }
0x1e: {  	p1 =	sgt.u32 s31, $0x2980F;
	s23 =	simm.s32 @!p0 $0x1;
	[sflag:s22] =	ssyncset.done @!p0 $0x0  }
0x1f: {  	s20 =	simm.s32 $0x80;
	[sflag:s22] =	ssyncadd.s32 @!p0 $0xFFFFC000;
	s22 =	simm.s32 @!p0 $0x80  }
0x20: {  	[spmem:s2] =	stream.indirect.scatter.add.f32 @!p0 [tilespmem:s21], [sflag:$0x1], $0x80, s3, s22, $0xb8;
	[tilespmem:$0x19400] =	vst v63  }
0x21: {  	s22 =	simm.s32 $0x100;
	s21 =	sadd.s32 $0x800, s11;
	_ =	swait.ge @!p0 [sflag:s23], $0x4000  }
.LBB2_2:
0x22: {  	s24 =	simm.s32 @!p1 $0x0;
	s25 =	simm.s32 @!p1 $0x1800  }
0x23: {  	[sflag:s23] =	ssyncset.done @!p0 $0x0;
	s26 =	smov.u32 s22;
	s28 =	smov.u32 s20  }
0x24: {  	p2 =	por p0, p0;
	p0 =	por p1, p1;
	s22 =	sadd.s32 $0x80, s22  }
0x25: {  	s29 =	simm.s32 @!p0 $0x2;
	[sflag:s23] =	ssyncadd.s32 @!p2 $0xFFFFC000;
	p2 =	sne.s32 s22, $0x1800  }
0x26: {  	[tilespmem:s25], [sflag:$0x2] =	stream.linear.gather @!p0 [hbm4b:s21+s24], $0x4000, $0x38;
	[tilespmem:$0x19400] =	vst v63  }
.Ltmp0:
0x27: {  	_ =	swait.ge @!p0 [sflag:s29], $0x4000;
	(pc) =	sbr.rel @p2 .LBB2_2-.Ltmp0, $4  }
0x28: {  	s20 =	sadd.s32 $0x80, s20;
	s23 =	simm.s32 @!p0 $0x1;
	[sflag:s29] =	ssyncset.done @!p0 $0x0  }
0x29: {  	s24 =	sadd.s32 s26, s12;
	s26 =	simm.s32 @!p0 $0x80;
	[sflag:s29] =	ssyncadd.s32 @!p0 $0xFFFFC000  }
0x2a: {  	[spmem:s2] =	stream.indirect.scatter.add.f32 @!p0 [tilespmem:s25], [sflag:$0x1], $0x80, s28, s26, $0xb8;
	[tilespmem:$0x19400] =	vst v63  }
0x2b: {  	s21 =	sadd.s32 $0x800, s21;
	p1 =	sgt.u32 s24, $0x2980F;
	_ =	swait.ge @!p0 [sflag:s23], $0x4000  }
0x2c: {  	s22 =	simm.s32 @!p1 $0x0  }
0x2d: {  	[sflag:s23] =	ssyncset.done @!p0 $0x0;
	p0 =	por p0, p0;
	p2 =	por p1, p1  }
0x2e: {  	s24 =	simm.s32 @!p1 $0x1800;
	s25 =	simm.s32 @!p2 $0x2;
	[sflag:s23] =	ssyncadd.s32 @!p0 $0xFFFFC000  }
0x2f: {  	[tilespmem:s24], [sflag:$0x2] =	stream.linear.gather @!p2 [hbm4b:s21+s22], $0x4000, $0x38;
	[tilespmem:$0x19400] =	vst v63  }
0x30: {  	_ =	swait.ge @!p2 [sflag:s25], $0x4000  }
0x31: {  	[sflag:s25] =	ssyncset.done @!p2 $0x0  }
0x32: {  	s21 =	simm.s32 @!p2 $0x1;
	s22 =	simm.s32 @!p2 $0x80;
	[sflag:s25] =	ssyncadd.s32 @!p2 $0xFFFFC000  }
0x33: {  	[spmem:s2] =	stream.indirect.scatter.add.f32 @!p2 [tilespmem:s24], [sflag:$0x1], $0x80, s20, s22, $0xb8;
	[tilespmem:$0x19400] =	vst v63  }
0x34: {  	_ =	swait.ge @!p2 [sflag:s21], $0x4000  }
0x35: {  	p0 =	por p2, p2;
	[sflag:s21] =	ssyncset.done @!p2 $0x0  }
0x36: {  	[sflag:s21] =	ssyncadd.s32 @!p0 $0xFFFFC000  }
0x37: {  	[bflag:$0x0] =	sbarrier.arrive $0xFFFF  }
0x38: {  	[hbm:s5], [sflag:s17] =	dma.local [spmem:s18], $0x2780  }
0x39: {  	_ =	swait.ge [sflag:s16], $0x2780  }
0x3a: {  	[sflag:s16] =	ssyncset.done $0x0  }
0x3b: {  	[sflag:s16] =	ssyncadd.s32 $0xFFFFD880  }
0x3c: {  	[bflag:$0x0] =	sbarrier.arrive $0xFFFF  }
0x3d: {  	[spmem:s18], [sflag:s17] =	dma.local [hbm:s6], $0x2780  }
0x3e: {  	s30 =	sadd.s32 $0x0, s12;
	_ =	swait.ge [sflag:s16], $0x2780  }
0x3f: {  	p1 =	sgt.u32 s30, $0x2980F;
	[sflag:s16] =	ssyncset.done $0x0  }
0x40: {  	s20 =	simm.s32 @!p1 $0x0;
	p0 =	por p1, p1;
	[sflag:s16] =	ssyncadd.s32 $0xFFFFD880  }
0x41: {  	s21 =	simm.s32 @!p1 $0x1800;
	s22 =	simm.s32 @!p0 $0x2;
	[bflag:$0x0] =	sbarrier.arrive $0xFFFF  }
0x42: {  	[tilespmem:s21], [sflag:$0x2] =	stream.linear.gather @!p0 [hbm4b:s13+s20], $0x4000, $0x38;
	[tilespmem:$0x19400] =	vst v63  }
0x43: {  	_ =	swait.ge @!p0 [sflag:s22], $0x4000  }
0x44: {  	s31 =	sadd.s32 $0x80, s12;
	[sflag:s22] =	ssyncset.done @!p0 $0x0  }
0x45: {  	s23 =	simm.s32 $0x0;
	[sflag:s22] =	ssyncadd.s32 @!p0 $0xFFFFC000;
	s22 =	simm.s32 @!p0 $0x80  }
0x46: {  	[spmem:s2] =	stream.indirect.scatter.add.f32 @!p0 [tilespmem:s21], [sflag:$0x1], $0x80, s23, s22, $0xb8;
	[tilespmem:$0x19400] =	vst v63  }
0x47: {  	p1 =	sgt.u32 s31, $0x2980F;
	s20 =	simm.s32 $0x80;
	s23 =	simm.s32 @!p0 $0x1  }
0x48: {  	s22 =	simm.s32 $0x100;
	s21 =	sadd.s32 $0x800, s13;
	_ =	swait.ge @!p0 [sflag:s23], $0x4000  }
.LBB2_4:
0x49: {  	s24 =	simm.s32 @!p1 $0x0;
	s25 =	simm.s32 @!p1 $0x1800  }
0x4a: {  	[sflag:s23] =	ssyncset.done @!p0 $0x0;
	s26 =	smov.u32 s22;
	s28 =	smov.u32 s20  }
0x4b: {  	p2 =	por p0, p0;
	p0 =	por p1, p1;
	s22 =	sadd.s32 $0x80, s22  }
0x4c: {  	s29 =	simm.s32 @!p0 $0x2;
	[sflag:s23] =	ssyncadd.s32 @!p2 $0xFFFFC000;
	p2 =	sne.s32 s22, $0x1800  }
0x4d: {  	[tilespmem:s25], [sflag:$0x2] =	stream.linear.gather @!p0 [hbm4b:s21+s24], $0x4000, $0x38;
	[tilespmem:$0x19400] =	vst v63  }
.Ltmp1:
0x4e: {  	_ =	swait.ge @!p0 [sflag:s29], $0x4000;
	(pc) =	sbr.rel @p2 .LBB2_4-.Ltmp1, $4  }
0x4f: {  	s20 =	sadd.s32 $0x80, s20;
	s23 =	simm.s32 @!p0 $0x1;
	[sflag:s29] =	ssyncset.done @!p0 $0x0  }
0x50: {  	s24 =	sadd.s32 s26, s12;
	s26 =	simm.s32 @!p0 $0x80;
	[sflag:s29] =	ssyncadd.s32 @!p0 $0xFFFFC000  }
0x51: {  	[spmem:s2] =	stream.indirect.scatter.add.f32 @!p0 [tilespmem:s25], [sflag:$0x1], $0x80, s28, s26, $0xb8;
	[tilespmem:$0x19400] =	vst v63  }
0x52: {  	s21 =	sadd.s32 $0x800, s21;
	p1 =	sgt.u32 s24, $0x2980F;
	_ =	swait.ge @!p0 [sflag:s23], $0x4000  }
0x53: {  	s22 =	simm.s32 @!p1 $0x0  }
0x54: {  	[sflag:s23] =	ssyncset.done @!p0 $0x0;
	p0 =	por p0, p0;
	p2 =	por p1, p1  }
0x55: {  	s24 =	simm.s32 @!p1 $0x1800;
	s25 =	simm.s32 @!p2 $0x2;
	[sflag:s23] =	ssyncadd.s32 @!p0 $0xFFFFC000  }
0x56: {  	[tilespmem:s24], [sflag:$0x2] =	stream.linear.gather @!p2 [hbm4b:s21+s22], $0x4000, $0x38;
	[tilespmem:$0x19400] =	vst v63  }
0x57: {  	_ =	swait.ge @!p2 [sflag:s25], $0x4000  }
0x58: {  	[sflag:s25] =	ssyncset.done @!p2 $0x0  }
0x59: {  	s21 =	simm.s32 @!p2 $0x1;
	s22 =	simm.s32 @!p2 $0x80;
	[sflag:s25] =	ssyncadd.s32 @!p2 $0xFFFFC000  }
0x5a: {  	[spmem:s2] =	stream.indirect.scatter.add.f32 @!p2 [tilespmem:s24], [sflag:$0x1], $0x80, s20, s22, $0xb8;
	[tilespmem:$0x19400] =	vst v63  }
0x5b: {  	_ =	swait.ge @!p2 [sflag:s21], $0x4000  }
0x5c: {  	p0 =	por p2, p2;
	[sflag:s21] =	ssyncset.done @!p2 $0x0  }
0x5d: {  	[sflag:s21] =	ssyncadd.s32 @!p0 $0xFFFFC000  }
0x5e: {  	[bflag:$0x0] =	sbarrier.arrive $0xFFFF  }
0x5f: {  	[hbm:s7], [sflag:s17] =	dma.local [spmem:s18], $0x2780  }
0x60: {  	_ =	swait.ge [sflag:s16], $0x2780  }
0x61: {  	[sflag:s16] =	ssyncset.done $0x0  }
0x62: {  	[sflag:s16] =	ssyncadd.s32 $0xFFFFD880  }
0x63: {  	[bflag:$0x0] =	sbarrier.arrive $0xFFFF  }
0x64: {  	[spmem:s18], [sflag:s17] =	dma.local [hbm:s6], $0x2780  }
0x65: {  	s30 =	sadd.s32 $0x0, s12;
	_ =	swait.ge [sflag:s16], $0x2780  }
0x66: {  	p1 =	sgt.u32 s30, $0x2980F;
	[sflag:s16] =	ssyncset.done $0x0  }
0x67: {  	s20 =	simm.s32 @!p1 $0x0;
	p0 =	por p1, p1;
	[sflag:s16] =	ssyncadd.s32 $0xFFFFD880  }
0x68: {  	s21 =	simm.s32 @!p1 $0x1800;
	s22 =	simm.s32 @!p0 $0x2;
	[bflag:$0x0] =	sbarrier.arrive $0xFFFF  }
0x69: {  	[tilespmem:s21], [sflag:$0x2] =	stream.linear.gather @!p0 [hbm4b:s14+s20], $0x4000, $0x38;
	[tilespmem:$0x19400] =	vst v63  }
0x6a: {  	_ =	swait.ge @!p0 [sflag:s22], $0x4000  }
0x6b: {  	s31 =	sadd.s32 $0x80, s12;
	[sflag:s22] =	ssyncset.done @!p0 $0x0  }
0x6c: {  	s23 =	simm.s32 $0x0;
	[sflag:s22] =	ssyncadd.s32 @!p0 $0xFFFFC000;
	s22 =	simm.s32 @!p0 $0x80  }
0x6d: {  	[spmem:s2] =	stream.indirect.scatter.add.f32 @!p0 [tilespmem:s21], [sflag:$0x1], $0x80, s23, s22, $0xb8;
	[tilespmem:$0x19400] =	vst v63  }
0x6e: {  	p1 =	sgt.u32 s31, $0x2980F;
	s20 =	simm.s32 $0x80;
	s23 =	simm.s32 @!p0 $0x1  }
0x6f: {  	s22 =	simm.s32 $0x100;
	s21 =	sadd.s32 $0x800, s14;
	_ =	swait.ge @!p0 [sflag:s23], $0x4000  }
.LBB2_6:
0x70: {  	s24 =	simm.s32 @!p1 $0x0;
	s25 =	simm.s32 @!p1 $0x1800  }
0x71: {  	[sflag:s23] =	ssyncset.done @!p0 $0x0;
	s26 =	smov.u32 s22;
	s28 =	smov.u32 s20  }
0x72: {  	p2 =	por p0, p0;
	p0 =	por p1, p1;
	s22 =	sadd.s32 $0x80, s22  }
0x73: {  	s29 =	simm.s32 @!p0 $0x2;
	[sflag:s23] =	ssyncadd.s32 @!p2 $0xFFFFC000;
	p2 =	sne.s32 s22, $0x1800  }
0x74: {  	[tilespmem:s25], [sflag:$0x2] =	stream.linear.gather @!p0 [hbm4b:s21+s24], $0x4000, $0x38;
	[tilespmem:$0x19400] =	vst v63  }
.Ltmp2:
0x75: {  	_ =	swait.ge @!p0 [sflag:s29], $0x4000;
	(pc) =	sbr.rel @p2 .LBB2_6-.Ltmp2, $4  }
0x76: {  	s20 =	sadd.s32 $0x80, s20;
	s23 =	simm.s32 @!p0 $0x1;
	[sflag:s29] =	ssyncset.done @!p0 $0x0  }
0x77: {  	s24 =	sadd.s32 s26, s12;
	s26 =	simm.s32 @!p0 $0x80;
	[sflag:s29] =	ssyncadd.s32 @!p0 $0xFFFFC000  }
0x78: {  	[spmem:s2] =	stream.indirect.scatter.add.f32 @!p0 [tilespmem:s25], [sflag:$0x1], $0x80, s28, s26, $0xb8;
	[tilespmem:$0x19400] =	vst v63  }
0x79: {  	s21 =	sadd.s32 $0x800, s21;
	p1 =	sgt.u32 s24, $0x2980F;
	_ =	swait.ge @!p0 [sflag:s23], $0x4000  }
0x7a: {  	s22 =	simm.s32 @!p1 $0x0  }
0x7b: {  	[sflag:s23] =	ssyncset.done @!p0 $0x0;
	p0 =	por p0, p0;
	p2 =	por p1, p1  }
0x7c: {  	s24 =	simm.s32 @!p1 $0x1800;
	s25 =	simm.s32 @!p2 $0x2;
	[sflag:s23] =	ssyncadd.s32 @!p0 $0xFFFFC000  }
0x7d: {  	[tilespmem:s24], [sflag:$0x2] =	stream.linear.gather @!p2 [hbm4b:s21+s22], $0x4000, $0x38;
	[tilespmem:$0x19400] =	vst v63  }
0x7e: {  	_ =	swait.ge @!p2 [sflag:s25], $0x4000  }
0x7f: {  	[sflag:s25] =	ssyncset.done @!p2 $0x0  }
0x80: {  	s21 =	simm.s32 @!p2 $0x1;
	s22 =	simm.s32 @!p2 $0x80;
	[sflag:s25] =	ssyncadd.s32 @!p2 $0xFFFFC000  }
0x81: {  	[spmem:s2] =	stream.indirect.scatter.add.f32 @!p2 [tilespmem:s24], [sflag:$0x1], $0x80, s20, s22, $0xb8;
	[tilespmem:$0x19400] =	vst v63  }
0x82: {  	_ =	swait.ge @!p2 [sflag:s21], $0x4000  }
0x83: {  	p0 =	por p2, p2;
	[sflag:s21] =	ssyncset.done @!p2 $0x0  }
0x84: {  	[sflag:s21] =	ssyncadd.s32 @!p0 $0xFFFFC000  }
0x85: {  	[bflag:$0x0] =	sbarrier.arrive $0xFFFF  }
0x86: {  	[hbm:s8], [sflag:s17] =	dma.local [spmem:s18], $0x2780  }
0x87: {  	_ =	swait.ge [sflag:s16], $0x2780  }
0x88: {  	[sflag:s16] =	ssyncset.done $0x0  }
0x89: {  	[sflag:s16] =	ssyncadd.s32 $0xFFFFD880  }
0x8a: {  	[bflag:$0x0] =	sbarrier.arrive $0xFFFF  }
0x8b: {  	[spmem:s18], [sflag:s17] =	dma.local [hbm:s6], $0x2780  }
0x8c: {  	s30 =	sadd.s32 $0x0, s12;
	_ =	swait.ge [sflag:s16], $0x2780  }
0x8d: {  	p1 =	sgt.u32 s30, $0x2980F;
	[sflag:s16] =	ssyncset.done $0x0  }
0x8e: {  	s20 =	simm.s32 @!p1 $0x0;
	p0 =	por p1, p1;
	[sflag:s16] =	ssyncadd.s32 $0xFFFFD880  }
0x8f: {  	s21 =	simm.s32 @!p1 $0x1800;
	s22 =	simm.s32 @!p0 $0x2;
	[bflag:$0x0] =	sbarrier.arrive $0xFFFF  }
0x90: {  	[tilespmem:s21], [sflag:$0x2] =	stream.linear.gather @!p0 [hbm4b:s15+s20], $0x4000, $0x38;
	[tilespmem:$0x19400] =	vst v63  }
0x91: {  	_ =	swait.ge @!p0 [sflag:s22], $0x4000  }
0x92: {  	s31 =	sadd.s32 $0x80, s12;
	[sflag:s22] =	ssyncset.done @!p0 $0x0  }
0x93: {  	s23 =	simm.s32 $0x0;
	[sflag:s22] =	ssyncadd.s32 @!p0 $0xFFFFC000;
	s22 =	simm.s32 @!p0 $0x80  }
0x94: {  	[spmem:s2] =	stream.indirect.scatter.add.f32 @!p0 [tilespmem:s21], [sflag:$0x1], $0x80, s23, s22, $0xb8;
	[tilespmem:$0x19400] =	vst v63  }
0x95: {  	p1 =	sgt.u32 s31, $0x2980F;
	s20 =	simm.s32 $0x80;
	s23 =	simm.s32 @!p0 $0x1  }
0x96: {  	s22 =	simm.s32 $0x100;
	s21 =	sadd.s32 $0x800, s15;
	_ =	swait.ge @!p0 [sflag:s23], $0x4000  }
.LBB2_8:
0x97: {  	s24 =	simm.s32 @!p1 $0x0;
	s25 =	simm.s32 @!p1 $0x1800  }
0x98: {  	[sflag:s23] =	ssyncset.done @!p0 $0x0;
	s26 =	smov.u32 s22;
	s28 =	smov.u32 s20  }
0x99: {  	p2 =	por p0, p0;
	p0 =	por p1, p1;
	s22 =	sadd.s32 $0x80, s22  }
0x9a: {  	s29 =	simm.s32 @!p0 $0x2;
	[sflag:s23] =	ssyncadd.s32 @!p2 $0xFFFFC000;
	p2 =	sne.s32 s22, $0x1800  }
0x9b: {  	[tilespmem:s25], [sflag:$0x2] =	stream.linear.gather @!p0 [hbm4b:s21+s24], $0x4000, $0x38;
	[tilespmem:$0x19400] =	vst v63  }
.Ltmp3:
0x9c: {  	_ =	swait.ge @!p0 [sflag:s29], $0x4000;
	(pc) =	sbr.rel @p2 .LBB2_8-.Ltmp3, $4  }
0x9d: {  	s20 =	sadd.s32 $0x80, s20;
	s23 =	simm.s32 @!p0 $0x1;
	[sflag:s29] =	ssyncset.done @!p0 $0x0  }
0x9e: {  	s24 =	sadd.s32 s26, s12;
	s26 =	simm.s32 @!p0 $0x80;
	[sflag:s29] =	ssyncadd.s32 @!p0 $0xFFFFC000  }
0x9f: {  	[spmem:s2] =	stream.indirect.scatter.add.f32 @!p0 [tilespmem:s25], [sflag:$0x1], $0x80, s28, s26, $0xb8;
	[tilespmem:$0x19400] =	vst v63  }
0xa0: {  	s21 =	sadd.s32 $0x800, s21;
	p1 =	sgt.u32 s24, $0x2980F;
	_ =	swait.ge @!p0 [sflag:s23], $0x4000  }
0xa1: {  	s22 =	simm.s32 @!p1 $0x0  }
0xa2: {  	[sflag:s23] =	ssyncset.done @!p0 $0x0;
	p0 =	por p0, p0;
	p2 =	por p1, p1  }
0xa3: {  	s24 =	simm.s32 @!p1 $0x1800;
	s25 =	simm.s32 @!p2 $0x2;
	[sflag:s23] =	ssyncadd.s32 @!p0 $0xFFFFC000  }
0xa4: {  	[tilespmem:s24], [sflag:$0x2] =	stream.linear.gather @!p2 [hbm4b:s21+s22], $0x4000, $0x38;
	[tilespmem:$0x19400] =	vst v63  }
0xa5: {  	_ =	swait.ge @!p2 [sflag:s25], $0x4000  }
0xa6: {  	[sflag:s25] =	ssyncset.done @!p2 $0x0  }
0xa7: {  	s21 =	simm.s32 @!p2 $0x1;
	s22 =	simm.s32 @!p2 $0x80;
	[sflag:s25] =	ssyncadd.s32 @!p2 $0xFFFFC000  }
0xa8: {  	[spmem:s2] =	stream.indirect.scatter.add.f32 @!p2 [tilespmem:s24], [sflag:$0x1], $0x80, s20, s22, $0xb8;
	[tilespmem:$0x19400] =	vst v63  }
0xa9: {  	_ =	swait.ge @!p2 [sflag:s21], $0x4000  }
0xaa: {  	s19 =	sadd.s32 $0x1, s19;
	p0 =	por p2, p2;
	[sflag:s21] =	ssyncset.done @!p2 $0x0  }
0xab: {  	[sflag:s21] =	ssyncadd.s32 @!p0 $0xFFFFC000;
	p0 =	sne.s32 s19, s10  }
.Ltmp4:
0xac: {  	[bflag:$0x0] =	sbarrier.arrive $0xFFFF;
	(pc) =	sbr.rel @p0 .LBB2_1-.Ltmp4, $4  }
0xad: {  	[hbm:s9], [sflag:s17] =	dma.local [spmem:s18], $0x2780  }
0xae: {  	_ =	swait.ge [sflag:s16], $0x2780  }
0xaf: {  	[sflag:s16] =	ssyncset.done $0x0  }
0xb0: {  	[sflag:s16] =	ssyncadd.s32 $0xFFFFD880  }
0xb1: {  	_ =	sfence.sel $0x180000  }
0xb2: {  	[bflag:$0x0] =	sbarrier.arrive $0xFFFF  }
0xb3: {  	p0 =	sne.s32 s0, $0x0;
	_ =	strace $0x90000056  }
0xb4: {  	s0 =	sadd.s32 @!p0 $0x100000, s1;
	[bflag:$0x2] =	sbarrier.arrive $0xFFFF  }
0xb5: {  	[sflag:s0] =	ssyncadd.tile.s32 @!p0 $0x1;
	_ =	shalt  }
.Lfunc_end2:
_tile_overlayer_lowered:
.L_overlay_start_2:
0xb6: {  	(tag) =	ssettag $0x2  }
0xb7: {  	s0 =	rddreg [dreg:$0x0];
	s2 =	stileid.u32  }
0xb8: {  	s1 =	rddreg [dreg:$0x1];
	p0 =	sne.s32 s2, $0x0  }
0xb9: {  	s3 =	rddreg [dreg:$0x2];
	[bflag:$0x3] =	sbarrier.arrive $0xFFFF;
	s2 =	simm.s32 @!p0 $0x1C01  }
0xba: {  	[timem:s3], [sflag:s2] =	dma.local @!p0 [hbm:s0], s1  }
0xbb: {  	s0 =	simm.s32 @!p0 $0x1  }
0xbc: {  	_ =	swait.ge @!p0 [sflag:s0], s1  }
0xbd: {  	s1 =	ssub.s32 @!p0 $0x0, s1;
	[sflag:s0] =	ssyncset.done @!p0 $0x0  }
0xbe: {  	[sflag:s0] =	ssyncadd.s32 @!p0 s1  }
0xbf: {  	[bflag:$0x3] =	sbarrier.arrive $0xFFFF  }
0xc0: {  	_ =	shalt  }

</sc_bundles>
